<compile_context>
chip_gen: v7x
topology: tpu7x:2x2x1
jax: 0.10.2.dev20260603
libtpu: 0.0.44.dev20260713+nightly
codegen_flags: <defaults>
</compile_context>

<pallas_src>
import functools

import jax
import jax.numpy as jnp
from jax import lax
from jax.experimental import pallas as pl
from jax.experimental.pallas import tpu as pltpu
from jax.experimental.pallas import tpu_sc as plsc

N = 10000
E = 320000
D = 128
H = 128
G = 64

NC = 2
NS = 16
LANES = 16

N_PAD = 10240
STRIPE = N_PAD // NS
CHUNK = 125
CHUNKS = 80
IDX_GRP = 16
NGRP = CHUNKS // IDX_GRP
E_TILE = CHUNKS * CHUNK
E_PAD = NC * NS * E_TILE

R = 1280
GRID = N_PAD // R

def _deg_body(dst_hbm, zeros_hbm, deg_hbm, idx_v, ones_v, acc_sh):
    c = lax.axis_index("c")
    t = lax.axis_index("s")
    pltpu.sync_copy(zeros_hbm, acc_sh.at[pl.ds(t * STRIPE, STRIPE)])
    for k in range(8):
        ones_v[pl.ds(k * LANES, LANES)] = jnp.ones((LANES,), jnp.float32)
    plsc.subcore_barrier()
    pltpu.sync_copy(dst_hbm.at[c, t], idx_v)

    def body(j, carry):
        pltpu.sync_copy(ones_v.at[pl.ds(0, CHUNK)], acc_sh.at[idx_v.at[j]],
                        add=True)
        return carry

    lax.fori_loop(0, CHUNKS, body, 0)
    plsc.subcore_barrier()
    pltpu.sync_copy(acc_sh.at[pl.ds(t * STRIPE, STRIPE)],
                    deg_hbm.at[c, pl.ds(t * STRIPE, STRIPE)])


@functools.cache
def _sc_kernels():
    mesh = plsc.VectorSubcoreMesh(core_axis_name="c", subcore_axis_name="s")
    deg = pl.kernel(
        _deg_body,
        out_type=jax.ShapeDtypeStruct((NC, N_PAD), jnp.float32),
        mesh=mesh,
        scratch_types=[
            pltpu.VMEM((CHUNKS, CHUNK), jnp.int32),
            pltpu.VMEM((128,), jnp.float32),
            pltpu.VMEM_SHARED((N_PAD,), jnp.float32),
        ],
    )
    edge = pl.kernel(
        _edge_body,
        out_type=jax.ShapeDtypeStruct((NC, N_PAD, H), jnp.float32),
        mesh=mesh,
        scratch_types=[
            pltpu.VMEM((2, IDX_GRP, CHUNK), jnp.int32),
            pltpu.VMEM((2, IDX_GRP, CHUNK), jnp.int32),
            pltpu.VMEM((2, CHUNK, H), jnp.float32),
            [pltpu.SemaphoreType.DMA] * 2,
            [pltpu.SemaphoreType.DMA] * 2,
            pltpu.VMEM_SHARED((N_PAD, H), jnp.float32),
        ],
    )
    return deg, edge


def _deg_call(*args):
    return _sc_kernels()[0](*args)


def _edge_body(ms_hbm, src_hbm, dst_hbm, zrows_hbm, s_hbm,
               src_v, dst_v, rows_v, gsems, isems, acc_sh):
    c = lax.axis_index("c")
    t = lax.axis_index("s")

    def idx_copies(g):
        half = lax.rem(g, 2)
        lo = g * IDX_GRP
        return (
            pltpu.make_async_copy(src_hbm.at[c, t, pl.ds(lo, IDX_GRP)],
                                  src_v.at[half], isems[0]),
            pltpu.make_async_copy(dst_hbm.at[c, t, pl.ds(lo, IDX_GRP)],
                                  dst_v.at[half], isems[1]),
        )

    def issue_idx(g):
        a, b2 = idx_copies(g)
        a.start()
        b2.start()

    def wait_idx(g):
        a, b2 = idx_copies(g)
        a.wait()
        b2.wait()

    def gather(j, buf, half):
        return pltpu.make_async_copy(
            ms_hbm.at[src_v.at[half, lax.rem(j, IDX_GRP)]],
            rows_v.at[buf], gsems[buf])

    issue_idx(0)
    pltpu.sync_copy(zrows_hbm, acc_sh.at[pl.ds(t * STRIPE, STRIPE)])
    wait_idx(0)
    issue_idx(1)
    gather(0, 0, 0).start()
    plsc.subcore_barrier()

    def outer(g, carry):
        half = lax.rem(g, 2)

        def inner(i, carry2):
            j0 = g * IDX_GRP + 2 * i
            gather(j0 + 1, 1, half).start()
            gather(j0, 0, half).wait()
            pltpu.sync_copy(rows_v.at[0], acc_sh.at[dst_v.at[half, 2 * i]],
                            add=True)

            @pl.when(i + 1 < IDX_GRP // 2)
            def _():
                gather(j0 + 2, 0, half).start()

            gather(j0 + 1, 1, half).wait()
            pltpu.sync_copy(rows_v.at[1], acc_sh.at[dst_v.at[half, 2 * i + 1]],
                            add=True)
            return carry2

        lax.fori_loop(0, IDX_GRP // 2, inner, 0)

        @pl.when(g + 1 < NGRP)
        def _():
            wait_idx(g + 1)
            gather((g + 1) * IDX_GRP, 0, lax.rem(g + 1, 2)).start()

        @pl.when(g + 2 < NGRP)
        def _():
            issue_idx(g + 2)

        return carry

    lax.fori_loop(0, NGRP, outer, 0)
    plsc.subcore_barrier()
    pltpu.sync_copy(acc_sh.at[pl.ds(t * STRIPE, STRIPE)],
                    s_hbm.at[c, pl.ds(t * STRIPE, STRIPE)])


def _edge_call(*args):
    return _sc_kernels()[1](*args)


def _pre_body(x_ref, w_ref, deg_ref, ms_ref):
    d = deg_ref[...]
    dis = lax.rsqrt(d[0] + d[1] + 1.0)
    ms_ref[...] = jnp.dot(x_ref[...], w_ref[...],
                          preferred_element_type=jnp.float32) * dis


def _tc_pre(x, w, deg):
    return pl.pallas_call(
        _pre_body,
        grid=(GRID,),
        in_specs=[
            pl.BlockSpec((R, D), lambda i: (i, 0)),
            pl.BlockSpec((D, H), lambda i: (0, 0)),
            pl.BlockSpec((NC, R, 1), lambda i: (0, i, 0)),
        ],
        out_specs=pl.BlockSpec((R, H), lambda i: (i, 0)),
        out_shape=jax.ShapeDtypeStruct((N_PAD, H), jnp.float32),
    )(x, w, deg)


def _mid_body(s_ref, ms_ref, deg_ref, b_ref, w_ref, out_ref):
    d = deg_ref[...]
    dis = lax.rsqrt(d[0] + d[1] + 1.0)
    s = s_ref[0] + s_ref[1]
    h = jnp.tanh(dis * (s + ms_ref[...]) + b_ref[...])
    out_ref[...] = jnp.dot(h, w_ref[...],
                           preferred_element_type=jnp.float32) * dis


def _tc_mid(s, ms, deg, b, w):
    return pl.pallas_call(
        _mid_body,
        grid=(GRID,),
        in_specs=[
            pl.BlockSpec((NC, R, H), lambda i: (0, i, 0)),
            pl.BlockSpec((R, H), lambda i: (i, 0)),
            pl.BlockSpec((NC, R, 1), lambda i: (0, i, 0)),
            pl.BlockSpec((1, H), lambda i: (0, 0)),
            pl.BlockSpec((H, H), lambda i: (0, 0)),
        ],
        out_specs=pl.BlockSpec((R, H), lambda i: (i, 0)),
        out_shape=jax.ShapeDtypeStruct((N_PAD, H), jnp.float32),
    )(s, ms, deg, b, w)


def _pool_body(s_ref, ms_ref, deg_ref, b_ref, batch_ref, wout_ref, bout_ref,
               out_ref, maxs, sums, cnts):
    pid = pl.program_id(0)

    @pl.when(pid == 0)
    def _init():
        maxs[...] = jnp.full((G, H), -jnp.inf, jnp.float32)
        sums[...] = jnp.zeros((G, H), jnp.float32)
        cnts[...] = jnp.zeros((G, 1), jnp.float32)

    d = deg_ref[...]
    dis = lax.rsqrt(d[0] + d[1] + 1.0)
    h = jnp.tanh(dis * (s_ref[0] + s_ref[1] + ms_ref[...]) + b_ref[...])
    b = batch_ref[...]
    gid = lax.broadcasted_iota(jnp.int32, (1, G), 1)
    oh = (b == gid).astype(jnp.float32)
    sums[...] += lax.dot_general(oh, h, (((0,), (0,)), ((), ())),
                                 preferred_element_type=jnp.float32)
    cnts[...] += lax.dot_general(oh, jnp.ones((R, 1), jnp.float32),
                                 (((0,), (0,)), ((), ())),
                                 preferred_element_type=jnp.float32)
    for g in range(G):
        mg = jnp.max(jnp.where(b == g, h, -jnp.inf), axis=0)
        maxs[g:g + 1, :] = jnp.maximum(maxs[g:g + 1, :], mg[None, :])

    @pl.when(pid == GRID - 1)
    def _final():
        mean = sums[...] / jnp.maximum(cnts[...], 1.0)
        hidden = jnp.concatenate([maxs[...], mean], axis=1)
        out_ref[...] = jnp.dot(hidden, wout_ref[...],
                               preferred_element_type=jnp.float32) + bout_ref[...]


def _tc_pool(s, ms, deg, b, batch, wout, bout):
    return pl.pallas_call(
        _pool_body,
        grid=(GRID,),
        in_specs=[
            pl.BlockSpec((NC, R, H), lambda i: (0, i, 0)),
            pl.BlockSpec((R, H), lambda i: (i, 0)),
            pl.BlockSpec((NC, R, 1), lambda i: (0, i, 0)),
            pl.BlockSpec((1, H), lambda i: (0, 0)),
            pl.BlockSpec((R, 1), lambda i: (i, 0)),
            pl.BlockSpec((2 * H, 1), lambda i: (0, 0)),
            pl.BlockSpec((1, 1), lambda i: (0, 0)),
        ],
        out_specs=pl.BlockSpec((G, 1), lambda i: (0, 0)),
        out_shape=jax.ShapeDtypeStruct((G, 1), jnp.float32),
        scratch_shapes=[
            pltpu.VMEM((G, H), jnp.float32),
            pltpu.VMEM((G, H), jnp.float32),
            pltpu.VMEM((G, 1), jnp.float32),
        ],
    )(s, ms, deg, b, batch, wout, bout)


def kernel(x, edge_index, batch_index, W0, b0, W1, b1, W2, b2, W_out, b_out):
    src_t = edge_index[0].reshape(NC, NS, CHUNKS, CHUNK)
    dst_t = edge_index[1].reshape(NC, NS, CHUNKS, CHUNK)
    x_p = jnp.pad(x, ((0, N_PAD - N), (0, 0)))
    batch_p = jnp.concatenate(
        [batch_index, jnp.full((N_PAD - N,), G, jnp.int32)]).reshape(N_PAD, 1)
    zeros_stripe = jnp.zeros((STRIPE,), jnp.float32)
    zeros_rows = jnp.zeros((STRIPE, H), jnp.float32)
    b0r = b0.reshape(1, H)
    b1r = b1.reshape(1, H)
    b2r = b2.reshape(1, H)
    boutr = b_out.reshape(1, 1)

    deg = _deg_call(dst_t, zeros_stripe).reshape(NC, N_PAD, 1)

    ms0 = _tc_pre(x_p, W0, deg)
    s0 = _edge_call(ms0, src_t, dst_t, zeros_rows)
    ms1 = _tc_mid(s0, ms0, deg, b0r, W1)
    s1 = _edge_call(ms1, src_t, dst_t, zeros_rows)
    ms2 = _tc_mid(s1, ms1, deg, b1r, W2)
    s2 = _edge_call(ms2, src_t, dst_t, zeros_rows)
    return _tc_pool(s2, ms2, deg, b2r, batch_p, W_out, boutr)

# --- scband reference (transcript-rebuilt; emitter-appended) ---
"""Pipeline reference for scband-gcn-loop-42640435315480 (READ-ONLY COPY).

The authoritative reference and input builder live on the scoring server;
editing this copy changes nothing except your own understanding.
"""

import jax, jax.numpy as jnp
import numpy as np

N = 10000
E = 320000
D = 128
H = 128
G = 64


def gcn_conv(x, edge_index, W, b):
    # GCNConv (improved=False): add self-loops, symmetric normalization
    src = edge_index[0]
    dst = edge_index[1]
    loop = jnp.arange(N, dtype=src.dtype)
    src_full = jnp.concatenate([src, loop])
    dst_full = jnp.concatenate([dst, loop])
    ew = jnp.ones(src_full.shape[0], dtype=jnp.float32)
    deg = jnp.zeros((N,), dtype=jnp.float32).at[dst_full].add(ew)
    deg_inv_sqrt = jnp.where(deg > 0, jax.lax.rsqrt(jnp.maximum(deg, 1e-12)), 0.0)
    norm = deg_inv_sqrt[src_full] * ew * deg_inv_sqrt[dst_full]
    h = x @ W
    msg = h[src_full] * norm[:, None]
    out = jnp.zeros((N, h.shape[1]), dtype=jnp.float32).at[dst_full].add(msg)
    return out + b


def setup_inputs(seed: int = 0) -> dict:
    key = jax.random.key(seed)
    ks = jax.random.split(key, 12)
    x = jax.random.normal(ks[0], (N, D), dtype=jnp.float32)
    edge_index = jax.random.randint(ks[1], (2, E), 0, N, dtype=jnp.int32)
    batch_index = jnp.sort(jax.random.randint(ks[2], (N,), 0, G, dtype=jnp.int32))
    W0 = jax.random.normal(ks[3], (D, H), dtype=jnp.float32) * 0.05
    b0 = jnp.zeros((H,), dtype=jnp.float32)
    W1 = jax.random.normal(ks[4], (H, H), dtype=jnp.float32) * 0.05
    b1 = jnp.zeros((H,), dtype=jnp.float32)
    W2 = jax.random.normal(ks[5], (H, H), dtype=jnp.float32) * 0.05
    b2 = jnp.zeros((H,), dtype=jnp.float32)
    W_out = jax.random.normal(ks[6], (2 * H, 1), dtype=jnp.float32) * 0.05
    b_out = jnp.zeros((1,), dtype=jnp.float32)
    return {"x": x, "edge_index": edge_index, "batch_index": batch_index,
            "W0": W0, "b0": b0, "W1": W1, "b1": b1, "W2": W2, "b2": b2,
            "W_out": W_out, "b_out": b_out}


def reference(x, edge_index, batch_index, W0, b0, W1, b1, W2, b2, W_out, b_out):
    h = jnp.tanh(gcn_conv(x, edge_index, W0, b0))
    h = jnp.tanh(gcn_conv(h, edge_index, W1, b1))
    h = jnp.tanh(gcn_conv(h, edge_index, W2, b2))
    # global max pool + global mean pool per graph
    hmax = jax.ops.segment_max(h, batch_index, num_segments=G)
    hsum = jax.ops.segment_sum(h, batch_index, num_segments=G)
    cnt = jax.ops.segment_sum(jnp.ones((N, 1), dtype=jnp.float32), batch_index, num_segments=G)
    hmean = hsum / jnp.maximum(cnt, 1.0)
    hidden = jnp.concatenate([hmax, hmean], axis=1)
    return hidden @ W_out + b_out

if __name__ == "__main__":
    import jax
    _d = setup_inputs()
    print(jax.jit(kernel)(*tuple(_d.values())))

</pallas_src>

<mosaic_0001>
#map = affine_map<(d0, d1) -> (0, 0)>
#map1 = affine_map<(d0, d1) -> (0, 0, 0, 0)>
#map2 = affine_map<(d0, d1) -> (0, 0, 0)>
module attributes {stable_mosaic.version = 14 : i64} {
  func.func @_edge_body(%arg0: i32, %arg1: i32, %arg2: memref<10240x128xf32, #tpu.memory_space<hbm>>, %arg3: memref<2x16x80x125xi32, #tpu.memory_space<hbm>>, %arg4: memref<2x16x80x125xi32, #tpu.memory_space<hbm>>, %arg5: memref<640x128xf32, #tpu.memory_space<hbm>>, %arg6: memref<2x10240x128xf32, #tpu.memory_space<hbm>>, %arg7: memref<2x16x125xi32, #tpu.memory_space<vmem>>, %arg8: memref<2x16x125xi32, #tpu.memory_space<vmem>>, %arg9: memref<2x125x128xf32, #tpu.memory_space<vmem>>, %arg10: memref<!tpu.dma_semaphore, #tpu.memory_space<semaphore_mem>>, %arg11: memref<!tpu.dma_semaphore, #tpu.memory_space<semaphore_mem>>, %arg12: memref<!tpu.dma_semaphore, #tpu.memory_space<semaphore_mem>>, %arg13: memref<!tpu.dma_semaphore, #tpu.memory_space<semaphore_mem>>, %arg14: memref<10240x128xf32, #tpu.memory_space<vmem_shared>>) attributes {dimension_semantics = [#tpu.dimension_semantics<core_parallel>, #tpu.dimension_semantics<subcore_parallel>], iteration_bounds = array<i64: 2, 16>, scalar_prefetch = 0 : i64, scratch_operands = 8 : i64, tpu.core_type = #tpu.core_type<sc_vector_subcore>, window_params = [{transform_indices = #map}, {transform_indices = #map1}, {transform_indices = #map1}, {transform_indices = #map}, {transform_indices = #map2}]} {
    %rem3A = arith.constant 0 : i32
    %rem3A_0 = arith.constant 2 : i32
    %rem3A_1 = arith.remsi %rem3A, %rem3A_0 : i32
    %dma_start3A = arith.constant 0 : i32
    %dma_start3A_2 = arith.constant 0 : i32
    %dma_start3A_3 = tpu.memref_slice %arg7[%rem3A_1, %dma_start3A, %dma_start3A_2] : memref<2x16x125xi32, #tpu.memory_space<vmem>> -> memref<1x16x125xi32, #tpu.memory_space<vmem>>
    %dma_start3A_4 = tpu.memref_squeeze %dma_start3A_3 : memref<1x16x125xi32, #tpu.memory_space<vmem>> -> memref<16x125xi32, #tpu.memory_space<vmem>>
    %dma_start3A_5 = arith.constant 0 : i32
    %dma_start3A_6 = arith.constant 0 : i32
    %dma_start3A_7 = tpu.memref_slice %arg3[%arg0, %arg1, %dma_start3A_5, %dma_start3A_6] : memref<2x16x80x125xi32, #tpu.memory_space<hbm>> -> memref<1x1x16x125xi32, #tpu.memory_space<hbm>>
    %dma_start3A_8 = tpu.memref_squeeze %dma_start3A_7 : memref<1x1x16x125xi32, #tpu.memory_space<hbm>> -> memref<16x125xi32, #tpu.memory_space<hbm>>
    %dma_start3A_9 = arith.constant 0 : i32
    %dma_start3A_10 = arith.constant 0 : i32
    %dma_start3A_11 = tpu.memref_slice %arg7[%rem3A_1, %dma_start3A_9, %dma_start3A_10] : memref<2x16x125xi32, #tpu.memory_space<vmem>> -> memref<1x16x125xi32, #tpu.memory_space<vmem>>
    %dma_start3A_12 = tpu.memref_squeeze %dma_start3A_11 : memref<1x16x125xi32, #tpu.memory_space<vmem>> -> memref<16x125xi32, #tpu.memory_space<vmem>>
    %dma_start3A_13 = arith.constant 0 : i32
    %dma_start3A_14 = arith.constant 0 : i32
    %dma_start3A_15 = tpu.memref_slice %arg3[%arg0, %arg1, %dma_start3A_13, %dma_start3A_14] : memref<2x16x80x125xi32, #tpu.memory_space<hbm>> -> memref<1x1x16x125xi32, #tpu.memory_space<hbm>>
    %dma_start3A_16 = tpu.memref_squeeze %dma_start3A_15 : memref<1x1x16x125xi32, #tpu.memory_space<hbm>> -> memref<16x125xi32, #tpu.memory_space<hbm>>
    tpu.enqueue_dma source(%dma_start3A_16 : memref<16x125xi32, #tpu.memory_space<hbm>>) target(%dma_start3A_12 : memref<16x125xi32, #tpu.memory_space<vmem>>) target_semaphore(%arg12 : memref<!tpu.dma_semaphore, #tpu.memory_space<semaphore_mem>>)
    %dma_start3A_17 = arith.constant 0 : i32
    %dma_start3A_18 = arith.constant 0 : i32
    %dma_start3A_19 = tpu.memref_slice %arg8[%rem3A_1, %dma_start3A_17, %dma_start3A_18] : memref<2x16x125xi32, #tpu.memory_space<vmem>> -> memref<1x16x125xi32, #tpu.memory_space<vmem>>
    %dma_start3A_20 = tpu.memref_squeeze %dma_start3A_19 : memref<1x16x125xi32, #tpu.memory_space<vmem>> -> memref<16x125xi32, #tpu.memory_space<vmem>>
    %dma_start3A_21 = arith.constant 0 : i32
    %dma_start3A_22 = arith.constant 0 : i32
    %dma_start3A_23 = tpu.memref_slice %arg4[%arg0, %arg1, %dma_start3A_21, %dma_start3A_22] : memref<2x16x80x125xi32, #tpu.memory_space<hbm>> -> memref<1x1x16x125xi32, #tpu.memory_space<hbm>>
    %dma_start3A_24 = tpu.memref_squeeze %dma_start3A_23 : memref<1x1x16x125xi32, #tpu.memory_space<hbm>> -> memref<16x125xi32, #tpu.memory_space<hbm>>
    %dma_start3A_25 = arith.constant 0 : i32
    %dma_start3A_26 = arith.constant 0 : i32
    %dma_start3A_27 = tpu.memref_slice %arg8[%rem3A_1, %dma_start3A_25, %dma_start3A_26] : memref<2x16x125xi32, #tpu.memory_space<vmem>> -> memref<1x16x125xi32, #tpu.memory_space<vmem>>
    %dma_start3A_28 = tpu.memref_squeeze %dma_start3A_27 : memref<1x16x125xi32, #tpu.memory_space<vmem>> -> memref<16x125xi32, #tpu.memory_space<vmem>>
    %dma_start3A_29 = arith.constant 0 : i32
    %dma_start3A_30 = arith.constant 0 : i32
    %dma_start3A_31 = tpu.memref_slice %arg4[%arg0, %arg1, %dma_start3A_29, %dma_start3A_30] : memref<2x16x80x125xi32, #tpu.memory_space<hbm>> -> memref<1x1x16x125xi32, #tpu.memory_space<hbm>>
    %dma_start3A_32 = tpu.memref_squeeze %dma_start3A_31 : memref<1x1x16x125xi32, #tpu.memory_space<hbm>> -> memref<16x125xi32, #tpu.memory_space<hbm>>
    tpu.enqueue_dma source(%dma_start3A_32 : memref<16x125xi32, #tpu.memory_space<hbm>>) target(%dma_start3A_28 : memref<16x125xi32, #tpu.memory_space<vmem>>) target_semaphore(%arg13 : memref<!tpu.dma_semaphore, #tpu.memory_space<semaphore_mem>>)
    %mul3A = arith.constant 640 : i32
    %mul3A_33 = arith.muli %arg1, %mul3A : i32
    "tpu.region"() ({
      %run_scoped3A = tpu.sem_alloc : memref<!tpu.dma_semaphore, #tpu.memory_space<semaphore_mem>>
      %dma_start3A_128 = arith.constant 0 : i32
      %dma_start3A_129 = tpu.memref_slice %arg14[%mul3A_33, %dma_start3A_128] : memref<10240x128xf32, #tpu.memory_space<vmem_shared>> -> memref<640x128xf32, #tpu.memory_space<vmem_shared>>
      tpu.enqueue_dma source(%arg5 : memref<640x128xf32, #tpu.memory_space<hbm>>) target(%dma_start3A_129 : memref<640x128xf32, #tpu.memory_space<vmem_shared>>) target_semaphore(%run_scoped3A : memref<!tpu.dma_semaphore, #tpu.memory_space<semaphore_mem>>)
      %dma_wait3A_130 = arith.constant 0 : i32
      %dma_wait3A_131 = tpu.memref_slice %arg14[%mul3A_33, %dma_wait3A_130] : memref<10240x128xf32, #tpu.memory_space<vmem_shared>> -> memref<640x128xf32, #tpu.memory_space<vmem_shared>>
      tpu.wait_dma2 semaphore(%run_scoped3A : memref<!tpu.dma_semaphore, #tpu.memory_space<semaphore_mem>>) src(%arg5 : memref<640x128xf32, #tpu.memory_space<hbm>>) dst(%dma_wait3A_131 : memref<640x128xf32, #tpu.memory_space<vmem_shared>>)
      tpu.yield
    }) : () -> ()
    %rem3A_34 = arith.constant 0 : i32
    %rem3A_35 = arith.constant 2 : i32
    %rem3A_36 = arith.remsi %rem3A_34, %rem3A_35 : i32
    %dma_wait3A = arith.constant 0 : i32
    %dma_wait3A_37 = arith.constant 0 : i32
    %dma_wait3A_38 = tpu.memref_slice %arg7[%rem3A_36, %dma_wait3A, %dma_wait3A_37] : memref<2x16x125xi32, #tpu.memory_space<vmem>> -> memref<1x16x125xi32, #tpu.memory_space<vmem>>
    %dma_wait3A_39 = tpu.memref_squeeze %dma_wait3A_38 : memref<1x16x125xi32, #tpu.memory_space<vmem>> -> memref<16x125xi32, #tpu.memory_space<vmem>>
    %dma_wait3A_40 = arith.constant 0 : i32
    %dma_wait3A_41 = arith.constant 0 : i32
    %dma_wait3A_42 = tpu.memref_slice %arg3[%arg0, %arg1, %dma_wait3A_40, %dma_wait3A_41] : memref<2x16x80x125xi32, #tpu.memory_space<hbm>> -> memref<1x1x16x125xi32, #tpu.memory_space<hbm>>
    %dma_wait3A_43 = tpu.memref_squeeze %dma_wait3A_42 : memref<1x1x16x125xi32, #tpu.memory_space<hbm>> -> memref<16x125xi32, #tpu.memory_space<hbm>>
    %dma_wait3A_44 = arith.constant 0 : i32
    %dma_wait3A_45 = arith.constant 0 : i32
    %dma_wait3A_46 = tpu.memref_slice %arg7[%rem3A_36, %dma_wait3A_44, %dma_wait3A_45] : memref<2x16x125xi32, #tpu.memory_space<vmem>> -> memref<1x16x125xi32, #tpu.memory_space<vmem>>
    %dma_wait3A_47 = tpu.memref_squeeze %dma_wait3A_46 : memref<1x16x125xi32, #tpu.memory_space<vmem>> -> memref<16x125xi32, #tpu.memory_space<vmem>>
    %dma_wait3A_48 = arith.constant 0 : i32
    %dma_wait3A_49 = arith.constant 0 : i32
    %dma_wait3A_50 = tpu.memref_slice %arg3[%arg0, %arg1, %dma_wait3A_48, %dma_wait3A_49] : memref<2x16x80x125xi32, #tpu.memory_space<hbm>> -> memref<1x1x16x125xi32, #tpu.memory_space<hbm>>
    %dma_wait3A_51 = tpu.memref_squeeze %dma_wait3A_50 : memref<1x1x16x125xi32, #tpu.memory_space<hbm>> -> memref<16x125xi32, #tpu.memory_space<hbm>>
    tpu.wait_dma2 semaphore(%arg12 : memref<!tpu.dma_semaphore, #tpu.memory_space<semaphore_mem>>) src(%dma_wait3A_51 : memref<16x125xi32, #tpu.memory_space<hbm>>) dst(%dma_wait3A_47 : memref<16x125xi32, #tpu.memory_space<vmem>>)
    %dma_wait3A_52 = arith.constant 0 : i32
    %dma_wait3A_53 = arith.constant 0 : i32
    %dma_wait3A_54 = tpu.memref_slice %arg8[%rem3A_36, %dma_wait3A_52, %dma_wait3A_53] : memref<2x16x125xi32, #tpu.memory_space<vmem>> -> memref<1x16x125xi32, #tpu.memory_space<vmem>>
    %dma_wait3A_55 = tpu.memref_squeeze %dma_wait3A_54 : memref<1x16x125xi32, #tpu.memory_space<vmem>> -> memref<16x125xi32, #tpu.memory_space<vmem>>
    %dma_wait3A_56 = arith.constant 0 : i32
    %dma_wait3A_57 = arith.constant 0 : i32
    %dma_wait3A_58 = tpu.memref_slice %arg4[%arg0, %arg1, %dma_wait3A_56, %dma_wait3A_57] : memref<2x16x80x125xi32, #tpu.memory_space<hbm>> -> memref<1x1x16x125xi32, #tpu.memory_space<hbm>>
    %dma_wait3A_59 = tpu.memref_squeeze %dma_wait3A_58 : memref<1x1x16x125xi32, #tpu.memory_space<hbm>> -> memref<16x125xi32, #tpu.memory_space<hbm>>
    %dma_wait3A_60 = arith.constant 0 : i32
    %dma_wait3A_61 = arith.constant 0 : i32
    %dma_wait3A_62 = tpu.memref_slice %arg8[%rem3A_36, %dma_wait3A_60, %dma_wait3A_61] : memref<2x16x125xi32, #tpu.memory_space<vmem>> -> memref<1x16x125xi32, #tpu.memory_space<vmem>>
    %dma_wait3A_63 = tpu.memref_squeeze %dma_wait3A_62 : memref<1x16x125xi32, #tpu.memory_space<vmem>> -> memref<16x125xi32, #tpu.memory_space<vmem>>
    %dma_wait3A_64 = arith.constant 0 : i32
    %dma_wait3A_65 = arith.constant 0 : i32
    %dma_wait3A_66 = tpu.memref_slice %arg4[%arg0, %arg1, %dma_wait3A_64, %dma_wait3A_65] : memref<2x16x80x125xi32, #tpu.memory_space<hbm>> -> memref<1x1x16x125xi32, #tpu.memory_space<hbm>>
    %dma_wait3A_67 = tpu.memref_squeeze %dma_wait3A_66 : memref<1x1x16x125xi32, #tpu.memory_space<hbm>> -> memref<16x125xi32, #tpu.memory_space<hbm>>
    tpu.wait_dma2 semaphore(%arg13 : memref<!tpu.dma_semaphore, #tpu.memory_space<semaphore_mem>>) src(%dma_wait3A_67 : memref<16x125xi32, #tpu.memory_space<hbm>>) dst(%dma_wait3A_63 : memref<16x125xi32, #tpu.memory_space<vmem>>)
    %rem3A_68 = arith.constant 1 : i32
    %rem3A_69 = arith.constant 2 : i32
    %rem3A_70 = arith.remsi %rem3A_68, %rem3A_69 : i32
    %dma_start3A_71 = arith.constant 0 : i32
    %dma_start3A_72 = arith.constant 0 : i32
    %dma_start3A_73 = tpu.memref_slice %arg7[%rem3A_70, %dma_start3A_71, %dma_start3A_72] : memref<2x16x125xi32, #tpu.memory_space<vmem>> -> memref<1x16x125xi32, #tpu.memory_space<vmem>>
    %dma_start3A_74 = tpu.memref_squeeze %dma_start3A_73 : memref<1x16x125xi32, #tpu.memory_space<vmem>> -> memref<16x125xi32, #tpu.memory_space<vmem>>
    %dma_start3A_75 = arith.constant 16 : i32
    %dma_start3A_76 = arith.constant 0 : i32
    %dma_start3A_77 = tpu.memref_slice %arg3[%arg0, %arg1, %dma_start3A_75, %dma_start3A_76] : memref<2x16x80x125xi32, #tpu.memory_space<hbm>> -> memref<1x1x16x125xi32, #tpu.memory_space<hbm>>
    %dma_start3A_78 = tpu.memref_squeeze %dma_start3A_77 : memref<1x1x16x125xi32, #tpu.memory_space<hbm>> -> memref<16x125xi32, #tpu.memory_space<hbm>>
    %dma_start3A_79 = arith.constant 0 : i32
    %dma_start3A_80 = arith.constant 0 : i32
    %dma_start3A_81 = tpu.memref_slice %arg7[%rem3A_70, %dma_start3A_79, %dma_start3A_80] : memref<2x16x125xi32, #tpu.memory_space<vmem>> -> memref<1x16x125xi32, #tpu.memory_space<vmem>>
    %dma_start3A_82 = tpu.memref_squeeze %dma_start3A_81 : memref<1x16x125xi32, #tpu.memory_space<vmem>> -> memref<16x125xi32, #tpu.memory_space<vmem>>
    %dma_start3A_83 = arith.constant 16 : i32
    %dma_start3A_84 = arith.constant 0 : i32
    %dma_start3A_85 = tpu.memref_slice %arg3[%arg0, %arg1, %dma_start3A_83, %dma_start3A_84] : memref<2x16x80x125xi32, #tpu.memory_space<hbm>> -> memref<1x1x16x125xi32, #tpu.memory_space<hbm>>
    %dma_start3A_86 = tpu.memref_squeeze %dma_start3A_85 : memref<1x1x16x125xi32, #tpu.memory_space<hbm>> -> memref<16x125xi32, #tpu.memory_space<hbm>>
    tpu.enqueue_dma source(%dma_start3A_86 : memref<16x125xi32, #tpu.memory_space<hbm>>) target(%dma_start3A_82 : memref<16x125xi32, #tpu.memory_space<vmem>>) target_semaphore(%arg12 : memref<!tpu.dma_semaphore, #tpu.memory_space<semaphore_mem>>)
    %dma_start3A_87 = arith.constant 0 : i32
    %dma_start3A_88 = arith.constant 0 : i32
    %dma_start3A_89 = tpu.memref_slice %arg8[%rem3A_70, %dma_start3A_87, %dma_start3A_88] : memref<2x16x125xi32, #tpu.memory_space<vmem>> -> memref<1x16x125xi32, #tpu.memory_space<vmem>>
    %dma_start3A_90 = tpu.memref_squeeze %dma_start3A_89 : memref<1x16x125xi32, #tpu.memory_space<vmem>> -> memref<16x125xi32, #tpu.memory_space<vmem>>
    %dma_start3A_91 = arith.constant 16 : i32
    %dma_start3A_92 = arith.constant 0 : i32
    %dma_start3A_93 = tpu.memref_slice %arg4[%arg0, %arg1, %dma_start3A_91, %dma_start3A_92] : memref<2x16x80x125xi32, #tpu.memory_space<hbm>> -> memref<1x1x16x125xi32, #tpu.memory_space<hbm>>
    %dma_start3A_94 = tpu.memref_squeeze %dma_start3A_93 : memref<1x1x16x125xi32, #tpu.memory_space<hbm>> -> memref<16x125xi32, #tpu.memory_space<hbm>>
    %dma_start3A_95 = arith.constant 0 : i32
    %dma_start3A_96 = arith.constant 0 : i32
    %dma_start3A_97 = tpu.memref_slice %arg8[%rem3A_70, %dma_start3A_95, %dma_start3A_96] : memref<2x16x125xi32, #tpu.memory_space<vmem>> -> memref<1x16x125xi32, #tpu.memory_space<vmem>>
    %dma_start3A_98 = tpu.memref_squeeze %dma_start3A_97 : memref<1x16x125xi32, #tpu.memory_space<vmem>> -> memref<16x125xi32, #tpu.memory_space<vmem>>
    %dma_start3A_99 = arith.constant 16 : i32
    %dma_start3A_100 = arith.constant 0 : i32
    %dma_start3A_101 = tpu.memref_slice %arg4[%arg0, %arg1, %dma_start3A_99, %dma_start3A_100] : memref<2x16x80x125xi32, #tpu.memory_space<hbm>> -> memref<1x1x16x125xi32, #tpu.memory_space<hbm>>
    %dma_start3A_102 = tpu.memref_squeeze %dma_start3A_101 : memref<1x1x16x125xi32, #tpu.memory_space<hbm>> -> memref<16x125xi32, #tpu.memory_space<hbm>>
    tpu.enqueue_dma source(%dma_start3A_102 : memref<16x125xi32, #tpu.memory_space<hbm>>) target(%dma_start3A_98 : memref<16x125xi32, #tpu.memory_space<vmem>>) target_semaphore(%arg13 : memref<!tpu.dma_semaphore, #tpu.memory_space<semaphore_mem>>)
    %rem3A_103 = arith.constant 0 : i32
    %rem3A_104 = arith.constant 16 : i32
    %rem3A_105 = arith.remsi %rem3A_103, %rem3A_104 : i32
    %dma_start3A_106 = arith.constant 0 : i32
    %dma_start3A_107 = arith.constant 0 : i32
    %dma_start3A_108 = arith.constant 0 : i32
    %dma_start3A_109 = arith.constant 0 : i32
    %dma_start3A_110 = tpu.memref_slice %arg9[%dma_start3A_107, %dma_start3A_108, %dma_start3A_109] : memref<2x125x128xf32, #tpu.memory_space<vmem>> -> memref<1x125x128xf32, #tpu.memory_space<vmem>>
    %dma_start3A_111 = tpu.memref_squeeze %dma_start3A_110 : memref<1x125x128xf32, #tpu.memory_space<vmem>> -> memref<125x128xf32, #tpu.memory_space<vmem>>
    %dma_start3A_112 = arith.constant 0 : i32
    %dma_start3A_113 = tpu.memref_slice %arg7[%dma_start3A_106, %rem3A_105, %dma_start3A_112] : memref<2x16x125xi32, #tpu.memory_space<vmem>> -> memref<1x1x125xi32, #tpu.memory_space<vmem>>
    %dma_start3A_114 = tpu.memref_squeeze %dma_start3A_113 : memref<1x1x125xi32, #tpu.memory_space<vmem>> -> memref<125xi32, #tpu.memory_space<vmem>>
    %dma_start3A_115 = arith.constant 0 : i32
    %dma_start3A_116 = arith.constant 0 : i32
    %dma_start3A_117 = tpu.memref_slice %arg2[%dma_start3A_115, %dma_start3A_116] : memref<10240x128xf32, #tpu.memory_space<hbm>> -> memref<10240x128xf32, #tpu.memory_space<hbm>>
    tpu.enqueue_indirect_dma source(%dma_start3A_117 : memref<10240x128xf32, #tpu.memory_space<hbm>>) target(%dma_start3A_111 : memref<125x128xf32, #tpu.memory_space<vmem>>) offsets(%dma_start3A_114 : memref<125xi32, #tpu.memory_space<vmem>>) semaphore(%arg10 : memref<!tpu.dma_semaphore, #tpu.memory_space<semaphore_mem>>)
    %barrier3A = arith.constant 0 : index
    tpu.barrier barrier_id(%barrier3A)
    %scan3A = arith.constant 0 : i32
    %scan3A_118 = arith.constant 0 : i32
    %scan3A_119 = arith.constant 5 : i32
    %scan3A_120 = arith.addi %scan3A_118, %scan3A_119 : i32
    %scan3A_121 = arith.constant 1 : i32
    scf.for %scan3A_128 = %scan3A_118 to %scan3A_120 step %scan3A_121  : i32 {
      %rem3A_129 = arith.constant 2 : i32
      %rem3A_130 = arith.remsi %scan3A_128, %rem3A_129 : i32
      %scan3A_131 = arith.constant 0 : i32
      %scan3A_132 = arith.constant 0 : i32
      %scan3A_133 = arith.constant 8 : i32
      %scan3A_134 = arith.addi %scan3A_132, %scan3A_133 : i32
      %scan3A_135 = arith.constant 1 : i32
      scf.for %scan3A_147 = %scan3A_132 to %scan3A_134 step %scan3A_135  : i32 {
        %mul3A_148 = arith.constant 16 : i32
        %mul3A_149 = arith.muli %scan3A_128, %mul3A_148 : i32
        %mul3A_150 = arith.constant 2 : i32
        %mul3A_151 = arith.muli %mul3A_150, %scan3A_147 : i32
        %add3A_152 = arith.addi %mul3A_149, %mul3A_151 : i32
        %add3A_153 = arith.constant 1 : i32
        %add3A_154 = arith.addi %add3A_152, %add3A_153 : i32
        %rem3A_155 = arith.constant 16 : i32
        %rem3A_156 = arith.remsi %add3A_154, %rem3A_155 : i32
        %dma_start3A_157 = arith.constant 1 : i32
        %dma_start3A_158 = arith.constant 0 : i32
        %dma_start3A_159 = arith.constant 0 : i32
        %dma_start3A_160 = tpu.memref_slice %arg9[%dma_start3A_157, %dma_start3A_158, %dma_start3A_159] : memref<2x125x128xf32, #tpu.memory_space<vmem>> -> memref<1x125x128xf32, #tpu.memory_space<vmem>>
        %dma_start3A_161 = tpu.memref_squeeze %dma_start3A_160 : memref<1x125x128xf32, #tpu.memory_space<vmem>> -> memref<125x128xf32, #tpu.memory_space<vmem>>
        %dma_start3A_162 = arith.constant 0 : i32
        %dma_start3A_163 = tpu.memref_slice %arg7[%rem3A_130, %rem3A_156, %dma_start3A_162] : memref<2x16x125xi32, #tpu.memory_space<vmem>> -> memref<1x1x125xi32, #tpu.memory_space<vmem>>
        %dma_start3A_164 = tpu.memref_squeeze %dma_start3A_163 : memref<1x1x125xi32, #tpu.memory_space<vmem>> -> memref<125xi32, #tpu.memory_space<vmem>>
        %dma_start3A_165 = arith.constant 0 : i32
        %dma_start3A_166 = arith.constant 0 : i32
        %dma_start3A_167 = tpu.memref_slice %arg2[%dma_start3A_165, %dma_start3A_166] : memref<10240x128xf32, #tpu.memory_space<hbm>> -> memref<10240x128xf32, #tpu.memory_space<hbm>>
        tpu.enqueue_indirect_dma source(%dma_start3A_167 : memref<10240x128xf32, #tpu.memory_space<hbm>>) target(%dma_start3A_161 : memref<125x128xf32, #tpu.memory_space<vmem>>) offsets(%dma_start3A_164 : memref<125xi32, #tpu.memory_space<vmem>>) semaphore(%arg11 : memref<!tpu.dma_semaphore, #tpu.memory_space<semaphore_mem>>)
        %rem3A_168 = arith.constant 16 : i32
        %rem3A_169 = arith.remsi %add3A_152, %rem3A_168 : i32
        %dma_wait3A_170 = arith.constant 0 : i32
        %dma_wait3A_171 = arith.constant 0 : i32
        %dma_wait3A_172 = arith.constant 0 : i32
        %dma_wait3A_173 = tpu.memref_slice %arg9[%dma_wait3A_170, %dma_wait3A_171, %dma_wait3A_172] : memref<2x125x128xf32, #tpu.memory_space<vmem>> -> memref<1x125x128xf32, #tpu.memory_space<vmem>>
        %dma_wait3A_174 = tpu.memref_squeeze %dma_wait3A_173 : memref<1x125x128xf32, #tpu.memory_space<vmem>> -> memref<125x128xf32, #tpu.memory_space<vmem>>
        %dma_wait3A_175 = arith.constant 0 : i32
        %dma_wait3A_176 = tpu.memref_slice %arg7[%rem3A_130, %rem3A_169, %dma_wait3A_175] : memref<2x16x125xi32, #tpu.memory_space<vmem>> -> memref<1x1x125xi32, #tpu.memory_space<vmem>>
        %dma_wait3A_177 = tpu.memref_squeeze %dma_wait3A_176 : memref<1x1x125xi32, #tpu.memory_space<vmem>> -> memref<125xi32, #tpu.memory_space<vmem>>
        %dma_wait3A_178 = arith.constant 0 : i32
        %dma_wait3A_179 = arith.constant 0 : i32
        %dma_wait3A_180 = tpu.memref_slice %arg2[%dma_wait3A_178, %dma_wait3A_179] : memref<10240x128xf32, #tpu.memory_space<hbm>> -> memref<10240x128xf32, #tpu.memory_space<hbm>>
        tpu.wait_indirect_dma semaphore(%arg10 : memref<!tpu.dma_semaphore, #tpu.memory_space<semaphore_mem>>) src(%dma_wait3A_180 : memref<10240x128xf32, #tpu.memory_space<hbm>>) dst(%dma_wait3A_174 : memref<125x128xf32, #tpu.memory_space<vmem>>)
        %mul3A_181 = arith.constant 2 : i32
        %mul3A_182 = arith.muli %mul3A_181, %scan3A_147 : i32
        %run_scoped3A = arith.constant 0 : i32
        "tpu.region"() ({
          %run_scoped3A_210 = tpu.sem_alloc : memref<!tpu.dma_semaphore, #tpu.memory_space<semaphore_mem>>
          %dma_start3A_211 = arith.constant 0 : i32
          %dma_start3A_212 = arith.constant 0 : i32
          %dma_start3A_213 = tpu.memref_slice %arg9[%run_scoped3A, %dma_start3A_211, %dma_start3A_212] : memref<2x125x128xf32, #tpu.memory_space<vmem>> -> memref<1x125x128xf32, #tpu.memory_space<vmem>>
          %dma_start3A_214 = tpu.memref_squeeze %dma_start3A_213 : memref<1x125x128xf32, #tpu.memory_space<vmem>> -> memref<125x128xf32, #tpu.memory_space<vmem>>
          %dma_start3A_215 = arith.constant 0 : i32
          %dma_start3A_216 = tpu.memref_slice %arg8[%rem3A_130, %mul3A_182, %dma_start3A_215] : memref<2x16x125xi32, #tpu.memory_space<vmem>> -> memref<1x1x125xi32, #tpu.memory_space<vmem>>
          %dma_start3A_217 = tpu.memref_squeeze %dma_start3A_216 : memref<1x1x125xi32, #tpu.memory_space<vmem>> -> memref<125xi32, #tpu.memory_space<vmem>>
          %dma_start3A_218 = arith.constant 0 : i32
          %dma_start3A_219 = arith.constant 0 : i32
          %dma_start3A_220 = tpu.memref_slice %arg14[%dma_start3A_218, %dma_start3A_219] : memref<10240x128xf32, #tpu.memory_space<vmem_shared>> -> memref<10240x128xf32, #tpu.memory_space<vmem_shared>>
          tpu.enqueue_indirect_dma source(%dma_start3A_214 : memref<125x128xf32, #tpu.memory_space<vmem>>) target(%dma_start3A_220 : memref<10240x128xf32, #tpu.memory_space<vmem_shared>>) offsets(%dma_start3A_217 : memref<125xi32, #tpu.memory_space<vmem>>) semaphore(%run_scoped3A_210 : memref<!tpu.dma_semaphore, #tpu.memory_space<semaphore_mem>>) {add = true}
          %dma_wait3A_221 = arith.constant 0 : i32
          %dma_wait3A_222 = arith.constant 0 : i32
          %dma_wait3A_223 = tpu.memref_slice %arg9[%run_scoped3A, %dma_wait3A_221, %dma_wait3A_222] : memref<2x125x128xf32, #tpu.memory_space<vmem>> -> memref<1x125x128xf32, #tpu.memory_space<vmem>>
          %dma_wait3A_224 = tpu.memref_squeeze %dma_wait3A_223 : memref<1x125x128xf32, #tpu.memory_space<vmem>> -> memref<125x128xf32, #tpu.memory_space<vmem>>
          %dma_wait3A_225 = arith.constant 0 : i32
          %dma_wait3A_226 = tpu.memref_slice %arg8[%rem3A_130, %mul3A_182, %dma_wait3A_225] : memref<2x16x125xi32, #tpu.memory_space<vmem>> -> memref<1x1x125xi32, #tpu.memory_space<vmem>>
          %dma_wait3A_227 = tpu.memref_squeeze %dma_wait3A_226 : memref<1x1x125xi32, #tpu.memory_space<vmem>> -> memref<125xi32, #tpu.memory_space<vmem>>
          %dma_wait3A_228 = arith.constant 0 : i32
          %dma_wait3A_229 = arith.constant 0 : i32
          %dma_wait3A_230 = tpu.memref_slice %arg14[%dma_wait3A_228, %dma_wait3A_229] : memref<10240x128xf32, #tpu.memory_space<vmem_shared>> -> memref<10240x128xf32, #tpu.memory_space<vmem_shared>>
          tpu.wait_indirect_dma semaphore(%run_scoped3A_210 : memref<!tpu.dma_semaphore, #tpu.memory_space<semaphore_mem>>) src(%dma_wait3A_224 : memref<125x128xf32, #tpu.memory_space<vmem>>) dst(%dma_wait3A_230 : memref<10240x128xf32, #tpu.memory_space<vmem_shared>>)
          tpu.yield
        }) : () -> ()
        %add3A_183 = arith.constant 1 : i32
        %add3A_184 = arith.addi %scan3A_147, %add3A_183 : i32
        %lt3A_185 = arith.constant 8 : i32
        %lt3A_186 = arith.cmpi slt, %add3A_184, %lt3A_185 : i32
        %convert_element_type3A_187 = arith.extui %lt3A_186 : i1 to i32
        %cond3A_188 = arith.constant 0 : i32
        %cond3A_189 = arith.cmpi ne, %convert_element_type3A_187, %cond3A_188 : i32
        scf.if %cond3A_189 {
          %add3A_210 = arith.constant 2 : i32
          %add3A_211 = arith.addi %add3A_152, %add3A_210 : i32
          %rem3A_212 = arith.constant 16 : i32
          %rem3A_213 = arith.remsi %add3A_211, %rem3A_212 : i32
          %dma_start3A_214 = arith.constant 0 : i32
          %dma_start3A_215 = arith.constant 0 : i32
          %dma_start3A_216 = arith.constant 0 : i32
          %dma_start3A_217 = tpu.memref_slice %arg9[%dma_start3A_214, %dma_start3A_215, %dma_start3A_216] : memref<2x125x128xf32, #tpu.memory_space<vmem>> -> memref<1x125x128xf32, #tpu.memory_space<vmem>>
          %dma_start3A_218 = tpu.memref_squeeze %dma_start3A_217 : memref<1x125x128xf32, #tpu.memory_space<vmem>> -> memref<125x128xf32, #tpu.memory_space<vmem>>
          %dma_start3A_219 = arith.constant 0 : i32
          %dma_start3A_220 = tpu.memref_slice %arg7[%rem3A_130, %rem3A_213, %dma_start3A_219] : memref<2x16x125xi32, #tpu.memory_space<vmem>> -> memref<1x1x125xi32, #tpu.memory_space<vmem>>
          %dma_start3A_221 = tpu.memref_squeeze %dma_start3A_220 : memref<1x1x125xi32, #tpu.memory_space<vmem>> -> memref<125xi32, #tpu.memory_space<vmem>>
          %dma_start3A_222 = arith.constant 0 : i32
          %dma_start3A_223 = arith.constant 0 : i32
          %dma_start3A_224 = tpu.memref_slice %arg2[%dma_start3A_222, %dma_start3A_223] : memref<10240x128xf32, #tpu.memory_space<hbm>> -> memref<10240x128xf32, #tpu.memory_space<hbm>>
          tpu.enqueue_indirect_dma source(%dma_start3A_224 : memref<10240x128xf32, #tpu.memory_space<hbm>>) target(%dma_start3A_218 : memref<125x128xf32, #tpu.memory_space<vmem>>) offsets(%dma_start3A_221 : memref<125xi32, #tpu.memory_space<vmem>>) semaphore(%arg10 : memref<!tpu.dma_semaphore, #tpu.memory_space<semaphore_mem>>)
        } else {
        }
        %add3A_190 = arith.constant 1 : i32
        %add3A_191 = arith.addi %add3A_152, %add3A_190 : i32
        %rem3A_192 = arith.constant 16 : i32
        %rem3A_193 = arith.remsi %add3A_191, %rem3A_192 : i32
        %dma_wait3A_194 = arith.constant 1 : i32
        %dma_wait3A_195 = arith.constant 0 : i32
        %dma_wait3A_196 = arith.constant 0 : i32
        %dma_wait3A_197 = tpu.memref_slice %arg9[%dma_wait3A_194, %dma_wait3A_195, %dma_wait3A_196] : memref<2x125x128xf32, #tpu.memory_space<vmem>> -> memref<1x125x128xf32, #tpu.memory_space<vmem>>
        %dma_wait3A_198 = tpu.memref_squeeze %dma_wait3A_197 : memref<1x125x128xf32, #tpu.memory_space<vmem>> -> memref<125x128xf32, #tpu.memory_space<vmem>>
        %dma_wait3A_199 = arith.constant 0 : i32
        %dma_wait3A_200 = tpu.memref_slice %arg7[%rem3A_130, %rem3A_193, %dma_wait3A_199] : memref<2x16x125xi32, #tpu.memory_space<vmem>> -> memref<1x1x125xi32, #tpu.memory_space<vmem>>
        %dma_wait3A_201 = tpu.memref_squeeze %dma_wait3A_200 : memref<1x1x125xi32, #tpu.memory_space<vmem>> -> memref<125xi32, #tpu.memory_space<vmem>>
        %dma_wait3A_202 = arith.constant 0 : i32
        %dma_wait3A_203 = arith.constant 0 : i32
        %dma_wait3A_204 = tpu.memref_slice %arg2[%dma_wait3A_202, %dma_wait3A_203] : memref<10240x128xf32, #tpu.memory_space<hbm>> -> memref<10240x128xf32, #tpu.memory_space<hbm>>
        tpu.wait_indirect_dma semaphore(%arg11 : memref<!tpu.dma_semaphore, #tpu.memory_space<semaphore_mem>>) src(%dma_wait3A_204 : memref<10240x128xf32, #tpu.memory_space<hbm>>) dst(%dma_wait3A_198 : memref<125x128xf32, #tpu.memory_space<vmem>>)
        %mul3A_205 = arith.constant 2 : i32
        %mul3A_206 = arith.muli %mul3A_205, %scan3A_147 : i32
        %add3A_207 = arith.constant 1 : i32
        %add3A_208 = arith.addi %mul3A_206, %add3A_207 : i32
        %run_scoped3A_209 = arith.constant 1 : i32
        "tpu.region"() ({
          %run_scoped3A_210 = tpu.sem_alloc : memref<!tpu.dma_semaphore, #tpu.memory_space<semaphore_mem>>
          %dma_start3A_211 = arith.constant 0 : i32
          %dma_start3A_212 = arith.constant 0 : i32
          %dma_start3A_213 = tpu.memref_slice %arg9[%run_scoped3A_209, %dma_start3A_211, %dma_start3A_212] : memref<2x125x128xf32, #tpu.memory_space<vmem>> -> memref<1x125x128xf32, #tpu.memory_space<vmem>>
          %dma_start3A_214 = tpu.memref_squeeze %dma_start3A_213 : memref<1x125x128xf32, #tpu.memory_space<vmem>> -> memref<125x128xf32, #tpu.memory_space<vmem>>
          %dma_start3A_215 = arith.constant 0 : i32
          %dma_start3A_216 = tpu.memref_slice %arg8[%rem3A_130, %add3A_208, %dma_start3A_215] : memref<2x16x125xi32, #tpu.memory_space<vmem>> -> memref<1x1x125xi32, #tpu.memory_space<vmem>>
          %dma_start3A_217 = tpu.memref_squeeze %dma_start3A_216 : memref<1x1x125xi32, #tpu.memory_space<vmem>> -> memref<125xi32, #tpu.memory_space<vmem>>
          %dma_start3A_218 = arith.constant 0 : i32
          %dma_start3A_219 = arith.constant 0 : i32
          %dma_start3A_220 = tpu.memref_slice %arg14[%dma_start3A_218, %dma_start3A_219] : memref<10240x128xf32, #tpu.memory_space<vmem_shared>> -> memref<10240x128xf32, #tpu.memory_space<vmem_shared>>
          tpu.enqueue_indirect_dma source(%dma_start3A_214 : memref<125x128xf32, #tpu.memory_space<vmem>>) target(%dma_start3A_220 : memref<10240x128xf32, #tpu.memory_space<vmem_shared>>) offsets(%dma_start3A_217 : memref<125xi32, #tpu.memory_space<vmem>>) semaphore(%run_scoped3A_210 : memref<!tpu.dma_semaphore, #tpu.memory_space<semaphore_mem>>) {add = true}
          %dma_wait3A_221 = arith.constant 0 : i32
          %dma_wait3A_222 = arith.constant 0 : i32
          %dma_wait3A_223 = tpu.memref_slice %arg9[%run_scoped3A_209, %dma_wait3A_221, %dma_wait3A_222] : memref<2x125x128xf32, #tpu.memory_space<vmem>> -> memref<1x125x128xf32, #tpu.memory_space<vmem>>
          %dma_wait3A_224 = tpu.memref_squeeze %dma_wait3A_223 : memref<1x125x128xf32, #tpu.memory_space<vmem>> -> memref<125x128xf32, #tpu.memory_space<vmem>>
          %dma_wait3A_225 = arith.constant 0 : i32
          %dma_wait3A_226 = tpu.memref_slice %arg8[%rem3A_130, %add3A_208, %dma_wait3A_225] : memref<2x16x125xi32, #tpu.memory_space<vmem>> -> memref<1x1x125xi32, #tpu.memory_space<vmem>>
          %dma_wait3A_227 = tpu.memref_squeeze %dma_wait3A_226 : memref<1x1x125xi32, #tpu.memory_space<vmem>> -> memref<125xi32, #tpu.memory_space<vmem>>
          %dma_wait3A_228 = arith.constant 0 : i32
          %dma_wait3A_229 = arith.constant 0 : i32
          %dma_wait3A_230 = tpu.memref_slice %arg14[%dma_wait3A_228, %dma_wait3A_229] : memref<10240x128xf32, #tpu.memory_space<vmem_shared>> -> memref<10240x128xf32, #tpu.memory_space<vmem_shared>>
          tpu.wait_indirect_dma semaphore(%run_scoped3A_210 : memref<!tpu.dma_semaphore, #tpu.memory_space<semaphore_mem>>) src(%dma_wait3A_224 : memref<125x128xf32, #tpu.memory_space<vmem>>) dst(%dma_wait3A_230 : memref<10240x128xf32, #tpu.memory_space<vmem_shared>>)
          tpu.yield
        }) : () -> ()
      }
      %scan3A_136 = arith.constant 8 : i32
      %add3A = arith.constant 1 : i32
      %add3A_137 = arith.addi %scan3A_128, %add3A : i32
      %lt3A = arith.constant 5 : i32
      %lt3A_138 = arith.cmpi slt, %add3A_137, %lt3A : i32
      %convert_element_type3A = arith.extui %lt3A_138 : i1 to i32
      %cond3A = arith.constant 0 : i32
      %cond3A_139 = arith.cmpi ne, %convert_element_type3A, %cond3A : i32
      scf.if %cond3A_139 {
        %add3A_147 = arith.constant 1 : i32
        %add3A_148 = arith.addi %scan3A_128, %add3A_147 : i32
        %rem3A_149 = arith.constant 2 : i32
        %rem3A_150 = arith.remsi %add3A_148, %rem3A_149 : i32
        %mul3A_151 = arith.constant 16 : i32
        %mul3A_152 = arith.muli %add3A_148, %mul3A_151 : i32
        %dma_wait3A_153 = arith.constant 0 : i32
        %dma_wait3A_154 = arith.constant 0 : i32
        %dma_wait3A_155 = tpu.memref_slice %arg7[%rem3A_150, %dma_wait3A_153, %dma_wait3A_154] : memref<2x16x125xi32, #tpu.memory_space<vmem>> -> memref<1x16x125xi32, #tpu.memory_space<vmem>>
        %dma_wait3A_156 = tpu.memref_squeeze %dma_wait3A_155 : memref<1x16x125xi32, #tpu.memory_space<vmem>> -> memref<16x125xi32, #tpu.memory_space<vmem>>
        %dma_wait3A_157 = arith.constant 0 : i32
        %dma_wait3A_158 = tpu.memref_slice %arg3[%arg0, %arg1, %mul3A_152, %dma_wait3A_157] : memref<2x16x80x125xi32, #tpu.memory_space<hbm>> -> memref<1x1x16x125xi32, #tpu.memory_space<hbm>>
        %dma_wait3A_159 = tpu.memref_squeeze %dma_wait3A_158 : memref<1x1x16x125xi32, #tpu.memory_space<hbm>> -> memref<16x125xi32, #tpu.memory_space<hbm>>
        %dma_wait3A_160 = arith.constant 0 : i32
        %dma_wait3A_161 = arith.constant 0 : i32
        %dma_wait3A_162 = tpu.memref_slice %arg7[%rem3A_150, %dma_wait3A_160, %dma_wait3A_161] : memref<2x16x125xi32, #tpu.memory_space<vmem>> -> memref<1x16x125xi32, #tpu.memory_space<vmem>>
        %dma_wait3A_163 = tpu.memref_squeeze %dma_wait3A_162 : memref<1x16x125xi32, #tpu.memory_space<vmem>> -> memref<16x125xi32, #tpu.memory_space<vmem>>
        %dma_wait3A_164 = arith.constant 0 : i32
        %dma_wait3A_165 = tpu.memref_slice %arg3[%arg0, %arg1, %mul3A_152, %dma_wait3A_164] : memref<2x16x80x125xi32, #tpu.memory_space<hbm>> -> memref<1x1x16x125xi32, #tpu.memory_space<hbm>>
        %dma_wait3A_166 = tpu.memref_squeeze %dma_wait3A_165 : memref<1x1x16x125xi32, #tpu.memory_space<hbm>> -> memref<16x125xi32, #tpu.memory_space<hbm>>
        tpu.wait_dma2 semaphore(%arg12 : memref<!tpu.dma_semaphore, #tpu.memory_space<semaphore_mem>>) src(%dma_wait3A_166 : memref<16x125xi32, #tpu.memory_space<hbm>>) dst(%dma_wait3A_163 : memref<16x125xi32, #tpu.memory_space<vmem>>)
        %dma_wait3A_167 = arith.constant 0 : i32
        %dma_wait3A_168 = arith.constant 0 : i32
        %dma_wait3A_169 = tpu.memref_slice %arg8[%rem3A_150, %dma_wait3A_167, %dma_wait3A_168] : memref<2x16x125xi32, #tpu.memory_space<vmem>> -> memref<1x16x125xi32, #tpu.memory_space<vmem>>
        %dma_wait3A_170 = tpu.memref_squeeze %dma_wait3A_169 : memref<1x16x125xi32, #tpu.memory_space<vmem>> -> memref<16x125xi32, #tpu.memory_space<vmem>>
        %dma_wait3A_171 = arith.constant 0 : i32
        %dma_wait3A_172 = tpu.memref_slice %arg4[%arg0, %arg1, %mul3A_152, %dma_wait3A_171] : memref<2x16x80x125xi32, #tpu.memory_space<hbm>> -> memref<1x1x16x125xi32, #tpu.memory_space<hbm>>
        %dma_wait3A_173 = tpu.memref_squeeze %dma_wait3A_172 : memref<1x1x16x125xi32, #tpu.memory_space<hbm>> -> memref<16x125xi32, #tpu.memory_space<hbm>>
        %dma_wait3A_174 = arith.constant 0 : i32
        %dma_wait3A_175 = arith.constant 0 : i32
        %dma_wait3A_176 = tpu.memref_slice %arg8[%rem3A_150, %dma_wait3A_174, %dma_wait3A_175] : memref<2x16x125xi32, #tpu.memory_space<vmem>> -> memref<1x16x125xi32, #tpu.memory_space<vmem>>
        %dma_wait3A_177 = tpu.memref_squeeze %dma_wait3A_176 : memref<1x16x125xi32, #tpu.memory_space<vmem>> -> memref<16x125xi32, #tpu.memory_space<vmem>>
        %dma_wait3A_178 = arith.constant 0 : i32
        %dma_wait3A_179 = tpu.memref_slice %arg4[%arg0, %arg1, %mul3A_152, %dma_wait3A_178] : memref<2x16x80x125xi32, #tpu.memory_space<hbm>> -> memref<1x1x16x125xi32, #tpu.memory_space<hbm>>
        %dma_wait3A_180 = tpu.memref_squeeze %dma_wait3A_179 : memref<1x1x16x125xi32, #tpu.memory_space<hbm>> -> memref<16x125xi32, #tpu.memory_space<hbm>>
        tpu.wait_dma2 semaphore(%arg13 : memref<!tpu.dma_semaphore, #tpu.memory_space<semaphore_mem>>) src(%dma_wait3A_180 : memref<16x125xi32, #tpu.memory_space<hbm>>) dst(%dma_wait3A_177 : memref<16x125xi32, #tpu.memory_space<vmem>>)
        %add3A_181 = arith.constant 1 : i32
        %add3A_182 = arith.addi %scan3A_128, %add3A_181 : i32
        %mul3A_183 = arith.constant 16 : i32
        %mul3A_184 = arith.muli %add3A_182, %mul3A_183 : i32
        %add3A_185 = arith.constant 1 : i32
        %add3A_186 = arith.addi %scan3A_128, %add3A_185 : i32
        %rem3A_187 = arith.constant 2 : i32
        %rem3A_188 = arith.remsi %add3A_186, %rem3A_187 : i32
        %rem3A_189 = arith.constant 16 : i32
        %rem3A_190 = arith.remsi %mul3A_184, %rem3A_189 : i32
        %dma_start3A_191 = arith.constant 0 : i32
        %dma_start3A_192 = arith.constant 0 : i32
        %dma_start3A_193 = arith.constant 0 : i32
        %dma_start3A_194 = tpu.memref_slice %arg9[%dma_start3A_191, %dma_start3A_192, %dma_start3A_193] : memref<2x125x128xf32, #tpu.memory_space<vmem>> -> memref<1x125x128xf32, #tpu.memory_space<vmem>>
        %dma_start3A_195 = tpu.memref_squeeze %dma_start3A_194 : memref<1x125x128xf32, #tpu.memory_space<vmem>> -> memref<125x128xf32, #tpu.memory_space<vmem>>
        %dma_start3A_196 = arith.constant 0 : i32
        %dma_start3A_197 = tpu.memref_slice %arg7[%rem3A_188, %rem3A_190, %dma_start3A_196] : memref<2x16x125xi32, #tpu.memory_space<vmem>> -> memref<1x1x125xi32, #tpu.memory_space<vmem>>
        %dma_start3A_198 = tpu.memref_squeeze %dma_start3A_197 : memref<1x1x125xi32, #tpu.memory_space<vmem>> -> memref<125xi32, #tpu.memory_space<vmem>>
        %dma_start3A_199 = arith.constant 0 : i32
        %dma_start3A_200 = arith.constant 0 : i32
        %dma_start3A_201 = tpu.memref_slice %arg2[%dma_start3A_199, %dma_start3A_200] : memref<10240x128xf32, #tpu.memory_space<hbm>> -> memref<10240x128xf32, #tpu.memory_space<hbm>>
        tpu.enqueue_indirect_dma source(%dma_start3A_201 : memref<10240x128xf32, #tpu.memory_space<hbm>>) target(%dma_start3A_195 : memref<125x128xf32, #tpu.memory_space<vmem>>) offsets(%dma_start3A_198 : memref<125xi32, #tpu.memory_space<vmem>>) semaphore(%arg10 : memref<!tpu.dma_semaphore, #tpu.memory_space<semaphore_mem>>)
      } else {
      }
      %add3A_140 = arith.constant 2 : i32
      %add3A_141 = arith.addi %scan3A_128, %add3A_140 : i32
      %lt3A_142 = arith.constant 5 : i32
      %lt3A_143 = arith.cmpi slt, %add3A_141, %lt3A_142 : i32
      %convert_element_type3A_144 = arith.extui %lt3A_143 : i1 to i32
      %cond3A_145 = arith.constant 0 : i32
      %cond3A_146 = arith.cmpi ne, %convert_element_type3A_144, %cond3A_145 : i32
      scf.if %cond3A_146 {
        %add3A_147 = arith.constant 2 : i32
        %add3A_148 = arith.addi %scan3A_128, %add3A_147 : i32
        %rem3A_149 = arith.constant 2 : i32
        %rem3A_150 = arith.remsi %add3A_148, %rem3A_149 : i32
        %mul3A_151 = arith.constant 16 : i32
        %mul3A_152 = arith.muli %add3A_148, %mul3A_151 : i32
        %dma_start3A_153 = arith.constant 0 : i32
        %dma_start3A_154 = arith.constant 0 : i32
        %dma_start3A_155 = tpu.memref_slice %arg7[%rem3A_150, %dma_start3A_153, %dma_start3A_154] : memref<2x16x125xi32, #tpu.memory_space<vmem>> -> memref<1x16x125xi32, #tpu.memory_space<vmem>>
        %dma_start3A_156 = tpu.memref_squeeze %dma_start3A_155 : memref<1x16x125xi32, #tpu.memory_space<vmem>> -> memref<16x125xi32, #tpu.memory_space<vmem>>
        %dma_start3A_157 = arith.constant 0 : i32
        %dma_start3A_158 = tpu.memref_slice %arg3[%arg0, %arg1, %mul3A_152, %dma_start3A_157] : memref<2x16x80x125xi32, #tpu.memory_space<hbm>> -> memref<1x1x16x125xi32, #tpu.memory_space<hbm>>
        %dma_start3A_159 = tpu.memref_squeeze %dma_start3A_158 : memref<1x1x16x125xi32, #tpu.memory_space<hbm>> -> memref<16x125xi32, #tpu.memory_space<hbm>>
        %dma_start3A_160 = arith.constant 0 : i32
        %dma_start3A_161 = arith.constant 0 : i32
        %dma_start3A_162 = tpu.memref_slice %arg7[%rem3A_150, %dma_start3A_160, %dma_start3A_161] : memref<2x16x125xi32, #tpu.memory_space<vmem>> -> memref<1x16x125xi32, #tpu.memory_space<vmem>>
        %dma_start3A_163 = tpu.memref_squeeze %dma_start3A_162 : memref<1x16x125xi32, #tpu.memory_space<vmem>> -> memref<16x125xi32, #tpu.memory_space<vmem>>
        %dma_start3A_164 = arith.constant 0 : i32
        %dma_start3A_165 = tpu.memref_slice %arg3[%arg0, %arg1, %mul3A_152, %dma_start3A_164] : memref<2x16x80x125xi32, #tpu.memory_space<hbm>> -> memref<1x1x16x125xi32, #tpu.memory_space<hbm>>
        %dma_start3A_166 = tpu.memref_squeeze %dma_start3A_165 : memref<1x1x16x125xi32, #tpu.memory_space<hbm>> -> memref<16x125xi32, #tpu.memory_space<hbm>>
        tpu.enqueue_dma source(%dma_start3A_166 : memref<16x125xi32, #tpu.memory_space<hbm>>) target(%dma_start3A_163 : memref<16x125xi32, #tpu.memory_space<vmem>>) target_semaphore(%arg12 : memref<!tpu.dma_semaphore, #tpu.memory_space<semaphore_mem>>)
        %dma_start3A_167 = arith.constant 0 : i32
        %dma_start3A_168 = arith.constant 0 : i32
        %dma_start3A_169 = tpu.memref_slice %arg8[%rem3A_150, %dma_start3A_167, %dma_start3A_168] : memref<2x16x125xi32, #tpu.memory_space<vmem>> -> memref<1x16x125xi32, #tpu.memory_space<vmem>>
        %dma_start3A_170 = tpu.memref_squeeze %dma_start3A_169 : memref<1x16x125xi32, #tpu.memory_space<vmem>> -> memref<16x125xi32, #tpu.memory_space<vmem>>
        %dma_start3A_171 = arith.constant 0 : i32
        %dma_start3A_172 = tpu.memref_slice %arg4[%arg0, %arg1, %mul3A_152, %dma_start3A_171] : memref<2x16x80x125xi32, #tpu.memory_space<hbm>> -> memref<1x1x16x125xi32, #tpu.memory_space<hbm>>
        %dma_start3A_173 = tpu.memref_squeeze %dma_start3A_172 : memref<1x1x16x125xi32, #tpu.memory_space<hbm>> -> memref<16x125xi32, #tpu.memory_space<hbm>>
        %dma_start3A_174 = arith.constant 0 : i32
        %dma_start3A_175 = arith.constant 0 : i32
        %dma_start3A_176 = tpu.memref_slice %arg8[%rem3A_150, %dma_start3A_174, %dma_start3A_175] : memref<2x16x125xi32, #tpu.memory_space<vmem>> -> memref<1x16x125xi32, #tpu.memory_space<vmem>>
        %dma_start3A_177 = tpu.memref_squeeze %dma_start3A_176 : memref<1x16x125xi32, #tpu.memory_space<vmem>> -> memref<16x125xi32, #tpu.memory_space<vmem>>
        %dma_start3A_178 = arith.constant 0 : i32
        %dma_start3A_179 = tpu.memref_slice %arg4[%arg0, %arg1, %mul3A_152, %dma_start3A_178] : memref<2x16x80x125xi32, #tpu.memory_space<hbm>> -> memref<1x1x16x125xi32, #tpu.memory_space<hbm>>
        %dma_start3A_180 = tpu.memref_squeeze %dma_start3A_179 : memref<1x1x16x125xi32, #tpu.memory_space<hbm>> -> memref<16x125xi32, #tpu.memory_space<hbm>>
        tpu.enqueue_dma source(%dma_start3A_180 : memref<16x125xi32, #tpu.memory_space<hbm>>) target(%dma_start3A_177 : memref<16x125xi32, #tpu.memory_space<vmem>>) target_semaphore(%arg13 : memref<!tpu.dma_semaphore, #tpu.memory_space<semaphore_mem>>)
      } else {
      }
    }
    %scan3A_122 = arith.constant 5 : i32
    %barrier3A_123 = arith.constant 0 : index
    tpu.barrier barrier_id(%barrier3A_123)
    %mul3A_124 = arith.constant 640 : i32
    %mul3A_125 = arith.muli %arg1, %mul3A_124 : i32
    %mul3A_126 = arith.constant 640 : i32
    %mul3A_127 = arith.muli %arg1, %mul3A_126 : i32
    "tpu.region"() ({
      %run_scoped3A = tpu.sem_alloc : memref<!tpu.dma_semaphore, #tpu.memory_space<semaphore_mem>>
      %dma_start3A_128 = arith.constant 0 : i32
      %dma_start3A_129 = tpu.memref_slice %arg6[%arg0, %mul3A_127, %dma_start3A_128] : memref<2x10240x128xf32, #tpu.memory_space<hbm>> -> memref<1x640x128xf32, #tpu.memory_space<hbm>>
      %dma_start3A_130 = tpu.memref_squeeze %dma_start3A_129 : memref<1x640x128xf32, #tpu.memory_space<hbm>> -> memref<640x128xf32, #tpu.memory_space<hbm>>
      %dma_start3A_131 = arith.constant 0 : i32
      %dma_start3A_132 = tpu.memref_slice %arg14[%mul3A_125, %dma_start3A_131] : memref<10240x128xf32, #tpu.memory_space<vmem_shared>> -> memref<640x128xf32, #tpu.memory_space<vmem_shared>>
      tpu.enqueue_dma source(%dma_start3A_132 : memref<640x128xf32, #tpu.memory_space<vmem_shared>>) target(%dma_start3A_130 : memref<640x128xf32, #tpu.memory_space<hbm>>) target_semaphore(%run_scoped3A : memref<!tpu.dma_semaphore, #tpu.memory_space<semaphore_mem>>)
      %dma_wait3A_133 = arith.constant 0 : i32
      %dma_wait3A_134 = tpu.memref_slice %arg6[%arg0, %mul3A_127, %dma_wait3A_133] : memref<2x10240x128xf32, #tpu.memory_space<hbm>> -> memref<1x640x128xf32, #tpu.memory_space<hbm>>
      %dma_wait3A_135 = tpu.memref_squeeze %dma_wait3A_134 : memref<1x640x128xf32, #tpu.memory_space<hbm>> -> memref<640x128xf32, #tpu.memory_space<hbm>>
      %dma_wait3A_136 = arith.constant 0 : i32
      %dma_wait3A_137 = tpu.memref_slice %arg14[%mul3A_125, %dma_wait3A_136] : memref<10240x128xf32, #tpu.memory_space<vmem_shared>> -> memref<640x128xf32, #tpu.memory_space<vmem_shared>>
      tpu.wait_dma2 semaphore(%run_scoped3A : memref<!tpu.dma_semaphore, #tpu.memory_space<semaphore_mem>>) src(%dma_wait3A_137 : memref<640x128xf32, #tpu.memory_space<vmem_shared>>) dst(%dma_wait3A_135 : memref<640x128xf32, #tpu.memory_space<hbm>>)
      tpu.yield
    }) : () -> ()
    return
  }
}

#map = affine_map<(d0, d1) -> (0, 0)>
#map1 = affine_map<(d0, d1) -> (0, 0, 0, 0)>
#map2 = affine_map<(d0, d1) -> (0, 0, 0)>
module attributes {stable_mosaic.version = 14 : i64} {
  func.func @_edge_body(%arg0: i32, %arg1: i32, %arg2: memref<10240x128xf32, #tpu.memory_space<hbm>>, %arg3: memref<2x16x80x125xi32, #tpu.memory_space<hbm>>, %arg4: memref<2x16x80x125xi32, #tpu.memory_space<hbm>>, %arg5: memref<640x128xf32, #tpu.memory_space<hbm>>, %arg6: memref<2x10240x128xf32, #tpu.memory_space<hbm>>, %arg7: memref<2x16x125xi32, #tpu.memory_space<vmem>>, %arg8: memref<2x16x125xi32, #tpu.memory_space<vmem>>, %arg9: memref<2x125x128xf32, #tpu.memory_space<vmem>>, %arg10: memref<!tpu.dma_semaphore, #tpu.memory_space<semaphore_mem>>, %arg11: memref<!tpu.dma_semaphore, #tpu.memory_space<semaphore_mem>>, %arg12: memref<!tpu.dma_semaphore, #tpu.memory_space<semaphore_mem>>, %arg13: memref<!tpu.dma_semaphore, #tpu.memory_space<semaphore_mem>>, %arg14: memref<10240x128xf32, #tpu.memory_space<vmem_shared>>) attributes {dimension_semantics = [#tpu.dimension_semantics<core_parallel>, #tpu.dimension_semantics<subcore_parallel>], iteration_bounds = array<i64: 2, 16>, scalar_prefetch = 0 : i64, scratch_operands = 8 : i64, tpu.core_type = #tpu.core_type<sc_vector_subcore>, window_params = [{transform_indices = #map}, {transform_indices = #map1}, {transform_indices = #map1}, {transform_indices = #map}, {transform_indices = #map2}]} {
    %rem3A = arith.constant 0 : i32
    %rem3A_0 = arith.constant 2 : i32
    %rem3A_1 = arith.remsi %rem3A, %rem3A_0 : i32
    %dma_start3A = arith.constant 0 : i32
    %dma_start3A_2 = arith.constant 0 : i32
    %dma_start3A_3 = tpu.memref_slice %arg7[%rem3A_1, %dma_start3A, %dma_start3A_2] : memref<2x16x125xi32, #tpu.memory_space<vmem>> -> memref<1x16x125xi32, #tpu.memory_space<vmem>>
    %dma_start3A_4 = tpu.memref_squeeze %dma_start3A_3 : memref<1x16x125xi32, #tpu.memory_space<vmem>> -> memref<16x125xi32, #tpu.memory_space<vmem>>
    %dma_start3A_5 = arith.constant 0 : i32
    %dma_start3A_6 = arith.constant 0 : i32
    %dma_start3A_7 = tpu.memref_slice %arg3[%arg0, %arg1, %dma_start3A_5, %dma_start3A_6] : memref<2x16x80x125xi32, #tpu.memory_space<hbm>> -> memref<1x1x16x125xi32, #tpu.memory_space<hbm>>
    %dma_start3A_8 = tpu.memref_squeeze %dma_start3A_7 : memref<1x1x16x125xi32, #tpu.memory_space<hbm>> -> memref<16x125xi32, #tpu.memory_space<hbm>>
    %dma_start3A_9 = arith.constant 0 : i32
    %dma_start3A_10 = arith.constant 0 : i32
    %dma_start3A_11 = tpu.memref_slice %arg7[%rem3A_1, %dma_start3A_9, %dma_start3A_10] : memref<2x16x125xi32, #tpu.memory_space<vmem>> -> memref<1x16x125xi32, #tpu.memory_space<vmem>>
    %dma_start3A_12 = tpu.memref_squeeze %dma_start3A_11 : memref<1x16x125xi32, #tpu.memory_space<vmem>> -> memref<16x125xi32, #tpu.memory_space<vmem>>
    %dma_start3A_13 = arith.constant 0 : i32
    %dma_start3A_14 = arith.constant 0 : i32
    %dma_start3A_15 = tpu.memref_slice %arg3[%arg0, %arg1, %dma_start3A_13, %dma_start3A_14] : memref<2x16x80x125xi32, #tpu.memory_space<hbm>> -> memref<1x1x16x125xi32, #tpu.memory_space<hbm>>
    %dma_start3A_16 = tpu.memref_squeeze %dma_start3A_15 : memref<1x1x16x125xi32, #tpu.memory_space<hbm>> -> memref<16x125xi32, #tpu.memory_space<hbm>>
    tpu.enqueue_dma source(%dma_start3A_16 : memref<16x125xi32, #tpu.memory_space<hbm>>) target(%dma_start3A_12 : memref<16x125xi32, #tpu.memory_space<vmem>>) target_semaphore(%arg12 : memref<!tpu.dma_semaphore, #tpu.memory_space<semaphore_mem>>)
    %dma_start3A_17 = arith.constant 0 : i32
    %dma_start3A_18 = arith.constant 0 : i32
    %dma_start3A_19 = tpu.memref_slice %arg8[%rem3A_1, %dma_start3A_17, %dma_start3A_18] : memref<2x16x125xi32, #tpu.memory_space<vmem>> -> memref<1x16x125xi32, #tpu.memory_space<vmem>>
    %dma_start3A_20 = tpu.memref_squeeze %dma_start3A_19 : memref<1x16x125xi32, #tpu.memory_space<vmem>> -> memref<16x125xi32, #tpu.memory_space<vmem>>
    %dma_start3A_21 = arith.constant 0 : i32
    %dma_start3A_22 = arith.constant 0 : i32
    %dma_start3A_23 = tpu.memref_slice %arg4[%arg0, %arg1, %dma_start3A_21, %dma_start3A_22] : memref<2x16x80x125xi32, #tpu.memory_space<hbm>> -> memref<1x1x16x125xi32, #tpu.memory_space<hbm>>
    %dma_start3A_24 = tpu.memref_squeeze %dma_start3A_23 : memref<1x1x16x125xi32, #tpu.memory_space<hbm>> -> memref<16x125xi32, #tpu.memory_space<hbm>>
    %dma_start3A_25 = arith.constant 0 : i32
    %dma_start3A_26 = arith.constant 0 : i32
    %dma_start3A_27 = tpu.memref_slice %arg8[%rem3A_1, %dma_start3A_25, %dma_start3A_26] : memref<2x16x125xi32, #tpu.memory_space<vmem>> -> memref<1x16x125xi32, #tpu.memory_space<vmem>>
    %dma_start3A_28 = tpu.memref_squeeze %dma_start3A_27 : memref<1x16x125xi32, #tpu.memory_space<vmem>> -> memref<16x125xi32, #tpu.memory_space<vmem>>
    %dma_start3A_29 = arith.constant 0 : i32
    %dma_start3A_30 = arith.constant 0 : i32
    %dma_start3A_31 = tpu.memref_slice %arg4[%arg0, %arg1, %dma_start3A_29, %dma_start3A_30] : memref<2x16x80x125xi32, #tpu.memory_space<hbm>> -> memref<1x1x16x125xi32, #tpu.memory_space<hbm>>
    %dma_start3A_32 = tpu.memref_squeeze %dma_start3A_31 : memref<1x1x16x125xi32, #tpu.memory_space<hbm>> -> memref<16x125xi32, #tpu.memory_space<hbm>>
    tpu.enqueue_dma source(%dma_start3A_32 : memref<16x125xi32, #tpu.memory_space<hbm>>) target(%dma_start3A_28 : memref<16x125xi32, #tpu.memory_space<vmem>>) target_semaphore(%arg13 : memref<!tpu.dma_semaphore, #tpu.memory_space<semaphore_mem>>)
    %mul3A = arith.constant 640 : i32
    %mul3A_33 = arith.muli %arg1, %mul3A : i32
    "tpu.region"() ({
      %run_scoped3A = tpu.sem_alloc : memref<!tpu.dma_semaphore, #tpu.memory_space<semaphore_mem>>
      %dma_start3A_128 = arith.constant 0 : i32
      %dma_start3A_129 = tpu.memref_slice %arg14[%mul3A_33, %dma_start3A_128] : memref<10240x128xf32, #tpu.memory_space<vmem_shared>> -> memref<640x128xf32, #tpu.memory_space<vmem_shared>>
      tpu.enqueue_dma source(%arg5 : memref<640x128xf32, #tpu.memory_space<hbm>>) target(%dma_start3A_129 : memref<640x128xf32, #tpu.memory_space<vmem_shared>>) target_semaphore(%run_scoped3A : memref<!tpu.dma_semaphore, #tpu.memory_space<semaphore_mem>>)
      %dma_wait3A_130 = arith.constant 0 : i32
      %dma_wait3A_131 = tpu.memref_slice %arg14[%mul3A_33, %dma_wait3A_130] : memref<10240x128xf32, #tpu.memory_space<vmem_shared>> -> memref<640x128xf32, #tpu.memory_space<vmem_shared>>
      tpu.wait_dma2 semaphore(%run_scoped3A : memref<!tpu.dma_semaphore, #tpu.memory_space<semaphore_mem>>) src(%arg5 : memref<640x128xf32, #tpu.memory_space<hbm>>) dst(%dma_wait3A_131 : memref<640x128xf32, #tpu.memory_space<vmem_shared>>)
      tpu.yield
    }) : () -> ()
    %rem3A_34 = arith.constant 0 : i32
    %rem3A_35 = arith.constant 2 : i32
    %rem3A_36 = arith.remsi %rem3A_34, %rem3A_35 : i32
    %dma_wait3A = arith.constant 0 : i32
    %dma_wait3A_37 = arith.constant 0 : i32
    %dma_wait3A_38 = tpu.memref_slice %arg7[%rem3A_36, %dma_wait3A, %dma_wait3A_37] : memref<2x16x125xi32, #tpu.memory_space<vmem>> -> memref<1x16x125xi32, #tpu.memory_space<vmem>>
    %dma_wait3A_39 = tpu.memref_squeeze %dma_wait3A_38 : memref<1x16x125xi32, #tpu.memory_space<vmem>> -> memref<16x125xi32, #tpu.memory_space<vmem>>
    %dma_wait3A_40 = arith.constant 0 : i32
    %dma_wait3A_41 = arith.constant 0 : i32
    %dma_wait3A_42 = tpu.memref_slice %arg3[%arg0, %arg1, %dma_wait3A_40, %dma_wait3A_41] : memref<2x16x80x125xi32, #tpu.memory_space<hbm>> -> memref<1x1x16x125xi32, #tpu.memory_space<hbm>>
    %dma_wait3A_43 = tpu.memref_squeeze %dma_wait3A_42 : memref<1x1x16x125xi32, #tpu.memory_space<hbm>> -> memref<16x125xi32, #tpu.memory_space<hbm>>
    %dma_wait3A_44 = arith.constant 0 : i32
    %dma_wait3A_45 = arith.constant 0 : i32
    %dma_wait3A_46 = tpu.memref_slice %arg7[%rem3A_36, %dma_wait3A_44, %dma_wait3A_45] : memref<2x16x125xi32, #tpu.memory_space<vmem>> -> memref<1x16x125xi32, #tpu.memory_space<vmem>>
    %dma_wait3A_47 = tpu.memref_squeeze %dma_wait3A_46 : memref<1x16x125xi32, #tpu.memory_space<vmem>> -> memref<16x125xi32, #tpu.memory_space<vmem>>
    %dma_wait3A_48 = arith.constant 0 : i32
    %dma_wait3A_49 = arith.constant 0 : i32
    %dma_wait3A_50 = tpu.memref_slice %arg3[%arg0, %arg1, %dma_wait3A_48, %dma_wait3A_49] : memref<2x16x80x125xi32, #tpu.memory_space<hbm>> -> memref<1x1x16x125xi32, #tpu.memory_space<hbm>>
    %dma_wait3A_51 = tpu.memref_squeeze %dma_wait3A_50 : memref<1x1x16x125xi32, #tpu.memory_space<hbm>> -> memref<16x125xi32, #tpu.memory_space<hbm>>
    tpu.wait_dma2 semaphore(%arg12 : memref<!tpu.dma_semaphore, #tpu.memory_space<semaphore_mem>>) src(%dma_wait3A_51 : memref<16x125xi32, #tpu.memory_space<hbm>>) dst(%dma_wait3A_47 : memref<16x125xi32, #tpu.memory_space<vmem>>)
    %dma_wait3A_52 = arith.constant 0 : i32
    %dma_wait3A_53 = arith.constant 0 : i32
    %dma_wait3A_54 = tpu.memref_slice %arg8[%rem3A_36, %dma_wait3A_52, %dma_wait3A_53] : memref<2x16x125xi32, #tpu.memory_space<vmem>> -> memref<1x16x125xi32, #tpu.memory_space<vmem>>
    %dma_wait3A_55 = tpu.memref_squeeze %dma_wait3A_54 : memref<1x16x125xi32, #tpu.memory_space<vmem>> -> memref<16x125xi32, #tpu.memory_space<vmem>>
    %dma_wait3A_56 = arith.constant 0 : i32
    %dma_wait3A_57 = arith.constant 0 : i32
    %dma_wait3A_58 = tpu.memref_slice %arg4[%arg0, %arg1, %dma_wait3A_56, %dma_wait3A_57] : memref<2x16x80x125xi32, #tpu.memory_space<hbm>> -> memref<1x1x16x125xi32, #tpu.memory_space<hbm>>
    %dma_wait3A_59 = tpu.memref_squeeze %dma_wait3A_58 : memref<1x1x16x125xi32, #tpu.memory_space<hbm>> -> memref<16x125xi32, #tpu.memory_space<hbm>>
    %dma_wait3A_60 = arith.constant 0 : i32
    %dma_wait3A_61 = arith.constant 0 : i32
    %dma_wait3A_62 = tpu.memref_slice %arg8[%rem3A_36, %dma_wait3A_60, %dma_wait3A_61] : memref<2x16x125xi32, #tpu.memory_space<vmem>> -> memref<1x16x125xi32, #tpu.memory_space<vmem>>
    %dma_wait3A_63 = tpu.memref_squeeze %dma_wait3A_62 : memref<1x16x125xi32, #tpu.memory_space<vmem>> -> memref<16x125xi32, #tpu.memory_space<vmem>>
    %dma_wait3A_64 = arith.constant 0 : i32
    %dma_wait3A_65 = arith.constant 0 : i32
    %dma_wait3A_66 = tpu.memref_slice %arg4[%arg0, %arg1, %dma_wait3A_64, %dma_wait3A_65] : memref<2x16x80x125xi32, #tpu.memory_space<hbm>> -> memref<1x1x16x125xi32, #tpu.memory_space<hbm>>
    %dma_wait3A_67 = tpu.memref_squeeze %dma_wait3A_66 : memref<1x1x16x125xi32, #tpu.memory_space<hbm>> -> memref<16x125xi32, #tpu.memory_space<hbm>>
    tpu.wait_dma2 semaphore(%arg13 : memref<!tpu.dma_semaphore, #tpu.memory_space<semaphore_mem>>) src(%dma_wait3A_67 : memref<16x125xi32, #tpu.memory_space<hbm>>) dst(%dma_wait3A_63 : memref<16x125xi32, #tpu.memory_space<vmem>>)
    %rem3A_68 = arith.constant 1 : i32
    %rem3A_69 = arith.constant 2 : i32
    %rem3A_70 = arith.remsi %rem3A_68, %rem3A_69 : i32
    %dma_start3A_71 = arith.constant 0 : i32
    %dma_start3A_72 = arith.constant 0 : i32
    %dma_start3A_73 = tpu.memref_slice %arg7[%rem3A_70, %dma_start3A_71, %dma_start3A_72] : memref<2x16x125xi32, #tpu.memory_space<vmem>> -> memref<1x16x125xi32, #tpu.memory_space<vmem>>
    %dma_start3A_74 = tpu.memref_squeeze %dma_start3A_73 : memref<1x16x125xi32, #tpu.memory_space<vmem>> -> memref<16x125xi32, #tpu.memory_space<vmem>>
    %dma_start3A_75 = arith.constant 16 : i32
    %dma_start3A_76 = arith.constant 0 : i32
    %dma_start3A_77 = tpu.memref_slice %arg3[%arg0, %arg1, %dma_start3A_75, %dma_start3A_76] : memref<2x16x80x125xi32, #tpu.memory_space<hbm>> -> memref<1x1x16x125xi32, #tpu.memory_space<hbm>>
    %dma_start3A_78 = tpu.memref_squeeze %dma_start3A_77 : memref<1x1x16x125xi32, #tpu.memory_space<hbm>> -> memref<16x125xi32, #tpu.memory_space<hbm>>
    %dma_start3A_79 = arith.constant 0 : i32
    %dma_start3A_80 = arith.constant 0 : i32
    %dma_start3A_81 = tpu.memref_slice %arg7[%rem3A_70, %dma_start3A_79, %dma_start3A_80] : memref<2x16x125xi32, #tpu.memory_space<vmem>> -> memref<1x16x125xi32, #tpu.memory_space<vmem>>
    %dma_start3A_82 = tpu.memref_squeeze %dma_start3A_81 : memref<1x16x125xi32, #tpu.memory_space<vmem>> -> memref<16x125xi32, #tpu.memory_space<vmem>>
    %dma_start3A_83 = arith.constant 16 : i32
    %dma_start3A_84 = arith.constant 0 : i32
    %dma_start3A_85 = tpu.memref_slice %arg3[%arg0, %arg1, %dma_start3A_83, %dma_start3A_84] : memref<2x16x80x125xi32, #tpu.memory_space<hbm>> -> memref<1x1x16x125xi32, #tpu.memory_space<hbm>>
    %dma_start3A_86 = tpu.memref_squeeze %dma_start3A_85 : memref<1x1x16x125xi32, #tpu.memory_space<hbm>> -> memref<16x125xi32, #tpu.memory_space<hbm>>
    tpu.enqueue_dma source(%dma_start3A_86 : memref<16x125xi32, #tpu.memory_space<hbm>>) target(%dma_start3A_82 : memref<16x125xi32, #tpu.memory_space<vmem>>) target_semaphore(%arg12 : memref<!tpu.dma_semaphore, #tpu.memory_space<semaphore_mem>>)
    %dma_start3A_87 = arith.constant 0 : i32
    %dma_start3A_88 = arith.constant 0 : i32
    %dma_start3A_89 = tpu.memref_slice %arg8[%rem3A_70, %dma_start3A_87, %dma_start3A_88] : memref<2x16x125xi32, #tpu.memory_space<vmem>> -> memref<1x16x125xi32, #tpu.memory_space<vmem>>
    %dma_start3A_90 = tpu.memref_squeeze %dma_start3A_89 : memref<1x16x125xi32, #tpu.memory_space<vmem>> -> memref<16x125xi32, #tpu.memory_space<vmem>>
    %dma_start3A_91 = arith.constant 16 : i32
    %dma_start3A_92 = arith.constant 0 : i32
    %dma_start3A_93 = tpu.memref_slice %arg4[%arg0, %arg1, %dma_start3A_91, %dma_start3A_92] : memref<2x16x80x125xi32, #tpu.memory_space<hbm>> -> memref<1x1x16x125xi32, #tpu.memory_space<hbm>>
    %dma_start3A_94 = tpu.memref_squeeze %dma_start3A_93 : memref<1x1x16x125xi32, #tpu.memory_space<hbm>> -> memref<16x125xi32, #tpu.memory_space<hbm>>
    %dma_start3A_95 = arith.constant 0 : i32
    %dma_start3A_96 = arith.constant 0 : i32
    %dma_start3A_97 = tpu.memref_slice %arg8[%rem3A_70, %dma_start3A_95, %dma_start3A_96] : memref<2x16x125xi32, #tpu.memory_space<vmem>> -> memref<1x16x125xi32, #tpu.memory_space<vmem>>
    %dma_start3A_98 = tpu.memref_squeeze %dma_start3A_97 : memref<1x16x125xi32, #tpu.memory_space<vmem>> -> memref<16x125xi32, #tpu.memory_space<vmem>>
    %dma_start3A_99 = arith.constant 16 : i32
    %dma_start3A_100 = arith.constant 0 : i32
    %dma_start3A_101 = tpu.memref_slice %arg4[%arg0, %arg1, %dma_start3A_99, %dma_start3A_100] : memref<2x16x80x125xi32, #tpu.memory_space<hbm>> -> memref<1x1x16x125xi32, #tpu.memory_space<hbm>>
    %dma_start3A_102 = tpu.memref_squeeze %dma_start3A_101 : memref<1x1x16x125xi32, #tpu.memory_space<hbm>> -> memref<16x125xi32, #tpu.memory_space<hbm>>
    tpu.enqueue_dma source(%dma_start3A_102 : memref<16x125xi32, #tpu.memory_space<hbm>>) target(%dma_start3A_98 : memref<16x125xi32, #tpu.memory_space<vmem>>) target_semaphore(%arg13 : memref<!tpu.dma_semaphore, #tpu.memory_space<semaphore_mem>>)
    %rem3A_103 = arith.constant 0 : i32
    %rem3A_104 = arith.constant 16 : i32
    %rem3A_105 = arith.remsi %rem3A_103, %rem3A_104 : i32
    %dma_start3A_106 = arith.constant 0 : i32
    %dma_start3A_107 = arith.constant 0 : i32
    %dma_start3A_108 = arith.constant 0 : i32
    %dma_start3A_109 = arith.constant 0 : i32
    %dma_start3A_110 = tpu.memref_slice %arg9[%dma_start3A_107, %dma_start3A_108, %dma_start3A_109] : memref<2x125x128xf32, #tpu.memory_space<vmem>> -> memref<1x125x128xf32, #tpu.memory_space<vmem>>
    %dma_start3A_111 = tpu.memref_squeeze %dma_start3A_110 : memref<1x125x128xf32, #tpu.memory_space<vmem>> -> memref<125x128xf32, #tpu.memory_space<vmem>>
    %dma_start3A_112 = arith.constant 0 : i32
    %dma_start3A_113 = tpu.memref_slice %arg7[%dma_start3A_106, %rem3A_105, %dma_start3A_112] : memref<2x16x125xi32, #tpu.memory_space<vmem>> -> memref<1x1x125xi32, #tpu.memory_space<vmem>>
    %dma_start3A_114 = tpu.memref_squeeze %dma_start3A_113 : memref<1x1x125xi32, #tpu.memory_space<vmem>> -> memref<125xi32, #tpu.memory_space<vmem>>
    %dma_start3A_115 = arith.constant 0 : i32
    %dma_start3A_116 = arith.constant 0 : i32
    %dma_start3A_117 = tpu.memref_slice %arg2[%dma_start3A_115, %dma_start3A_116] : memref<10240x128xf32, #tpu.memory_space<hbm>> -> memref<10240x128xf32, #tpu.memory_space<hbm>>
    tpu.enqueue_indirect_dma source(%dma_start3A_117 : memref<10240x128xf32, #tpu.memory_space<hbm>>) target(%dma_start3A_111 : memref<125x128xf32, #tpu.memory_space<vmem>>) offsets(%dma_start3A_114 : memref<125xi32, #tpu.memory_space<vmem>>) semaphore(%arg10 : memref<!tpu.dma_semaphore, #tpu.memory_space<semaphore_mem>>)
    %barrier3A = arith.constant 0 : index
    tpu.barrier barrier_id(%barrier3A)
    %scan3A = arith.constant 0 : i32
    %scan3A_118 = arith.constant 0 : i32
    %scan3A_119 = arith.constant 5 : i32
    %scan3A_120 = arith.addi %scan3A_118, %scan3A_119 : i32
    %scan3A_121 = arith.constant 1 : i32
    scf.for %scan3A_128 = %scan3A_118 to %scan3A_120 step %scan3A_121  : i32 {
      %rem3A_129 = arith.constant 2 : i32
      %rem3A_130 = arith.remsi %scan3A_128, %rem3A_129 : i32
      %scan3A_131 = arith.constant 0 : i32
      %scan3A_132 = arith.constant 0 : i32
      %scan3A_133 = arith.constant 8 : i32
      %scan3A_134 = arith.addi %scan3A_132, %scan3A_133 : i32
      %scan3A_135 = arith.constant 1 : i32
      scf.for %scan3A_147 = %scan3A_132 to %scan3A_134 step %scan3A_135  : i32 {
        %mul3A_148 = arith.constant 16 : i32
        %mul3A_149 = arith.muli %scan3A_128, %mul3A_148 : i32
        %mul3A_150 = arith.constant 2 : i32
        %mul3A_151 = arith.muli %mul3A_150, %scan3A_147 : i32
        %add3A_152 = arith.addi %mul3A_149, %mul3A_151 : i32
        %add3A_153 = arith.constant 1 : i32
        %add3A_154 = arith.addi %add3A_152, %add3A_153 : i32
        %rem3A_155 = arith.constant 16 : i32
        %rem3A_156 = arith.remsi %add3A_154, %rem3A_155 : i32
        %dma_start3A_157 = arith.constant 1 : i32
        %dma_start3A_158 = arith.constant 0 : i32
        %dma_start3A_159 = arith.constant 0 : i32
        %dma_start3A_160 = tpu.memref_slice %arg9[%dma_start3A_157, %dma_start3A_158, %dma_start3A_159] : memref<2x125x128xf32, #tpu.memory_space<vmem>> -> memref<1x125x128xf32, #tpu.memory_space<vmem>>
        %dma_start3A_161 = tpu.memref_squeeze %dma_start3A_160 : memref<1x125x128xf32, #tpu.memory_space<vmem>> -> memref<125x128xf32, #tpu.memory_space<vmem>>
        %dma_start3A_162 = arith.constant 0 : i32
        %dma_start3A_163 = tpu.memref_slice %arg7[%rem3A_130, %rem3A_156, %dma_start3A_162] : memref<2x16x125xi32, #tpu.memory_space<vmem>> -> memref<1x1x125xi32, #tpu.memory_space<vmem>>
        %dma_start3A_164 = tpu.memref_squeeze %dma_start3A_163 : memref<1x1x125xi32, #tpu.memory_space<vmem>> -> memref<125xi32, #tpu.memory_space<vmem>>
        %dma_start3A_165 = arith.constant 0 : i32
        %dma_start3A_166 = arith.constant 0 : i32
        %dma_start3A_167 = tpu.memref_slice %arg2[%dma_start3A_165, %dma_start3A_166] : memref<10240x128xf32, #tpu.memory_space<hbm>> -> memref<10240x128xf32, #tpu.memory_space<hbm>>
        tpu.enqueue_indirect_dma source(%dma_start3A_167 : memref<10240x128xf32, #tpu.memory_space<hbm>>) target(%dma_start3A_161 : memref<125x128xf32, #tpu.memory_space<vmem>>) offsets(%dma_start3A_164 : memref<125xi32, #tpu.memory_space<vmem>>) semaphore(%arg11 : memref<!tpu.dma_semaphore, #tpu.memory_space<semaphore_mem>>)
        %rem3A_168 = arith.constant 16 : i32
        %rem3A_169 = arith.remsi %add3A_152, %rem3A_168 : i32
        %dma_wait3A_170 = arith.constant 0 : i32
        %dma_wait3A_171 = arith.constant 0 : i32
        %dma_wait3A_172 = arith.constant 0 : i32
        %dma_wait3A_173 = tpu.memref_slice %arg9[%dma_wait3A_170, %dma_wait3A_171, %dma_wait3A_172] : memref<2x125x128xf32, #tpu.memory_space<vmem>> -> memref<1x125x128xf32, #tpu.memory_space<vmem>>
        %dma_wait3A_174 = tpu.memref_squeeze %dma_wait3A_173 : memref<1x125x128xf32, #tpu.memory_space<vmem>> -> memref<125x128xf32, #tpu.memory_space<vmem>>
        %dma_wait3A_175 = arith.constant 0 : i32
        %dma_wait3A_176 = tpu.memref_slice %arg7[%rem3A_130, %rem3A_169, %dma_wait3A_175] : memref<2x16x125xi32, #tpu.memory_space<vmem>> -> memref<1x1x125xi32, #tpu.memory_space<vmem>>
        %dma_wait3A_177 = tpu.memref_squeeze %dma_wait3A_176 : memref<1x1x125xi32, #tpu.memory_space<vmem>> -> memref<125xi32, #tpu.memory_space<vmem>>
        %dma_wait3A_178 = arith.constant 0 : i32
        %dma_wait3A_179 = arith.constant 0 : i32
        %dma_wait3A_180 = tpu.memref_slice %arg2[%dma_wait3A_178, %dma_wait3A_179] : memref<10240x128xf32, #tpu.memory_space<hbm>> -> memref<10240x128xf32, #tpu.memory_space<hbm>>
        tpu.wait_indirect_dma semaphore(%arg10 : memref<!tpu.dma_semaphore, #tpu.memory_space<semaphore_mem>>) src(%dma_wait3A_180 : memref<10240x128xf32, #tpu.memory_space<hbm>>) dst(%dma_wait3A_174 : memref<125x128xf32, #tpu.memory_space<vmem>>)
        %mul3A_181 = arith.constant 2 : i32
        %mul3A_182 = arith.muli %mul3A_181, %scan3A_147 : i32
        %run_scoped3A = arith.constant 0 : i32
        "tpu.region"() ({
          %run_scoped3A_210 = tpu.sem_alloc : memref<!tpu.dma_semaphore, #tpu.memory_space<semaphore_mem>>
          %dma_start3A_211 = arith.constant 0 : i32
          %dma_start3A_212 = arith.constant 0 : i32
          %dma_start3A_213 = tpu.memref_slice %arg9[%run_scoped3A, %dma_start3A_211, %dma_start3A_212] : memref<2x125x128xf32, #tpu.memory_space<vmem>> -> memref<1x125x128xf32, #tpu.memory_space<vmem>>
          %dma_start3A_214 = tpu.memref_squeeze %dma_start3A_213 : memref<1x125x128xf32, #tpu.memory_space<vmem>> -> memref<125x128xf32, #tpu.memory_space<vmem>>
          %dma_start3A_215 = arith.constant 0 : i32
          %dma_start3A_216 = tpu.memref_slice %arg8[%rem3A_130, %mul3A_182, %dma_start3A_215] : memref<2x16x125xi32, #tpu.memory_space<vmem>> -> memref<1x1x125xi32, #tpu.memory_space<vmem>>
          %dma_start3A_217 = tpu.memref_squeeze %dma_start3A_216 : memref<1x1x125xi32, #tpu.memory_space<vmem>> -> memref<125xi32, #tpu.memory_space<vmem>>
          %dma_start3A_218 = arith.constant 0 : i32
          %dma_start3A_219 = arith.constant 0 : i32
          %dma_start3A_220 = tpu.memref_slice %arg14[%dma_start3A_218, %dma_start3A_219] : memref<10240x128xf32, #tpu.memory_space<vmem_shared>> -> memref<10240x128xf32, #tpu.memory_space<vmem_shared>>
          tpu.enqueue_indirect_dma source(%dma_start3A_214 : memref<125x128xf32, #tpu.memory_space<vmem>>) target(%dma_start3A_220 : memref<10240x128xf32, #tpu.memory_space<vmem_shared>>) offsets(%dma_start3A_217 : memref<125xi32, #tpu.memory_space<vmem>>) semaphore(%run_scoped3A_210 : memref<!tpu.dma_semaphore, #tpu.memory_space<semaphore_mem>>) {add = true}
          %dma_wait3A_221 = arith.constant 0 : i32
          %dma_wait3A_222 = arith.constant 0 : i32
          %dma_wait3A_223 = tpu.memref_slice %arg9[%run_scoped3A, %dma_wait3A_221, %dma_wait3A_222] : memref<2x125x128xf32, #tpu.memory_space<vmem>> -> memref<1x125x128xf32, #tpu.memory_space<vmem>>
          %dma_wait3A_224 = tpu.memref_squeeze %dma_wait3A_223 : memref<1x125x128xf32, #tpu.memory_space<vmem>> -> memref<125x128xf32, #tpu.memory_space<vmem>>
          %dma_wait3A_225 = arith.constant 0 : i32
          %dma_wait3A_226 = tpu.memref_slice %arg8[%rem3A_130, %mul3A_182, %dma_wait3A_225] : memref<2x16x125xi32, #tpu.memory_space<vmem>> -> memref<1x1x125xi32, #tpu.memory_space<vmem>>
          %dma_wait3A_227 = tpu.memref_squeeze %dma_wait3A_226 : memref<1x1x125xi32, #tpu.memory_space<vmem>> -> memref<125xi32, #tpu.memory_space<vmem>>
          %dma_wait3A_228 = arith.constant 0 : i32
          %dma_wait3A_229 = arith.constant 0 : i32
          %dma_wait3A_230 = tpu.memref_slice %arg14[%dma_wait3A_228, %dma_wait3A_229] : memref<10240x128xf32, #tpu.memory_space<vmem_shared>> -> memref<10240x128xf32, #tpu.memory_space<vmem_shared>>
          tpu.wait_indirect_dma semaphore(%run_scoped3A_210 : memref<!tpu.dma_semaphore, #tpu.memory_space<semaphore_mem>>) src(%dma_wait3A_224 : memref<125x128xf32, #tpu.memory_space<vmem>>) dst(%dma_wait3A_230 : memref<10240x128xf32, #tpu.memory_space<vmem_shared>>)
          tpu.yield
        }) : () -> ()
        %add3A_183 = arith.constant 1 : i32
        %add3A_184 = arith.addi %scan3A_147, %add3A_183 : i32
        %lt3A_185 = arith.constant 8 : i32
        %lt3A_186 = arith.cmpi slt, %add3A_184, %lt3A_185 : i32
        %convert_element_type3A_187 = arith.extui %lt3A_186 : i1 to i32
        %cond3A_188 = arith.constant 0 : i32
        %cond3A_189 = arith.cmpi ne, %convert_element_type3A_187, %cond3A_188 : i32
        scf.if %cond3A_189 {
          %add3A_210 = arith.constant 2 : i32
          %add3A_211 = arith.addi %add3A_152, %add3A_210 : i32
          %rem3A_212 = arith.constant 16 : i32
          %rem3A_213 = arith.remsi %add3A_211, %rem3A_212 : i32
          %dma_start3A_214 = arith.constant 0 : i32
          %dma_start3A_215 = arith.constant 0 : i32
          %dma_start3A_216 = arith.constant 0 : i32
          %dma_start3A_217 = tpu.memref_slice %arg9[%dma_start3A_214, %dma_start3A_215, %dma_start3A_216] : memref<2x125x128xf32, #tpu.memory_space<vmem>> -> memref<1x125x128xf32, #tpu.memory_space<vmem>>
          %dma_start3A_218 = tpu.memref_squeeze %dma_start3A_217 : memref<1x125x128xf32, #tpu.memory_space<vmem>> -> memref<125x128xf32, #tpu.memory_space<vmem>>
          %dma_start3A_219 = arith.constant 0 : i32
          %dma_start3A_220 = tpu.memref_slice %arg7[%rem3A_130, %rem3A_213, %dma_start3A_219] : memref<2x16x125xi32, #tpu.memory_space<vmem>> -> memref<1x1x125xi32, #tpu.memory_space<vmem>>
          %dma_start3A_221 = tpu.memref_squeeze %dma_start3A_220 : memref<1x1x125xi32, #tpu.memory_space<vmem>> -> memref<125xi32, #tpu.memory_space<vmem>>
          %dma_start3A_222 = arith.constant 0 : i32
          %dma_start3A_223 = arith.constant 0 : i32
          %dma_start3A_224 = tpu.memref_slice %arg2[%dma_start3A_222, %dma_start3A_223] : memref<10240x128xf32, #tpu.memory_space<hbm>> -> memref<10240x128xf32, #tpu.memory_space<hbm>>
          tpu.enqueue_indirect_dma source(%dma_start3A_224 : memref<10240x128xf32, #tpu.memory_space<hbm>>) target(%dma_start3A_218 : memref<125x128xf32, #tpu.memory_space<vmem>>) offsets(%dma_start3A_221 : memref<125xi32, #tpu.memory_space<vmem>>) semaphore(%arg10 : memref<!tpu.dma_semaphore, #tpu.memory_space<semaphore_mem>>)
        } else {
        }
        %add3A_190 = arith.constant 1 : i32
        %add3A_191 = arith.addi %add3A_152, %add3A_190 : i32
        %rem3A_192 = arith.constant 16 : i32
        %rem3A_193 = arith.remsi %add3A_191, %rem3A_192 : i32
        %dma_wait3A_194 = arith.constant 1 : i32
        %dma_wait3A_195 = arith.constant 0 : i32
        %dma_wait3A_196 = arith.constant 0 : i32
        %dma_wait3A_197 = tpu.memref_slice %arg9[%dma_wait3A_194, %dma_wait3A_195, %dma_wait3A_196] : memref<2x125x128xf32, #tpu.memory_space<vmem>> -> memref<1x125x128xf32, #tpu.memory_space<vmem>>
        %dma_wait3A_198 = tpu.memref_squeeze %dma_wait3A_197 : memref<1x125x128xf32, #tpu.memory_space<vmem>> -> memref<125x128xf32, #tpu.memory_space<vmem>>
        %dma_wait3A_199 = arith.constant 0 : i32
        %dma_wait3A_200 = tpu.memref_slice %arg7[%rem3A_130, %rem3A_193, %dma_wait3A_199] : memref<2x16x125xi32, #tpu.memory_space<vmem>> -> memref<1x1x125xi32, #tpu.memory_space<vmem>>
        %dma_wait3A_201 = tpu.memref_squeeze %dma_wait3A_200 : memref<1x1x125xi32, #tpu.memory_space<vmem>> -> memref<125xi32, #tpu.memory_space<vmem>>
        %dma_wait3A_202 = arith.constant 0 : i32
        %dma_wait3A_203 = arith.constant 0 : i32
        %dma_wait3A_204 = tpu.memref_slice %arg2[%dma_wait3A_202, %dma_wait3A_203] : memref<10240x128xf32, #tpu.memory_space<hbm>> -> memref<10240x128xf32, #tpu.memory_space<hbm>>
        tpu.wait_indirect_dma semaphore(%arg11 : memref<!tpu.dma_semaphore, #tpu.memory_space<semaphore_mem>>) src(%dma_wait3A_204 : memref<10240x128xf32, #tpu.memory_space<hbm>>) dst(%dma_wait3A_198 : memref<125x128xf32, #tpu.memory_space<vmem>>)
        %mul3A_205 = arith.constant 2 : i32
        %mul3A_206 = arith.muli %mul3A_205, %scan3A_147 : i32
        %add3A_207 = arith.constant 1 : i32
        %add3A_208 = arith.addi %mul3A_206, %add3A_207 : i32
        %run_scoped3A_209 = arith.constant 1 : i32
        "tpu.region"() ({
          %run_scoped3A_210 = tpu.sem_alloc : memref<!tpu.dma_semaphore, #tpu.memory_space<semaphore_mem>>
          %dma_start3A_211 = arith.constant 0 : i32
          %dma_start3A_212 = arith.constant 0 : i32
          %dma_start3A_213 = tpu.memref_slice %arg9[%run_scoped3A_209, %dma_start3A_211, %dma_start3A_212] : memref<2x125x128xf32, #tpu.memory_space<vmem>> -> memref<1x125x128xf32, #tpu.memory_space<vmem>>
          %dma_start3A_214 = tpu.memref_squeeze %dma_start3A_213 : memref<1x125x128xf32, #tpu.memory_space<vmem>> -> memref<125x128xf32, #tpu.memory_space<vmem>>
          %dma_start3A_215 = arith.constant 0 : i32
          %dma_start3A_216 = tpu.memref_slice %arg8[%rem3A_130, %add3A_208, %dma_start3A_215] : memref<2x16x125xi32, #tpu.memory_space<vmem>> -> memref<1x1x125xi32, #tpu.memory_space<vmem>>
          %dma_start3A_217 = tpu.memref_squeeze %dma_start3A_216 : memref<1x1x125xi32, #tpu.memory_space<vmem>> -> memref<125xi32, #tpu.memory_space<vmem>>
          %dma_start3A_218 = arith.constant 0 : i32
          %dma_start3A_219 = arith.constant 0 : i32
          %dma_start3A_220 = tpu.memref_slice %arg14[%dma_start3A_218, %dma_start3A_219] : memref<10240x128xf32, #tpu.memory_space<vmem_shared>> -> memref<10240x128xf32, #tpu.memory_space<vmem_shared>>
          tpu.enqueue_indirect_dma source(%dma_start3A_214 : memref<125x128xf32, #tpu.memory_space<vmem>>) target(%dma_start3A_220 : memref<10240x128xf32, #tpu.memory_space<vmem_shared>>) offsets(%dma_start3A_217 : memref<125xi32, #tpu.memory_space<vmem>>) semaphore(%run_scoped3A_210 : memref<!tpu.dma_semaphore, #tpu.memory_space<semaphore_mem>>) {add = true}
          %dma_wait3A_221 = arith.constant 0 : i32
          %dma_wait3A_222 = arith.constant 0 : i32
          %dma_wait3A_223 = tpu.memref_slice %arg9[%run_scoped3A_209, %dma_wait3A_221, %dma_wait3A_222] : memref<2x125x128xf32, #tpu.memory_space<vmem>> -> memref<1x125x128xf32, #tpu.memory_space<vmem>>
          %dma_wait3A_224 = tpu.memref_squeeze %dma_wait3A_223 : memref<1x125x128xf32, #tpu.memory_space<vmem>> -> memref<125x128xf32, #tpu.memory_space<vmem>>
          %dma_wait3A_225 = arith.constant 0 : i32
          %dma_wait3A_226 = tpu.memref_slice %arg8[%rem3A_130, %add3A_208, %dma_wait3A_225] : memref<2x16x125xi32, #tpu.memory_space<vmem>> -> memref<1x1x125xi32, #tpu.memory_space<vmem>>
          %dma_wait3A_227 = tpu.memref_squeeze %dma_wait3A_226 : memref<1x1x125xi32, #tpu.memory_space<vmem>> -> memref<125xi32, #tpu.memory_space<vmem>>
          %dma_wait3A_228 = arith.constant 0 : i32
          %dma_wait3A_229 = arith.constant 0 : i32
          %dma_wait3A_230 = tpu.memref_slice %arg14[%dma_wait3A_228, %dma_wait3A_229] : memref<10240x128xf32, #tpu.memory_space<vmem_shared>> -> memref<10240x128xf32, #tpu.memory_space<vmem_shared>>
          tpu.wait_indirect_dma semaphore(%run_scoped3A_210 : memref<!tpu.dma_semaphore, #tpu.memory_space<semaphore_mem>>) src(%dma_wait3A_224 : memref<125x128xf32, #tpu.memory_space<vmem>>) dst(%dma_wait3A_230 : memref<10240x128xf32, #tpu.memory_space<vmem_shared>>)
          tpu.yield
        }) : () -> ()
      }
      %scan3A_136 = arith.constant 8 : i32
      %add3A = arith.constant 1 : i32
      %add3A_137 = arith.addi %scan3A_128, %add3A : i32
      %lt3A = arith.constant 5 : i32
      %lt3A_138 = arith.cmpi slt, %add3A_137, %lt3A : i32
      %convert_element_type3A = arith.extui %lt3A_138 : i1 to i32
      %cond3A = arith.constant 0 : i32
      %cond3A_139 = arith.cmpi ne, %convert_element_type3A, %cond3A : i32
      scf.if %cond3A_139 {
        %add3A_147 = arith.constant 1 : i32
        %add3A_148 = arith.addi %scan3A_128, %add3A_147 : i32
        %rem3A_149 = arith.constant 2 : i32
        %rem3A_150 = arith.remsi %add3A_148, %rem3A_149 : i32
        %mul3A_151 = arith.constant 16 : i32
        %mul3A_152 = arith.muli %add3A_148, %mul3A_151 : i32
        %dma_wait3A_153 = arith.constant 0 : i32
        %dma_wait3A_154 = arith.constant 0 : i32
        %dma_wait3A_155 = tpu.memref_slice %arg7[%rem3A_150, %dma_wait3A_153, %dma_wait3A_154] : memref<2x16x125xi32, #tpu.memory_space<vmem>> -> memref<1x16x125xi32, #tpu.memory_space<vmem>>
        %dma_wait3A_156 = tpu.memref_squeeze %dma_wait3A_155 : memref<1x16x125xi32, #tpu.memory_space<vmem>> -> memref<16x125xi32, #tpu.memory_space<vmem>>
        %dma_wait3A_157 = arith.constant 0 : i32
        %dma_wait3A_158 = tpu.memref_slice %arg3[%arg0, %arg1, %mul3A_152, %dma_wait3A_157] : memref<2x16x80x125xi32, #tpu.memory_space<hbm>> -> memref<1x1x16x125xi32, #tpu.memory_space<hbm>>
        %dma_wait3A_159 = tpu.memref_squeeze %dma_wait3A_158 : memref<1x1x16x125xi32, #tpu.memory_space<hbm>> -> memref<16x125xi32, #tpu.memory_space<hbm>>
        %dma_wait3A_160 = arith.constant 0 : i32
        %dma_wait3A_161 = arith.constant 0 : i32
        %dma_wait3A_162 = tpu.memref_slice %arg7[%rem3A_150, %dma_wait3A_160, %dma_wait3A_161] : memref<2x16x125xi32, #tpu.memory_space<vmem>> -> memref<1x16x125xi32, #tpu.memory_space<vmem>>
        %dma_wait3A_163 = tpu.memref_squeeze %dma_wait3A_162 : memref<1x16x125xi32, #tpu.memory_space<vmem>> -> memref<16x125xi32, #tpu.memory_space<vmem>>
        %dma_wait3A_164 = arith.constant 0 : i32
        %dma_wait3A_165 = tpu.memref_slice %arg3[%arg0, %arg1, %mul3A_152, %dma_wait3A_164] : memref<2x16x80x125xi32, #tpu.memory_space<hbm>> -> memref<1x1x16x125xi32, #tpu.memory_space<hbm>>
        %dma_wait3A_166 = tpu.memref_squeeze %dma_wait3A_165 : memref<1x1x16x125xi32, #tpu.memory_space<hbm>> -> memref<16x125xi32, #tpu.memory_space<hbm>>
        tpu.wait_dma2 semaphore(%arg12 : memref<!tpu.dma_semaphore, #tpu.memory_space<semaphore_mem>>) src(%dma_wait3A_166 : memref<16x125xi32, #tpu.memory_space<hbm>>) dst(%dma_wait3A_163 : memref<16x125xi32, #tpu.memory_space<vmem>>)
        %dma_wait3A_167 = arith.constant 0 : i32
        %dma_wait3A_168 = arith.constant 0 : i32
        %dma_wait3A_169 = tpu.memref_slice %arg8[%rem3A_150, %dma_wait3A_167, %dma_wait3A_168] : memref<2x16x125xi32, #tpu.memory_space<vmem>> -> memref<1x16x125xi32, #tpu.memory_space<vmem>>
        %dma_wait3A_170 = tpu.memref_squeeze %dma_wait3A_169 : memref<1x16x125xi32, #tpu.memory_space<vmem>> -> memref<16x125xi32, #tpu.memory_space<vmem>>
        %dma_wait3A_171 = arith.constant 0 : i32
        %dma_wait3A_172 = tpu.memref_slice %arg4[%arg0, %arg1, %mul3A_152, %dma_wait3A_171] : memref<2x16x80x125xi32, #tpu.memory_space<hbm>> -> memref<1x1x16x125xi32, #tpu.memory_space<hbm>>
        %dma_wait3A_173 = tpu.memref_squeeze %dma_wait3A_172 : memref<1x1x16x125xi32, #tpu.memory_space<hbm>> -> memref<16x125xi32, #tpu.memory_space<hbm>>
        %dma_wait3A_174 = arith.constant 0 : i32
        %dma_wait3A_175 = arith.constant 0 : i32
        %dma_wait3A_176 = tpu.memref_slice %arg8[%rem3A_150, %dma_wait3A_174, %dma_wait3A_175] : memref<2x16x125xi32, #tpu.memory_space<vmem>> -> memref<1x16x125xi32, #tpu.memory_space<vmem>>
        %dma_wait3A_177 = tpu.memref_squeeze %dma_wait3A_176 : memref<1x16x125xi32, #tpu.memory_space<vmem>> -> memref<16x125xi32, #tpu.memory_space<vmem>>
        %dma_wait3A_178 = arith.constant 0 : i32
        %dma_wait3A_179 = tpu.memref_slice %arg4[%arg0, %arg1, %mul3A_152, %dma_wait3A_178] : memref<2x16x80x125xi32, #tpu.memory_space<hbm>> -> memref<1x1x16x125xi32, #tpu.memory_space<hbm>>
        %dma_wait3A_180 = tpu.memref_squeeze %dma_wait3A_179 : memref<1x1x16x125xi32, #tpu.memory_space<hbm>> -> memref<16x125xi32, #tpu.memory_space<hbm>>
        tpu.wait_dma2 semaphore(%arg13 : memref<!tpu.dma_semaphore, #tpu.memory_space<semaphore_mem>>) src(%dma_wait3A_180 : memref<16x125xi32, #tpu.memory_space<hbm>>) dst(%dma_wait3A_177 : memref<16x125xi32, #tpu.memory_space<vmem>>)
        %add3A_181 = arith.constant 1 : i32
        %add3A_182 = arith.addi %scan3A_128, %add3A_181 : i32
        %mul3A_183 = arith.constant 16 : i32
        %mul3A_184 = arith.muli %add3A_182, %mul3A_183 : i32
        %add3A_185 = arith.constant 1 : i32
        %add3A_186 = arith.addi %scan3A_128, %add3A_185 : i32
        %rem3A_187 = arith.constant 2 : i32
        %rem3A_188 = arith.remsi %add3A_186, %rem3A_187 : i32
        %rem3A_189 = arith.constant 16 : i32
        %rem3A_190 = arith.remsi %mul3A_184, %rem3A_189 : i32
        %dma_start3A_191 = arith.constant 0 : i32
        %dma_start3A_192 = arith.constant 0 : i32
        %dma_start3A_193 = arith.constant 0 : i32
        %dma_start3A_194 = tpu.memref_slice %arg9[%dma_start3A_191, %dma_start3A_192, %dma_start3A_193] : memref<2x125x128xf32, #tpu.memory_space<vmem>> -> memref<1x125x128xf32, #tpu.memory_space<vmem>>
        %dma_start3A_195 = tpu.memref_squeeze %dma_start3A_194 : memref<1x125x128xf32, #tpu.memory_space<vmem>> -> memref<125x128xf32, #tpu.memory_space<vmem>>
        %dma_start3A_196 = arith.constant 0 : i32
        %dma_start3A_197 = tpu.memref_slice %arg7[%rem3A_188, %rem3A_190, %dma_start3A_196] : memref<2x16x125xi32, #tpu.memory_space<vmem>> -> memref<1x1x125xi32, #tpu.memory_space<vmem>>
        %dma_start3A_198 = tpu.memref_squeeze %dma_start3A_197 : memref<1x1x125xi32, #tpu.memory_space<vmem>> -> memref<125xi32, #tpu.memory_space<vmem>>
        %dma_start3A_199 = arith.constant 0 : i32
        %dma_start3A_200 = arith.constant 0 : i32
        %dma_start3A_201 = tpu.memref_slice %arg2[%dma_start3A_199, %dma_start3A_200] : memref<10240x128xf32, #tpu.memory_space<hbm>> -> memref<10240x128xf32, #tpu.memory_space<hbm>>
        tpu.enqueue_indirect_dma source(%dma_start3A_201 : memref<10240x128xf32, #tpu.memory_space<hbm>>) target(%dma_start3A_195 : memref<125x128xf32, #tpu.memory_space<vmem>>) offsets(%dma_start3A_198 : memref<125xi32, #tpu.memory_space<vmem>>) semaphore(%arg10 : memref<!tpu.dma_semaphore, #tpu.memory_space<semaphore_mem>>)
      } else {
      }
      %add3A_140 = arith.constant 2 : i32
      %add3A_141 = arith.addi %scan3A_128, %add3A_140 : i32
      %lt3A_142 = arith.constant 5 : i32
      %lt3A_143 = arith.cmpi slt, %add3A_141, %lt3A_142 : i32
      %convert_element_type3A_144 = arith.extui %lt3A_143 : i1 to i32
      %cond3A_145 = arith.constant 0 : i32
      %cond3A_146 = arith.cmpi ne, %convert_element_type3A_144, %cond3A_145 : i32
      scf.if %cond3A_146 {
        %add3A_147 = arith.constant 2 : i32
        %add3A_148 = arith.addi %scan3A_128, %add3A_147 : i32
        %rem3A_149 = arith.constant 2 : i32
        %rem3A_150 = arith.remsi %add3A_148, %rem3A_149 : i32
        %mul3A_151 = arith.constant 16 : i32
        %mul3A_152 = arith.muli %add3A_148, %mul3A_151 : i32
        %dma_start3A_153 = arith.constant 0 : i32
        %dma_start3A_154 = arith.constant 0 : i32
        %dma_start3A_155 = tpu.memref_slice %arg7[%rem3A_150, %dma_start3A_153, %dma_start3A_154] : memref<2x16x125xi32, #tpu.memory_space<vmem>> -> memref<1x16x125xi32, #tpu.memory_space<vmem>>
        %dma_start3A_156 = tpu.memref_squeeze %dma_start3A_155 : memref<1x16x125xi32, #tpu.memory_space<vmem>> -> memref<16x125xi32, #tpu.memory_space<vmem>>
        %dma_start3A_157 = arith.constant 0 : i32
        %dma_start3A_158 = tpu.memref_slice %arg3[%arg0, %arg1, %mul3A_152, %dma_start3A_157] : memref<2x16x80x125xi32, #tpu.memory_space<hbm>> -> memref<1x1x16x125xi32, #tpu.memory_space<hbm>>
        %dma_start3A_159 = tpu.memref_squeeze %dma_start3A_158 : memref<1x1x16x125xi32, #tpu.memory_space<hbm>> -> memref<16x125xi32, #tpu.memory_space<hbm>>
        %dma_start3A_160 = arith.constant 0 : i32
        %dma_start3A_161 = arith.constant 0 : i32
        %dma_start3A_162 = tpu.memref_slice %arg7[%rem3A_150, %dma_start3A_160, %dma_start3A_161] : memref<2x16x125xi32, #tpu.memory_space<vmem>> -> memref<1x16x125xi32, #tpu.memory_space<vmem>>
        %dma_start3A_163 = tpu.memref_squeeze %dma_start3A_162 : memref<1x16x125xi32, #tpu.memory_space<vmem>> -> memref<16x125xi32, #tpu.memory_space<vmem>>
        %dma_start3A_164 = arith.constant 0 : i32
        %dma_start3A_165 = tpu.memref_slice %arg3[%arg0, %arg1, %mul3A_152, %dma_start3A_164] : memref<2x16x80x125xi32, #tpu.memory_space<hbm>> -> memref<1x1x16x125xi32, #tpu.memory_space<hbm>>
        %dma_start3A_166 = tpu.memref_squeeze %dma_start3A_165 : memref<1x1x16x125xi32, #tpu.memory_space<hbm>> -> memref<16x125xi32, #tpu.memory_space<hbm>>
        tpu.enqueue_dma source(%dma_start3A_166 : memref<16x125xi32, #tpu.memory_space<hbm>>) target(%dma_start3A_163 : memref<16x125xi32, #tpu.memory_space<vmem>>) target_semaphore(%arg12 : memref<!tpu.dma_semaphore, #tpu.memory_space<semaphore_mem>>)
        %dma_start3A_167 = arith.constant 0 : i32
        %dma_start3A_168 = arith.constant 0 : i32
        %dma_start3A_169 = tpu.memref_slice %arg8[%rem3A_150, %dma_start3A_167, %dma_start3A_168] : memref<2x16x125xi32, #tpu.memory_space<vmem>> -> memref<1x16x125xi32, #tpu.memory_space<vmem>>
        %dma_start3A_170 = tpu.memref_squeeze %dma_start3A_169 : memref<1x16x125xi32, #tpu.memory_space<vmem>> -> memref<16x125xi32, #tpu.memory_space<vmem>>
        %dma_start3A_171 = arith.constant 0 : i32
        %dma_start3A_172 = tpu.memref_slice %arg4[%arg0, %arg1, %mul3A_152, %dma_start3A_171] : memref<2x16x80x125xi32, #tpu.memory_space<hbm>> -> memref<1x1x16x125xi32, #tpu.memory_space<hbm>>
        %dma_start3A_173 = tpu.memref_squeeze %dma_start3A_172 : memref<1x1x16x125xi32, #tpu.memory_space<hbm>> -> memref<16x125xi32, #tpu.memory_space<hbm>>
        %dma_start3A_174 = arith.constant 0 : i32
        %dma_start3A_175 = arith.constant 0 : i32
        %dma_start3A_176 = tpu.memref_slice %arg8[%rem3A_150, %dma_start3A_174, %dma_start3A_175] : memref<2x16x125xi32, #tpu.memory_space<vmem>> -> memref<1x16x125xi32, #tpu.memory_space<vmem>>
        %dma_start3A_177 = tpu.memref_squeeze %dma_start3A_176 : memref<1x16x125xi32, #tpu.memory_space<vmem>> -> memref<16x125xi32, #tpu.memory_space<vmem>>
        %dma_start3A_178 = arith.constant 0 : i32
        %dma_start3A_179 = tpu.memref_slice %arg4[%arg0, %arg1, %mul3A_152, %dma_start3A_178] : memref<2x16x80x125xi32, #tpu.memory_space<hbm>> -> memref<1x1x16x125xi32, #tpu.memory_space<hbm>>
        %dma_start3A_180 = tpu.memref_squeeze %dma_start3A_179 : memref<1x1x16x125xi32, #tpu.memory_space<hbm>> -> memref<16x125xi32, #tpu.memory_space<hbm>>
        tpu.enqueue_dma source(%dma_start3A_180 : memref<16x125xi32, #tpu.memory_space<hbm>>) target(%dma_start3A_177 : memref<16x125xi32, #tpu.memory_space<vmem>>) target_semaphore(%arg13 : memref<!tpu.dma_semaphore, #tpu.memory_space<semaphore_mem>>)
      } else {
      }
    }
    %scan3A_122 = arith.constant 5 : i32
    %barrier3A_123 = arith.constant 0 : index
    tpu.barrier barrier_id(%barrier3A_123)
    %mul3A_124 = arith.constant 640 : i32
    %mul3A_125 = arith.muli %arg1, %mul3A_124 : i32
    %mul3A_126 = arith.constant 640 : i32
    %mul3A_127 = arith.muli %arg1, %mul3A_126 : i32
    "tpu.region"() ({
      %run_scoped3A = tpu.sem_alloc : memref<!tpu.dma_semaphore, #tpu.memory_space<semaphore_mem>>
      %dma_start3A_128 = arith.constant 0 : i32
      %dma_start3A_129 = tpu.memref_slice %arg6[%arg0, %mul3A_127, %dma_start3A_128] : memref<2x10240x128xf32, #tpu.memory_space<hbm>> -> memref<1x640x128xf32, #tpu.memory_space<hbm>>
      %dma_start3A_130 = tpu.memref_squeeze %dma_start3A_129 : memref<1x640x128xf32, #tpu.memory_space<hbm>> -> memref<640x128xf32, #tpu.memory_space<hbm>>
      %dma_start3A_131 = arith.constant 0 : i32
      %dma_start3A_132 = tpu.memref_slice %arg14[%mul3A_125, %dma_start3A_131] : memref<10240x128xf32, #tpu.memory_space<vmem_shared>> -> memref<640x128xf32, #tpu.memory_space<vmem_shared>>
      tpu.enqueue_dma source(%dma_start3A_132 : memref<640x128xf32, #tpu.memory_space<vmem_shared>>) target(%dma_start3A_130 : memref<640x128xf32, #tpu.memory_space<hbm>>) target_semaphore(%run_scoped3A : memref<!tpu.dma_semaphore, #tpu.memory_space<semaphore_mem>>)
      %dma_wait3A_133 = arith.constant 0 : i32
      %dma_wait3A_134 = tpu.memref_slice %arg6[%arg0, %mul3A_127, %dma_wait3A_133] : memref<2x10240x128xf32, #tpu.memory_space<hbm>> -> memref<1x640x128xf32, #tpu.memory_space<hbm>>
      %dma_wait3A_135 = tpu.memref_squeeze %dma_wait3A_134 : memref<1x640x128xf32, #tpu.memory_space<hbm>> -> memref<640x128xf32, #tpu.memory_space<hbm>>
      %dma_wait3A_136 = arith.constant 0 : i32
      %dma_wait3A_137 = tpu.memref_slice %arg14[%mul3A_125, %dma_wait3A_136] : memref<10240x128xf32, #tpu.memory_space<vmem_shared>> -> memref<640x128xf32, #tpu.memory_space<vmem_shared>>
      tpu.wait_dma2 semaphore(%run_scoped3A : memref<!tpu.dma_semaphore, #tpu.memory_space<semaphore_mem>>) src(%dma_wait3A_137 : memref<640x128xf32, #tpu.memory_space<vmem_shared>>) dst(%dma_wait3A_135 : memref<640x128xf32, #tpu.memory_space<hbm>>)
      tpu.yield
    }) : () -> ()
    return
  }
}

#map = affine_map<(d0, d1) -> (0, 0, 0, 0)>
#map1 = affine_map<(d0, d1) -> (0)>
#map2 = affine_map<(d0, d1) -> (0, 0)>
module attributes {stable_mosaic.version = 14 : i64} {
  func.func @_deg_body(%arg0: i32, %arg1: i32, %arg2: memref<2x16x80x125xi32, #tpu.memory_space<hbm>>, %arg3: memref<640xf32, #tpu.memory_space<hbm>>, %arg4: memref<2x10240xf32, #tpu.memory_space<hbm>>, %arg5: memref<80x125xi32, #tpu.memory_space<vmem>>, %arg6: memref<128xf32, #tpu.memory_space<vmem>>, %arg7: memref<10240xf32, #tpu.memory_space<vmem_shared>>) attributes {dimension_semantics = [#tpu.dimension_semantics<core_parallel>, #tpu.dimension_semantics<subcore_parallel>], iteration_bounds = array<i64: 2, 16>, scalar_prefetch = 0 : i64, scratch_operands = 3 : i64, tpu.core_type = #tpu.core_type<sc_vector_subcore>, window_params = [{transform_indices = #map}, {transform_indices = #map1}, {transform_indices = #map2}]} {
    %mul3A = arith.constant 640 : i32
    %mul3A_0 = arith.muli %arg1, %mul3A : i32
    "tpu.region"() ({
      %run_scoped3A = tpu.sem_alloc : memref<!tpu.dma_semaphore, #tpu.memory_space<semaphore_mem>>
      %dma_start3A = tpu.memref_slice %arg7[%mul3A_0] : memref<10240xf32, #tpu.memory_space<vmem_shared>> -> memref<640xf32, #tpu.memory_space<vmem_shared>>
      tpu.enqueue_dma source(%arg3 : memref<640xf32, #tpu.memory_space<hbm>>) target(%dma_start3A : memref<640xf32, #tpu.memory_space<vmem_shared>>) target_semaphore(%run_scoped3A : memref<!tpu.dma_semaphore, #tpu.memory_space<semaphore_mem>>)
      %dma_wait3A = tpu.memref_slice %arg7[%mul3A_0] : memref<10240xf32, #tpu.memory_space<vmem_shared>> -> memref<640xf32, #tpu.memory_space<vmem_shared>>
      tpu.wait_dma2 semaphore(%run_scoped3A : memref<!tpu.dma_semaphore, #tpu.memory_space<semaphore_mem>>) src(%arg3 : memref<640xf32, #tpu.memory_space<hbm>>) dst(%dma_wait3A : memref<640xf32, #tpu.memory_space<vmem_shared>>)
      tpu.yield
    }) : () -> ()
    %broadcast_in_dim3A = arith.constant 1.000000e+00 : f32
    %broadcast_in_dim3A_1 = vector.broadcast %broadcast_in_dim3A : f32 to vector<16xf32>
    %swap3A = arith.constant 0 : index
    %swap3A_2 = tpu.vector_load %arg6[%swap3A] {strides = array<i32>} : memref<128xf32, #tpu.memory_space<vmem>>, vector<16xf32>,
    %swap3A_3 = vector.shape_cast %swap3A_2 : vector<16xf32> to vector<16xf32>
    %swap3A_4 = vector.shape_cast %broadcast_in_dim3A_1 : vector<16xf32> to vector<16xf32>
    tpu.vector_store %arg6[%swap3A], %swap3A_4 {strides = array<i32>} : memref<128xf32, #tpu.memory_space<vmem>>, vector<16xf32>,
    %broadcast_in_dim3A_5 = arith.constant 1.000000e+00 : f32
    %broadcast_in_dim3A_6 = vector.broadcast %broadcast_in_dim3A_5 : f32 to vector<16xf32>
    %swap3A_7 = arith.constant 16 : index
    %swap3A_8 = tpu.vector_load %arg6[%swap3A_7] {strides = array<i32>} : memref<128xf32, #tpu.memory_space<vmem>>, vector<16xf32>,
    %swap3A_9 = vector.shape_cast %swap3A_8 : vector<16xf32> to vector<16xf32>
    %swap3A_10 = vector.shape_cast %broadcast_in_dim3A_6 : vector<16xf32> to vector<16xf32>
    tpu.vector_store %arg6[%swap3A_7], %swap3A_10 {strides = array<i32>} : memref<128xf32, #tpu.memory_space<vmem>>, vector<16xf32>,
    %broadcast_in_dim3A_11 = arith.constant 1.000000e+00 : f32
    %broadcast_in_dim3A_12 = vector.broadcast %broadcast_in_dim3A_11 : f32 to vector<16xf32>
    %swap3A_13 = arith.constant 32 : index
    %swap3A_14 = tpu.vector_load %arg6[%swap3A_13] {strides = array<i32>} : memref<128xf32, #tpu.memory_space<vmem>>, vector<16xf32>,
    %swap3A_15 = vector.shape_cast %swap3A_14 : vector<16xf32> to vector<16xf32>
    %swap3A_16 = vector.shape_cast %broadcast_in_dim3A_12 : vector<16xf32> to vector<16xf32>
    tpu.vector_store %arg6[%swap3A_13], %swap3A_16 {strides = array<i32>} : memref<128xf32, #tpu.memory_space<vmem>>, vector<16xf32>,
    %broadcast_in_dim3A_17 = arith.constant 1.000000e+00 : f32
    %broadcast_in_dim3A_18 = vector.broadcast %broadcast_in_dim3A_17 : f32 to vector<16xf32>
    %swap3A_19 = arith.constant 48 : index
    %swap3A_20 = tpu.vector_load %arg6[%swap3A_19] {strides = array<i32>} : memref<128xf32, #tpu.memory_space<vmem>>, vector<16xf32>,
    %swap3A_21 = vector.shape_cast %swap3A_20 : vector<16xf32> to vector<16xf32>
    %swap3A_22 = vector.shape_cast %broadcast_in_dim3A_18 : vector<16xf32> to vector<16xf32>
    tpu.vector_store %arg6[%swap3A_19], %swap3A_22 {strides = array<i32>} : memref<128xf32, #tpu.memory_space<vmem>>, vector<16xf32>,
    %broadcast_in_dim3A_23 = arith.constant 1.000000e+00 : f32
    %broadcast_in_dim3A_24 = vector.broadcast %broadcast_in_dim3A_23 : f32 to vector<16xf32>
    %swap3A_25 = arith.constant 64 : index
    %swap3A_26 = tpu.vector_load %arg6[%swap3A_25] {strides = array<i32>} : memref<128xf32, #tpu.memory_space<vmem>>, vector<16xf32>,
    %swap3A_27 = vector.shape_cast %swap3A_26 : vector<16xf32> to vector<16xf32>
    %swap3A_28 = vector.shape_cast %broadcast_in_dim3A_24 : vector<16xf32> to vector<16xf32>
    tpu.vector_store %arg6[%swap3A_25], %swap3A_28 {strides = array<i32>} : memref<128xf32, #tpu.memory_space<vmem>>, vector<16xf32>,
    %broadcast_in_dim3A_29 = arith.constant 1.000000e+00 : f32
    %broadcast_in_dim3A_30 = vector.broadcast %broadcast_in_dim3A_29 : f32 to vector<16xf32>
    %swap3A_31 = arith.constant 80 : index
    %swap3A_32 = tpu.vector_load %arg6[%swap3A_31] {strides = array<i32>} : memref<128xf32, #tpu.memory_space<vmem>>, vector<16xf32>,
    %swap3A_33 = vector.shape_cast %swap3A_32 : vector<16xf32> to vector<16xf32>
    %swap3A_34 = vector.shape_cast %broadcast_in_dim3A_30 : vector<16xf32> to vector<16xf32>
    tpu.vector_store %arg6[%swap3A_31], %swap3A_34 {strides = array<i32>} : memref<128xf32, #tpu.memory_space<vmem>>, vector<16xf32>,
    %broadcast_in_dim3A_35 = arith.constant 1.000000e+00 : f32
    %broadcast_in_dim3A_36 = vector.broadcast %broadcast_in_dim3A_35 : f32 to vector<16xf32>
    %swap3A_37 = arith.constant 96 : index
    %swap3A_38 = tpu.vector_load %arg6[%swap3A_37] {strides = array<i32>} : memref<128xf32, #tpu.memory_space<vmem>>, vector<16xf32>,
    %swap3A_39 = vector.shape_cast %swap3A_38 : vector<16xf32> to vector<16xf32>
    %swap3A_40 = vector.shape_cast %broadcast_in_dim3A_36 : vector<16xf32> to vector<16xf32>
    tpu.vector_store %arg6[%swap3A_37], %swap3A_40 {strides = array<i32>} : memref<128xf32, #tpu.memory_space<vmem>>, vector<16xf32>,
    %broadcast_in_dim3A_41 = arith.constant 1.000000e+00 : f32
    %broadcast_in_dim3A_42 = vector.broadcast %broadcast_in_dim3A_41 : f32 to vector<16xf32>
    %swap3A_43 = arith.constant 112 : index
    %swap3A_44 = tpu.vector_load %arg6[%swap3A_43] {strides = array<i32>} : memref<128xf32, #tpu.memory_space<vmem>>, vector<16xf32>,
    %swap3A_45 = vector.shape_cast %swap3A_44 : vector<16xf32> to vector<16xf32>
    %swap3A_46 = vector.shape_cast %broadcast_in_dim3A_42 : vector<16xf32> to vector<16xf32>
    tpu.vector_store %arg6[%swap3A_43], %swap3A_46 {strides = array<i32>} : memref<128xf32, #tpu.memory_space<vmem>>, vector<16xf32>,
    %barrier3A = arith.constant 0 : index
    tpu.barrier barrier_id(%barrier3A)
    "tpu.region"() ({
      %run_scoped3A = tpu.sem_alloc : memref<!tpu.dma_semaphore, #tpu.memory_space<semaphore_mem>>
      %dma_start3A = arith.constant 0 : i32
      %dma_start3A_57 = arith.constant 0 : i32
      %dma_start3A_58 = tpu.memref_slice %arg2[%arg0, %arg1, %dma_start3A, %dma_start3A_57] : memref<2x16x80x125xi32, #tpu.memory_space<hbm>> -> memref<1x1x80x125xi32, #tpu.memory_space<hbm>>
      %dma_start3A_59 = tpu.memref_squeeze %dma_start3A_58 : memref<1x1x80x125xi32, #tpu.memory_space<hbm>> -> memref<80x125xi32, #tpu.memory_space<hbm>>
      %dma_start3A_60 = arith.constant 0 : i32
      %dma_start3A_61 = arith.constant 0 : i32
      %dma_start3A_62 = tpu.memref_slice %arg2[%arg0, %arg1, %dma_start3A_60, %dma_start3A_61] : memref<2x16x80x125xi32, #tpu.memory_space<hbm>> -> memref<1x1x80x125xi32, #tpu.memory_space<hbm>>
      %dma_start3A_63 = tpu.memref_squeeze %dma_start3A_62 : memref<1x1x80x125xi32, #tpu.memory_space<hbm>> -> memref<80x125xi32, #tpu.memory_space<hbm>>
      tpu.enqueue_dma source(%dma_start3A_63 : memref<80x125xi32, #tpu.memory_space<hbm>>) target(%arg5 : memref<80x125xi32, #tpu.memory_space<vmem>>) target_semaphore(%run_scoped3A : memref<!tpu.dma_semaphore, #tpu.memory_space<semaphore_mem>>)
      %dma_wait3A = arith.constant 0 : i32
      %dma_wait3A_64 = arith.constant 0 : i32
      %dma_wait3A_65 = tpu.memref_slice %arg2[%arg0, %arg1, %dma_wait3A, %dma_wait3A_64] : memref<2x16x80x125xi32, #tpu.memory_space<hbm>> -> memref<1x1x80x125xi32, #tpu.memory_space<hbm>>
      %dma_wait3A_66 = tpu.memref_squeeze %dma_wait3A_65 : memref<1x1x80x125xi32, #tpu.memory_space<hbm>> -> memref<80x125xi32, #tpu.memory_space<hbm>>
      %dma_wait3A_67 = arith.constant 0 : i32
      %dma_wait3A_68 = arith.constant 0 : i32
      %dma_wait3A_69 = tpu.memref_slice %arg2[%arg0, %arg1, %dma_wait3A_67, %dma_wait3A_68] : memref<2x16x80x125xi32, #tpu.memory_space<hbm>> -> memref<1x1x80x125xi32, #tpu.memory_space<hbm>>
      %dma_wait3A_70 = tpu.memref_squeeze %dma_wait3A_69 : memref<1x1x80x125xi32, #tpu.memory_space<hbm>> -> memref<80x125xi32, #tpu.memory_space<hbm>>
      tpu.wait_dma2 semaphore(%run_scoped3A : memref<!tpu.dma_semaphore, #tpu.memory_space<semaphore_mem>>) src(%dma_wait3A_70 : memref<80x125xi32, #tpu.memory_space<hbm>>) dst(%arg5 : memref<80x125xi32, #tpu.memory_space<vmem>>)
      tpu.yield
    }) : () -> ()
    %scan3A = arith.constant 0 : i32
    %scan3A_47 = arith.constant 0 : i32
    %scan3A_48 = arith.constant 80 : i32
    %scan3A_49 = arith.addi %scan3A_47, %scan3A_48 : i32
    %scan3A_50 = arith.constant 1 : i32
    scf.for %scan3A_57 = %scan3A_47 to %scan3A_49 step %scan3A_50  : i32 {
      "tpu.region"() ({
        %run_scoped3A = tpu.sem_alloc : memref<!tpu.dma_semaphore, #tpu.memory_space<semaphore_mem>>
        %dma_start3A = arith.constant 0 : i32
        %dma_start3A_58 = tpu.memref_slice %arg6[%dma_start3A] : memref<128xf32, #tpu.memory_space<vmem>> -> memref<125xf32, #tpu.memory_space<vmem>>
        %dma_start3A_59 = arith.constant 0 : i32
        %dma_start3A_60 = tpu.memref_slice %arg5[%scan3A_57, %dma_start3A_59] : memref<80x125xi32, #tpu.memory_space<vmem>> -> memref<1x125xi32, #tpu.memory_space<vmem>>
        %dma_start3A_61 = tpu.memref_squeeze %dma_start3A_60 : memref<1x125xi32, #tpu.memory_space<vmem>> -> memref<125xi32, #tpu.memory_space<vmem>>
        %dma_start3A_62 = arith.constant 0 : i32
        %dma_start3A_63 = tpu.memref_slice %arg7[%dma_start3A_62] : memref<10240xf32, #tpu.memory_space<vmem_shared>> -> memref<10240xf32, #tpu.memory_space<vmem_shared>>
        tpu.enqueue_indirect_dma source(%dma_start3A_58 : memref<125xf32, #tpu.memory_space<vmem>>) target(%dma_start3A_63 : memref<10240xf32, #tpu.memory_space<vmem_shared>>) offsets(%dma_start3A_61 : memref<125xi32, #tpu.memory_space<vmem>>) semaphore(%run_scoped3A : memref<!tpu.dma_semaphore, #tpu.memory_space<semaphore_mem>>) {add = true}
        %dma_wait3A = arith.constant 0 : i32
        %dma_wait3A_64 = tpu.memref_slice %arg6[%dma_wait3A] : memref<128xf32, #tpu.memory_space<vmem>> -> memref<125xf32, #tpu.memory_space<vmem>>
        %dma_wait3A_65 = arith.constant 0 : i32
        %dma_wait3A_66 = tpu.memref_slice %arg5[%scan3A_57, %dma_wait3A_65] : memref<80x125xi32, #tpu.memory_space<vmem>> -> memref<1x125xi32, #tpu.memory_space<vmem>>
        %dma_wait3A_67 = tpu.memref_squeeze %dma_wait3A_66 : memref<1x125xi32, #tpu.memory_space<vmem>> -> memref<125xi32, #tpu.memory_space<vmem>>
        %dma_wait3A_68 = arith.constant 0 : i32
        %dma_wait3A_69 = tpu.memref_slice %arg7[%dma_wait3A_68] : memref<10240xf32, #tpu.memory_space<vmem_shared>> -> memref<10240xf32, #tpu.memory_space<vmem_shared>>
        tpu.wait_indirect_dma semaphore(%run_scoped3A : memref<!tpu.dma_semaphore, #tpu.memory_space<semaphore_mem>>) src(%dma_wait3A_64 : memref<125xf32, #tpu.memory_space<vmem>>) dst(%dma_wait3A_69 : memref<10240xf32, #tpu.memory_space<vmem_shared>>)
        tpu.yield
      }) : () -> ()
    }
    %scan3A_51 = arith.constant 80 : i32
    %barrier3A_52 = arith.constant 0 : index
    tpu.barrier barrier_id(%barrier3A_52)
    %mul3A_53 = arith.constant 640 : i32
    %mul3A_54 = arith.muli %arg1, %mul3A_53 : i32
    %mul3A_55 = arith.constant 640 : i32
    %mul3A_56 = arith.muli %arg1, %mul3A_55 : i32
    "tpu.region"() ({
      %run_scoped3A = tpu.sem_alloc : memref<!tpu.dma_semaphore, #tpu.memory_space<semaphore_mem>>
      %dma_start3A = tpu.memref_slice %arg4[%arg0, %mul3A_56] : memref<2x10240xf32, #tpu.memory_space<hbm>> -> memref<1x640xf32, #tpu.memory_space<hbm>>
      %dma_start3A_57 = tpu.memref_squeeze %dma_start3A : memref<1x640xf32, #tpu.memory_space<hbm>> -> memref<640xf32, #tpu.memory_space<hbm>>
      %dma_start3A_58 = tpu.memref_slice %arg7[%mul3A_54] : memref<10240xf32, #tpu.memory_space<vmem_shared>> -> memref<640xf32, #tpu.memory_space<vmem_shared>>
      tpu.enqueue_dma source(%dma_start3A_58 : memref<640xf32, #tpu.memory_space<vmem_shared>>) target(%dma_start3A_57 : memref<640xf32, #tpu.memory_space<hbm>>) target_semaphore(%run_scoped3A : memref<!tpu.dma_semaphore, #tpu.memory_space<semaphore_mem>>)
      %dma_wait3A = tpu.memref_slice %arg4[%arg0, %mul3A_56] : memref<2x10240xf32, #tpu.memory_space<hbm>> -> memref<1x640xf32, #tpu.memory_space<hbm>>
      %dma_wait3A_59 = tpu.memref_squeeze %dma_wait3A : memref<1x640xf32, #tpu.memory_space<hbm>> -> memref<640xf32, #tpu.memory_space<hbm>>
      %dma_wait3A_60 = tpu.memref_slice %arg7[%mul3A_54] : memref<10240xf32, #tpu.memory_space<vmem_shared>> -> memref<640xf32, #tpu.memory_space<vmem_shared>>
      tpu.wait_dma2 semaphore(%run_scoped3A : memref<!tpu.dma_semaphore, #tpu.memory_space<semaphore_mem>>) src(%dma_wait3A_60 : memref<640xf32, #tpu.memory_space<vmem_shared>>) dst(%dma_wait3A_59 : memref<640xf32, #tpu.memory_space<hbm>>)
      tpu.yield
    }) : () -> ()
    return
  }
}

#map = affine_map<(d0, d1) -> (0, 0)>
#map1 = affine_map<(d0, d1) -> (0, 0, 0, 0)>
#map2 = affine_map<(d0, d1) -> (0, 0, 0)>
module attributes {stable_mosaic.version = 14 : i64} {
  func.func @_edge_body(%arg0: i32, %arg1: i32, %arg2: memref<10240x128xf32, #tpu.memory_space<hbm>>, %arg3: memref<2x16x80x125xi32, #tpu.memory_space<hbm>>, %arg4: memref<2x16x80x125xi32, #tpu.memory_space<hbm>>, %arg5: memref<640x128xf32, #tpu.memory_space<hbm>>, %arg6: memref<2x10240x128xf32, #tpu.memory_space<hbm>>, %arg7: memref<2x16x125xi32, #tpu.memory_space<vmem>>, %arg8: memref<2x16x125xi32, #tpu.memory_space<vmem>>, %arg9: memref<2x125x128xf32, #tpu.memory_space<vmem>>, %arg10: memref<!tpu.dma_semaphore, #tpu.memory_space<semaphore_mem>>, %arg11: memref<!tpu.dma_semaphore, #tpu.memory_space<semaphore_mem>>, %arg12: memref<!tpu.dma_semaphore, #tpu.memory_space<semaphore_mem>>, %arg13: memref<!tpu.dma_semaphore, #tpu.memory_space<semaphore_mem>>, %arg14: memref<10240x128xf32, #tpu.memory_space<vmem_shared>>) attributes {dimension_semantics = [#tpu.dimension_semantics<core_parallel>, #tpu.dimension_semantics<subcore_parallel>], iteration_bounds = array<i64: 2, 16>, scalar_prefetch = 0 : i64, scratch_operands = 8 : i64, tpu.core_type = #tpu.core_type<sc_vector_subcore>, window_params = [{transform_indices = #map}, {transform_indices = #map1}, {transform_indices = #map1}, {transform_indices = #map}, {transform_indices = #map2}]} {
    %rem3A = arith.constant 0 : i32
    %rem3A_0 = arith.constant 2 : i32
    %rem3A_1 = arith.remsi %rem3A, %rem3A_0 : i32
    %dma_start3A = arith.constant 0 : i32
    %dma_start3A_2 = arith.constant 0 : i32
    %dma_start3A_3 = tpu.memref_slice %arg7[%rem3A_1, %dma_start3A, %dma_start3A_2] : memref<2x16x125xi32, #tpu.memory_space<vmem>> -> memref<1x16x125xi32, #tpu.memory_space<vmem>>
    %dma_start3A_4 = tpu.memref_squeeze %dma_start3A_3 : memref<1x16x125xi32, #tpu.memory_space<vmem>> -> memref<16x125xi32, #tpu.memory_space<vmem>>
    %dma_start3A_5 = arith.constant 0 : i32
    %dma_start3A_6 = arith.constant 0 : i32
    %dma_start3A_7 = tpu.memref_slice %arg3[%arg0, %arg1, %dma_start3A_5, %dma_start3A_6] : memref<2x16x80x125xi32, #tpu.memory_space<hbm>> -> memref<1x1x16x125xi32, #tpu.memory_space<hbm>>
    %dma_start3A_8 = tpu.memref_squeeze %dma_start3A_7 : memref<1x1x16x125xi32, #tpu.memory_space<hbm>> -> memref<16x125xi32, #tpu.memory_space<hbm>>
    %dma_start3A_9 = arith.constant 0 : i32
    %dma_start3A_10 = arith.constant 0 : i32
    %dma_start3A_11 = tpu.memref_slice %arg7[%rem3A_1, %dma_start3A_9, %dma_start3A_10] : memref<2x16x125xi32, #tpu.memory_space<vmem>> -> memref<1x16x125xi32, #tpu.memory_space<vmem>>
    %dma_start3A_12 = tpu.memref_squeeze %dma_start3A_11 : memref<1x16x125xi32, #tpu.memory_space<vmem>> -> memref<16x125xi32, #tpu.memory_space<vmem>>
    %dma_start3A_13 = arith.constant 0 : i32
    %dma_start3A_14 = arith.constant 0 : i32
    %dma_start3A_15 = tpu.memref_slice %arg3[%arg0, %arg1, %dma_start3A_13, %dma_start3A_14] : memref<2x16x80x125xi32, #tpu.memory_space<hbm>> -> memref<1x1x16x125xi32, #tpu.memory_space<hbm>>
    %dma_start3A_16 = tpu.memref_squeeze %dma_start3A_15 : memref<1x1x16x125xi32, #tpu.memory_space<hbm>> -> memref<16x125xi32, #tpu.memory_space<hbm>>
    tpu.enqueue_dma source(%dma_start3A_16 : memref<16x125xi32, #tpu.memory_space<hbm>>) target(%dma_start3A_12 : memref<16x125xi32, #tpu.memory_space<vmem>>) target_semaphore(%arg12 : memref<!tpu.dma_semaphore, #tpu.memory_space<semaphore_mem>>)
    %dma_start3A_17 = arith.constant 0 : i32
    %dma_start3A_18 = arith.constant 0 : i32
    %dma_start3A_19 = tpu.memref_slice %arg8[%rem3A_1, %dma_start3A_17, %dma_start3A_18] : memref<2x16x125xi32, #tpu.memory_space<vmem>> -> memref<1x16x125xi32, #tpu.memory_space<vmem>>
    %dma_start3A_20 = tpu.memref_squeeze %dma_start3A_19 : memref<1x16x125xi32, #tpu.memory_space<vmem>> -> memref<16x125xi32, #tpu.memory_space<vmem>>
    %dma_start3A_21 = arith.constant 0 : i32
    %dma_start3A_22 = arith.constant 0 : i32
    %dma_start3A_23 = tpu.memref_slice %arg4[%arg0, %arg1, %dma_start3A_21, %dma_start3A_22] : memref<2x16x80x125xi32, #tpu.memory_space<hbm>> -> memref<1x1x16x125xi32, #tpu.memory_space<hbm>>
    %dma_start3A_24 = tpu.memref_squeeze %dma_start3A_23 : memref<1x1x16x125xi32, #tpu.memory_space<hbm>> -> memref<16x125xi32, #tpu.memory_space<hbm>>
    %dma_start3A_25 = arith.constant 0 : i32
    %dma_start3A_26 = arith.constant 0 : i32
    %dma_start3A_27 = tpu.memref_slice %arg8[%rem3A_1, %dma_start3A_25, %dma_start3A_26] : memref<2x16x125xi32, #tpu.memory_space<vmem>> -> memref<1x16x125xi32, #tpu.memory_space<vmem>>
    %dma_start3A_28 = tpu.memref_squeeze %dma_start3A_27 : memref<1x16x125xi32, #tpu.memory_space<vmem>> -> memref<16x125xi32, #tpu.memory_space<vmem>>
    %dma_start3A_29 = arith.constant 0 : i32
    %dma_start3A_30 = arith.constant 0 : i32
    %dma_start3A_31 = tpu.memref_slice %arg4[%arg0, %arg1, %dma_start3A_29, %dma_start3A_30] : memref<2x16x80x125xi32, #tpu.memory_space<hbm>> -> memref<1x1x16x125xi32, #tpu.memory_space<hbm>>
    %dma_start3A_32 = tpu.memref_squeeze %dma_start3A_31 : memref<1x1x16x125xi32, #tpu.memory_space<hbm>> -> memref<16x125xi32, #tpu.memory_space<hbm>>
    tpu.enqueue_dma source(%dma_start3A_32 : memref<16x125xi32, #tpu.memory_space<hbm>>) target(%dma_start3A_28 : memref<16x125xi32, #tpu.memory_space<vmem>>) target_semaphore(%arg13 : memref<!tpu.dma_semaphore, #tpu.memory_space<semaphore_mem>>)
    %mul3A = arith.constant 640 : i32
    %mul3A_33 = arith.muli %arg1, %mul3A : i32
    "tpu.region"() ({
      %run_scoped3A = tpu.sem_alloc : memref<!tpu.dma_semaphore, #tpu.memory_space<semaphore_mem>>
      %dma_start3A_128 = arith.constant 0 : i32
      %dma_start3A_129 = tpu.memref_slice %arg14[%mul3A_33, %dma_start3A_128] : memref<10240x128xf32, #tpu.memory_space<vmem_shared>> -> memref<640x128xf32, #tpu.memory_space<vmem_shared>>
      tpu.enqueue_dma source(%arg5 : memref<640x128xf32, #tpu.memory_space<hbm>>) target(%dma_start3A_129 : memref<640x128xf32, #tpu.memory_space<vmem_shared>>) target_semaphore(%run_scoped3A : memref<!tpu.dma_semaphore, #tpu.memory_space<semaphore_mem>>)
      %dma_wait3A_130 = arith.constant 0 : i32
      %dma_wait3A_131 = tpu.memref_slice %arg14[%mul3A_33, %dma_wait3A_130] : memref<10240x128xf32, #tpu.memory_space<vmem_shared>> -> memref<640x128xf32, #tpu.memory_space<vmem_shared>>
      tpu.wait_dma2 semaphore(%run_scoped3A : memref<!tpu.dma_semaphore, #tpu.memory_space<semaphore_mem>>) src(%arg5 : memref<640x128xf32, #tpu.memory_space<hbm>>) dst(%dma_wait3A_131 : memref<640x128xf32, #tpu.memory_space<vmem_shared>>)
      tpu.yield
    }) : () -> ()
    %rem3A_34 = arith.constant 0 : i32
    %rem3A_35 = arith.constant 2 : i32
    %rem3A_36 = arith.remsi %rem3A_34, %rem3A_35 : i32
    %dma_wait3A = arith.constant 0 : i32
    %dma_wait3A_37 = arith.constant 0 : i32
    %dma_wait3A_38 = tpu.memref_slice %arg7[%rem3A_36, %dma_wait3A, %dma_wait3A_37] : memref<2x16x125xi32, #tpu.memory_space<vmem>> -> memref<1x16x125xi32, #tpu.memory_space<vmem>>
    %dma_wait3A_39 = tpu.memref_squeeze %dma_wait3A_38 : memref<1x16x125xi32, #tpu.memory_space<vmem>> -> memref<16x125xi32, #tpu.memory_space<vmem>>
    %dma_wait3A_40 = arith.constant 0 : i32
    %dma_wait3A_41 = arith.constant 0 : i32
    %dma_wait3A_42 = tpu.memref_slice %arg3[%arg0, %arg1, %dma_wait3A_40, %dma_wait3A_41] : memref<2x16x80x125xi32, #tpu.memory_space<hbm>> -> memref<1x1x16x125xi32, #tpu.memory_space<hbm>>
    %dma_wait3A_43 = tpu.memref_squeeze %dma_wait3A_42 : memref<1x1x16x125xi32, #tpu.memory_space<hbm>> -> memref<16x125xi32, #tpu.memory_space<hbm>>
    %dma_wait3A_44 = arith.constant 0 : i32
    %dma_wait3A_45 = arith.constant 0 : i32
    %dma_wait3A_46 = tpu.memref_slice %arg7[%rem3A_36, %dma_wait3A_44, %dma_wait3A_45] : memref<2x16x125xi32, #tpu.memory_space<vmem>> -> memref<1x16x125xi32, #tpu.memory_space<vmem>>
    %dma_wait3A_47 = tpu.memref_squeeze %dma_wait3A_46 : memref<1x16x125xi32, #tpu.memory_space<vmem>> -> memref<16x125xi32, #tpu.memory_space<vmem>>
    %dma_wait3A_48 = arith.constant 0 : i32
    %dma_wait3A_49 = arith.constant 0 : i32
    %dma_wait3A_50 = tpu.memref_slice %arg3[%arg0, %arg1, %dma_wait3A_48, %dma_wait3A_49] : memref<2x16x80x125xi32, #tpu.memory_space<hbm>> -> memref<1x1x16x125xi32, #tpu.memory_space<hbm>>
    %dma_wait3A_51 = tpu.memref_squeeze %dma_wait3A_50 : memref<1x1x16x125xi32, #tpu.memory_space<hbm>> -> memref<16x125xi32, #tpu.memory_space<hbm>>
    tpu.wait_dma2 semaphore(%arg12 : memref<!tpu.dma_semaphore, #tpu.memory_space<semaphore_mem>>) src(%dma_wait3A_51 : memref<16x125xi32, #tpu.memory_space<hbm>>) dst(%dma_wait3A_47 : memref<16x125xi32, #tpu.memory_space<vmem>>)
    %dma_wait3A_52 = arith.constant 0 : i32
    %dma_wait3A_53 = arith.constant 0 : i32
    %dma_wait3A_54 = tpu.memref_slice %arg8[%rem3A_36, %dma_wait3A_52, %dma_wait3A_53] : memref<2x16x125xi32, #tpu.memory_space<vmem>> -> memref<1x16x125xi32, #tpu.memory_space<vmem>>
    %dma_wait3A_55 = tpu.memref_squeeze %dma_wait3A_54 : memref<1x16x125xi32, #tpu.memory_space<vmem>> -> memref<16x125xi32, #tpu.memory_space<vmem>>
    %dma_wait3A_56 = arith.constant 0 : i32
    %dma_wait3A_57 = arith.constant 0 : i32
    %dma_wait3A_58 = tpu.memref_slice %arg4[%arg0, %arg1, %dma_wait3A_56, %dma_wait3A_57] : memref<2x16x80x125xi32, #tpu.memory_space<hbm>> -> memref<1x1x16x125xi32, #tpu.memory_space<hbm>>
    %dma_wait3A_59 = tpu.memref_squeeze %dma_wait3A_58 : memref<1x1x16x125xi32, #tpu.memory_space<hbm>> -> memref<16x125xi32, #tpu.memory_space<hbm>>
    %dma_wait3A_60 = arith.constant 0 : i32
    %dma_wait3A_61 = arith.constant 0 : i32
    %dma_wait3A_62 = tpu.memref_slice %arg8[%rem3A_36, %dma_wait3A_60, %dma_wait3A_61] : memref<2x16x125xi32, #tpu.memory_space<vmem>> -> memref<1x16x125xi32, #tpu.memory_space<vmem>>
    %dma_wait3A_63 = tpu.memref_squeeze %dma_wait3A_62 : memref<1x16x125xi32, #tpu.memory_space<vmem>> -> memref<16x125xi32, #tpu.memory_space<vmem>>
    %dma_wait3A_64 = arith.constant 0 : i32
    %dma_wait3A_65 = arith.constant 0 : i32
    %dma_wait3A_66 = tpu.memref_slice %arg4[%arg0, %arg1, %dma_wait3A_64, %dma_wait3A_65] : memref<2x16x80x125xi32, #tpu.memory_space<hbm>> -> memref<1x1x16x125xi32, #tpu.memory_space<hbm>>
    %dma_wait3A_67 = tpu.memref_squeeze %dma_wait3A_66 : memref<1x1x16x125xi32, #tpu.memory_space<hbm>> -> memref<16x125xi32, #tpu.memory_space<hbm>>
    tpu.wait_dma2 semaphore(%arg13 : memref<!tpu.dma_semaphore, #tpu.memory_space<semaphore_mem>>) src(%dma_wait3A_67 : memref<16x125xi32, #tpu.memory_space<hbm>>) dst(%dma_wait3A_63 : memref<16x125xi32, #tpu.memory_space<vmem>>)
    %rem3A_68 = arith.constant 1 : i32
    %rem3A_69 = arith.constant 2 : i32
    %rem3A_70 = arith.remsi %rem3A_68, %rem3A_69 : i32
    %dma_start3A_71 = arith.constant 0 : i32
    %dma_start3A_72 = arith.constant 0 : i32
    %dma_start3A_73 = tpu.memref_slice %arg7[%rem3A_70, %dma_start3A_71, %dma_start3A_72] : memref<2x16x125xi32, #tpu.memory_space<vmem>> -> memref<1x16x125xi32, #tpu.memory_space<vmem>>
    %dma_start3A_74 = tpu.memref_squeeze %dma_start3A_73 : memref<1x16x125xi32, #tpu.memory_space<vmem>> -> memref<16x125xi32, #tpu.memory_space<vmem>>
    %dma_start3A_75 = arith.constant 16 : i32
    %dma_start3A_76 = arith.constant 0 : i32
    %dma_start3A_77 = tpu.memref_slice %arg3[%arg0, %arg1, %dma_start3A_75, %dma_start3A_76] : memref<2x16x80x125xi32, #tpu.memory_space<hbm>> -> memref<1x1x16x125xi32, #tpu.memory_space<hbm>>
    %dma_start3A_78 = tpu.memref_squeeze %dma_start3A_77 : memref<1x1x16x125xi32, #tpu.memory_space<hbm>> -> memref<16x125xi32, #tpu.memory_space<hbm>>
    %dma_start3A_79 = arith.constant 0 : i32
    %dma_start3A_80 = arith.constant 0 : i32
    %dma_start3A_81 = tpu.memref_slice %arg7[%rem3A_70, %dma_start3A_79, %dma_start3A_80] : memref<2x16x125xi32, #tpu.memory_space<vmem>> -> memref<1x16x125xi32, #tpu.memory_space<vmem>>
    %dma_start3A_82 = tpu.memref_squeeze %dma_start3A_81 : memref<1x16x125xi32, #tpu.memory_space<vmem>> -> memref<16x125xi32, #tpu.memory_space<vmem>>
    %dma_start3A_83 = arith.constant 16 : i32
    %dma_start3A_84 = arith.constant 0 : i32
    %dma_start3A_85 = tpu.memref_slice %arg3[%arg0, %arg1, %dma_start3A_83, %dma_start3A_84] : memref<2x16x80x125xi32, #tpu.memory_space<hbm>> -> memref<1x1x16x125xi32, #tpu.memory_space<hbm>>
    %dma_start3A_86 = tpu.memref_squeeze %dma_start3A_85 : memref<1x1x16x125xi32, #tpu.memory_space<hbm>> -> memref<16x125xi32, #tpu.memory_space<hbm>>
    tpu.enqueue_dma source(%dma_start3A_86 : memref<16x125xi32, #tpu.memory_space<hbm>>) target(%dma_start3A_82 : memref<16x125xi32, #tpu.memory_space<vmem>>) target_semaphore(%arg12 : memref<!tpu.dma_semaphore, #tpu.memory_space<semaphore_mem>>)
    %dma_start3A_87 = arith.constant 0 : i32
    %dma_start3A_88 = arith.constant 0 : i32
    %dma_start3A_89 = tpu.memref_slice %arg8[%rem3A_70, %dma_start3A_87, %dma_start3A_88] : memref<2x16x125xi32, #tpu.memory_space<vmem>> -> memref<1x16x125xi32, #tpu.memory_space<vmem>>
    %dma_start3A_90 = tpu.memref_squeeze %dma_start3A_89 : memref<1x16x125xi32, #tpu.memory_space<vmem>> -> memref<16x125xi32, #tpu.memory_space<vmem>>
    %dma_start3A_91 = arith.constant 16 : i32
    %dma_start3A_92 = arith.constant 0 : i32
    %dma_start3A_93 = tpu.memref_slice %arg4[%arg0, %arg1, %dma_start3A_91, %dma_start3A_92] : memref<2x16x80x125xi32, #tpu.memory_space<hbm>> -> memref<1x1x16x125xi32, #tpu.memory_space<hbm>>
    %dma_start3A_94 = tpu.memref_squeeze %dma_start3A_93 : memref<1x1x16x125xi32, #tpu.memory_space<hbm>> -> memref<16x125xi32, #tpu.memory_space<hbm>>
    %dma_start3A_95 = arith.constant 0 : i32
    %dma_start3A_96 = arith.constant 0 : i32
    %dma_start3A_97 = tpu.memref_slice %arg8[%rem3A_70, %dma_start3A_95, %dma_start3A_96] : memref<2x16x125xi32, #tpu.memory_space<vmem>> -> memref<1x16x125xi32, #tpu.memory_space<vmem>>
    %dma_start3A_98 = tpu.memref_squeeze %dma_start3A_97 : memref<1x16x125xi32, #tpu.memory_space<vmem>> -> memref<16x125xi32, #tpu.memory_space<vmem>>
    %dma_start3A_99 = arith.constant 16 : i32
    %dma_start3A_100 = arith.constant 0 : i32
    %dma_start3A_101 = tpu.memref_slice %arg4[%arg0, %arg1, %dma_start3A_99, %dma_start3A_100] : memref<2x16x80x125xi32, #tpu.memory_space<hbm>> -> memref<1x1x16x125xi32, #tpu.memory_space<hbm>>
    %dma_start3A_102 = tpu.memref_squeeze %dma_start3A_101 : memref<1x1x16x125xi32, #tpu.memory_space<hbm>> -> memref<16x125xi32, #tpu.memory_space<hbm>>
    tpu.enqueue_dma source(%dma_start3A_102 : memref<16x125xi32, #tpu.memory_space<hbm>>) target(%dma_start3A_98 : memref<16x125xi32, #tpu.memory_space<vmem>>) target_semaphore(%arg13 : memref<!tpu.dma_semaphore, #tpu.memory_space<semaphore_mem>>)
    %rem3A_103 = arith.constant 0 : i32
    %rem3A_104 = arith.constant 16 : i32
    %rem3A_105 = arith.remsi %rem3A_103, %rem3A_104 : i32
    %dma_start3A_106 = arith.constant 0 : i32
    %dma_start3A_107 = arith.constant 0 : i32
    %dma_start3A_108 = arith.constant 0 : i32
    %dma_start3A_109 = arith.constant 0 : i32
    %dma_start3A_110 = tpu.memref_slice %arg9[%dma_start3A_107, %dma_start3A_108, %dma_start3A_109] : memref<2x125x128xf32, #tpu.memory_space<vmem>> -> memref<1x125x128xf32, #tpu.memory_space<vmem>>
    %dma_start3A_111 = tpu.memref_squeeze %dma_start3A_110 : memref<1x125x128xf32, #tpu.memory_space<vmem>> -> memref<125x128xf32, #tpu.memory_space<vmem>>
    %dma_start3A_112 = arith.constant 0 : i32
    %dma_start3A_113 = tpu.memref_slice %arg7[%dma_start3A_106, %rem3A_105, %dma_start3A_112] : memref<2x16x125xi32, #tpu.memory_space<vmem>> -> memref<1x1x125xi32, #tpu.memory_space<vmem>>
    %dma_start3A_114 = tpu.memref_squeeze %dma_start3A_113 : memref<1x1x125xi32, #tpu.memory_space<vmem>> -> memref<125xi32, #tpu.memory_space<vmem>>
    %dma_start3A_115 = arith.constant 0 : i32
    %dma_start3A_116 = arith.constant 0 : i32
    %dma_start3A_117 = tpu.memref_slice %arg2[%dma_start3A_115, %dma_start3A_116] : memref<10240x128xf32, #tpu.memory_space<hbm>> -> memref<10240x128xf32, #tpu.memory_space<hbm>>
    tpu.enqueue_indirect_dma source(%dma_start3A_117 : memref<10240x128xf32, #tpu.memory_space<hbm>>) target(%dma_start3A_111 : memref<125x128xf32, #tpu.memory_space<vmem>>) offsets(%dma_start3A_114 : memref<125xi32, #tpu.memory_space<vmem>>) semaphore(%arg10 : memref<!tpu.dma_semaphore, #tpu.memory_space<semaphore_mem>>)
    %barrier3A = arith.constant 0 : index
    tpu.barrier barrier_id(%barrier3A)
    %scan3A = arith.constant 0 : i32
    %scan3A_118 = arith.constant 0 : i32
    %scan3A_119 = arith.constant 5 : i32
    %scan3A_120 = arith.addi %scan3A_118, %scan3A_119 : i32
    %scan3A_121 = arith.constant 1 : i32
    scf.for %scan3A_128 = %scan3A_118 to %scan3A_120 step %scan3A_121  : i32 {
      %rem3A_129 = arith.constant 2 : i32
      %rem3A_130 = arith.remsi %scan3A_128, %rem3A_129 : i32
      %scan3A_131 = arith.constant 0 : i32
      %scan3A_132 = arith.constant 0 : i32
      %scan3A_133 = arith.constant 8 : i32
      %scan3A_134 = arith.addi %scan3A_132, %scan3A_133 : i32
      %scan3A_135 = arith.constant 1 : i32
      scf.for %scan3A_147 = %scan3A_132 to %scan3A_134 step %scan3A_135  : i32 {
        %mul3A_148 = arith.constant 16 : i32
        %mul3A_149 = arith.muli %scan3A_128, %mul3A_148 : i32
        %mul3A_150 = arith.constant 2 : i32
        %mul3A_151 = arith.muli %mul3A_150, %scan3A_147 : i32
        %add3A_152 = arith.addi %mul3A_149, %mul3A_151 : i32
        %add3A_153 = arith.constant 1 : i32
        %add3A_154 = arith.addi %add3A_152, %add3A_153 : i32
        %rem3A_155 = arith.constant 16 : i32
        %rem3A_156 = arith.remsi %add3A_154, %rem3A_155 : i32
        %dma_start3A_157 = arith.constant 1 : i32
        %dma_start3A_158 = arith.constant 0 : i32
        %dma_start3A_159 = arith.constant 0 : i32
        %dma_start3A_160 = tpu.memref_slice %arg9[%dma_start3A_157, %dma_start3A_158, %dma_start3A_159] : memref<2x125x128xf32, #tpu.memory_space<vmem>> -> memref<1x125x128xf32, #tpu.memory_space<vmem>>
        %dma_start3A_161 = tpu.memref_squeeze %dma_start3A_160 : memref<1x125x128xf32, #tpu.memory_space<vmem>> -> memref<125x128xf32, #tpu.memory_space<vmem>>
        %dma_start3A_162 = arith.constant 0 : i32
        %dma_start3A_163 = tpu.memref_slice %arg7[%rem3A_130, %rem3A_156, %dma_start3A_162] : memref<2x16x125xi32, #tpu.memory_space<vmem>> -> memref<1x1x125xi32, #tpu.memory_space<vmem>>
        %dma_start3A_164 = tpu.memref_squeeze %dma_start3A_163 : memref<1x1x125xi32, #tpu.memory_space<vmem>> -> memref<125xi32, #tpu.memory_space<vmem>>
        %dma_start3A_165 = arith.constant 0 : i32
        %dma_start3A_166 = arith.constant 0 : i32
        %dma_start3A_167 = tpu.memref_slice %arg2[%dma_start3A_165, %dma_start3A_166] : memref<10240x128xf32, #tpu.memory_space<hbm>> -> memref<10240x128xf32, #tpu.memory_space<hbm>>
        tpu.enqueue_indirect_dma source(%dma_start3A_167 : memref<10240x128xf32, #tpu.memory_space<hbm>>) target(%dma_start3A_161 : memref<125x128xf32, #tpu.memory_space<vmem>>) offsets(%dma_start3A_164 : memref<125xi32, #tpu.memory_space<vmem>>) semaphore(%arg11 : memref<!tpu.dma_semaphore, #tpu.memory_space<semaphore_mem>>)
        %rem3A_168 = arith.constant 16 : i32
        %rem3A_169 = arith.remsi %add3A_152, %rem3A_168 : i32
        %dma_wait3A_170 = arith.constant 0 : i32
        %dma_wait3A_171 = arith.constant 0 : i32
        %dma_wait3A_172 = arith.constant 0 : i32
        %dma_wait3A_173 = tpu.memref_slice %arg9[%dma_wait3A_170, %dma_wait3A_171, %dma_wait3A_172] : memref<2x125x128xf32, #tpu.memory_space<vmem>> -> memref<1x125x128xf32, #tpu.memory_space<vmem>>
        %dma_wait3A_174 = tpu.memref_squeeze %dma_wait3A_173 : memref<1x125x128xf32, #tpu.memory_space<vmem>> -> memref<125x128xf32, #tpu.memory_space<vmem>>
        %dma_wait3A_175 = arith.constant 0 : i32
        %dma_wait3A_176 = tpu.memref_slice %arg7[%rem3A_130, %rem3A_169, %dma_wait3A_175] : memref<2x16x125xi32, #tpu.memory_space<vmem>> -> memref<1x1x125xi32, #tpu.memory_space<vmem>>
        %dma_wait3A_177 = tpu.memref_squeeze %dma_wait3A_176 : memref<1x1x125xi32, #tpu.memory_space<vmem>> -> memref<125xi32, #tpu.memory_space<vmem>>
        %dma_wait3A_178 = arith.constant 0 : i32
        %dma_wait3A_179 = arith.constant 0 : i32
        %dma_wait3A_180 = tpu.memref_slice %arg2[%dma_wait3A_178, %dma_wait3A_179] : memref<10240x128xf32, #tpu.memory_space<hbm>> -> memref<10240x128xf32, #tpu.memory_space<hbm>>
        tpu.wait_indirect_dma semaphore(%arg10 : memref<!tpu.dma_semaphore, #tpu.memory_space<semaphore_mem>>) src(%dma_wait3A_180 : memref<10240x128xf32, #tpu.memory_space<hbm>>) dst(%dma_wait3A_174 : memref<125x128xf32, #tpu.memory_space<vmem>>)
        %mul3A_181 = arith.constant 2 : i32
        %mul3A_182 = arith.muli %mul3A_181, %scan3A_147 : i32
        %run_scoped3A = arith.constant 0 : i32
        "tpu.region"() ({
          %run_scoped3A_210 = tpu.sem_alloc : memref<!tpu.dma_semaphore, #tpu.memory_space<semaphore_mem>>
          %dma_start3A_211 = arith.constant 0 : i32
          %dma_start3A_212 = arith.constant 0 : i32
          %dma_start3A_213 = tpu.memref_slice %arg9[%run_scoped3A, %dma_start3A_211, %dma_start3A_212] : memref<2x125x128xf32, #tpu.memory_space<vmem>> -> memref<1x125x128xf32, #tpu.memory_space<vmem>>
          %dma_start3A_214 = tpu.memref_squeeze %dma_start3A_213 : memref<1x125x128xf32, #tpu.memory_space<vmem>> -> memref<125x128xf32, #tpu.memory_space<vmem>>
          %dma_start3A_215 = arith.constant 0 : i32
          %dma_start3A_216 = tpu.memref_slice %arg8[%rem3A_130, %mul3A_182, %dma_start3A_215] : memref<2x16x125xi32, #tpu.memory_space<vmem>> -> memref<1x1x125xi32, #tpu.memory_space<vmem>>
          %dma_start3A_217 = tpu.memref_squeeze %dma_start3A_216 : memref<1x1x125xi32, #tpu.memory_space<vmem>> -> memref<125xi32, #tpu.memory_space<vmem>>
          %dma_start3A_218 = arith.constant 0 : i32
          %dma_start3A_219 = arith.constant 0 : i32
          %dma_start3A_220 = tpu.memref_slice %arg14[%dma_start3A_218, %dma_start3A_219] : memref<10240x128xf32, #tpu.memory_space<vmem_shared>> -> memref<10240x128xf32, #tpu.memory_space<vmem_shared>>
          tpu.enqueue_indirect_dma source(%dma_start3A_214 : memref<125x128xf32, #tpu.memory_space<vmem>>) target(%dma_start3A_220 : memref<10240x128xf32, #tpu.memory_space<vmem_shared>>) offsets(%dma_start3A_217 : memref<125xi32, #tpu.memory_space<vmem>>) semaphore(%run_scoped3A_210 : memref<!tpu.dma_semaphore, #tpu.memory_space<semaphore_mem>>) {add = true}
          %dma_wait3A_221 = arith.constant 0 : i32
          %dma_wait3A_222 = arith.constant 0 : i32
          %dma_wait3A_223 = tpu.memref_slice %arg9[%run_scoped3A, %dma_wait3A_221, %dma_wait3A_222] : memref<2x125x128xf32, #tpu.memory_space<vmem>> -> memref<1x125x128xf32, #tpu.memory_space<vmem>>
          %dma_wait3A_224 = tpu.memref_squeeze %dma_wait3A_223 : memref<1x125x128xf32, #tpu.memory_space<vmem>> -> memref<125x128xf32, #tpu.memory_space<vmem>>
          %dma_wait3A_225 = arith.constant 0 : i32
          %dma_wait3A_226 = tpu.memref_slice %arg8[%rem3A_130, %mul3A_182, %dma_wait3A_225] : memref<2x16x125xi32, #tpu.memory_space<vmem>> -> memref<1x1x125xi32, #tpu.memory_space<vmem>>
          %dma_wait3A_227 = tpu.memref_squeeze %dma_wait3A_226 : memref<1x1x125xi32, #tpu.memory_space<vmem>> -> memref<125xi32, #tpu.memory_space<vmem>>
          %dma_wait3A_228 = arith.constant 0 : i32
          %dma_wait3A_229 = arith.constant 0 : i32
          %dma_wait3A_230 = tpu.memref_slice %arg14[%dma_wait3A_228, %dma_wait3A_229] : memref<10240x128xf32, #tpu.memory_space<vmem_shared>> -> memref<10240x128xf32, #tpu.memory_space<vmem_shared>>
          tpu.wait_indirect_dma semaphore(%run_scoped3A_210 : memref<!tpu.dma_semaphore, #tpu.memory_space<semaphore_mem>>) src(%dma_wait3A_224 : memref<125x128xf32, #tpu.memory_space<vmem>>) dst(%dma_wait3A_230 : memref<10240x128xf32, #tpu.memory_space<vmem_shared>>)
          tpu.yield
        }) : () -> ()
        %add3A_183 = arith.constant 1 : i32
        %add3A_184 = arith.addi %scan3A_147, %add3A_183 : i32
        %lt3A_185 = arith.constant 8 : i32
        %lt3A_186 = arith.cmpi slt, %add3A_184, %lt3A_185 : i32
        %convert_element_type3A_187 = arith.extui %lt3A_186 : i1 to i32
        %cond3A_188 = arith.constant 0 : i32
        %cond3A_189 = arith.cmpi ne, %convert_element_type3A_187, %cond3A_188 : i32
        scf.if %cond3A_189 {
          %add3A_210 = arith.constant 2 : i32
          %add3A_211 = arith.addi %add3A_152, %add3A_210 : i32
          %rem3A_212 = arith.constant 16 : i32
          %rem3A_213 = arith.remsi %add3A_211, %rem3A_212 : i32
          %dma_start3A_214 = arith.constant 0 : i32
          %dma_start3A_215 = arith.constant 0 : i32
          %dma_start3A_216 = arith.constant 0 : i32
          %dma_start3A_217 = tpu.memref_slice %arg9[%dma_start3A_214, %dma_start3A_215, %dma_start3A_216] : memref<2x125x128xf32, #tpu.memory_space<vmem>> -> memref<1x125x128xf32, #tpu.memory_space<vmem>>
          %dma_start3A_218 = tpu.memref_squeeze %dma_start3A_217 : memref<1x125x128xf32, #tpu.memory_space<vmem>> -> memref<125x128xf32, #tpu.memory_space<vmem>>
          %dma_start3A_219 = arith.constant 0 : i32
          %dma_start3A_220 = tpu.memref_slice %arg7[%rem3A_130, %rem3A_213, %dma_start3A_219] : memref<2x16x125xi32, #tpu.memory_space<vmem>> -> memref<1x1x125xi32, #tpu.memory_space<vmem>>
          %dma_start3A_221 = tpu.memref_squeeze %dma_start3A_220 : memref<1x1x125xi32, #tpu.memory_space<vmem>> -> memref<125xi32, #tpu.memory_space<vmem>>
          %dma_start3A_222 = arith.constant 0 : i32
          %dma_start3A_223 = arith.constant 0 : i32
          %dma_start3A_224 = tpu.memref_slice %arg2[%dma_start3A_222, %dma_start3A_223] : memref<10240x128xf32, #tpu.memory_space<hbm>> -> memref<10240x128xf32, #tpu.memory_space<hbm>>
          tpu.enqueue_indirect_dma source(%dma_start3A_224 : memref<10240x128xf32, #tpu.memory_space<hbm>>) target(%dma_start3A_218 : memref<125x128xf32, #tpu.memory_space<vmem>>) offsets(%dma_start3A_221 : memref<125xi32, #tpu.memory_space<vmem>>) semaphore(%arg10 : memref<!tpu.dma_semaphore, #tpu.memory_space<semaphore_mem>>)
        } else {
        }
        %add3A_190 = arith.constant 1 : i32
        %add3A_191 = arith.addi %add3A_152, %add3A_190 : i32
        %rem3A_192 = arith.constant 16 : i32
        %rem3A_193 = arith.remsi %add3A_191, %rem3A_192 : i32
        %dma_wait3A_194 = arith.constant 1 : i32
        %dma_wait3A_195 = arith.constant 0 : i32
        %dma_wait3A_196 = arith.constant 0 : i32
        %dma_wait3A_197 = tpu.memref_slice %arg9[%dma_wait3A_194, %dma_wait3A_195, %dma_wait3A_196] : memref<2x125x128xf32, #tpu.memory_space<vmem>> -> memref<1x125x128xf32, #tpu.memory_space<vmem>>
        %dma_wait3A_198 = tpu.memref_squeeze %dma_wait3A_197 : memref<1x125x128xf32, #tpu.memory_space<vmem>> -> memref<125x128xf32, #tpu.memory_space<vmem>>
        %dma_wait3A_199 = arith.constant 0 : i32
        %dma_wait3A_200 = tpu.memref_slice %arg7[%rem3A_130, %rem3A_193, %dma_wait3A_199] : memref<2x16x125xi32, #tpu.memory_space<vmem>> -> memref<1x1x125xi32, #tpu.memory_space<vmem>>
        %dma_wait3A_201 = tpu.memref_squeeze %dma_wait3A_200 : memref<1x1x125xi32, #tpu.memory_space<vmem>> -> memref<125xi32, #tpu.memory_space<vmem>>
        %dma_wait3A_202 = arith.constant 0 : i32
        %dma_wait3A_203 = arith.constant 0 : i32
        %dma_wait3A_204 = tpu.memref_slice %arg2[%dma_wait3A_202, %dma_wait3A_203] : memref<10240x128xf32, #tpu.memory_space<hbm>> -> memref<10240x128xf32, #tpu.memory_space<hbm>>
        tpu.wait_indirect_dma semaphore(%arg11 : memref<!tpu.dma_semaphore, #tpu.memory_space<semaphore_mem>>) src(%dma_wait3A_204 : memref<10240x128xf32, #tpu.memory_space<hbm>>) dst(%dma_wait3A_198 : memref<125x128xf32, #tpu.memory_space<vmem>>)
        %mul3A_205 = arith.constant 2 : i32
        %mul3A_206 = arith.muli %mul3A_205, %scan3A_147 : i32
        %add3A_207 = arith.constant 1 : i32
        %add3A_208 = arith.addi %mul3A_206, %add3A_207 : i32
        %run_scoped3A_209 = arith.constant 1 : i32
        "tpu.region"() ({
          %run_scoped3A_210 = tpu.sem_alloc : memref<!tpu.dma_semaphore, #tpu.memory_space<semaphore_mem>>
          %dma_start3A_211 = arith.constant 0 : i32
          %dma_start3A_212 = arith.constant 0 : i32
          %dma_start3A_213 = tpu.memref_slice %arg9[%run_scoped3A_209, %dma_start3A_211, %dma_start3A_212] : memref<2x125x128xf32, #tpu.memory_space<vmem>> -> memref<1x125x128xf32, #tpu.memory_space<vmem>>
          %dma_start3A_214 = tpu.memref_squeeze %dma_start3A_213 : memref<1x125x128xf32, #tpu.memory_space<vmem>> -> memref<125x128xf32, #tpu.memory_space<vmem>>
          %dma_start3A_215 = arith.constant 0 : i32
          %dma_start3A_216 = tpu.memref_slice %arg8[%rem3A_130, %add3A_208, %dma_start3A_215] : memref<2x16x125xi32, #tpu.memory_space<vmem>> -> memref<1x1x125xi32, #tpu.memory_space<vmem>>
          %dma_start3A_217 = tpu.memref_squeeze %dma_start3A_216 : memref<1x1x125xi32, #tpu.memory_space<vmem>> -> memref<125xi32, #tpu.memory_space<vmem>>
          %dma_start3A_218 = arith.constant 0 : i32
          %dma_start3A_219 = arith.constant 0 : i32
          %dma_start3A_220 = tpu.memref_slice %arg14[%dma_start3A_218, %dma_start3A_219] : memref<10240x128xf32, #tpu.memory_space<vmem_shared>> -> memref<10240x128xf32, #tpu.memory_space<vmem_shared>>
          tpu.enqueue_indirect_dma source(%dma_start3A_214 : memref<125x128xf32, #tpu.memory_space<vmem>>) target(%dma_start3A_220 : memref<10240x128xf32, #tpu.memory_space<vmem_shared>>) offsets(%dma_start3A_217 : memref<125xi32, #tpu.memory_space<vmem>>) semaphore(%run_scoped3A_210 : memref<!tpu.dma_semaphore, #tpu.memory_space<semaphore_mem>>) {add = true}
          %dma_wait3A_221 = arith.constant 0 : i32
          %dma_wait3A_222 = arith.constant 0 : i32
          %dma_wait3A_223 = tpu.memref_slice %arg9[%run_scoped3A_209, %dma_wait3A_221, %dma_wait3A_222] : memref<2x125x128xf32, #tpu.memory_space<vmem>> -> memref<1x125x128xf32, #tpu.memory_space<vmem>>
          %dma_wait3A_224 = tpu.memref_squeeze %dma_wait3A_223 : memref<1x125x128xf32, #tpu.memory_space<vmem>> -> memref<125x128xf32, #tpu.memory_space<vmem>>
          %dma_wait3A_225 = arith.constant 0 : i32
          %dma_wait3A_226 = tpu.memref_slice %arg8[%rem3A_130, %add3A_208, %dma_wait3A_225] : memref<2x16x125xi32, #tpu.memory_space<vmem>> -> memref<1x1x125xi32, #tpu.memory_space<vmem>>
          %dma_wait3A_227 = tpu.memref_squeeze %dma_wait3A_226 : memref<1x1x125xi32, #tpu.memory_space<vmem>> -> memref<125xi32, #tpu.memory_space<vmem>>
          %dma_wait3A_228 = arith.constant 0 : i32
          %dma_wait3A_229 = arith.constant 0 : i32
          %dma_wait3A_230 = tpu.memref_slice %arg14[%dma_wait3A_228, %dma_wait3A_229] : memref<10240x128xf32, #tpu.memory_space<vmem_shared>> -> memref<10240x128xf32, #tpu.memory_space<vmem_shared>>
          tpu.wait_indirect_dma semaphore(%run_scoped3A_210 : memref<!tpu.dma_semaphore, #tpu.memory_space<semaphore_mem>>) src(%dma_wait3A_224 : memref<125x128xf32, #tpu.memory_space<vmem>>) dst(%dma_wait3A_230 : memref<10240x128xf32, #tpu.memory_space<vmem_shared>>)
          tpu.yield
        }) : () -> ()
      }
      %scan3A_136 = arith.constant 8 : i32
      %add3A = arith.constant 1 : i32
      %add3A_137 = arith.addi %scan3A_128, %add3A : i32
      %lt3A = arith.constant 5 : i32
      %lt3A_138 = arith.cmpi slt, %add3A_137, %lt3A : i32
      %convert_element_type3A = arith.extui %lt3A_138 : i1 to i32
      %cond3A = arith.constant 0 : i32
      %cond3A_139 = arith.cmpi ne, %convert_element_type3A, %cond3A : i32
      scf.if %cond3A_139 {
        %add3A_147 = arith.constant 1 : i32
        %add3A_148 = arith.addi %scan3A_128, %add3A_147 : i32
        %rem3A_149 = arith.constant 2 : i32
        %rem3A_150 = arith.remsi %add3A_148, %rem3A_149 : i32
        %mul3A_151 = arith.constant 16 : i32
        %mul3A_152 = arith.muli %add3A_148, %mul3A_151 : i32
        %dma_wait3A_153 = arith.constant 0 : i32
        %dma_wait3A_154 = arith.constant 0 : i32
        %dma_wait3A_155 = tpu.memref_slice %arg7[%rem3A_150, %dma_wait3A_153, %dma_wait3A_154] : memref<2x16x125xi32, #tpu.memory_space<vmem>> -> memref<1x16x125xi32, #tpu.memory_space<vmem>>
        %dma_wait3A_156 = tpu.memref_squeeze %dma_wait3A_155 : memref<1x16x125xi32, #tpu.memory_space<vmem>> -> memref<16x125xi32, #tpu.memory_space<vmem>>
        %dma_wait3A_157 = arith.constant 0 : i32
        %dma_wait3A_158 = tpu.memref_slice %arg3[%arg0, %arg1, %mul3A_152, %dma_wait3A_157] : memref<2x16x80x125xi32, #tpu.memory_space<hbm>> -> memref<1x1x16x125xi32, #tpu.memory_space<hbm>>
        %dma_wait3A_159 = tpu.memref_squeeze %dma_wait3A_158 : memref<1x1x16x125xi32, #tpu.memory_space<hbm>> -> memref<16x125xi32, #tpu.memory_space<hbm>>
        %dma_wait3A_160 = arith.constant 0 : i32
        %dma_wait3A_161 = arith.constant 0 : i32
        %dma_wait3A_162 = tpu.memref_slice %arg7[%rem3A_150, %dma_wait3A_160, %dma_wait3A_161] : memref<2x16x125xi32, #tpu.memory_space<vmem>> -> memref<1x16x125xi32, #tpu.memory_space<vmem>>
        %dma_wait3A_163 = tpu.memref_squeeze %dma_wait3A_162 : memref<1x16x125xi32, #tpu.memory_space<vmem>> -> memref<16x125xi32, #tpu.memory_space<vmem>>
        %dma_wait3A_164 = arith.constant 0 : i32
        %dma_wait3A_165 = tpu.memref_slice %arg3[%arg0, %arg1, %mul3A_152, %dma_wait3A_164] : memref<2x16x80x125xi32, #tpu.memory_space<hbm>> -> memref<1x1x16x125xi32, #tpu.memory_space<hbm>>
        %dma_wait3A_166 = tpu.memref_squeeze %dma_wait3A_165 : memref<1x1x16x125xi32, #tpu.memory_space<hbm>> -> memref<16x125xi32, #tpu.memory_space<hbm>>
        tpu.wait_dma2 semaphore(%arg12 : memref<!tpu.dma_semaphore, #tpu.memory_space<semaphore_mem>>) src(%dma_wait3A_166 : memref<16x125xi32, #tpu.memory_space<hbm>>) dst(%dma_wait3A_163 : memref<16x125xi32, #tpu.memory_space<vmem>>)
        %dma_wait3A_167 = arith.constant 0 : i32
        %dma_wait3A_168 = arith.constant 0 : i32
        %dma_wait3A_169 = tpu.memref_slice %arg8[%rem3A_150, %dma_wait3A_167, %dma_wait3A_168] : memref<2x16x125xi32, #tpu.memory_space<vmem>> -> memref<1x16x125xi32, #tpu.memory_space<vmem>>
        %dma_wait3A_170 = tpu.memref_squeeze %dma_wait3A_169 : memref<1x16x125xi32, #tpu.memory_space<vmem>> -> memref<16x125xi32, #tpu.memory_space<vmem>>
        %dma_wait3A_171 = arith.constant 0 : i32
        %dma_wait3A_172 = tpu.memref_slice %arg4[%arg0, %arg1, %mul3A_152, %dma_wait3A_171] : memref<2x16x80x125xi32, #tpu.memory_space<hbm>> -> memref<1x1x16x125xi32, #tpu.memory_space<hbm>>
        %dma_wait3A_173 = tpu.memref_squeeze %dma_wait3A_172 : memref<1x1x16x125xi32, #tpu.memory_space<hbm>> -> memref<16x125xi32, #tpu.memory_space<hbm>>
        %dma_wait3A_174 = arith.constant 0 : i32
        %dma_wait3A_175 = arith.constant 0 : i32
        %dma_wait3A_176 = tpu.memref_slice %arg8[%rem3A_150, %dma_wait3A_174, %dma_wait3A_175] : memref<2x16x125xi32, #tpu.memory_space<vmem>> -> memref<1x16x125xi32, #tpu.memory_space<vmem>>
        %dma_wait3A_177 = tpu.memref_squeeze %dma_wait3A_176 : memref<1x16x125xi32, #tpu.memory_space<vmem>> -> memref<16x125xi32, #tpu.memory_space<vmem>>
        %dma_wait3A_178 = arith.constant 0 : i32
        %dma_wait3A_179 = tpu.memref_slice %arg4[%arg0, %arg1, %mul3A_152, %dma_wait3A_178] : memref<2x16x80x125xi32, #tpu.memory_space<hbm>> -> memref<1x1x16x125xi32, #tpu.memory_space<hbm>>
        %dma_wait3A_180 = tpu.memref_squeeze %dma_wait3A_179 : memref<1x1x16x125xi32, #tpu.memory_space<hbm>> -> memref<16x125xi32, #tpu.memory_space<hbm>>
        tpu.wait_dma2 semaphore(%arg13 : memref<!tpu.dma_semaphore, #tpu.memory_space<semaphore_mem>>) src(%dma_wait3A_180 : memref<16x125xi32, #tpu.memory_space<hbm>>) dst(%dma_wait3A_177 : memref<16x125xi32, #tpu.memory_space<vmem>>)
        %add3A_181 = arith.constant 1 : i32
        %add3A_182 = arith.addi %scan3A_128, %add3A_181 : i32
        %mul3A_183 = arith.constant 16 : i32
        %mul3A_184 = arith.muli %add3A_182, %mul3A_183 : i32
        %add3A_185 = arith.constant 1 : i32
        %add3A_186 = arith.addi %scan3A_128, %add3A_185 : i32
        %rem3A_187 = arith.constant 2 : i32
        %rem3A_188 = arith.remsi %add3A_186, %rem3A_187 : i32
        %rem3A_189 = arith.constant 16 : i32
        %rem3A_190 = arith.remsi %mul3A_184, %rem3A_189 : i32
        %dma_start3A_191 = arith.constant 0 : i32
        %dma_start3A_192 = arith.constant 0 : i32
        %dma_start3A_193 = arith.constant 0 : i32
        %dma_start3A_194 = tpu.memref_slice %arg9[%dma_start3A_191, %dma_start3A_192, %dma_start3A_193] : memref<2x125x128xf32, #tpu.memory_space<vmem>> -> memref<1x125x128xf32, #tpu.memory_space<vmem>>
        %dma_start3A_195 = tpu.memref_squeeze %dma_start3A_194 : memref<1x125x128xf32, #tpu.memory_space<vmem>> -> memref<125x128xf32, #tpu.memory_space<vmem>>
        %dma_start3A_196 = arith.constant 0 : i32
        %dma_start3A_197 = tpu.memref_slice %arg7[%rem3A_188, %rem3A_190, %dma_start3A_196] : memref<2x16x125xi32, #tpu.memory_space<vmem>> -> memref<1x1x125xi32, #tpu.memory_space<vmem>>
        %dma_start3A_198 = tpu.memref_squeeze %dma_start3A_197 : memref<1x1x125xi32, #tpu.memory_space<vmem>> -> memref<125xi32, #tpu.memory_space<vmem>>
        %dma_start3A_199 = arith.constant 0 : i32
        %dma_start3A_200 = arith.constant 0 : i32
        %dma_start3A_201 = tpu.memref_slice %arg2[%dma_start3A_199, %dma_start3A_200] : memref<10240x128xf32, #tpu.memory_space<hbm>> -> memref<10240x128xf32, #tpu.memory_space<hbm>>
        tpu.enqueue_indirect_dma source(%dma_start3A_201 : memref<10240x128xf32, #tpu.memory_space<hbm>>) target(%dma_start3A_195 : memref<125x128xf32, #tpu.memory_space<vmem>>) offsets(%dma_start3A_198 : memref<125xi32, #tpu.memory_space<vmem>>) semaphore(%arg10 : memref<!tpu.dma_semaphore, #tpu.memory_space<semaphore_mem>>)
      } else {
      }
      %add3A_140 = arith.constant 2 : i32
      %add3A_141 = arith.addi %scan3A_128, %add3A_140 : i32
      %lt3A_142 = arith.constant 5 : i32
      %lt3A_143 = arith.cmpi slt, %add3A_141, %lt3A_142 : i32
      %convert_element_type3A_144 = arith.extui %lt3A_143 : i1 to i32
      %cond3A_145 = arith.constant 0 : i32
      %cond3A_146 = arith.cmpi ne, %convert_element_type3A_144, %cond3A_145 : i32
      scf.if %cond3A_146 {
        %add3A_147 = arith.constant 2 : i32
        %add3A_148 = arith.addi %scan3A_128, %add3A_147 : i32
        %rem3A_149 = arith.constant 2 : i32
        %rem3A_150 = arith.remsi %add3A_148, %rem3A_149 : i32
        %mul3A_151 = arith.constant 16 : i32
        %mul3A_152 = arith.muli %add3A_148, %mul3A_151 : i32
        %dma_start3A_153 = arith.constant 0 : i32
        %dma_start3A_154 = arith.constant 0 : i32
        %dma_start3A_155 = tpu.memref_slice %arg7[%rem3A_150, %dma_start3A_153, %dma_start3A_154] : memref<2x16x125xi32, #tpu.memory_space<vmem>> -> memref<1x16x125xi32, #tpu.memory_space<vmem>>
        %dma_start3A_156 = tpu.memref_squeeze %dma_start3A_155 : memref<1x16x125xi32, #tpu.memory_space<vmem>> -> memref<16x125xi32, #tpu.memory_space<vmem>>
        %dma_start3A_157 = arith.constant 0 : i32
        %dma_start3A_158 = tpu.memref_slice %arg3[%arg0, %arg1, %mul3A_152, %dma_start3A_157] : memref<2x16x80x125xi32, #tpu.memory_space<hbm>> -> memref<1x1x16x125xi32, #tpu.memory_space<hbm>>
        %dma_start3A_159 = tpu.memref_squeeze %dma_start3A_158 : memref<1x1x16x125xi32, #tpu.memory_space<hbm>> -> memref<16x125xi32, #tpu.memory_space<hbm>>
        %dma_start3A_160 = arith.constant 0 : i32
        %dma_start3A_161 = arith.constant 0 : i32
        %dma_start3A_162 = tpu.memref_slice %arg7[%rem3A_150, %dma_start3A_160, %dma_start3A_161] : memref<2x16x125xi32, #tpu.memory_space<vmem>> -> memref<1x16x125xi32, #tpu.memory_space<vmem>>
        %dma_start3A_163 = tpu.memref_squeeze %dma_start3A_162 : memref<1x16x125xi32, #tpu.memory_space<vmem>> -> memref<16x125xi32, #tpu.memory_space<vmem>>
        %dma_start3A_164 = arith.constant 0 : i32
        %dma_start3A_165 = tpu.memref_slice %arg3[%arg0, %arg1, %mul3A_152, %dma_start3A_164] : memref<2x16x80x125xi32, #tpu.memory_space<hbm>> -> memref<1x1x16x125xi32, #tpu.memory_space<hbm>>
        %dma_start3A_166 = tpu.memref_squeeze %dma_start3A_165 : memref<1x1x16x125xi32, #tpu.memory_space<hbm>> -> memref<16x125xi32, #tpu.memory_space<hbm>>
        tpu.enqueue_dma source(%dma_start3A_166 : memref<16x125xi32, #tpu.memory_space<hbm>>) target(%dma_start3A_163 : memref<16x125xi32, #tpu.memory_space<vmem>>) target_semaphore(%arg12 : memref<!tpu.dma_semaphore, #tpu.memory_space<semaphore_mem>>)
        %dma_start3A_167 = arith.constant 0 : i32
        %dma_start3A_168 = arith.constant 0 : i32
        %dma_start3A_169 = tpu.memref_slice %arg8[%rem3A_150, %dma_start3A_167, %dma_start3A_168] : memref<2x16x125xi32, #tpu.memory_space<vmem>> -> memref<1x16x125xi32, #tpu.memory_space<vmem>>
        %dma_start3A_170 = tpu.memref_squeeze %dma_start3A_169 : memref<1x16x125xi32, #tpu.memory_space<vmem>> -> memref<16x125xi32, #tpu.memory_space<vmem>>
        %dma_start3A_171 = arith.constant 0 : i32
        %dma_start3A_172 = tpu.memref_slice %arg4[%arg0, %arg1, %mul3A_152, %dma_start3A_171] : memref<2x16x80x125xi32, #tpu.memory_space<hbm>> -> memref<1x1x16x125xi32, #tpu.memory_space<hbm>>
        %dma_start3A_173 = tpu.memref_squeeze %dma_start3A_172 : memref<1x1x16x125xi32, #tpu.memory_space<hbm>> -> memref<16x125xi32, #tpu.memory_space<hbm>>
        %dma_start3A_174 = arith.constant 0 : i32
        %dma_start3A_175 = arith.constant 0 : i32
        %dma_start3A_176 = tpu.memref_slice %arg8[%rem3A_150, %dma_start3A_174, %dma_start3A_175] : memref<2x16x125xi32, #tpu.memory_space<vmem>> -> memref<1x16x125xi32, #tpu.memory_space<vmem>>
        %dma_start3A_177 = tpu.memref_squeeze %dma_start3A_176 : memref<1x16x125xi32, #tpu.memory_space<vmem>> -> memref<16x125xi32, #tpu.memory_space<vmem>>
        %dma_start3A_178 = arith.constant 0 : i32
        %dma_start3A_179 = tpu.memref_slice %arg4[%arg0, %arg1, %mul3A_152, %dma_start3A_178] : memref<2x16x80x125xi32, #tpu.memory_space<hbm>> -> memref<1x1x16x125xi32, #tpu.memory_space<hbm>>
        %dma_start3A_180 = tpu.memref_squeeze %dma_start3A_179 : memref<1x1x16x125xi32, #tpu.memory_space<hbm>> -> memref<16x125xi32, #tpu.memory_space<hbm>>
        tpu.enqueue_dma source(%dma_start3A_180 : memref<16x125xi32, #tpu.memory_space<hbm>>) target(%dma_start3A_177 : memref<16x125xi32, #tpu.memory_space<vmem>>) target_semaphore(%arg13 : memref<!tpu.dma_semaphore, #tpu.memory_space<semaphore_mem>>)
      } else {
      }
    }
    %scan3A_122 = arith.constant 5 : i32
    %barrier3A_123 = arith.constant 0 : index
    tpu.barrier barrier_id(%barrier3A_123)
    %mul3A_124 = arith.constant 640 : i32
    %mul3A_125 = arith.muli %arg1, %mul3A_124 : i32
    %mul3A_126 = arith.constant 640 : i32
    %mul3A_127 = arith.muli %arg1, %mul3A_126 : i32
    "tpu.region"() ({
      %run_scoped3A = tpu.sem_alloc : memref<!tpu.dma_semaphore, #tpu.memory_space<semaphore_mem>>
      %dma_start3A_128 = arith.constant 0 : i32
      %dma_start3A_129 = tpu.memref_slice %arg6[%arg0, %mul3A_127, %dma_start3A_128] : memref<2x10240x128xf32, #tpu.memory_space<hbm>> -> memref<1x640x128xf32, #tpu.memory_space<hbm>>
      %dma_start3A_130 = tpu.memref_squeeze %dma_start3A_129 : memref<1x640x128xf32, #tpu.memory_space<hbm>> -> memref<640x128xf32, #tpu.memory_space<hbm>>
      %dma_start3A_131 = arith.constant 0 : i32
      %dma_start3A_132 = tpu.memref_slice %arg14[%mul3A_125, %dma_start3A_131] : memref<10240x128xf32, #tpu.memory_space<vmem_shared>> -> memref<640x128xf32, #tpu.memory_space<vmem_shared>>
      tpu.enqueue_dma source(%dma_start3A_132 : memref<640x128xf32, #tpu.memory_space<vmem_shared>>) target(%dma_start3A_130 : memref<640x128xf32, #tpu.memory_space<hbm>>) target_semaphore(%run_scoped3A : memref<!tpu.dma_semaphore, #tpu.memory_space<semaphore_mem>>)
      %dma_wait3A_133 = arith.constant 0 : i32
      %dma_wait3A_134 = tpu.memref_slice %arg6[%arg0, %mul3A_127, %dma_wait3A_133] : memref<2x10240x128xf32, #tpu.memory_space<hbm>> -> memref<1x640x128xf32, #tpu.memory_space<hbm>>
      %dma_wait3A_135 = tpu.memref_squeeze %dma_wait3A_134 : memref<1x640x128xf32, #tpu.memory_space<hbm>> -> memref<640x128xf32, #tpu.memory_space<hbm>>
      %dma_wait3A_136 = arith.constant 0 : i32
      %dma_wait3A_137 = tpu.memref_slice %arg14[%mul3A_125, %dma_wait3A_136] : memref<10240x128xf32, #tpu.memory_space<vmem_shared>> -> memref<640x128xf32, #tpu.memory_space<vmem_shared>>
      tpu.wait_dma2 semaphore(%run_scoped3A : memref<!tpu.dma_semaphore, #tpu.memory_space<semaphore_mem>>) src(%dma_wait3A_137 : memref<640x128xf32, #tpu.memory_space<vmem_shared>>) dst(%dma_wait3A_135 : memref<640x128xf32, #tpu.memory_space<hbm>>)
      tpu.yield
    }) : () -> ()
    return
  }
}

module attributes {stable_mosaic.version = 14 : i64} {
  func.func @_pre_body(%arg0: i32, %arg1: memref<1280x128xf32, #tpu.memory_space<vmem>>, %arg2: memref<128x128xf32, #tpu.memory_space<vmem>>, %arg3: memref<2x1280x1xf32, #tpu.memory_space<vmem>>, %arg4: memref<1280x128xf32, #tpu.memory_space<vmem>>) attributes {dimension_semantics = [#tpu.dimension_semantics<arbitrary>], iteration_bounds = array<i64: 8>, scalar_prefetch = 0 : i64, scratch_operands = 0 : i64, tpu.core_type = #tpu.core_type<tc>, window_params = [{transform_indices = @transform_0, window_bounds = array<i64: 1280, 128>}, {pipeline_mode = #tpu.pipeline_mode<synchronous>, transform_indices = @transform_1, window_bounds = array<i64: 128, 128>}, {transform_indices = @transform_2, window_bounds = array<i64: 2, 1280, 1>}, {transform_indices = @transform_3, window_bounds = array<i64: 1280, 128>}]} {
    %get3A = arith.constant 0 : index
    %get3A_0 = arith.constant 0 : index
    %get3A_1 = arith.constant 0 : index
    %get3A_2 = vector.load %arg3[%get3A, %get3A_0, %get3A_1] : memref<2x1280x1xf32, #tpu.memory_space<vmem>>, vector<2x1280x1xf32>
    %slice3A = vector.extract_strided_slice %get3A_2 {offsets = [0, 0, 0], sizes = [1, 1280, 1], strides = [1, 1, 1]} : vector<2x1280x1xf32> to vector<1x1280x1xf32>
    %squeeze3A = vector.shape_cast %slice3A : vector<1x1280x1xf32> to vector<1280x1xf32>
    %slice3A_3 = vector.extract_strided_slice %get3A_2 {offsets = [1, 0, 0], sizes = [1, 1280, 1], strides = [1, 1, 1]} : vector<2x1280x1xf32> to vector<1x1280x1xf32>
    %squeeze3A_4 = vector.shape_cast %slice3A_3 : vector<1x1280x1xf32> to vector<1280x1xf32>
    %add3A = arith.addf %squeeze3A, %squeeze3A_4 : vector<1280x1xf32>
    %add3A_5 = arith.constant 1.000000e+00 : f32
    %add3A_6 = vector.broadcast %add3A_5 : f32 to vector<1280x1xf32>
    %add3A_7 = arith.addf %add3A, %add3A_6 : vector<1280x1xf32>
    %rsqrt3A = math.rsqrt %add3A_7 : vector<1280x1xf32>
    %get3A_8 = arith.constant 0 : index
    %get3A_9 = arith.constant 0 : index
    %get3A_10 = vector.load %arg1[%get3A_8, %get3A_9] : memref<1280x128xf32, #tpu.memory_space<vmem>>, vector<1280x128xf32>
    %get3A_11 = arith.constant 0 : index
    %get3A_12 = arith.constant 0 : index
    %get3A_13 = vector.load %arg2[%get3A_11, %get3A_12] : memref<128x128xf32, #tpu.memory_space<vmem>>, vector<128x128xf32>
    %dot_general3A = arith.constant dense<0.000000e+00> : vector<1280x128xf32>
    %dot_general3A_14 = tpu.matmul %get3A_10, %get3A_13, %dot_general3A {dimension_numbers = #tpu.dot_dimension_numbers<[1], [0], [0], [1], [0, 0, 1, 1], [], []>, transpose_lhs_hint = false} : vector<1280x128xf32>, vector<128x128xf32>, vector<1280x128xf32> -> vector<1280x128xf32>
    %mul3A = vector.broadcast %rsqrt3A : vector<1280x1xf32> to vector<1280x128xf32>
    %mul3A_15 = arith.mulf %dot_general3A_14, %mul3A : vector<1280x128xf32>
    %swap3A = arith.constant 0 : index
    %swap3A_16 = arith.constant 0 : index
    %swap3A_17 = vector.load %arg4[%swap3A, %swap3A_16] : memref<1280x128xf32, #tpu.memory_space<vmem>>, vector<1280x128xf32>
    tpu.vector_store %arg4[%swap3A, %swap3A_16], %mul3A_15 {strides = array<i32>} : memref<1280x128xf32, #tpu.memory_space<vmem>>, vector<1280x128xf32>,
    return
  }
  func.func @transform_0(%arg0: i32) -> (i32, i32) {
    %c0_i32 = arith.constant 0 : i32
    %c0_i32_0 = arith.constant 0 : i32
    return %arg0, %c0_i32 : i32, i32
  }
  func.func @transform_1(%arg0: i32) -> (i32, i32) {
    %c0_i32 = arith.constant 0 : i32
    %c0_i32_0 = arith.constant 0 : i32
    %c0_i32_1 = arith.constant 0 : i32
    return %c0_i32, %c0_i32_0 : i32, i32
  }
  func.func @transform_2(%arg0: i32) -> (i32, i32, i32) {
    %c0_i32 = arith.constant 0 : i32
    %c0_i32_0 = arith.constant 0 : i32
    %c0_i32_1 = arith.constant 0 : i32
    return %c0_i32, %arg0, %c0_i32_0 : i32, i32, i32
  }
  func.func @transform_3(%arg0: i32) -> (i32, i32) {
    %c0_i32 = arith.constant 0 : i32
    %c0_i32_0 = arith.constant 0 : i32
    return %arg0, %c0_i32 : i32, i32
  }
}

module attributes {stable_mosaic.version = 14 : i64} {
  func.func @_mid_body(%arg0: i32, %arg1: memref<2x1280x128xf32, #tpu.memory_space<vmem>>, %arg2: memref<1280x128xf32, #tpu.memory_space<vmem>>, %arg3: memref<2x1280x1xf32, #tpu.memory_space<vmem>>, %arg4: memref<1x128xf32, #tpu.memory_space<vmem>>, %arg5: memref<128x128xf32, #tpu.memory_space<vmem>>, %arg6: memref<1280x128xf32, #tpu.memory_space<vmem>>) attributes {dimension_semantics = [#tpu.dimension_semantics<arbitrary>], iteration_bounds = array<i64: 8>, scalar_prefetch = 0 : i64, scratch_operands = 0 : i64, tpu.core_type = #tpu.core_type<tc>, window_params = [{transform_indices = @transform_0, window_bounds = array<i64: 2, 1280, 128>}, {transform_indices = @transform_1, window_bounds = array<i64: 1280, 128>}, {transform_indices = @transform_2, window_bounds = array<i64: 2, 1280, 1>}, {pipeline_mode = #tpu.pipeline_mode<synchronous>, transform_indices = @transform_3, window_bounds = array<i64: 1, 128>}, {pipeline_mode = #tpu.pipeline_mode<synchronous>, transform_indices = @transform_4, window_bounds = array<i64: 128, 128>}, {transform_indices = @transform_5, window_bounds = array<i64: 1280, 128>}]} {
    %get3A = arith.constant 0 : index
    %get3A_0 = arith.constant 0 : index
    %get3A_1 = arith.constant 0 : index
    %get3A_2 = vector.load %arg3[%get3A, %get3A_0, %get3A_1] : memref<2x1280x1xf32, #tpu.memory_space<vmem>>, vector<2x1280x1xf32>
    %slice3A = vector.extract_strided_slice %get3A_2 {offsets = [0, 0, 0], sizes = [1, 1280, 1], strides = [1, 1, 1]} : vector<2x1280x1xf32> to vector<1x1280x1xf32>
    %squeeze3A = vector.shape_cast %slice3A : vector<1x1280x1xf32> to vector<1280x1xf32>
    %slice3A_3 = vector.extract_strided_slice %get3A_2 {offsets = [1, 0, 0], sizes = [1, 1280, 1], strides = [1, 1, 1]} : vector<2x1280x1xf32> to vector<1x1280x1xf32>
    %squeeze3A_4 = vector.shape_cast %slice3A_3 : vector<1x1280x1xf32> to vector<1280x1xf32>
    %add3A = arith.addf %squeeze3A, %squeeze3A_4 : vector<1280x1xf32>
    %add3A_5 = arith.constant 1.000000e+00 : f32
    %add3A_6 = vector.broadcast %add3A_5 : f32 to vector<1280x1xf32>
    %add3A_7 = arith.addf %add3A, %add3A_6 : vector<1280x1xf32>
    %rsqrt3A = math.rsqrt %add3A_7 : vector<1280x1xf32>
    %get3A_8 = arith.constant 0 : index
    %get3A_9 = arith.constant 0 : index
    %get3A_10 = arith.constant 0 : index
    %get3A_11 = vector.load %arg1[%get3A_8, %get3A_9, %get3A_10] : memref<2x1280x128xf32, #tpu.memory_space<vmem>>, vector<1x1280x128xf32>
    %get3A_12 = vector.shape_cast %get3A_11 : vector<1x1280x128xf32> to vector<1280x128xf32>
    %get3A_13 = arith.constant 1 : index
    %get3A_14 = arith.constant 0 : index
    %get3A_15 = arith.constant 0 : index
    %get3A_16 = vector.load %arg1[%get3A_13, %get3A_14, %get3A_15] : memref<2x1280x128xf32, #tpu.memory_space<vmem>>, vector<1x1280x128xf32>
    %get3A_17 = vector.shape_cast %get3A_16 : vector<1x1280x128xf32> to vector<1280x128xf32>
    %add3A_18 = arith.addf %get3A_12, %get3A_17 : vector<1280x128xf32>
    %get3A_19 = arith.constant 0 : index
    %get3A_20 = arith.constant 0 : index
    %get3A_21 = vector.load %arg2[%get3A_19, %get3A_20] : memref<1280x128xf32, #tpu.memory_space<vmem>>, vector<1280x128xf32>
    %add3A_22 = arith.addf %add3A_18, %get3A_21 : vector<1280x128xf32>
    %mul3A = vector.broadcast %rsqrt3A : vector<1280x1xf32> to vector<1280x128xf32>
    %mul3A_23 = arith.mulf %mul3A, %add3A_22 : vector<1280x128xf32>
    %get3A_24 = arith.constant 0 : index
    %get3A_25 = arith.constant 0 : index
    %get3A_26 = vector.load %arg4[%get3A_24, %get3A_25] : memref<1x128xf32, #tpu.memory_space<vmem>>, vector<1x128xf32>
    %add3A_27 = vector.broadcast %get3A_26 : vector<1x128xf32> to vector<1280x128xf32>
    %add3A_28 = arith.addf %mul3A_23, %add3A_27 : vector<1280x128xf32>
    %tanh3A = math.tanh %add3A_28 : vector<1280x128xf32>
    %get3A_29 = arith.constant 0 : index
    %get3A_30 = arith.constant 0 : index
    %get3A_31 = vector.load %arg5[%get3A_29, %get3A_30] : memref<128x128xf32, #tpu.memory_space<vmem>>, vector<128x128xf32>
    %dot_general3A = arith.constant dense<0.000000e+00> : vector<1280x128xf32>
    %dot_general3A_32 = tpu.matmul %tanh3A, %get3A_31, %dot_general3A {dimension_numbers = #tpu.dot_dimension_numbers<[1], [0], [0], [1], [0, 0, 1, 1], [], []>, transpose_lhs_hint = false} : vector<1280x128xf32>, vector<128x128xf32>, vector<1280x128xf32> -> vector<1280x128xf32>
    %mul3A_33 = vector.broadcast %rsqrt3A : vector<1280x1xf32> to vector<1280x128xf32>
    %mul3A_34 = arith.mulf %dot_general3A_32, %mul3A_33 : vector<1280x128xf32>
    %swap3A = arith.constant 0 : index
    %swap3A_35 = arith.constant 0 : index
    %swap3A_36 = vector.load %arg6[%swap3A, %swap3A_35] : memref<1280x128xf32, #tpu.memory_space<vmem>>, vector<1280x128xf32>
    tpu.vector_store %arg6[%swap3A, %swap3A_35], %mul3A_34 {strides = array<i32>} : memref<1280x128xf32, #tpu.memory_space<vmem>>, vector<1280x128xf32>,
    return
  }
  func.func @transform_0(%arg0: i32) -> (i32, i32, i32) {
    %c0_i32 = arith.constant 0 : i32
    %c0_i32_0 = arith.constant 0 : i32
    %c0_i32_1 = arith.constant 0 : i32
    return %c0_i32, %arg0, %c0_i32_0 : i32, i32, i32
  }
  func.func @transform_1(%arg0: i32) -> (i32, i32) {
    %c0_i32 = arith.constant 0 : i32
    %c0_i32_0 = arith.constant 0 : i32
    return %arg0, %c0_i32 : i32, i32
  }
  func.func @transform_2(%arg0: i32) -> (i32, i32, i32) {
    %c0_i32 = arith.constant 0 : i32
    %c0_i32_0 = arith.constant 0 : i32
    %c0_i32_1 = arith.constant 0 : i32
    return %c0_i32, %arg0, %c0_i32_0 : i32, i32, i32
  }
  func.func @transform_3(%arg0: i32) -> (i32, i32) {
    %c0_i32 = arith.constant 0 : i32
    %c0_i32_0 = arith.constant 0 : i32
    %c0_i32_1 = arith.constant 0 : i32
    return %c0_i32, %c0_i32_0 : i32, i32
  }
  func.func @transform_4(%arg0: i32) -> (i32, i32) {
    %c0_i32 = arith.constant 0 : i32
    %c0_i32_0 = arith.constant 0 : i32
    %c0_i32_1 = arith.constant 0 : i32
    return %c0_i32, %c0_i32_0 : i32, i32
  }
  func.func @transform_5(%arg0: i32) -> (i32, i32) {
    %c0_i32 = arith.constant 0 : i32
    %c0_i32_0 = arith.constant 0 : i32
    return %arg0, %c0_i32 : i32, i32
  }
}

module attributes {stable_mosaic.version = 14 : i64} {
  func.func @_pool_body(%arg0: i32, %arg1: memref<2x1280x128xf32, #tpu.memory_space<vmem>>, %arg2: memref<1280x128xf32, #tpu.memory_space<vmem>>, %arg3: memref<2x1280x1xf32, #tpu.memory_space<vmem>>, %arg4: memref<1x128xf32, #tpu.memory_space<vmem>>, %arg5: memref<1280x1xi32, #tpu.memory_space<vmem>>, %arg6: memref<256x1xf32, #tpu.memory_space<vmem>>, %arg7: memref<1x1xf32, #tpu.memory_space<vmem>>, %arg8: memref<64x1xf32, #tpu.memory_space<vmem>>, %arg9: memref<64x128xf32, #tpu.memory_space<vmem>>, %arg10: memref<64x128xf32, #tpu.memory_space<vmem>>, %arg11: memref<64x1xf32, #tpu.memory_space<vmem>>) attributes {dimension_semantics = [#tpu.dimension_semantics<arbitrary>], iteration_bounds = array<i64: 8>, scalar_prefetch = 0 : i64, scratch_operands = 3 : i64, tpu.core_type = #tpu.core_type<tc>, window_params = [{transform_indices = @transform_0, window_bounds = array<i64: 2, 1280, 128>}, {transform_indices = @transform_1, window_bounds = array<i64: 1280, 128>}, {transform_indices = @transform_2, window_bounds = array<i64: 2, 1280, 1>}, {pipeline_mode = #tpu.pipeline_mode<synchronous>, transform_indices = @transform_3, window_bounds = array<i64: 1, 128>}, {transform_indices = @transform_4, window_bounds = array<i64: 1280, 1>}, {pipeline_mode = #tpu.pipeline_mode<synchronous>, transform_indices = @transform_5, window_bounds = array<i64: 256, 1>}, {pipeline_mode = #tpu.pipeline_mode<synchronous>, transform_indices = @transform_6, window_bounds = array<i64: 1, 1>}, {pipeline_mode = #tpu.pipeline_mode<synchronous>, transform_indices = @transform_7, window_bounds = array<i64: 64, 1>}]} {
    %eq3A = arith.constant 0 : i32
    %eq3A_0 = arith.cmpi eq, %arg0, %eq3A : i32
    %convert_element_type3A = arith.extui %eq3A_0 : i1 to i32
    %cond3A = arith.constant 0 : i32
    %cond3A_1 = arith.cmpi ne, %convert_element_type3A, %cond3A : i32
    scf.if %cond3A_1 {
      %broadcast_in_dim3A_1209 = arith.constant 0xFF800000 : f32
      %broadcast_in_dim3A_1210 = vector.broadcast %broadcast_in_dim3A_1209 : f32 to vector<64x128xf32>
      %swap3A_1211 = arith.constant 0 : index
      %swap3A_1212 = arith.constant 0 : index
      %swap3A_1213 = vector.load %arg9[%swap3A_1211, %swap3A_1212] : memref<64x128xf32, #tpu.memory_space<vmem>>, vector<64x128xf32>
      tpu.vector_store %arg9[%swap3A_1211, %swap3A_1212], %broadcast_in_dim3A_1210 {strides = array<i32>} : memref<64x128xf32, #tpu.memory_space<vmem>>, vector<64x128xf32>,
      %broadcast_in_dim3A_1214 = arith.constant 0.000000e+00 : f32
      %broadcast_in_dim3A_1215 = vector.broadcast %broadcast_in_dim3A_1214 : f32 to vector<64x128xf32>
      %swap3A_1216 = arith.constant 0 : index
      %swap3A_1217 = arith.constant 0 : index
      %swap3A_1218 = vector.load %arg10[%swap3A_1216, %swap3A_1217] : memref<64x128xf32, #tpu.memory_space<vmem>>, vector<64x128xf32>
      tpu.vector_store %arg10[%swap3A_1216, %swap3A_1217], %broadcast_in_dim3A_1215 {strides = array<i32>} : memref<64x128xf32, #tpu.memory_space<vmem>>, vector<64x128xf32>,
      %broadcast_in_dim3A_1219 = arith.constant 0.000000e+00 : f32
      %broadcast_in_dim3A_1220 = vector.broadcast %broadcast_in_dim3A_1219 : f32 to vector<64x1xf32>
      %swap3A_1221 = arith.constant 0 : index
      %swap3A_1222 = arith.constant 0 : index
      %swap3A_1223 = vector.load %arg11[%swap3A_1221, %swap3A_1222] : memref<64x1xf32, #tpu.memory_space<vmem>>, vector<64x1xf32>
      tpu.vector_store %arg11[%swap3A_1221, %swap3A_1222], %broadcast_in_dim3A_1220 {strides = array<i32>} : memref<64x1xf32, #tpu.memory_space<vmem>>, vector<64x1xf32>,
    } else {
    }
    %get3A = arith.constant 0 : index
    %get3A_2 = arith.constant 0 : index
    %get3A_3 = arith.constant 0 : index
    %get3A_4 = vector.load %arg3[%get3A, %get3A_2, %get3A_3] : memref<2x1280x1xf32, #tpu.memory_space<vmem>>, vector<2x1280x1xf32>
    %slice3A = vector.extract_strided_slice %get3A_4 {offsets = [0, 0, 0], sizes = [1, 1280, 1], strides = [1, 1, 1]} : vector<2x1280x1xf32> to vector<1x1280x1xf32>
    %squeeze3A = vector.shape_cast %slice3A : vector<1x1280x1xf32> to vector<1280x1xf32>
    %slice3A_5 = vector.extract_strided_slice %get3A_4 {offsets = [1, 0, 0], sizes = [1, 1280, 1], strides = [1, 1, 1]} : vector<2x1280x1xf32> to vector<1x1280x1xf32>
    %squeeze3A_6 = vector.shape_cast %slice3A_5 : vector<1x1280x1xf32> to vector<1280x1xf32>
    %add3A = arith.addf %squeeze3A, %squeeze3A_6 : vector<1280x1xf32>
    %add3A_7 = arith.constant 1.000000e+00 : f32
    %add3A_8 = vector.broadcast %add3A_7 : f32 to vector<1280x1xf32>
    %add3A_9 = arith.addf %add3A, %add3A_8 : vector<1280x1xf32>
    %rsqrt3A = math.rsqrt %add3A_9 : vector<1280x1xf32>
    %get3A_10 = arith.constant 0 : index
    %get3A_11 = arith.constant 0 : index
    %get3A_12 = arith.constant 0 : index
    %get3A_13 = vector.load %arg1[%get3A_10, %get3A_11, %get3A_12] : memref<2x1280x128xf32, #tpu.memory_space<vmem>>, vector<1x1280x128xf32>
    %get3A_14 = vector.shape_cast %get3A_13 : vector<1x1280x128xf32> to vector<1280x128xf32>
    %get3A_15 = arith.constant 1 : index
    %get3A_16 = arith.constant 0 : index
    %get3A_17 = arith.constant 0 : index
    %get3A_18 = vector.load %arg1[%get3A_15, %get3A_16, %get3A_17] : memref<2x1280x128xf32, #tpu.memory_space<vmem>>, vector<1x1280x128xf32>
    %get3A_19 = vector.shape_cast %get3A_18 : vector<1x1280x128xf32> to vector<1280x128xf32>
    %add3A_20 = arith.addf %get3A_14, %get3A_19 : vector<1280x128xf32>
    %get3A_21 = arith.constant 0 : index
    %get3A_22 = arith.constant 0 : index
    %get3A_23 = vector.load %arg2[%get3A_21, %get3A_22] : memref<1280x128xf32, #tpu.memory_space<vmem>>, vector<1280x128xf32>
    %add3A_24 = arith.addf %add3A_20, %get3A_23 : vector<1280x128xf32>
    %mul3A = vector.broadcast %rsqrt3A : vector<1280x1xf32> to vector<1280x128xf32>
    %mul3A_25 = arith.mulf %mul3A, %add3A_24 : vector<1280x128xf32>
    %get3A_26 = arith.constant 0 : index
    %get3A_27 = arith.constant 0 : index
    %get3A_28 = vector.load %arg4[%get3A_26, %get3A_27] : memref<1x128xf32, #tpu.memory_space<vmem>>, vector<1x128xf32>
    %add3A_29 = vector.broadcast %get3A_28 : vector<1x128xf32> to vector<1280x128xf32>
    %add3A_30 = arith.addf %mul3A_25, %add3A_29 : vector<1280x128xf32>
    %tanh3A = math.tanh %add3A_30 : vector<1280x128xf32>
    %get3A_31 = arith.constant 0 : index
    %get3A_32 = arith.constant 0 : index
    %get3A_33 = vector.load %arg5[%get3A_31, %get3A_32] : memref<1280x1xi32, #tpu.memory_space<vmem>>, vector<1280x1xi32>
    %iota3A = tpu.iota {dimensions = array<i32: 1>} : vector<1x64xi32>
    %eq3A_34 = vector.broadcast %get3A_33 : vector<1280x1xi32> to vector<1280x64xi32>
    %eq3A_35 = vector.broadcast %iota3A : vector<1x64xi32> to vector<1280x64xi32>
    %eq3A_36 = arith.cmpi eq, %eq3A_34, %eq3A_35 : vector<1280x64xi32>
    %convert_element_type3A_37 = arith.extui %eq3A_36 : vector<1280x64xi1> to vector<1280x64xi32>
    %convert_element_type3A_38 = arith.sitofp %convert_element_type3A_37 : vector<1280x64xi32> to vector<1280x64xf32>
    %get3A_39 = arith.constant 0 : index
    %get3A_40 = arith.constant 0 : index
    %get3A_41 = vector.load %arg10[%get3A_39, %get3A_40] : memref<64x128xf32, #tpu.memory_space<vmem>>, vector<64x128xf32>
    %dot_general3A = arith.constant dense<0.000000e+00> : vector<64x128xf32>
    %dot_general3A_42 = tpu.matmul %convert_element_type3A_38, %tanh3A, %dot_general3A {dimension_numbers = #tpu.dot_dimension_numbers<[0], [0], [1], [1], [0, 1, 1, 1], [], []>, transpose_lhs_hint = false} : vector<1280x64xf32>, vector<1280x128xf32>, vector<64x128xf32> -> vector<64x128xf32>
    %add3A_43 = arith.addf %get3A_41, %dot_general3A_42 : vector<64x128xf32>
    %swap3A = arith.constant 0 : index
    %swap3A_44 = arith.constant 0 : index
    %swap3A_45 = vector.load %arg10[%swap3A, %swap3A_44] : memref<64x128xf32, #tpu.memory_space<vmem>>, vector<64x128xf32>
    tpu.vector_store %arg10[%swap3A, %swap3A_44], %add3A_43 {strides = array<i32>} : memref<64x128xf32, #tpu.memory_space<vmem>>, vector<64x128xf32>,
    %get3A_46 = arith.constant 0 : index
    %get3A_47 = arith.constant 0 : index
    %get3A_48 = vector.load %arg11[%get3A_46, %get3A_47] : memref<64x1xf32, #tpu.memory_space<vmem>>, vector<64x1xf32>
    %broadcast_in_dim3A = arith.constant 1.000000e+00 : f32
    %broadcast_in_dim3A_49 = vector.broadcast %broadcast_in_dim3A : f32 to vector<1280x1xf32>
    %dot_general3A_50 = arith.constant dense<0.000000e+00> : vector<64x1xf32>
    %dot_general3A_51 = tpu.matmul %convert_element_type3A_38, %broadcast_in_dim3A_49, %dot_general3A_50 {dimension_numbers = #tpu.dot_dimension_numbers<[0], [0], [1], [1], [0, 1, 1, 1], [], []>, transpose_lhs_hint = false} : vector<1280x64xf32>, vector<1280x1xf32>, vector<64x1xf32> -> vector<64x1xf32>
    %add3A_52 = arith.addf %get3A_48, %dot_general3A_51 : vector<64x1xf32>
    %swap3A_53 = arith.constant 0 : index
    %swap3A_54 = arith.constant 0 : index
    %swap3A_55 = vector.load %arg11[%swap3A_53, %swap3A_54] : memref<64x1xf32, #tpu.memory_space<vmem>>, vector<64x1xf32>
    tpu.vector_store %arg11[%swap3A_53, %swap3A_54], %add3A_52 {strides = array<i32>} : memref<64x1xf32, #tpu.memory_space<vmem>>, vector<64x1xf32>,
    %eq3A_56 = arith.constant 0 : i32
    %eq3A_57 = vector.broadcast %eq3A_56 : i32 to vector<1280x1xi32>
    %eq3A_58 = arith.cmpi eq, %get3A_33, %eq3A_57 : vector<1280x1xi32>
    %jit3A = arith.constant 0xFF800000 : f32
    %broadcast_in_dim3A_59 = vector.shape_cast %eq3A_58 : vector<1280x1xi1> to vector<1280x1xi1>
    %broadcast_in_dim3A_60 = vector.broadcast %broadcast_in_dim3A_59 : vector<1280x1xi1> to vector<1280x128xi1>
    %broadcast_in_dim3A_61 = vector.broadcast %jit3A : f32 to vector<1280x128xf32>
    %select_n3A = arith.select %broadcast_in_dim3A_60, %tanh3A, %broadcast_in_dim3A_61 : vector<1280x128xi1>, vector<1280x128xf32>
    %reduce_max3A = arith.constant dense<0xFF800000> : vector<128xf32>
    %reduce_max3A_62 = vector.multi_reduction <maximumf>, %select_n3A, %reduce_max3A [0] : vector<1280x128xf32> to vector<128xf32>
    %get3A_63 = arith.constant 0 : index
    %get3A_64 = arith.constant 0 : index
    %get3A_65 = vector.load %arg9[%get3A_63, %get3A_64] : memref<64x128xf32, #tpu.memory_space<vmem>>, vector<1x128xf32>
    %broadcast_in_dim3A_66 = vector.shape_cast %reduce_max3A_62 : vector<128xf32> to vector<1x128xf32>
    %max3A = arith.maximumf %get3A_65, %broadcast_in_dim3A_66 : vector<1x128xf32>
    %swap3A_67 = arith.constant 0 : index
    %swap3A_68 = arith.constant 0 : index
    %swap3A_69 = vector.load %arg9[%swap3A_67, %swap3A_68] : memref<64x128xf32, #tpu.memory_space<vmem>>, vector<1x128xf32>
    tpu.vector_store %arg9[%swap3A_67, %swap3A_68], %max3A {strides = array<i32>} : memref<64x128xf32, #tpu.memory_space<vmem>>, vector<1x128xf32>,
    %eq3A_70 = arith.constant 1 : i32
    %eq3A_71 = vector.broadcast %eq3A_70 : i32 to vector<1280x1xi32>
    %eq3A_72 = arith.cmpi eq, %get3A_33, %eq3A_71 : vector<1280x1xi32>
    %jit3A_73 = arith.constant 0xFF800000 : f32
    %broadcast_in_dim3A_74 = vector.shape_cast %eq3A_72 : vector<1280x1xi1> to vector<1280x1xi1>
    %broadcast_in_dim3A_75 = vector.broadcast %broadcast_in_dim3A_74 : vector<1280x1xi1> to vector<1280x128xi1>
    %broadcast_in_dim3A_76 = vector.broadcast %jit3A_73 : f32 to vector<1280x128xf32>
    %select_n3A_77 = arith.select %broadcast_in_dim3A_75, %tanh3A, %broadcast_in_dim3A_76 : vector<1280x128xi1>, vector<1280x128xf32>
    %reduce_max3A_78 = arith.constant dense<0xFF800000> : vector<128xf32>
    %reduce_max3A_79 = vector.multi_reduction <maximumf>, %select_n3A_77, %reduce_max3A_78 [0] : vector<1280x128xf32> to vector<128xf32>
    %get3A_80 = arith.constant 1 : index
    %get3A_81 = arith.constant 0 : index
    %get3A_82 = vector.load %arg9[%get3A_80, %get3A_81] : memref<64x128xf32, #tpu.memory_space<vmem>>, vector<1x128xf32>
    %broadcast_in_dim3A_83 = vector.shape_cast %reduce_max3A_79 : vector<128xf32> to vector<1x128xf32>
    %max3A_84 = arith.maximumf %get3A_82, %broadcast_in_dim3A_83 : vector<1x128xf32>
    %swap3A_85 = arith.constant 1 : index
    %swap3A_86 = arith.constant 0 : index
    %swap3A_87 = vector.load %arg9[%swap3A_85, %swap3A_86] : memref<64x128xf32, #tpu.memory_space<vmem>>, vector<1x128xf32>
    tpu.vector_store %arg9[%swap3A_85, %swap3A_86], %max3A_84 {strides = array<i32>} : memref<64x128xf32, #tpu.memory_space<vmem>>, vector<1x128xf32>,
    %eq3A_88 = arith.constant 2 : i32
    %eq3A_89 = vector.broadcast %eq3A_88 : i32 to vector<1280x1xi32>
    %eq3A_90 = arith.cmpi eq, %get3A_33, %eq3A_89 : vector<1280x1xi32>
    %jit3A_91 = arith.constant 0xFF800000 : f32
    %broadcast_in_dim3A_92 = vector.shape_cast %eq3A_90 : vector<1280x1xi1> to vector<1280x1xi1>
    %broadcast_in_dim3A_93 = vector.broadcast %broadcast_in_dim3A_92 : vector<1280x1xi1> to vector<1280x128xi1>
    %broadcast_in_dim3A_94 = vector.broadcast %jit3A_91 : f32 to vector<1280x128xf32>
    %select_n3A_95 = arith.select %broadcast_in_dim3A_93, %tanh3A, %broadcast_in_dim3A_94 : vector<1280x128xi1>, vector<1280x128xf32>
    %reduce_max3A_96 = arith.constant dense<0xFF800000> : vector<128xf32>
    %reduce_max3A_97 = vector.multi_reduction <maximumf>, %select_n3A_95, %reduce_max3A_96 [0] : vector<1280x128xf32> to vector<128xf32>
    %get3A_98 = arith.constant 2 : index
    %get3A_99 = arith.constant 0 : index
    %get3A_100 = vector.load %arg9[%get3A_98, %get3A_99] : memref<64x128xf32, #tpu.memory_space<vmem>>, vector<1x128xf32>
    %broadcast_in_dim3A_101 = vector.shape_cast %reduce_max3A_97 : vector<128xf32> to vector<1x128xf32>
    %max3A_102 = arith.maximumf %get3A_100, %broadcast_in_dim3A_101 : vector<1x128xf32>
    %swap3A_103 = arith.constant 2 : index
    %swap3A_104 = arith.constant 0 : index
    %swap3A_105 = vector.load %arg9[%swap3A_103, %swap3A_104] : memref<64x128xf32, #tpu.memory_space<vmem>>, vector<1x128xf32>
    tpu.vector_store %arg9[%swap3A_103, %swap3A_104], %max3A_102 {strides = array<i32>} : memref<64x128xf32, #tpu.memory_space<vmem>>, vector<1x128xf32>,
    %eq3A_106 = arith.constant 3 : i32
    %eq3A_107 = vector.broadcast %eq3A_106 : i32 to vector<1280x1xi32>
    %eq3A_108 = arith.cmpi eq, %get3A_33, %eq3A_107 : vector<1280x1xi32>
    %jit3A_109 = arith.constant 0xFF800000 : f32
    %broadcast_in_dim3A_110 = vector.shape_cast %eq3A_108 : vector<1280x1xi1> to vector<1280x1xi1>
    %broadcast_in_dim3A_111 = vector.broadcast %broadcast_in_dim3A_110 : vector<1280x1xi1> to vector<1280x128xi1>
    %broadcast_in_dim3A_112 = vector.broadcast %jit3A_109 : f32 to vector<1280x128xf32>
    %select_n3A_113 = arith.select %broadcast_in_dim3A_111, %tanh3A, %broadcast_in_dim3A_112 : vector<1280x128xi1>, vector<1280x128xf32>
    %reduce_max3A_114 = arith.constant dense<0xFF800000> : vector<128xf32>
    %reduce_max3A_115 = vector.multi_reduction <maximumf>, %select_n3A_113, %reduce_max3A_114 [0] : vector<1280x128xf32> to vector<128xf32>
    %get3A_116 = arith.constant 3 : index
    %get3A_117 = arith.constant 0 : index
    %get3A_118 = vector.load %arg9[%get3A_116, %get3A_117] : memref<64x128xf32, #tpu.memory_space<vmem>>, vector<1x128xf32>
    %broadcast_in_dim3A_119 = vector.shape_cast %reduce_max3A_115 : vector<128xf32> to vector<1x128xf32>
    %max3A_120 = arith.maximumf %get3A_118, %broadcast_in_dim3A_119 : vector<1x128xf32>
    %swap3A_121 = arith.constant 3 : index
    %swap3A_122 = arith.constant 0 : index
    %swap3A_123 = vector.load %arg9[%swap3A_121, %swap3A_122] : memref<64x128xf32, #tpu.memory_space<vmem>>, vector<1x128xf32>
    tpu.vector_store %arg9[%swap3A_121, %swap3A_122], %max3A_120 {strides = array<i32>} : memref<64x128xf32, #tpu.memory_space<vmem>>, vector<1x128xf32>,
    %eq3A_124 = arith.constant 4 : i32
    %eq3A_125 = vector.broadcast %eq3A_124 : i32 to vector<1280x1xi32>
    %eq3A_126 = arith.cmpi eq, %get3A_33, %eq3A_125 : vector<1280x1xi32>
    %jit3A_127 = arith.constant 0xFF800000 : f32
    %broadcast_in_dim3A_128 = vector.shape_cast %eq3A_126 : vector<1280x1xi1> to vector<1280x1xi1>
    %broadcast_in_dim3A_129 = vector.broadcast %broadcast_in_dim3A_128 : vector<1280x1xi1> to vector<1280x128xi1>
    %broadcast_in_dim3A_130 = vector.broadcast %jit3A_127 : f32 to vector<1280x128xf32>
    %select_n3A_131 = arith.select %broadcast_in_dim3A_129, %tanh3A, %broadcast_in_dim3A_130 : vector<1280x128xi1>, vector<1280x128xf32>
    %reduce_max3A_132 = arith.constant dense<0xFF800000> : vector<128xf32>
    %reduce_max3A_133 = vector.multi_reduction <maximumf>, %select_n3A_131, %reduce_max3A_132 [0] : vector<1280x128xf32> to vector<128xf32>
    %get3A_134 = arith.constant 4 : index
    %get3A_135 = arith.constant 0 : index
    %get3A_136 = vector.load %arg9[%get3A_134, %get3A_135] : memref<64x128xf32, #tpu.memory_space<vmem>>, vector<1x128xf32>
    %broadcast_in_dim3A_137 = vector.shape_cast %reduce_max3A_133 : vector<128xf32> to vector<1x128xf32>
    %max3A_138 = arith.maximumf %get3A_136, %broadcast_in_dim3A_137 : vector<1x128xf32>
    %swap3A_139 = arith.constant 4 : index
    %swap3A_140 = arith.constant 0 : index
    %swap3A_141 = vector.load %arg9[%swap3A_139, %swap3A_140] : memref<64x128xf32, #tpu.memory_space<vmem>>, vector<1x128xf32>
    tpu.vector_store %arg9[%swap3A_139, %swap3A_140], %max3A_138 {strides = array<i32>} : memref<64x128xf32, #tpu.memory_space<vmem>>, vector<1x128xf32>,
    %eq3A_142 = arith.constant 5 : i32
    %eq3A_143 = vector.broadcast %eq3A_142 : i32 to vector<1280x1xi32>
    %eq3A_144 = arith.cmpi eq, %get3A_33, %eq3A_143 : vector<1280x1xi32>
    %jit3A_145 = arith.constant 0xFF800000 : f32
    %broadcast_in_dim3A_146 = vector.shape_cast %eq3A_144 : vector<1280x1xi1> to vector<1280x1xi1>
    %broadcast_in_dim3A_147 = vector.broadcast %broadcast_in_dim3A_146 : vector<1280x1xi1> to vector<1280x128xi1>
    %broadcast_in_dim3A_148 = vector.broadcast %jit3A_145 : f32 to vector<1280x128xf32>
    %select_n3A_149 = arith.select %broadcast_in_dim3A_147, %tanh3A, %broadcast_in_dim3A_148 : vector<1280x128xi1>, vector<1280x128xf32>
    %reduce_max3A_150 = arith.constant dense<0xFF800000> : vector<128xf32>
    %reduce_max3A_151 = vector.multi_reduction <maximumf>, %select_n3A_149, %reduce_max3A_150 [0] : vector<1280x128xf32> to vector<128xf32>
    %get3A_152 = arith.constant 5 : index
    %get3A_153 = arith.constant 0 : index
    %get3A_154 = vector.load %arg9[%get3A_152, %get3A_153] : memref<64x128xf32, #tpu.memory_space<vmem>>, vector<1x128xf32>
    %broadcast_in_dim3A_155 = vector.shape_cast %reduce_max3A_151 : vector<128xf32> to vector<1x128xf32>
    %max3A_156 = arith.maximumf %get3A_154, %broadcast_in_dim3A_155 : vector<1x128xf32>
    %swap3A_157 = arith.constant 5 : index
    %swap3A_158 = arith.constant 0 : index
    %swap3A_159 = vector.load %arg9[%swap3A_157, %swap3A_158] : memref<64x128xf32, #tpu.memory_space<vmem>>, vector<1x128xf32>
    tpu.vector_store %arg9[%swap3A_157, %swap3A_158], %max3A_156 {strides = array<i32>} : memref<64x128xf32, #tpu.memory_space<vmem>>, vector<1x128xf32>,
    %eq3A_160 = arith.constant 6 : i32
    %eq3A_161 = vector.broadcast %eq3A_160 : i32 to vector<1280x1xi32>
    %eq3A_162 = arith.cmpi eq, %get3A_33, %eq3A_161 : vector<1280x1xi32>
    %jit3A_163 = arith.constant 0xFF800000 : f32
    %broadcast_in_dim3A_164 = vector.shape_cast %eq3A_162 : vector<1280x1xi1> to vector<1280x1xi1>
    %broadcast_in_dim3A_165 = vector.broadcast %broadcast_in_dim3A_164 : vector<1280x1xi1> to vector<1280x128xi1>
    %broadcast_in_dim3A_166 = vector.broadcast %jit3A_163 : f32 to vector<1280x128xf32>
    %select_n3A_167 = arith.select %broadcast_in_dim3A_165, %tanh3A, %broadcast_in_dim3A_166 : vector<1280x128xi1>, vector<1280x128xf32>
    %reduce_max3A_168 = arith.constant dense<0xFF800000> : vector<128xf32>
    %reduce_max3A_169 = vector.multi_reduction <maximumf>, %select_n3A_167, %reduce_max3A_168 [0] : vector<1280x128xf32> to vector<128xf32>
    %get3A_170 = arith.constant 6 : index
    %get3A_171 = arith.constant 0 : index
    %get3A_172 = vector.load %arg9[%get3A_170, %get3A_171] : memref<64x128xf32, #tpu.memory_space<vmem>>, vector<1x128xf32>
    %broadcast_in_dim3A_173 = vector.shape_cast %reduce_max3A_169 : vector<128xf32> to vector<1x128xf32>
    %max3A_174 = arith.maximumf %get3A_172, %broadcast_in_dim3A_173 : vector<1x128xf32>
    %swap3A_175 = arith.constant 6 : index
    %swap3A_176 = arith.constant 0 : index
    %swap3A_177 = vector.load %arg9[%swap3A_175, %swap3A_176] : memref<64x128xf32, #tpu.memory_space<vmem>>, vector<1x128xf32>
    tpu.vector_store %arg9[%swap3A_175, %swap3A_176], %max3A_174 {strides = array<i32>} : memref<64x128xf32, #tpu.memory_space<vmem>>, vector<1x128xf32>,
    %eq3A_178 = arith.constant 7 : i32
    %eq3A_179 = vector.broadcast %eq3A_178 : i32 to vector<1280x1xi32>
    %eq3A_180 = arith.cmpi eq, %get3A_33, %eq3A_179 : vector<1280x1xi32>
    %jit3A_181 = arith.constant 0xFF800000 : f32
    %broadcast_in_dim3A_182 = vector.shape_cast %eq3A_180 : vector<1280x1xi1> to vector<1280x1xi1>
    %broadcast_in_dim3A_183 = vector.broadcast %broadcast_in_dim3A_182 : vector<1280x1xi1> to vector<1280x128xi1>
    %broadcast_in_dim3A_184 = vector.broadcast %jit3A_181 : f32 to vector<1280x128xf32>
    %select_n3A_185 = arith.select %broadcast_in_dim3A_183, %tanh3A, %broadcast_in_dim3A_184 : vector<1280x128xi1>, vector<1280x128xf32>
    %reduce_max3A_186 = arith.constant dense<0xFF800000> : vector<128xf32>
    %reduce_max3A_187 = vector.multi_reduction <maximumf>, %select_n3A_185, %reduce_max3A_186 [0] : vector<1280x128xf32> to vector<128xf32>
    %get3A_188 = arith.constant 7 : index
    %get3A_189 = arith.constant 0 : index
    %get3A_190 = vector.load %arg9[%get3A_188, %get3A_189] : memref<64x128xf32, #tpu.memory_space<vmem>>, vector<1x128xf32>
    %broadcast_in_dim3A_191 = vector.shape_cast %reduce_max3A_187 : vector<128xf32> to vector<1x128xf32>
    %max3A_192 = arith.maximumf %get3A_190, %broadcast_in_dim3A_191 : vector<1x128xf32>
    %swap3A_193 = arith.constant 7 : index
    %swap3A_194 = arith.constant 0 : index
    %swap3A_195 = vector.load %arg9[%swap3A_193, %swap3A_194] : memref<64x128xf32, #tpu.memory_space<vmem>>, vector<1x128xf32>
    tpu.vector_store %arg9[%swap3A_193, %swap3A_194], %max3A_192 {strides = array<i32>} : memref<64x128xf32, #tpu.memory_space<vmem>>, vector<1x128xf32>,
    %eq3A_196 = arith.constant 8 : i32
    %eq3A_197 = vector.broadcast %eq3A_196 : i32 to vector<1280x1xi32>
    %eq3A_198 = arith.cmpi eq, %get3A_33, %eq3A_197 : vector<1280x1xi32>
    %jit3A_199 = arith.constant 0xFF800000 : f32
    %broadcast_in_dim3A_200 = vector.shape_cast %eq3A_198 : vector<1280x1xi1> to vector<1280x1xi1>
    %broadcast_in_dim3A_201 = vector.broadcast %broadcast_in_dim3A_200 : vector<1280x1xi1> to vector<1280x128xi1>
    %broadcast_in_dim3A_202 = vector.broadcast %jit3A_199 : f32 to vector<1280x128xf32>
    %select_n3A_203 = arith.select %broadcast_in_dim3A_201, %tanh3A, %broadcast_in_dim3A_202 : vector<1280x128xi1>, vector<1280x128xf32>
    %reduce_max3A_204 = arith.constant dense<0xFF800000> : vector<128xf32>
    %reduce_max3A_205 = vector.multi_reduction <maximumf>, %select_n3A_203, %reduce_max3A_204 [0] : vector<1280x128xf32> to vector<128xf32>
    %get3A_206 = arith.constant 8 : index
    %get3A_207 = arith.constant 0 : index
    %get3A_208 = vector.load %arg9[%get3A_206, %get3A_207] : memref<64x128xf32, #tpu.memory_space<vmem>>, vector<1x128xf32>
    %broadcast_in_dim3A_209 = vector.shape_cast %reduce_max3A_205 : vector<128xf32> to vector<1x128xf32>
    %max3A_210 = arith.maximumf %get3A_208, %broadcast_in_dim3A_209 : vector<1x128xf32>
    %swap3A_211 = arith.constant 8 : index
    %swap3A_212 = arith.constant 0 : index
    %swap3A_213 = vector.load %arg9[%swap3A_211, %swap3A_212] : memref<64x128xf32, #tpu.memory_space<vmem>>, vector<1x128xf32>
    tpu.vector_store %arg9[%swap3A_211, %swap3A_212], %max3A_210 {strides = array<i32>} : memref<64x128xf32, #tpu.memory_space<vmem>>, vector<1x128xf32>,
    %eq3A_214 = arith.constant 9 : i32
    %eq3A_215 = vector.broadcast %eq3A_214 : i32 to vector<1280x1xi32>
    %eq3A_216 = arith.cmpi eq, %get3A_33, %eq3A_215 : vector<1280x1xi32>
    %jit3A_217 = arith.constant 0xFF800000 : f32
    %broadcast_in_dim3A_218 = vector.shape_cast %eq3A_216 : vector<1280x1xi1> to vector<1280x1xi1>
    %broadcast_in_dim3A_219 = vector.broadcast %broadcast_in_dim3A_218 : vector<1280x1xi1> to vector<1280x128xi1>
    %broadcast_in_dim3A_220 = vector.broadcast %jit3A_217 : f32 to vector<1280x128xf32>
    %select_n3A_221 = arith.select %broadcast_in_dim3A_219, %tanh3A, %broadcast_in_dim3A_220 : vector<1280x128xi1>, vector<1280x128xf32>
    %reduce_max3A_222 = arith.constant dense<0xFF800000> : vector<128xf32>
    %reduce_max3A_223 = vector.multi_reduction <maximumf>, %select_n3A_221, %reduce_max3A_222 [0] : vector<1280x128xf32> to vector<128xf32>
    %get3A_224 = arith.constant 9 : index
    %get3A_225 = arith.constant 0 : index
    %get3A_226 = vector.load %arg9[%get3A_224, %get3A_225] : memref<64x128xf32, #tpu.memory_space<vmem>>, vector<1x128xf32>
    %broadcast_in_dim3A_227 = vector.shape_cast %reduce_max3A_223 : vector<128xf32> to vector<1x128xf32>
    %max3A_228 = arith.maximumf %get3A_226, %broadcast_in_dim3A_227 : vector<1x128xf32>
    %swap3A_229 = arith.constant 9 : index
    %swap3A_230 = arith.constant 0 : index
    %swap3A_231 = vector.load %arg9[%swap3A_229, %swap3A_230] : memref<64x128xf32, #tpu.memory_space<vmem>>, vector<1x128xf32>
    tpu.vector_store %arg9[%swap3A_229, %swap3A_230], %max3A_228 {strides = array<i32>} : memref<64x128xf32, #tpu.memory_space<vmem>>, vector<1x128xf32>,
    %eq3A_232 = arith.constant 10 : i32
    %eq3A_233 = vector.broadcast %eq3A_232 : i32 to vector<1280x1xi32>
    %eq3A_234 = arith.cmpi eq, %get3A_33, %eq3A_233 : vector<1280x1xi32>
    %jit3A_235 = arith.constant 0xFF800000 : f32
    %broadcast_in_dim3A_236 = vector.shape_cast %eq3A_234 : vector<1280x1xi1> to vector<1280x1xi1>
    %broadcast_in_dim3A_237 = vector.broadcast %broadcast_in_dim3A_236 : vector<1280x1xi1> to vector<1280x128xi1>
    %broadcast_in_dim3A_238 = vector.broadcast %jit3A_235 : f32 to vector<1280x128xf32>
    %select_n3A_239 = arith.select %broadcast_in_dim3A_237, %tanh3A, %broadcast_in_dim3A_238 : vector<1280x128xi1>, vector<1280x128xf32>
    %reduce_max3A_240 = arith.constant dense<0xFF800000> : vector<128xf32>
    %reduce_max3A_241 = vector.multi_reduction <maximumf>, %select_n3A_239, %reduce_max3A_240 [0] : vector<1280x128xf32> to vector<128xf32>
    %get3A_242 = arith.constant 10 : index
    %get3A_243 = arith.constant 0 : index
    %get3A_244 = vector.load %arg9[%get3A_242, %get3A_243] : memref<64x128xf32, #tpu.memory_space<vmem>>, vector<1x128xf32>
    %broadcast_in_dim3A_245 = vector.shape_cast %reduce_max3A_241 : vector<128xf32> to vector<1x128xf32>
    %max3A_246 = arith.maximumf %get3A_244, %broadcast_in_dim3A_245 : vector<1x128xf32>
    %swap3A_247 = arith.constant 10 : index
    %swap3A_248 = arith.constant 0 : index
    %swap3A_249 = vector.load %arg9[%swap3A_247, %swap3A_248] : memref<64x128xf32, #tpu.memory_space<vmem>>, vector<1x128xf32>
    tpu.vector_store %arg9[%swap3A_247, %swap3A_248], %max3A_246 {strides = array<i32>} : memref<64x128xf32, #tpu.memory_space<vmem>>, vector<1x128xf32>,
    %eq3A_250 = arith.constant 11 : i32
    %eq3A_251 = vector.broadcast %eq3A_250 : i32 to vector<1280x1xi32>
    %eq3A_252 = arith.cmpi eq, %get3A_33, %eq3A_251 : vector<1280x1xi32>
    %jit3A_253 = arith.constant 0xFF800000 : f32
    %broadcast_in_dim3A_254 = vector.shape_cast %eq3A_252 : vector<1280x1xi1> to vector<1280x1xi1>
    %broadcast_in_dim3A_255 = vector.broadcast %broadcast_in_dim3A_254 : vector<1280x1xi1> to vector<1280x128xi1>
    %broadcast_in_dim3A_256 = vector.broadcast %jit3A_253 : f32 to vector<1280x128xf32>
    %select_n3A_257 = arith.select %broadcast_in_dim3A_255, %tanh3A, %broadcast_in_dim3A_256 : vector<1280x128xi1>, vector<1280x128xf32>
    %reduce_max3A_258 = arith.constant dense<0xFF800000> : vector<128xf32>
    %reduce_max3A_259 = vector.multi_reduction <maximumf>, %select_n3A_257, %reduce_max3A_258 [0] : vector<1280x128xf32> to vector<128xf32>
    %get3A_260 = arith.constant 11 : index
    %get3A_261 = arith.constant 0 : index
    %get3A_262 = vector.load %arg9[%get3A_260, %get3A_261] : memref<64x128xf32, #tpu.memory_space<vmem>>, vector<1x128xf32>
    %broadcast_in_dim3A_263 = vector.shape_cast %reduce_max3A_259 : vector<128xf32> to vector<1x128xf32>
    %max3A_264 = arith.maximumf %get3A_262, %broadcast_in_dim3A_263 : vector<1x128xf32>
    %swap3A_265 = arith.constant 11 : index
    %swap3A_266 = arith.constant 0 : index
    %swap3A_267 = vector.load %arg9[%swap3A_265, %swap3A_266] : memref<64x128xf32, #tpu.memory_space<vmem>>, vector<1x128xf32>
    tpu.vector_store %arg9[%swap3A_265, %swap3A_266], %max3A_264 {strides = array<i32>} : memref<64x128xf32, #tpu.memory_space<vmem>>, vector<1x128xf32>,
    %eq3A_268 = arith.constant 12 : i32
    %eq3A_269 = vector.broadcast %eq3A_268 : i32 to vector<1280x1xi32>
    %eq3A_270 = arith.cmpi eq, %get3A_33, %eq3A_269 : vector<1280x1xi32>
    %jit3A_271 = arith.constant 0xFF800000 : f32
    %broadcast_in_dim3A_272 = vector.shape_cast %eq3A_270 : vector<1280x1xi1> to vector<1280x1xi1>
    %broadcast_in_dim3A_273 = vector.broadcast %broadcast_in_dim3A_272 : vector<1280x1xi1> to vector<1280x128xi1>
    %broadcast_in_dim3A_274 = vector.broadcast %jit3A_271 : f32 to vector<1280x128xf32>
    %select_n3A_275 = arith.select %broadcast_in_dim3A_273, %tanh3A, %broadcast_in_dim3A_274 : vector<1280x128xi1>, vector<1280x128xf32>
    %reduce_max3A_276 = arith.constant dense<0xFF800000> : vector<128xf32>
    %reduce_max3A_277 = vector.multi_reduction <maximumf>, %select_n3A_275, %reduce_max3A_276 [0] : vector<1280x128xf32> to vector<128xf32>
    %get3A_278 = arith.constant 12 : index
    %get3A_279 = arith.constant 0 : index
    %get3A_280 = vector.load %arg9[%get3A_278, %get3A_279] : memref<64x128xf32, #tpu.memory_space<vmem>>, vector<1x128xf32>
    %broadcast_in_dim3A_281 = vector.shape_cast %reduce_max3A_277 : vector<128xf32> to vector<1x128xf32>
    %max3A_282 = arith.maximumf %get3A_280, %broadcast_in_dim3A_281 : vector<1x128xf32>
    %swap3A_283 = arith.constant 12 : index
    %swap3A_284 = arith.constant 0 : index
    %swap3A_285 = vector.load %arg9[%swap3A_283, %swap3A_284] : memref<64x128xf32, #tpu.memory_space<vmem>>, vector<1x128xf32>
    tpu.vector_store %arg9[%swap3A_283, %swap3A_284], %max3A_282 {strides = array<i32>} : memref<64x128xf32, #tpu.memory_space<vmem>>, vector<1x128xf32>,
    %eq3A_286 = arith.constant 13 : i32
    %eq3A_287 = vector.broadcast %eq3A_286 : i32 to vector<1280x1xi32>
    %eq3A_288 = arith.cmpi eq, %get3A_33, %eq3A_287 : vector<1280x1xi32>
    %jit3A_289 = arith.constant 0xFF800000 : f32
    %broadcast_in_dim3A_290 = vector.shape_cast %eq3A_288 : vector<1280x1xi1> to vector<1280x1xi1>
    %broadcast_in_dim3A_291 = vector.broadcast %broadcast_in_dim3A_290 : vector<1280x1xi1> to vector<1280x128xi1>
    %broadcast_in_dim3A_292 = vector.broadcast %jit3A_289 : f32 to vector<1280x128xf32>
    %select_n3A_293 = arith.select %broadcast_in_dim3A_291, %tanh3A, %broadcast_in_dim3A_292 : vector<1280x128xi1>, vector<1280x128xf32>
    %reduce_max3A_294 = arith.constant dense<0xFF800000> : vector<128xf32>
    %reduce_max3A_295 = vector.multi_reduction <maximumf>, %select_n3A_293, %reduce_max3A_294 [0] : vector<1280x128xf32> to vector<128xf32>
    %get3A_296 = arith.constant 13 : index
    %get3A_297 = arith.constant 0 : index
    %get3A_298 = vector.load %arg9[%get3A_296, %get3A_297] : memref<64x128xf32, #tpu.memory_space<vmem>>, vector<1x128xf32>
    %broadcast_in_dim3A_299 = vector.shape_cast %reduce_max3A_295 : vector<128xf32> to vector<1x128xf32>
    %max3A_300 = arith.maximumf %get3A_298, %broadcast_in_dim3A_299 : vector<1x128xf32>
    %swap3A_301 = arith.constant 13 : index
    %swap3A_302 = arith.constant 0 : index
    %swap3A_303 = vector.load %arg9[%swap3A_301, %swap3A_302] : memref<64x128xf32, #tpu.memory_space<vmem>>, vector<1x128xf32>
    tpu.vector_store %arg9[%swap3A_301, %swap3A_302], %max3A_300 {strides = array<i32>} : memref<64x128xf32, #tpu.memory_space<vmem>>, vector<1x128xf32>,
    %eq3A_304 = arith.constant 14 : i32
    %eq3A_305 = vector.broadcast %eq3A_304 : i32 to vector<1280x1xi32>
    %eq3A_306 = arith.cmpi eq, %get3A_33, %eq3A_305 : vector<1280x1xi32>
    %jit3A_307 = arith.constant 0xFF800000 : f32
    %broadcast_in_dim3A_308 = vector.shape_cast %eq3A_306 : vector<1280x1xi1> to vector<1280x1xi1>
    %broadcast_in_dim3A_309 = vector.broadcast %broadcast_in_dim3A_308 : vector<1280x1xi1> to vector<1280x128xi1>
    %broadcast_in_dim3A_310 = vector.broadcast %jit3A_307 : f32 to vector<1280x128xf32>
    %select_n3A_311 = arith.select %broadcast_in_dim3A_309, %tanh3A, %broadcast_in_dim3A_310 : vector<1280x128xi1>, vector<1280x128xf32>
    %reduce_max3A_312 = arith.constant dense<0xFF800000> : vector<128xf32>
    %reduce_max3A_313 = vector.multi_reduction <maximumf>, %select_n3A_311, %reduce_max3A_312 [0] : vector<1280x128xf32> to vector<128xf32>
    %get3A_314 = arith.constant 14 : index
    %get3A_315 = arith.constant 0 : index
    %get3A_316 = vector.load %arg9[%get3A_314, %get3A_315] : memref<64x128xf32, #tpu.memory_space<vmem>>, vector<1x128xf32>
    %broadcast_in_dim3A_317 = vector.shape_cast %reduce_max3A_313 : vector<128xf32> to vector<1x128xf32>
    %max3A_318 = arith.maximumf %get3A_316, %broadcast_in_dim3A_317 : vector<1x128xf32>
    %swap3A_319 = arith.constant 14 : index
    %swap3A_320 = arith.constant 0 : index
    %swap3A_321 = vector.load %arg9[%swap3A_319, %swap3A_320] : memref<64x128xf32, #tpu.memory_space<vmem>>, vector<1x128xf32>
    tpu.vector_store %arg9[%swap3A_319, %swap3A_320], %max3A_318 {strides = array<i32>} : memref<64x128xf32, #tpu.memory_space<vmem>>, vector<1x128xf32>,
    %eq3A_322 = arith.constant 15 : i32
    %eq3A_323 = vector.broadcast %eq3A_322 : i32 to vector<1280x1xi32>
    %eq3A_324 = arith.cmpi eq, %get3A_33, %eq3A_323 : vector<1280x1xi32>
    %jit3A_325 = arith.constant 0xFF800000 : f32
    %broadcast_in_dim3A_326 = vector.shape_cast %eq3A_324 : vector<1280x1xi1> to vector<1280x1xi1>
    %broadcast_in_dim3A_327 = vector.broadcast %broadcast_in_dim3A_326 : vector<1280x1xi1> to vector<1280x128xi1>
    %broadcast_in_dim3A_328 = vector.broadcast %jit3A_325 : f32 to vector<1280x128xf32>
    %select_n3A_329 = arith.select %broadcast_in_dim3A_327, %tanh3A, %broadcast_in_dim3A_328 : vector<1280x128xi1>, vector<1280x128xf32>
    %reduce_max3A_330 = arith.constant dense<0xFF800000> : vector<128xf32>
    %reduce_max3A_331 = vector.multi_reduction <maximumf>, %select_n3A_329, %reduce_max3A_330 [0] : vector<1280x128xf32> to vector<128xf32>
    %get3A_332 = arith.constant 15 : index
    %get3A_333 = arith.constant 0 : index
    %get3A_334 = vector.load %arg9[%get3A_332, %get3A_333] : memref<64x128xf32, #tpu.memory_space<vmem>>, vector<1x128xf32>
    %broadcast_in_dim3A_335 = vector.shape_cast %reduce_max3A_331 : vector<128xf32> to vector<1x128xf32>
    %max3A_336 = arith.maximumf %get3A_334, %broadcast_in_dim3A_335 : vector<1x128xf32>
    %swap3A_337 = arith.constant 15 : index
    %swap3A_338 = arith.constant 0 : index
    %swap3A_339 = vector.load %arg9[%swap3A_337, %swap3A_338] : memref<64x128xf32, #tpu.memory_space<vmem>>, vector<1x128xf32>
    tpu.vector_store %arg9[%swap3A_337, %swap3A_338], %max3A_336 {strides = array<i32>} : memref<64x128xf32, #tpu.memory_space<vmem>>, vector<1x128xf32>,
    %eq3A_340 = arith.constant 16 : i32
    %eq3A_341 = vector.broadcast %eq3A_340 : i32 to vector<1280x1xi32>
    %eq3A_342 = arith.cmpi eq, %get3A_33, %eq3A_341 : vector<1280x1xi32>
    %jit3A_343 = arith.constant 0xFF800000 : f32
    %broadcast_in_dim3A_344 = vector.shape_cast %eq3A_342 : vector<1280x1xi1> to vector<1280x1xi1>
    %broadcast_in_dim3A_345 = vector.broadcast %broadcast_in_dim3A_344 : vector<1280x1xi1> to vector<1280x128xi1>
    %broadcast_in_dim3A_346 = vector.broadcast %jit3A_343 : f32 to vector<1280x128xf32>
    %select_n3A_347 = arith.select %broadcast_in_dim3A_345, %tanh3A, %broadcast_in_dim3A_346 : vector<1280x128xi1>, vector<1280x128xf32>
    %reduce_max3A_348 = arith.constant dense<0xFF800000> : vector<128xf32>
    %reduce_max3A_349 = vector.multi_reduction <maximumf>, %select_n3A_347, %reduce_max3A_348 [0] : vector<1280x128xf32> to vector<128xf32>
    %get3A_350 = arith.constant 16 : index
    %get3A_351 = arith.constant 0 : index
    %get3A_352 = vector.load %arg9[%get3A_350, %get3A_351] : memref<64x128xf32, #tpu.memory_space<vmem>>, vector<1x128xf32>
    %broadcast_in_dim3A_353 = vector.shape_cast %reduce_max3A_349 : vector<128xf32> to vector<1x128xf32>
    %max3A_354 = arith.maximumf %get3A_352, %broadcast_in_dim3A_353 : vector<1x128xf32>
    %swap3A_355 = arith.constant 16 : index
    %swap3A_356 = arith.constant 0 : index
    %swap3A_357 = vector.load %arg9[%swap3A_355, %swap3A_356] : memref<64x128xf32, #tpu.memory_space<vmem>>, vector<1x128xf32>
    tpu.vector_store %arg9[%swap3A_355, %swap3A_356], %max3A_354 {strides = array<i32>} : memref<64x128xf32, #tpu.memory_space<vmem>>, vector<1x128xf32>,
    %eq3A_358 = arith.constant 17 : i32
    %eq3A_359 = vector.broadcast %eq3A_358 : i32 to vector<1280x1xi32>
    %eq3A_360 = arith.cmpi eq, %get3A_33, %eq3A_359 : vector<1280x1xi32>
    %jit3A_361 = arith.constant 0xFF800000 : f32
    %broadcast_in_dim3A_362 = vector.shape_cast %eq3A_360 : vector<1280x1xi1> to vector<1280x1xi1>
    %broadcast_in_dim3A_363 = vector.broadcast %broadcast_in_dim3A_362 : vector<1280x1xi1> to vector<1280x128xi1>
    %broadcast_in_dim3A_364 = vector.broadcast %jit3A_361 : f32 to vector<1280x128xf32>
    %select_n3A_365 = arith.select %broadcast_in_dim3A_363, %tanh3A, %broadcast_in_dim3A_364 : vector<1280x128xi1>, vector<1280x128xf32>
    %reduce_max3A_366 = arith.constant dense<0xFF800000> : vector<128xf32>
    %reduce_max3A_367 = vector.multi_reduction <maximumf>, %select_n3A_365, %reduce_max3A_366 [0] : vector<1280x128xf32> to vector<128xf32>
    %get3A_368 = arith.constant 17 : index
    %get3A_369 = arith.constant 0 : index
    %get3A_370 = vector.load %arg9[%get3A_368, %get3A_369] : memref<64x128xf32, #tpu.memory_space<vmem>>, vector<1x128xf32>
    %broadcast_in_dim3A_371 = vector.shape_cast %reduce_max3A_367 : vector<128xf32> to vector<1x128xf32>
    %max3A_372 = arith.maximumf %get3A_370, %broadcast_in_dim3A_371 : vector<1x128xf32>
    %swap3A_373 = arith.constant 17 : index
    %swap3A_374 = arith.constant 0 : index
    %swap3A_375 = vector.load %arg9[%swap3A_373, %swap3A_374] : memref<64x128xf32, #tpu.memory_space<vmem>>, vector<1x128xf32>
    tpu.vector_store %arg9[%swap3A_373, %swap3A_374], %max3A_372 {strides = array<i32>} : memref<64x128xf32, #tpu.memory_space<vmem>>, vector<1x128xf32>,
    %eq3A_376 = arith.constant 18 : i32
    %eq3A_377 = vector.broadcast %eq3A_376 : i32 to vector<1280x1xi32>
    %eq3A_378 = arith.cmpi eq, %get3A_33, %eq3A_377 : vector<1280x1xi32>
    %jit3A_379 = arith.constant 0xFF800000 : f32
    %broadcast_in_dim3A_380 = vector.shape_cast %eq3A_378 : vector<1280x1xi1> to vector<1280x1xi1>
    %broadcast_in_dim3A_381 = vector.broadcast %broadcast_in_dim3A_380 : vector<1280x1xi1> to vector<1280x128xi1>
    %broadcast_in_dim3A_382 = vector.broadcast %jit3A_379 : f32 to vector<1280x128xf32>
    %select_n3A_383 = arith.select %broadcast_in_dim3A_381, %tanh3A, %broadcast_in_dim3A_382 : vector<1280x128xi1>, vector<1280x128xf32>
    %reduce_max3A_384 = arith.constant dense<0xFF800000> : vector<128xf32>
    %reduce_max3A_385 = vector.multi_reduction <maximumf>, %select_n3A_383, %reduce_max3A_384 [0] : vector<1280x128xf32> to vector<128xf32>
    %get3A_386 = arith.constant 18 : index
    %get3A_387 = arith.constant 0 : index
    %get3A_388 = vector.load %arg9[%get3A_386, %get3A_387] : memref<64x128xf32, #tpu.memory_space<vmem>>, vector<1x128xf32>
    %broadcast_in_dim3A_389 = vector.shape_cast %reduce_max3A_385 : vector<128xf32> to vector<1x128xf32>
    %max3A_390 = arith.maximumf %get3A_388, %broadcast_in_dim3A_389 : vector<1x128xf32>
    %swap3A_391 = arith.constant 18 : index
    %swap3A_392 = arith.constant 0 : index
    %swap3A_393 = vector.load %arg9[%swap3A_391, %swap3A_392] : memref<64x128xf32, #tpu.memory_space<vmem>>, vector<1x128xf32>
    tpu.vector_store %arg9[%swap3A_391, %swap3A_392], %max3A_390 {strides = array<i32>} : memref<64x128xf32, #tpu.memory_space<vmem>>, vector<1x128xf32>,
    %eq3A_394 = arith.constant 19 : i32
    %eq3A_395 = vector.broadcast %eq3A_394 : i32 to vector<1280x1xi32>
    %eq3A_396 = arith.cmpi eq, %get3A_33, %eq3A_395 : vector<1280x1xi32>
    %jit3A_397 = arith.constant 0xFF800000 : f32
    %broadcast_in_dim3A_398 = vector.shape_cast %eq3A_396 : vector<1280x1xi1> to vector<1280x1xi1>
    %broadcast_in_dim3A_399 = vector.broadcast %broadcast_in_dim3A_398 : vector<1280x1xi1> to vector<1280x128xi1>
    %broadcast_in_dim3A_400 = vector.broadcast %jit3A_397 : f32 to vector<1280x128xf32>
    %select_n3A_401 = arith.select %broadcast_in_dim3A_399, %tanh3A, %broadcast_in_dim3A_400 : vector<1280x128xi1>, vector<1280x128xf32>
    %reduce_max3A_402 = arith.constant dense<0xFF800000> : vector<128xf32>
    %reduce_max3A_403 = vector.multi_reduction <maximumf>, %select_n3A_401, %reduce_max3A_402 [0] : vector<1280x128xf32> to vector<128xf32>
    %get3A_404 = arith.constant 19 : index
    %get3A_405 = arith.constant 0 : index
    %get3A_406 = vector.load %arg9[%get3A_404, %get3A_405] : memref<64x128xf32, #tpu.memory_space<vmem>>, vector<1x128xf32>
    %broadcast_in_dim3A_407 = vector.shape_cast %reduce_max3A_403 : vector<128xf32> to vector<1x128xf32>
    %max3A_408 = arith.maximumf %get3A_406, %broadcast_in_dim3A_407 : vector<1x128xf32>
    %swap3A_409 = arith.constant 19 : index
    %swap3A_410 = arith.constant 0 : index
    %swap3A_411 = vector.load %arg9[%swap3A_409, %swap3A_410] : memref<64x128xf32, #tpu.memory_space<vmem>>, vector<1x128xf32>
    tpu.vector_store %arg9[%swap3A_409, %swap3A_410], %max3A_408 {strides = array<i32>} : memref<64x128xf32, #tpu.memory_space<vmem>>, vector<1x128xf32>,
    %eq3A_412 = arith.constant 20 : i32
    %eq3A_413 = vector.broadcast %eq3A_412 : i32 to vector<1280x1xi32>
    %eq3A_414 = arith.cmpi eq, %get3A_33, %eq3A_413 : vector<1280x1xi32>
    %jit3A_415 = arith.constant 0xFF800000 : f32
    %broadcast_in_dim3A_416 = vector.shape_cast %eq3A_414 : vector<1280x1xi1> to vector<1280x1xi1>
    %broadcast_in_dim3A_417 = vector.broadcast %broadcast_in_dim3A_416 : vector<1280x1xi1> to vector<1280x128xi1>
    %broadcast_in_dim3A_418 = vector.broadcast %jit3A_415 : f32 to vector<1280x128xf32>
    %select_n3A_419 = arith.select %broadcast_in_dim3A_417, %tanh3A, %broadcast_in_dim3A_418 : vector<1280x128xi1>, vector<1280x128xf32>
    %reduce_max3A_420 = arith.constant dense<0xFF800000> : vector<128xf32>
    %reduce_max3A_421 = vector.multi_reduction <maximumf>, %select_n3A_419, %reduce_max3A_420 [0] : vector<1280x128xf32> to vector<128xf32>
    %get3A_422 = arith.constant 20 : index
    %get3A_423 = arith.constant 0 : index
    %get3A_424 = vector.load %arg9[%get3A_422, %get3A_423] : memref<64x128xf32, #tpu.memory_space<vmem>>, vector<1x128xf32>
    %broadcast_in_dim3A_425 = vector.shape_cast %reduce_max3A_421 : vector<128xf32> to vector<1x128xf32>
    %max3A_426 = arith.maximumf %get3A_424, %broadcast_in_dim3A_425 : vector<1x128xf32>
    %swap3A_427 = arith.constant 20 : index
    %swap3A_428 = arith.constant 0 : index
    %swap3A_429 = vector.load %arg9[%swap3A_427, %swap3A_428] : memref<64x128xf32, #tpu.memory_space<vmem>>, vector<1x128xf32>
    tpu.vector_store %arg9[%swap3A_427, %swap3A_428], %max3A_426 {strides = array<i32>} : memref<64x128xf32, #tpu.memory_space<vmem>>, vector<1x128xf32>,
    %eq3A_430 = arith.constant 21 : i32
    %eq3A_431 = vector.broadcast %eq3A_430 : i32 to vector<1280x1xi32>
    %eq3A_432 = arith.cmpi eq, %get3A_33, %eq3A_431 : vector<1280x1xi32>
    %jit3A_433 = arith.constant 0xFF800000 : f32
    %broadcast_in_dim3A_434 = vector.shape_cast %eq3A_432 : vector<1280x1xi1> to vector<1280x1xi1>
    %broadcast_in_dim3A_435 = vector.broadcast %broadcast_in_dim3A_434 : vector<1280x1xi1> to vector<1280x128xi1>
    %broadcast_in_dim3A_436 = vector.broadcast %jit3A_433 : f32 to vector<1280x128xf32>
    %select_n3A_437 = arith.select %broadcast_in_dim3A_435, %tanh3A, %broadcast_in_dim3A_436 : vector<1280x128xi1>, vector<1280x128xf32>
    %reduce_max3A_438 = arith.constant dense<0xFF800000> : vector<128xf32>
    %reduce_max3A_439 = vector.multi_reduction <maximumf>, %select_n3A_437, %reduce_max3A_438 [0] : vector<1280x128xf32> to vector<128xf32>
    %get3A_440 = arith.constant 21 : index
    %get3A_441 = arith.constant 0 : index
    %get3A_442 = vector.load %arg9[%get3A_440, %get3A_441] : memref<64x128xf32, #tpu.memory_space<vmem>>, vector<1x128xf32>
    %broadcast_in_dim3A_443 = vector.shape_cast %reduce_max3A_439 : vector<128xf32> to vector<1x128xf32>
    %max3A_444 = arith.maximumf %get3A_442, %broadcast_in_dim3A_443 : vector<1x128xf32>
    %swap3A_445 = arith.constant 21 : index
    %swap3A_446 = arith.constant 0 : index
    %swap3A_447 = vector.load %arg9[%swap3A_445, %swap3A_446] : memref<64x128xf32, #tpu.memory_space<vmem>>, vector<1x128xf32>
    tpu.vector_store %arg9[%swap3A_445, %swap3A_446], %max3A_444 {strides = array<i32>} : memref<64x128xf32, #tpu.memory_space<vmem>>, vector<1x128xf32>,
    %eq3A_448 = arith.constant 22 : i32
    %eq3A_449 = vector.broadcast %eq3A_448 : i32 to vector<1280x1xi32>
    %eq3A_450 = arith.cmpi eq, %get3A_33, %eq3A_449 : vector<1280x1xi32>
    %jit3A_451 = arith.constant 0xFF800000 : f32
    %broadcast_in_dim3A_452 = vector.shape_cast %eq3A_450 : vector<1280x1xi1> to vector<1280x1xi1>
    %broadcast_in_dim3A_453 = vector.broadcast %broadcast_in_dim3A_452 : vector<1280x1xi1> to vector<1280x128xi1>
    %broadcast_in_dim3A_454 = vector.broadcast %jit3A_451 : f32 to vector<1280x128xf32>
    %select_n3A_455 = arith.select %broadcast_in_dim3A_453, %tanh3A, %broadcast_in_dim3A_454 : vector<1280x128xi1>, vector<1280x128xf32>
    %reduce_max3A_456 = arith.constant dense<0xFF800000> : vector<128xf32>
    %reduce_max3A_457 = vector.multi_reduction <maximumf>, %select_n3A_455, %reduce_max3A_456 [0] : vector<1280x128xf32> to vector<128xf32>
    %get3A_458 = arith.constant 22 : index
    %get3A_459 = arith.constant 0 : index
    %get3A_460 = vector.load %arg9[%get3A_458, %get3A_459] : memref<64x128xf32, #tpu.memory_space<vmem>>, vector<1x128xf32>
    %broadcast_in_dim3A_461 = vector.shape_cast %reduce_max3A_457 : vector<128xf32> to vector<1x128xf32>
    %max3A_462 = arith.maximumf %get3A_460, %broadcast_in_dim3A_461 : vector<1x128xf32>
    %swap3A_463 = arith.constant 22 : index
    %swap3A_464 = arith.constant 0 : index
    %swap3A_465 = vector.load %arg9[%swap3A_463, %swap3A_464] : memref<64x128xf32, #tpu.memory_space<vmem>>, vector<1x128xf32>
    tpu.vector_store %arg9[%swap3A_463, %swap3A_464], %max3A_462 {strides = array<i32>} : memref<64x128xf32, #tpu.memory_space<vmem>>, vector<1x128xf32>,
    %eq3A_466 = arith.constant 23 : i32
    %eq3A_467 = vector.broadcast %eq3A_466 : i32 to vector<1280x1xi32>
    %eq3A_468 = arith.cmpi eq, %get3A_33, %eq3A_467 : vector<1280x1xi32>
    %jit3A_469 = arith.constant 0xFF800000 : f32
    %broadcast_in_dim3A_470 = vector.shape_cast %eq3A_468 : vector<1280x1xi1> to vector<1280x1xi1>
    %broadcast_in_dim3A_471 = vector.broadcast %broadcast_in_dim3A_470 : vector<1280x1xi1> to vector<1280x128xi1>
    %broadcast_in_dim3A_472 = vector.broadcast %jit3A_469 : f32 to vector<1280x128xf32>
    %select_n3A_473 = arith.select %broadcast_in_dim3A_471, %tanh3A, %broadcast_in_dim3A_472 : vector<1280x128xi1>, vector<1280x128xf32>
    %reduce_max3A_474 = arith.constant dense<0xFF800000> : vector<128xf32>
    %reduce_max3A_475 = vector.multi_reduction <maximumf>, %select_n3A_473, %reduce_max3A_474 [0] : vector<1280x128xf32> to vector<128xf32>
    %get3A_476 = arith.constant 23 : index
    %get3A_477 = arith.constant 0 : index
    %get3A_478 = vector.load %arg9[%get3A_476, %get3A_477] : memref<64x128xf32, #tpu.memory_space<vmem>>, vector<1x128xf32>
    %broadcast_in_dim3A_479 = vector.shape_cast %reduce_max3A_475 : vector<128xf32> to vector<1x128xf32>
    %max3A_480 = arith.maximumf %get3A_478, %broadcast_in_dim3A_479 : vector<1x128xf32>
    %swap3A_481 = arith.constant 23 : index
    %swap3A_482 = arith.constant 0 : index
    %swap3A_483 = vector.load %arg9[%swap3A_481, %swap3A_482] : memref<64x128xf32, #tpu.memory_space<vmem>>, vector<1x128xf32>
    tpu.vector_store %arg9[%swap3A_481, %swap3A_482], %max3A_480 {strides = array<i32>} : memref<64x128xf32, #tpu.memory_space<vmem>>, vector<1x128xf32>,
    %eq3A_484 = arith.constant 24 : i32
    %eq3A_485 = vector.broadcast %eq3A_484 : i32 to vector<1280x1xi32>
    %eq3A_486 = arith.cmpi eq, %get3A_33, %eq3A_485 : vector<1280x1xi32>
    %jit3A_487 = arith.constant 0xFF800000 : f32
    %broadcast_in_dim3A_488 = vector.shape_cast %eq3A_486 : vector<1280x1xi1> to vector<1280x1xi1>
    %broadcast_in_dim3A_489 = vector.broadcast %broadcast_in_dim3A_488 : vector<1280x1xi1> to vector<1280x128xi1>
    %broadcast_in_dim3A_490 = vector.broadcast %jit3A_487 : f32 to vector<1280x128xf32>
    %select_n3A_491 = arith.select %broadcast_in_dim3A_489, %tanh3A, %broadcast_in_dim3A_490 : vector<1280x128xi1>, vector<1280x128xf32>
    %reduce_max3A_492 = arith.constant dense<0xFF800000> : vector<128xf32>
    %reduce_max3A_493 = vector.multi_reduction <maximumf>, %select_n3A_491, %reduce_max3A_492 [0] : vector<1280x128xf32> to vector<128xf32>
    %get3A_494 = arith.constant 24 : index
    %get3A_495 = arith.constant 0 : index
    %get3A_496 = vector.load %arg9[%get3A_494, %get3A_495] : memref<64x128xf32, #tpu.memory_space<vmem>>, vector<1x128xf32>
    %broadcast_in_dim3A_497 = vector.shape_cast %reduce_max3A_493 : vector<128xf32> to vector<1x128xf32>
    %max3A_498 = arith.maximumf %get3A_496, %broadcast_in_dim3A_497 : vector<1x128xf32>
    %swap3A_499 = arith.constant 24 : index
    %swap3A_500 = arith.constant 0 : index
    %swap3A_501 = vector.load %arg9[%swap3A_499, %swap3A_500] : memref<64x128xf32, #tpu.memory_space<vmem>>, vector<1x128xf32>
    tpu.vector_store %arg9[%swap3A_499, %swap3A_500], %max3A_498 {strides = array<i32>} : memref<64x128xf32, #tpu.memory_space<vmem>>, vector<1x128xf32>,
    %eq3A_502 = arith.constant 25 : i32
    %eq3A_503 = vector.broadcast %eq3A_502 : i32 to vector<1280x1xi32>
    %eq3A_504 = arith.cmpi eq, %get3A_33, %eq3A_503 : vector<1280x1xi32>
    %jit3A_505 = arith.constant 0xFF800000 : f32
    %broadcast_in_dim3A_506 = vector.shape_cast %eq3A_504 : vector<1280x1xi1> to vector<1280x1xi1>
    %broadcast_in_dim3A_507 = vector.broadcast %broadcast_in_dim3A_506 : vector<1280x1xi1> to vector<1280x128xi1>
    %broadcast_in_dim3A_508 = vector.broadcast %jit3A_505 : f32 to vector<1280x128xf32>
    %select_n3A_509 = arith.select %broadcast_in_dim3A_507, %tanh3A, %broadcast_in_dim3A_508 : vector<1280x128xi1>, vector<1280x128xf32>
    %reduce_max3A_510 = arith.constant dense<0xFF800000> : vector<128xf32>
    %reduce_max3A_511 = vector.multi_reduction <maximumf>, %select_n3A_509, %reduce_max3A_510 [0] : vector<1280x128xf32> to vector<128xf32>
    %get3A_512 = arith.constant 25 : index
    %get3A_513 = arith.constant 0 : index
    %get3A_514 = vector.load %arg9[%get3A_512, %get3A_513] : memref<64x128xf32, #tpu.memory_space<vmem>>, vector<1x128xf32>
    %broadcast_in_dim3A_515 = vector.shape_cast %reduce_max3A_511 : vector<128xf32> to vector<1x128xf32>
    %max3A_516 = arith.maximumf %get3A_514, %broadcast_in_dim3A_515 : vector<1x128xf32>
    %swap3A_517 = arith.constant 25 : index
    %swap3A_518 = arith.constant 0 : index
    %swap3A_519 = vector.load %arg9[%swap3A_517, %swap3A_518] : memref<64x128xf32, #tpu.memory_space<vmem>>, vector<1x128xf32>
    tpu.vector_store %arg9[%swap3A_517, %swap3A_518], %max3A_516 {strides = array<i32>} : memref<64x128xf32, #tpu.memory_space<vmem>>, vector<1x128xf32>,
    %eq3A_520 = arith.constant 26 : i32
    %eq3A_521 = vector.broadcast %eq3A_520 : i32 to vector<1280x1xi32>
    %eq3A_522 = arith.cmpi eq, %get3A_33, %eq3A_521 : vector<1280x1xi32>
    %jit3A_523 = arith.constant 0xFF800000 : f32
    %broadcast_in_dim3A_524 = vector.shape_cast %eq3A_522 : vector<1280x1xi1> to vector<1280x1xi1>
    %broadcast_in_dim3A_525 = vector.broadcast %broadcast_in_dim3A_524 : vector<1280x1xi1> to vector<1280x128xi1>
    %broadcast_in_dim3A_526 = vector.broadcast %jit3A_523 : f32 to vector<1280x128xf32>
    %select_n3A_527 = arith.select %broadcast_in_dim3A_525, %tanh3A, %broadcast_in_dim3A_526 : vector<1280x128xi1>, vector<1280x128xf32>
    %reduce_max3A_528 = arith.constant dense<0xFF800000> : vector<128xf32>
    %reduce_max3A_529 = vector.multi_reduction <maximumf>, %select_n3A_527, %reduce_max3A_528 [0] : vector<1280x128xf32> to vector<128xf32>
    %get3A_530 = arith.constant 26 : index
    %get3A_531 = arith.constant 0 : index
    %get3A_532 = vector.load %arg9[%get3A_530, %get3A_531] : memref<64x128xf32, #tpu.memory_space<vmem>>, vector<1x128xf32>
    %broadcast_in_dim3A_533 = vector.shape_cast %reduce_max3A_529 : vector<128xf32> to vector<1x128xf32>
    %max3A_534 = arith.maximumf %get3A_532, %broadcast_in_dim3A_533 : vector<1x128xf32>
    %swap3A_535 = arith.constant 26 : index
    %swap3A_536 = arith.constant 0 : index
    %swap3A_537 = vector.load %arg9[%swap3A_535, %swap3A_536] : memref<64x128xf32, #tpu.memory_space<vmem>>, vector<1x128xf32>
    tpu.vector_store %arg9[%swap3A_535, %swap3A_536], %max3A_534 {strides = array<i32>} : memref<64x128xf32, #tpu.memory_space<vmem>>, vector<1x128xf32>,
    %eq3A_538 = arith.constant 27 : i32
    %eq3A_539 = vector.broadcast %eq3A_538 : i32 to vector<1280x1xi32>
    %eq3A_540 = arith.cmpi eq, %get3A_33, %eq3A_539 : vector<1280x1xi32>
    %jit3A_541 = arith.constant 0xFF800000 : f32
    %broadcast_in_dim3A_542 = vector.shape_cast %eq3A_540 : vector<1280x1xi1> to vector<1280x1xi1>
    %broadcast_in_dim3A_543 = vector.broadcast %broadcast_in_dim3A_542 : vector<1280x1xi1> to vector<1280x128xi1>
    %broadcast_in_dim3A_544 = vector.broadcast %jit3A_541 : f32 to vector<1280x128xf32>
    %select_n3A_545 = arith.select %broadcast_in_dim3A_543, %tanh3A, %broadcast_in_dim3A_544 : vector<1280x128xi1>, vector<1280x128xf32>
    %reduce_max3A_546 = arith.constant dense<0xFF800000> : vector<128xf32>
    %reduce_max3A_547 = vector.multi_reduction <maximumf>, %select_n3A_545, %reduce_max3A_546 [0] : vector<1280x128xf32> to vector<128xf32>
    %get3A_548 = arith.constant 27 : index
    %get3A_549 = arith.constant 0 : index
    %get3A_550 = vector.load %arg9[%get3A_548, %get3A_549] : memref<64x128xf32, #tpu.memory_space<vmem>>, vector<1x128xf32>
    %broadcast_in_dim3A_551 = vector.shape_cast %reduce_max3A_547 : vector<128xf32> to vector<1x128xf32>
    %max3A_552 = arith.maximumf %get3A_550, %broadcast_in_dim3A_551 : vector<1x128xf32>
    %swap3A_553 = arith.constant 27 : index
    %swap3A_554 = arith.constant 0 : index
    %swap3A_555 = vector.load %arg9[%swap3A_553, %swap3A_554] : memref<64x128xf32, #tpu.memory_space<vmem>>, vector<1x128xf32>
    tpu.vector_store %arg9[%swap3A_553, %swap3A_554], %max3A_552 {strides = array<i32>} : memref<64x128xf32, #tpu.memory_space<vmem>>, vector<1x128xf32>,
    %eq3A_556 = arith.constant 28 : i32
    %eq3A_557 = vector.broadcast %eq3A_556 : i32 to vector<1280x1xi32>
    %eq3A_558 = arith.cmpi eq, %get3A_33, %eq3A_557 : vector<1280x1xi32>
    %jit3A_559 = arith.constant 0xFF800000 : f32
    %broadcast_in_dim3A_560 = vector.shape_cast %eq3A_558 : vector<1280x1xi1> to vector<1280x1xi1>
    %broadcast_in_dim3A_561 = vector.broadcast %broadcast_in_dim3A_560 : vector<1280x1xi1> to vector<1280x128xi1>
    %broadcast_in_dim3A_562 = vector.broadcast %jit3A_559 : f32 to vector<1280x128xf32>
    %select_n3A_563 = arith.select %broadcast_in_dim3A_561, %tanh3A, %broadcast_in_dim3A_562 : vector<1280x128xi1>, vector<1280x128xf32>
    %reduce_max3A_564 = arith.constant dense<0xFF800000> : vector<128xf32>
    %reduce_max3A_565 = vector.multi_reduction <maximumf>, %select_n3A_563, %reduce_max3A_564 [0] : vector<1280x128xf32> to vector<128xf32>
    %get3A_566 = arith.constant 28 : index
    %get3A_567 = arith.constant 0 : index
    %get3A_568 = vector.load %arg9[%get3A_566, %get3A_567] : memref<64x128xf32, #tpu.memory_space<vmem>>, vector<1x128xf32>
    %broadcast_in_dim3A_569 = vector.shape_cast %reduce_max3A_565 : vector<128xf32> to vector<1x128xf32>
    %max3A_570 = arith.maximumf %get3A_568, %broadcast_in_dim3A_569 : vector<1x128xf32>
    %swap3A_571 = arith.constant 28 : index
    %swap3A_572 = arith.constant 0 : index
    %swap3A_573 = vector.load %arg9[%swap3A_571, %swap3A_572] : memref<64x128xf32, #tpu.memory_space<vmem>>, vector<1x128xf32>
    tpu.vector_store %arg9[%swap3A_571, %swap3A_572], %max3A_570 {strides = array<i32>} : memref<64x128xf32, #tpu.memory_space<vmem>>, vector<1x128xf32>,
    %eq3A_574 = arith.constant 29 : i32
    %eq3A_575 = vector.broadcast %eq3A_574 : i32 to vector<1280x1xi32>
    %eq3A_576 = arith.cmpi eq, %get3A_33, %eq3A_575 : vector<1280x1xi32>
    %jit3A_577 = arith.constant 0xFF800000 : f32
    %broadcast_in_dim3A_578 = vector.shape_cast %eq3A_576 : vector<1280x1xi1> to vector<1280x1xi1>
    %broadcast_in_dim3A_579 = vector.broadcast %broadcast_in_dim3A_578 : vector<1280x1xi1> to vector<1280x128xi1>
    %broadcast_in_dim3A_580 = vector.broadcast %jit3A_577 : f32 to vector<1280x128xf32>
    %select_n3A_581 = arith.select %broadcast_in_dim3A_579, %tanh3A, %broadcast_in_dim3A_580 : vector<1280x128xi1>, vector<1280x128xf32>
    %reduce_max3A_582 = arith.constant dense<0xFF800000> : vector<128xf32>
    %reduce_max3A_583 = vector.multi_reduction <maximumf>, %select_n3A_581, %reduce_max3A_582 [0] : vector<1280x128xf32> to vector<128xf32>
    %get3A_584 = arith.constant 29 : index
    %get3A_585 = arith.constant 0 : index
    %get3A_586 = vector.load %arg9[%get3A_584, %get3A_585] : memref<64x128xf32, #tpu.memory_space<vmem>>, vector<1x128xf32>
    %broadcast_in_dim3A_587 = vector.shape_cast %reduce_max3A_583 : vector<128xf32> to vector<1x128xf32>
    %max3A_588 = arith.maximumf %get3A_586, %broadcast_in_dim3A_587 : vector<1x128xf32>
    %swap3A_589 = arith.constant 29 : index
    %swap3A_590 = arith.constant 0 : index
    %swap3A_591 = vector.load %arg9[%swap3A_589, %swap3A_590] : memref<64x128xf32, #tpu.memory_space<vmem>>, vector<1x128xf32>
    tpu.vector_store %arg9[%swap3A_589, %swap3A_590], %max3A_588 {strides = array<i32>} : memref<64x128xf32, #tpu.memory_space<vmem>>, vector<1x128xf32>,
    %eq3A_592 = arith.constant 30 : i32
    %eq3A_593 = vector.broadcast %eq3A_592 : i32 to vector<1280x1xi32>
    %eq3A_594 = arith.cmpi eq, %get3A_33, %eq3A_593 : vector<1280x1xi32>
    %jit3A_595 = arith.constant 0xFF800000 : f32
    %broadcast_in_dim3A_596 = vector.shape_cast %eq3A_594 : vector<1280x1xi1> to vector<1280x1xi1>
    %broadcast_in_dim3A_597 = vector.broadcast %broadcast_in_dim3A_596 : vector<1280x1xi1> to vector<1280x128xi1>
    %broadcast_in_dim3A_598 = vector.broadcast %jit3A_595 : f32 to vector<1280x128xf32>
    %select_n3A_599 = arith.select %broadcast_in_dim3A_597, %tanh3A, %broadcast_in_dim3A_598 : vector<1280x128xi1>, vector<1280x128xf32>
    %reduce_max3A_600 = arith.constant dense<0xFF800000> : vector<128xf32>
    %reduce_max3A_601 = vector.multi_reduction <maximumf>, %select_n3A_599, %reduce_max3A_600 [0] : vector<1280x128xf32> to vector<128xf32>
    %get3A_602 = arith.constant 30 : index
    %get3A_603 = arith.constant 0 : index
    %get3A_604 = vector.load %arg9[%get3A_602, %get3A_603] : memref<64x128xf32, #tpu.memory_space<vmem>>, vector<1x128xf32>
    %broadcast_in_dim3A_605 = vector.shape_cast %reduce_max3A_601 : vector<128xf32> to vector<1x128xf32>
    %max3A_606 = arith.maximumf %get3A_604, %broadcast_in_dim3A_605 : vector<1x128xf32>
    %swap3A_607 = arith.constant 30 : index
    %swap3A_608 = arith.constant 0 : index
    %swap3A_609 = vector.load %arg9[%swap3A_607, %swap3A_608] : memref<64x128xf32, #tpu.memory_space<vmem>>, vector<1x128xf32>
    tpu.vector_store %arg9[%swap3A_607, %swap3A_608], %max3A_606 {strides = array<i32>} : memref<64x128xf32, #tpu.memory_space<vmem>>, vector<1x128xf32>,
    %eq3A_610 = arith.constant 31 : i32
    %eq3A_611 = vector.broadcast %eq3A_610 : i32 to vector<1280x1xi32>
    %eq3A_612 = arith.cmpi eq, %get3A_33, %eq3A_611 : vector<1280x1xi32>
    %jit3A_613 = arith.constant 0xFF800000 : f32
    %broadcast_in_dim3A_614 = vector.shape_cast %eq3A_612 : vector<1280x1xi1> to vector<1280x1xi1>
    %broadcast_in_dim3A_615 = vector.broadcast %broadcast_in_dim3A_614 : vector<1280x1xi1> to vector<1280x128xi1>
    %broadcast_in_dim3A_616 = vector.broadcast %jit3A_613 : f32 to vector<1280x128xf32>
    %select_n3A_617 = arith.select %broadcast_in_dim3A_615, %tanh3A, %broadcast_in_dim3A_616 : vector<1280x128xi1>, vector<1280x128xf32>
    %reduce_max3A_618 = arith.constant dense<0xFF800000> : vector<128xf32>
    %reduce_max3A_619 = vector.multi_reduction <maximumf>, %select_n3A_617, %reduce_max3A_618 [0] : vector<1280x128xf32> to vector<128xf32>
    %get3A_620 = arith.constant 31 : index
    %get3A_621 = arith.constant 0 : index
    %get3A_622 = vector.load %arg9[%get3A_620, %get3A_621] : memref<64x128xf32, #tpu.memory_space<vmem>>, vector<1x128xf32>
    %broadcast_in_dim3A_623 = vector.shape_cast %reduce_max3A_619 : vector<128xf32> to vector<1x128xf32>
    %max3A_624 = arith.maximumf %get3A_622, %broadcast_in_dim3A_623 : vector<1x128xf32>
    %swap3A_625 = arith.constant 31 : index
    %swap3A_626 = arith.constant 0 : index
    %swap3A_627 = vector.load %arg9[%swap3A_625, %swap3A_626] : memref<64x128xf32, #tpu.memory_space<vmem>>, vector<1x128xf32>
    tpu.vector_store %arg9[%swap3A_625, %swap3A_626], %max3A_624 {strides = array<i32>} : memref<64x128xf32, #tpu.memory_space<vmem>>, vector<1x128xf32>,
    %eq3A_628 = arith.constant 32 : i32
    %eq3A_629 = vector.broadcast %eq3A_628 : i32 to vector<1280x1xi32>
    %eq3A_630 = arith.cmpi eq, %get3A_33, %eq3A_629 : vector<1280x1xi32>
    %jit3A_631 = arith.constant 0xFF800000 : f32
    %broadcast_in_dim3A_632 = vector.shape_cast %eq3A_630 : vector<1280x1xi1> to vector<1280x1xi1>
    %broadcast_in_dim3A_633 = vector.broadcast %broadcast_in_dim3A_632 : vector<1280x1xi1> to vector<1280x128xi1>
    %broadcast_in_dim3A_634 = vector.broadcast %jit3A_631 : f32 to vector<1280x128xf32>
    %select_n3A_635 = arith.select %broadcast_in_dim3A_633, %tanh3A, %broadcast_in_dim3A_634 : vector<1280x128xi1>, vector<1280x128xf32>
    %reduce_max3A_636 = arith.constant dense<0xFF800000> : vector<128xf32>
    %reduce_max3A_637 = vector.multi_reduction <maximumf>, %select_n3A_635, %reduce_max3A_636 [0] : vector<1280x128xf32> to vector<128xf32>
    %get3A_638 = arith.constant 32 : index
    %get3A_639 = arith.constant 0 : index
    %get3A_640 = vector.load %arg9[%get3A_638, %get3A_639] : memref<64x128xf32, #tpu.memory_space<vmem>>, vector<1x128xf32>
    %broadcast_in_dim3A_641 = vector.shape_cast %reduce_max3A_637 : vector<128xf32> to vector<1x128xf32>
    %max3A_642 = arith.maximumf %get3A_640, %broadcast_in_dim3A_641 : vector<1x128xf32>
    %swap3A_643 = arith.constant 32 : index
    %swap3A_644 = arith.constant 0 : index
    %swap3A_645 = vector.load %arg9[%swap3A_643, %swap3A_644] : memref<64x128xf32, #tpu.memory_space<vmem>>, vector<1x128xf32>
    tpu.vector_store %arg9[%swap3A_643, %swap3A_644], %max3A_642 {strides = array<i32>} : memref<64x128xf32, #tpu.memory_space<vmem>>, vector<1x128xf32>,
    %eq3A_646 = arith.constant 33 : i32
    %eq3A_647 = vector.broadcast %eq3A_646 : i32 to vector<1280x1xi32>
    %eq3A_648 = arith.cmpi eq, %get3A_33, %eq3A_647 : vector<1280x1xi32>
    %jit3A_649 = arith.constant 0xFF800000 : f32
    %broadcast_in_dim3A_650 = vector.shape_cast %eq3A_648 : vector<1280x1xi1> to vector<1280x1xi1>
    %broadcast_in_dim3A_651 = vector.broadcast %broadcast_in_dim3A_650 : vector<1280x1xi1> to vector<1280x128xi1>
    %broadcast_in_dim3A_652 = vector.broadcast %jit3A_649 : f32 to vector<1280x128xf32>
    %select_n3A_653 = arith.select %broadcast_in_dim3A_651, %tanh3A, %broadcast_in_dim3A_652 : vector<1280x128xi1>, vector<1280x128xf32>
    %reduce_max3A_654 = arith.constant dense<0xFF800000> : vector<128xf32>
    %reduce_max3A_655 = vector.multi_reduction <maximumf>, %select_n3A_653, %reduce_max3A_654 [0] : vector<1280x128xf32> to vector<128xf32>
    %get3A_656 = arith.constant 33 : index
    %get3A_657 = arith.constant 0 : index
    %get3A_658 = vector.load %arg9[%get3A_656, %get3A_657] : memref<64x128xf32, #tpu.memory_space<vmem>>, vector<1x128xf32>
    %broadcast_in_dim3A_659 = vector.shape_cast %reduce_max3A_655 : vector<128xf32> to vector<1x128xf32>
    %max3A_660 = arith.maximumf %get3A_658, %broadcast_in_dim3A_659 : vector<1x128xf32>
    %swap3A_661 = arith.constant 33 : index
    %swap3A_662 = arith.constant 0 : index
    %swap3A_663 = vector.load %arg9[%swap3A_661, %swap3A_662] : memref<64x128xf32, #tpu.memory_space<vmem>>, vector<1x128xf32>
    tpu.vector_store %arg9[%swap3A_661, %swap3A_662], %max3A_660 {strides = array<i32>} : memref<64x128xf32, #tpu.memory_space<vmem>>, vector<1x128xf32>,
    %eq3A_664 = arith.constant 34 : i32
    %eq3A_665 = vector.broadcast %eq3A_664 : i32 to vector<1280x1xi32>
    %eq3A_666 = arith.cmpi eq, %get3A_33, %eq3A_665 : vector<1280x1xi32>
    %jit3A_667 = arith.constant 0xFF800000 : f32
    %broadcast_in_dim3A_668 = vector.shape_cast %eq3A_666 : vector<1280x1xi1> to vector<1280x1xi1>
    %broadcast_in_dim3A_669 = vector.broadcast %broadcast_in_dim3A_668 : vector<1280x1xi1> to vector<1280x128xi1>
    %broadcast_in_dim3A_670 = vector.broadcast %jit3A_667 : f32 to vector<1280x128xf32>
    %select_n3A_671 = arith.select %broadcast_in_dim3A_669, %tanh3A, %broadcast_in_dim3A_670 : vector<1280x128xi1>, vector<1280x128xf32>
    %reduce_max3A_672 = arith.constant dense<0xFF800000> : vector<128xf32>
    %reduce_max3A_673 = vector.multi_reduction <maximumf>, %select_n3A_671, %reduce_max3A_672 [0] : vector<1280x128xf32> to vector<128xf32>
    %get3A_674 = arith.constant 34 : index
    %get3A_675 = arith.constant 0 : index
    %get3A_676 = vector.load %arg9[%get3A_674, %get3A_675] : memref<64x128xf32, #tpu.memory_space<vmem>>, vector<1x128xf32>
    %broadcast_in_dim3A_677 = vector.shape_cast %reduce_max3A_673 : vector<128xf32> to vector<1x128xf32>
    %max3A_678 = arith.maximumf %get3A_676, %broadcast_in_dim3A_677 : vector<1x128xf32>
    %swap3A_679 = arith.constant 34 : index
    %swap3A_680 = arith.constant 0 : index
    %swap3A_681 = vector.load %arg9[%swap3A_679, %swap3A_680] : memref<64x128xf32, #tpu.memory_space<vmem>>, vector<1x128xf32>
    tpu.vector_store %arg9[%swap3A_679, %swap3A_680], %max3A_678 {strides = array<i32>} : memref<64x128xf32, #tpu.memory_space<vmem>>, vector<1x128xf32>,
    %eq3A_682 = arith.constant 35 : i32
    %eq3A_683 = vector.broadcast %eq3A_682 : i32 to vector<1280x1xi32>
    %eq3A_684 = arith.cmpi eq, %get3A_33, %eq3A_683 : vector<1280x1xi32>
    %jit3A_685 = arith.constant 0xFF800000 : f32
    %broadcast_in_dim3A_686 = vector.shape_cast %eq3A_684 : vector<1280x1xi1> to vector<1280x1xi1>
    %broadcast_in_dim3A_687 = vector.broadcast %broadcast_in_dim3A_686 : vector<1280x1xi1> to vector<1280x128xi1>
    %broadcast_in_dim3A_688 = vector.broadcast %jit3A_685 : f32 to vector<1280x128xf32>
    %select_n3A_689 = arith.select %broadcast_in_dim3A_687, %tanh3A, %broadcast_in_dim3A_688 : vector<1280x128xi1>, vector<1280x128xf32>
    %reduce_max3A_690 = arith.constant dense<0xFF800000> : vector<128xf32>
    %reduce_max3A_691 = vector.multi_reduction <maximumf>, %select_n3A_689, %reduce_max3A_690 [0] : vector<1280x128xf32> to vector<128xf32>
    %get3A_692 = arith.constant 35 : index
    %get3A_693 = arith.constant 0 : index
    %get3A_694 = vector.load %arg9[%get3A_692, %get3A_693] : memref<64x128xf32, #tpu.memory_space<vmem>>, vector<1x128xf32>
    %broadcast_in_dim3A_695 = vector.shape_cast %reduce_max3A_691 : vector<128xf32> to vector<1x128xf32>
    %max3A_696 = arith.maximumf %get3A_694, %broadcast_in_dim3A_695 : vector<1x128xf32>
    %swap3A_697 = arith.constant 35 : index
    %swap3A_698 = arith.constant 0 : index
    %swap3A_699 = vector.load %arg9[%swap3A_697, %swap3A_698] : memref<64x128xf32, #tpu.memory_space<vmem>>, vector<1x128xf32>
    tpu.vector_store %arg9[%swap3A_697, %swap3A_698], %max3A_696 {strides = array<i32>} : memref<64x128xf32, #tpu.memory_space<vmem>>, vector<1x128xf32>,
    %eq3A_700 = arith.constant 36 : i32
    %eq3A_701 = vector.broadcast %eq3A_700 : i32 to vector<1280x1xi32>
    %eq3A_702 = arith.cmpi eq, %get3A_33, %eq3A_701 : vector<1280x1xi32>
    %jit3A_703 = arith.constant 0xFF800000 : f32
    %broadcast_in_dim3A_704 = vector.shape_cast %eq3A_702 : vector<1280x1xi1> to vector<1280x1xi1>
    %broadcast_in_dim3A_705 = vector.broadcast %broadcast_in_dim3A_704 : vector<1280x1xi1> to vector<1280x128xi1>
    %broadcast_in_dim3A_706 = vector.broadcast %jit3A_703 : f32 to vector<1280x128xf32>
    %select_n3A_707 = arith.select %broadcast_in_dim3A_705, %tanh3A, %broadcast_in_dim3A_706 : vector<1280x128xi1>, vector<1280x128xf32>
    %reduce_max3A_708 = arith.constant dense<0xFF800000> : vector<128xf32>
    %reduce_max3A_709 = vector.multi_reduction <maximumf>, %select_n3A_707, %reduce_max3A_708 [0] : vector<1280x128xf32> to vector<128xf32>
    %get3A_710 = arith.constant 36 : index
    %get3A_711 = arith.constant 0 : index
    %get3A_712 = vector.load %arg9[%get3A_710, %get3A_711] : memref<64x128xf32, #tpu.memory_space<vmem>>, vector<1x128xf32>
    %broadcast_in_dim3A_713 = vector.shape_cast %reduce_max3A_709 : vector<128xf32> to vector<1x128xf32>
    %max3A_714 = arith.maximumf %get3A_712, %broadcast_in_dim3A_713 : vector<1x128xf32>
    %swap3A_715 = arith.constant 36 : index
    %swap3A_716 = arith.constant 0 : index
    %swap3A_717 = vector.load %arg9[%swap3A_715, %swap3A_716] : memref<64x128xf32, #tpu.memory_space<vmem>>, vector<1x128xf32>
    tpu.vector_store %arg9[%swap3A_715, %swap3A_716], %max3A_714 {strides = array<i32>} : memref<64x128xf32, #tpu.memory_space<vmem>>, vector<1x128xf32>,
    %eq3A_718 = arith.constant 37 : i32
    %eq3A_719 = vector.broadcast %eq3A_718 : i32 to vector<1280x1xi32>
    %eq3A_720 = arith.cmpi eq, %get3A_33, %eq3A_719 : vector<1280x1xi32>
    %jit3A_721 = arith.constant 0xFF800000 : f32
    %broadcast_in_dim3A_722 = vector.shape_cast %eq3A_720 : vector<1280x1xi1> to vector<1280x1xi1>
    %broadcast_in_dim3A_723 = vector.broadcast %broadcast_in_dim3A_722 : vector<1280x1xi1> to vector<1280x128xi1>
    %broadcast_in_dim3A_724 = vector.broadcast %jit3A_721 : f32 to vector<1280x128xf32>
    %select_n3A_725 = arith.select %broadcast_in_dim3A_723, %tanh3A, %broadcast_in_dim3A_724 : vector<1280x128xi1>, vector<1280x128xf32>
    %reduce_max3A_726 = arith.constant dense<0xFF800000> : vector<128xf32>
    %reduce_max3A_727 = vector.multi_reduction <maximumf>, %select_n3A_725, %reduce_max3A_726 [0] : vector<1280x128xf32> to vector<128xf32>
    %get3A_728 = arith.constant 37 : index
    %get3A_729 = arith.constant 0 : index
    %get3A_730 = vector.load %arg9[%get3A_728, %get3A_729] : memref<64x128xf32, #tpu.memory_space<vmem>>, vector<1x128xf32>
    %broadcast_in_dim3A_731 = vector.shape_cast %reduce_max3A_727 : vector<128xf32> to vector<1x128xf32>
    %max3A_732 = arith.maximumf %get3A_730, %broadcast_in_dim3A_731 : vector<1x128xf32>
    %swap3A_733 = arith.constant 37 : index
    %swap3A_734 = arith.constant 0 : index
    %swap3A_735 = vector.load %arg9[%swap3A_733, %swap3A_734] : memref<64x128xf32, #tpu.memory_space<vmem>>, vector<1x128xf32>
    tpu.vector_store %arg9[%swap3A_733, %swap3A_734], %max3A_732 {strides = array<i32>} : memref<64x128xf32, #tpu.memory_space<vmem>>, vector<1x128xf32>,
    %eq3A_736 = arith.constant 38 : i32
    %eq3A_737 = vector.broadcast %eq3A_736 : i32 to vector<1280x1xi32>
    %eq3A_738 = arith.cmpi eq, %get3A_33, %eq3A_737 : vector<1280x1xi32>
    %jit3A_739 = arith.constant 0xFF800000 : f32
    %broadcast_in_dim3A_740 = vector.shape_cast %eq3A_738 : vector<1280x1xi1> to vector<1280x1xi1>
    %broadcast_in_dim3A_741 = vector.broadcast %broadcast_in_dim3A_740 : vector<1280x1xi1> to vector<1280x128xi1>
    %broadcast_in_dim3A_742 = vector.broadcast %jit3A_739 : f32 to vector<1280x128xf32>
    %select_n3A_743 = arith.select %broadcast_in_dim3A_741, %tanh3A, %broadcast_in_dim3A_742 : vector<1280x128xi1>, vector<1280x128xf32>
    %reduce_max3A_744 = arith.constant dense<0xFF800000> : vector<128xf32>
    %reduce_max3A_745 = vector.multi_reduction <maximumf>, %select_n3A_743, %reduce_max3A_744 [0] : vector<1280x128xf32> to vector<128xf32>
    %get3A_746 = arith.constant 38 : index
    %get3A_747 = arith.constant 0 : index
    %get3A_748 = vector.load %arg9[%get3A_746, %get3A_747] : memref<64x128xf32, #tpu.memory_space<vmem>>, vector<1x128xf32>
    %broadcast_in_dim3A_749 = vector.shape_cast %reduce_max3A_745 : vector<128xf32> to vector<1x128xf32>
    %max3A_750 = arith.maximumf %get3A_748, %broadcast_in_dim3A_749 : vector<1x128xf32>
    %swap3A_751 = arith.constant 38 : index
    %swap3A_752 = arith.constant 0 : index
    %swap3A_753 = vector.load %arg9[%swap3A_751, %swap3A_752] : memref<64x128xf32, #tpu.memory_space<vmem>>, vector<1x128xf32>
    tpu.vector_store %arg9[%swap3A_751, %swap3A_752], %max3A_750 {strides = array<i32>} : memref<64x128xf32, #tpu.memory_space<vmem>>, vector<1x128xf32>,
    %eq3A_754 = arith.constant 39 : i32
    %eq3A_755 = vector.broadcast %eq3A_754 : i32 to vector<1280x1xi32>
    %eq3A_756 = arith.cmpi eq, %get3A_33, %eq3A_755 : vector<1280x1xi32>
    %jit3A_757 = arith.constant 0xFF800000 : f32
    %broadcast_in_dim3A_758 = vector.shape_cast %eq3A_756 : vector<1280x1xi1> to vector<1280x1xi1>
    %broadcast_in_dim3A_759 = vector.broadcast %broadcast_in_dim3A_758 : vector<1280x1xi1> to vector<1280x128xi1>
    %broadcast_in_dim3A_760 = vector.broadcast %jit3A_757 : f32 to vector<1280x128xf32>
    %select_n3A_761 = arith.select %broadcast_in_dim3A_759, %tanh3A, %broadcast_in_dim3A_760 : vector<1280x128xi1>, vector<1280x128xf32>
    %reduce_max3A_762 = arith.constant dense<0xFF800000> : vector<128xf32>
    %reduce_max3A_763 = vector.multi_reduction <maximumf>, %select_n3A_761, %reduce_max3A_762 [0] : vector<1280x128xf32> to vector<128xf32>
    %get3A_764 = arith.constant 39 : index
    %get3A_765 = arith.constant 0 : index
    %get3A_766 = vector.load %arg9[%get3A_764, %get3A_765] : memref<64x128xf32, #tpu.memory_space<vmem>>, vector<1x128xf32>
    %broadcast_in_dim3A_767 = vector.shape_cast %reduce_max3A_763 : vector<128xf32> to vector<1x128xf32>
    %max3A_768 = arith.maximumf %get3A_766, %broadcast_in_dim3A_767 : vector<1x128xf32>
    %swap3A_769 = arith.constant 39 : index
    %swap3A_770 = arith.constant 0 : index
    %swap3A_771 = vector.load %arg9[%swap3A_769, %swap3A_770] : memref<64x128xf32, #tpu.memory_space<vmem>>, vector<1x128xf32>
    tpu.vector_store %arg9[%swap3A_769, %swap3A_770], %max3A_768 {strides = array<i32>} : memref<64x128xf32, #tpu.memory_space<vmem>>, vector<1x128xf32>,
    %eq3A_772 = arith.constant 40 : i32
    %eq3A_773 = vector.broadcast %eq3A_772 : i32 to vector<1280x1xi32>
    %eq3A_774 = arith.cmpi eq, %get3A_33, %eq3A_773 : vector<1280x1xi32>
    %jit3A_775 = arith.constant 0xFF800000 : f32
    %broadcast_in_dim3A_776 = vector.shape_cast %eq3A_774 : vector<1280x1xi1> to vector<1280x1xi1>
    %broadcast_in_dim3A_777 = vector.broadcast %broadcast_in_dim3A_776 : vector<1280x1xi1> to vector<1280x128xi1>
    %broadcast_in_dim3A_778 = vector.broadcast %jit3A_775 : f32 to vector<1280x128xf32>
    %select_n3A_779 = arith.select %broadcast_in_dim3A_777, %tanh3A, %broadcast_in_dim3A_778 : vector<1280x128xi1>, vector<1280x128xf32>
    %reduce_max3A_780 = arith.constant dense<0xFF800000> : vector<128xf32>
    %reduce_max3A_781 = vector.multi_reduction <maximumf>, %select_n3A_779, %reduce_max3A_780 [0] : vector<1280x128xf32> to vector<128xf32>
    %get3A_782 = arith.constant 40 : index
    %get3A_783 = arith.constant 0 : index
    %get3A_784 = vector.load %arg9[%get3A_782, %get3A_783] : memref<64x128xf32, #tpu.memory_space<vmem>>, vector<1x128xf32>
    %broadcast_in_dim3A_785 = vector.shape_cast %reduce_max3A_781 : vector<128xf32> to vector<1x128xf32>
    %max3A_786 = arith.maximumf %get3A_784, %broadcast_in_dim3A_785 : vector<1x128xf32>
    %swap3A_787 = arith.constant 40 : index
    %swap3A_788 = arith.constant 0 : index
    %swap3A_789 = vector.load %arg9[%swap3A_787, %swap3A_788] : memref<64x128xf32, #tpu.memory_space<vmem>>, vector<1x128xf32>
    tpu.vector_store %arg9[%swap3A_787, %swap3A_788], %max3A_786 {strides = array<i32>} : memref<64x128xf32, #tpu.memory_space<vmem>>, vector<1x128xf32>,
    %eq3A_790 = arith.constant 41 : i32
    %eq3A_791 = vector.broadcast %eq3A_790 : i32 to vector<1280x1xi32>
    %eq3A_792 = arith.cmpi eq, %get3A_33, %eq3A_791 : vector<1280x1xi32>
    %jit3A_793 = arith.constant 0xFF800000 : f32
    %broadcast_in_dim3A_794 = vector.shape_cast %eq3A_792 : vector<1280x1xi1> to vector<1280x1xi1>
    %broadcast_in_dim3A_795 = vector.broadcast %broadcast_in_dim3A_794 : vector<1280x1xi1> to vector<1280x128xi1>
    %broadcast_in_dim3A_796 = vector.broadcast %jit3A_793 : f32 to vector<1280x128xf32>
    %select_n3A_797 = arith.select %broadcast_in_dim3A_795, %tanh3A, %broadcast_in_dim3A_796 : vector<1280x128xi1>, vector<1280x128xf32>
    %reduce_max3A_798 = arith.constant dense<0xFF800000> : vector<128xf32>
    %reduce_max3A_799 = vector.multi_reduction <maximumf>, %select_n3A_797, %reduce_max3A_798 [0] : vector<1280x128xf32> to vector<128xf32>
    %get3A_800 = arith.constant 41 : index
    %get3A_801 = arith.constant 0 : index
    %get3A_802 = vector.load %arg9[%get3A_800, %get3A_801] : memref<64x128xf32, #tpu.memory_space<vmem>>, vector<1x128xf32>
    %broadcast_in_dim3A_803 = vector.shape_cast %reduce_max3A_799 : vector<128xf32> to vector<1x128xf32>
    %max3A_804 = arith.maximumf %get3A_802, %broadcast_in_dim3A_803 : vector<1x128xf32>
    %swap3A_805 = arith.constant 41 : index
    %swap3A_806 = arith.constant 0 : index
    %swap3A_807 = vector.load %arg9[%swap3A_805, %swap3A_806] : memref<64x128xf32, #tpu.memory_space<vmem>>, vector<1x128xf32>
    tpu.vector_store %arg9[%swap3A_805, %swap3A_806], %max3A_804 {strides = array<i32>} : memref<64x128xf32, #tpu.memory_space<vmem>>, vector<1x128xf32>,
    %eq3A_808 = arith.constant 42 : i32
    %eq3A_809 = vector.broadcast %eq3A_808 : i32 to vector<1280x1xi32>
    %eq3A_810 = arith.cmpi eq, %get3A_33, %eq3A_809 : vector<1280x1xi32>
    %jit3A_811 = arith.constant 0xFF800000 : f32
    %broadcast_in_dim3A_812 = vector.shape_cast %eq3A_810 : vector<1280x1xi1> to vector<1280x1xi1>
    %broadcast_in_dim3A_813 = vector.broadcast %broadcast_in_dim3A_812 : vector<1280x1xi1> to vector<1280x128xi1>
    %broadcast_in_dim3A_814 = vector.broadcast %jit3A_811 : f32 to vector<1280x128xf32>
    %select_n3A_815 = arith.select %broadcast_in_dim3A_813, %tanh3A, %broadcast_in_dim3A_814 : vector<1280x128xi1>, vector<1280x128xf32>
    %reduce_max3A_816 = arith.constant dense<0xFF800000> : vector<128xf32>
    %reduce_max3A_817 = vector.multi_reduction <maximumf>, %select_n3A_815, %reduce_max3A_816 [0] : vector<1280x128xf32> to vector<128xf32>
    %get3A_818 = arith.constant 42 : index
    %get3A_819 = arith.constant 0 : index
    %get3A_820 = vector.load %arg9[%get3A_818, %get3A_819] : memref<64x128xf32, #tpu.memory_space<vmem>>, vector<1x128xf32>
    %broadcast_in_dim3A_821 = vector.shape_cast %reduce_max3A_817 : vector<128xf32> to vector<1x128xf32>
    %max3A_822 = arith.maximumf %get3A_820, %broadcast_in_dim3A_821 : vector<1x128xf32>
    %swap3A_823 = arith.constant 42 : index
    %swap3A_824 = arith.constant 0 : index
    %swap3A_825 = vector.load %arg9[%swap3A_823, %swap3A_824] : memref<64x128xf32, #tpu.memory_space<vmem>>, vector<1x128xf32>
    tpu.vector_store %arg9[%swap3A_823, %swap3A_824], %max3A_822 {strides = array<i32>} : memref<64x128xf32, #tpu.memory_space<vmem>>, vector<1x128xf32>,
    %eq3A_826 = arith.constant 43 : i32
    %eq3A_827 = vector.broadcast %eq3A_826 : i32 to vector<1280x1xi32>
    %eq3A_828 = arith.cmpi eq, %get3A_33, %eq3A_827 : vector<1280x1xi32>
    %jit3A_829 = arith.constant 0xFF800000 : f32
    %broadcast_in_dim3A_830 = vector.shape_cast %eq3A_828 : vector<1280x1xi1> to vector<1280x1xi1>
    %broadcast_in_dim3A_831 = vector.broadcast %broadcast_in_dim3A_830 : vector<1280x1xi1> to vector<1280x128xi1>
    %broadcast_in_dim3A_832 = vector.broadcast %jit3A_829 : f32 to vector<1280x128xf32>
    %select_n3A_833 = arith.select %broadcast_in_dim3A_831, %tanh3A, %broadcast_in_dim3A_832 : vector<1280x128xi1>, vector<1280x128xf32>
    %reduce_max3A_834 = arith.constant dense<0xFF800000> : vector<128xf32>
    %reduce_max3A_835 = vector.multi_reduction <maximumf>, %select_n3A_833, %reduce_max3A_834 [0] : vector<1280x128xf32> to vector<128xf32>
    %get3A_836 = arith.constant 43 : index
    %get3A_837 = arith.constant 0 : index
    %get3A_838 = vector.load %arg9[%get3A_836, %get3A_837] : memref<64x128xf32, #tpu.memory_space<vmem>>, vector<1x128xf32>
    %broadcast_in_dim3A_839 = vector.shape_cast %reduce_max3A_835 : vector<128xf32> to vector<1x128xf32>
    %max3A_840 = arith.maximumf %get3A_838, %broadcast_in_dim3A_839 : vector<1x128xf32>
    %swap3A_841 = arith.constant 43 : index
    %swap3A_842 = arith.constant 0 : index
    %swap3A_843 = vector.load %arg9[%swap3A_841, %swap3A_842] : memref<64x128xf32, #tpu.memory_space<vmem>>, vector<1x128xf32>
    tpu.vector_store %arg9[%swap3A_841, %swap3A_842], %max3A_840 {strides = array<i32>} : memref<64x128xf32, #tpu.memory_space<vmem>>, vector<1x128xf32>,
    %eq3A_844 = arith.constant 44 : i32
    %eq3A_845 = vector.broadcast %eq3A_844 : i32 to vector<1280x1xi32>
    %eq3A_846 = arith.cmpi eq, %get3A_33, %eq3A_845 : vector<1280x1xi32>
    %jit3A_847 = arith.constant 0xFF800000 : f32
    %broadcast_in_dim3A_848 = vector.shape_cast %eq3A_846 : vector<1280x1xi1> to vector<1280x1xi1>
    %broadcast_in_dim3A_849 = vector.broadcast %broadcast_in_dim3A_848 : vector<1280x1xi1> to vector<1280x128xi1>
    %broadcast_in_dim3A_850 = vector.broadcast %jit3A_847 : f32 to vector<1280x128xf32>
    %select_n3A_851 = arith.select %broadcast_in_dim3A_849, %tanh3A, %broadcast_in_dim3A_850 : vector<1280x128xi1>, vector<1280x128xf32>
    %reduce_max3A_852 = arith.constant dense<0xFF800000> : vector<128xf32>
    %reduce_max3A_853 = vector.multi_reduction <maximumf>, %select_n3A_851, %reduce_max3A_852 [0] : vector<1280x128xf32> to vector<128xf32>
    %get3A_854 = arith.constant 44 : index
    %get3A_855 = arith.constant 0 : index
    %get3A_856 = vector.load %arg9[%get3A_854, %get3A_855] : memref<64x128xf32, #tpu.memory_space<vmem>>, vector<1x128xf32>
    %broadcast_in_dim3A_857 = vector.shape_cast %reduce_max3A_853 : vector<128xf32> to vector<1x128xf32>
    %max3A_858 = arith.maximumf %get3A_856, %broadcast_in_dim3A_857 : vector<1x128xf32>
    %swap3A_859 = arith.constant 44 : index
    %swap3A_860 = arith.constant 0 : index
    %swap3A_861 = vector.load %arg9[%swap3A_859, %swap3A_860] : memref<64x128xf32, #tpu.memory_space<vmem>>, vector<1x128xf32>
    tpu.vector_store %arg9[%swap3A_859, %swap3A_860], %max3A_858 {strides = array<i32>} : memref<64x128xf32, #tpu.memory_space<vmem>>, vector<1x128xf32>,
    %eq3A_862 = arith.constant 45 : i32
    %eq3A_863 = vector.broadcast %eq3A_862 : i32 to vector<1280x1xi32>
    %eq3A_864 = arith.cmpi eq, %get3A_33, %eq3A_863 : vector<1280x1xi32>
    %jit3A_865 = arith.constant 0xFF800000 : f32
    %broadcast_in_dim3A_866 = vector.shape_cast %eq3A_864 : vector<1280x1xi1> to vector<1280x1xi1>
    %broadcast_in_dim3A_867 = vector.broadcast %broadcast_in_dim3A_866 : vector<1280x1xi1> to vector<1280x128xi1>
    %broadcast_in_dim3A_868 = vector.broadcast %jit3A_865 : f32 to vector<1280x128xf32>
    %select_n3A_869 = arith.select %broadcast_in_dim3A_867, %tanh3A, %broadcast_in_dim3A_868 : vector<1280x128xi1>, vector<1280x128xf32>
    %reduce_max3A_870 = arith.constant dense<0xFF800000> : vector<128xf32>
    %reduce_max3A_871 = vector.multi_reduction <maximumf>, %select_n3A_869, %reduce_max3A_870 [0] : vector<1280x128xf32> to vector<128xf32>
    %get3A_872 = arith.constant 45 : index
    %get3A_873 = arith.constant 0 : index
    %get3A_874 = vector.load %arg9[%get3A_872, %get3A_873] : memref<64x128xf32, #tpu.memory_space<vmem>>, vector<1x128xf32>
    %broadcast_in_dim3A_875 = vector.shape_cast %reduce_max3A_871 : vector<128xf32> to vector<1x128xf32>
    %max3A_876 = arith.maximumf %get3A_874, %broadcast_in_dim3A_875 : vector<1x128xf32>
    %swap3A_877 = arith.constant 45 : index
    %swap3A_878 = arith.constant 0 : index
    %swap3A_879 = vector.load %arg9[%swap3A_877, %swap3A_878] : memref<64x128xf32, #tpu.memory_space<vmem>>, vector<1x128xf32>
    tpu.vector_store %arg9[%swap3A_877, %swap3A_878], %max3A_876 {strides = array<i32>} : memref<64x128xf32, #tpu.memory_space<vmem>>, vector<1x128xf32>,
    %eq3A_880 = arith.constant 46 : i32
    %eq3A_881 = vector.broadcast %eq3A_880 : i32 to vector<1280x1xi32>
    %eq3A_882 = arith.cmpi eq, %get3A_33, %eq3A_881 : vector<1280x1xi32>
    %jit3A_883 = arith.constant 0xFF800000 : f32
    %broadcast_in_dim3A_884 = vector.shape_cast %eq3A_882 : vector<1280x1xi1> to vector<1280x1xi1>
    %broadcast_in_dim3A_885 = vector.broadcast %broadcast_in_dim3A_884 : vector<1280x1xi1> to vector<1280x128xi1>
    %broadcast_in_dim3A_886 = vector.broadcast %jit3A_883 : f32 to vector<1280x128xf32>
    %select_n3A_887 = arith.select %broadcast_in_dim3A_885, %tanh3A, %broadcast_in_dim3A_886 : vector<1280x128xi1>, vector<1280x128xf32>
    %reduce_max3A_888 = arith.constant dense<0xFF800000> : vector<128xf32>
    %reduce_max3A_889 = vector.multi_reduction <maximumf>, %select_n3A_887, %reduce_max3A_888 [0] : vector<1280x128xf32> to vector<128xf32>
    %get3A_890 = arith.constant 46 : index
    %get3A_891 = arith.constant 0 : index
    %get3A_892 = vector.load %arg9[%get3A_890, %get3A_891] : memref<64x128xf32, #tpu.memory_space<vmem>>, vector<1x128xf32>
    %broadcast_in_dim3A_893 = vector.shape_cast %reduce_max3A_889 : vector<128xf32> to vector<1x128xf32>
    %max3A_894 = arith.maximumf %get3A_892, %broadcast_in_dim3A_893 : vector<1x128xf32>
    %swap3A_895 = arith.constant 46 : index
    %swap3A_896 = arith.constant 0 : index
    %swap3A_897 = vector.load %arg9[%swap3A_895, %swap3A_896] : memref<64x128xf32, #tpu.memory_space<vmem>>, vector<1x128xf32>
    tpu.vector_store %arg9[%swap3A_895, %swap3A_896], %max3A_894 {strides = array<i32>} : memref<64x128xf32, #tpu.memory_space<vmem>>, vector<1x128xf32>,
    %eq3A_898 = arith.constant 47 : i32
    %eq3A_899 = vector.broadcast %eq3A_898 : i32 to vector<1280x1xi32>
    %eq3A_900 = arith.cmpi eq, %get3A_33, %eq3A_899 : vector<1280x1xi32>
    %jit3A_901 = arith.constant 0xFF800000 : f32
    %broadcast_in_dim3A_902 = vector.shape_cast %eq3A_900 : vector<1280x1xi1> to vector<1280x1xi1>
    %broadcast_in_dim3A_903 = vector.broadcast %broadcast_in_dim3A_902 : vector<1280x1xi1> to vector<1280x128xi1>
    %broadcast_in_dim3A_904 = vector.broadcast %jit3A_901 : f32 to vector<1280x128xf32>
    %select_n3A_905 = arith.select %broadcast_in_dim3A_903, %tanh3A, %broadcast_in_dim3A_904 : vector<1280x128xi1>, vector<1280x128xf32>
    %reduce_max3A_906 = arith.constant dense<0xFF800000> : vector<128xf32>
    %reduce_max3A_907 = vector.multi_reduction <maximumf>, %select_n3A_905, %reduce_max3A_906 [0] : vector<1280x128xf32> to vector<128xf32>
    %get3A_908 = arith.constant 47 : index
    %get3A_909 = arith.constant 0 : index
    %get3A_910 = vector.load %arg9[%get3A_908, %get3A_909] : memref<64x128xf32, #tpu.memory_space<vmem>>, vector<1x128xf32>
    %broadcast_in_dim3A_911 = vector.shape_cast %reduce_max3A_907 : vector<128xf32> to vector<1x128xf32>
    %max3A_912 = arith.maximumf %get3A_910, %broadcast_in_dim3A_911 : vector<1x128xf32>
    %swap3A_913 = arith.constant 47 : index
    %swap3A_914 = arith.constant 0 : index
    %swap3A_915 = vector.load %arg9[%swap3A_913, %swap3A_914] : memref<64x128xf32, #tpu.memory_space<vmem>>, vector<1x128xf32>
    tpu.vector_store %arg9[%swap3A_913, %swap3A_914], %max3A_912 {strides = array<i32>} : memref<64x128xf32, #tpu.memory_space<vmem>>, vector<1x128xf32>,
    %eq3A_916 = arith.constant 48 : i32
    %eq3A_917 = vector.broadcast %eq3A_916 : i32 to vector<1280x1xi32>
    %eq3A_918 = arith.cmpi eq, %get3A_33, %eq3A_917 : vector<1280x1xi32>
    %jit3A_919 = arith.constant 0xFF800000 : f32
    %broadcast_in_dim3A_920 = vector.shape_cast %eq3A_918 : vector<1280x1xi1> to vector<1280x1xi1>
    %broadcast_in_dim3A_921 = vector.broadcast %broadcast_in_dim3A_920 : vector<1280x1xi1> to vector<1280x128xi1>
    %broadcast_in_dim3A_922 = vector.broadcast %jit3A_919 : f32 to vector<1280x128xf32>
    %select_n3A_923 = arith.select %broadcast_in_dim3A_921, %tanh3A, %broadcast_in_dim3A_922 : vector<1280x128xi1>, vector<1280x128xf32>
    %reduce_max3A_924 = arith.constant dense<0xFF800000> : vector<128xf32>
    %reduce_max3A_925 = vector.multi_reduction <maximumf>, %select_n3A_923, %reduce_max3A_924 [0] : vector<1280x128xf32> to vector<128xf32>
    %get3A_926 = arith.constant 48 : index
    %get3A_927 = arith.constant 0 : index
    %get3A_928 = vector.load %arg9[%get3A_926, %get3A_927] : memref<64x128xf32, #tpu.memory_space<vmem>>, vector<1x128xf32>
    %broadcast_in_dim3A_929 = vector.shape_cast %reduce_max3A_925 : vector<128xf32> to vector<1x128xf32>
    %max3A_930 = arith.maximumf %get3A_928, %broadcast_in_dim3A_929 : vector<1x128xf32>
    %swap3A_931 = arith.constant 48 : index
    %swap3A_932 = arith.constant 0 : index
    %swap3A_933 = vector.load %arg9[%swap3A_931, %swap3A_932] : memref<64x128xf32, #tpu.memory_space<vmem>>, vector<1x128xf32>
    tpu.vector_store %arg9[%swap3A_931, %swap3A_932], %max3A_930 {strides = array<i32>} : memref<64x128xf32, #tpu.memory_space<vmem>>, vector<1x128xf32>,
    %eq3A_934 = arith.constant 49 : i32
    %eq3A_935 = vector.broadcast %eq3A_934 : i32 to vector<1280x1xi32>
    %eq3A_936 = arith.cmpi eq, %get3A_33, %eq3A_935 : vector<1280x1xi32>
    %jit3A_937 = arith.constant 0xFF800000 : f32
    %broadcast_in_dim3A_938 = vector.shape_cast %eq3A_936 : vector<1280x1xi1> to vector<1280x1xi1>
    %broadcast_in_dim3A_939 = vector.broadcast %broadcast_in_dim3A_938 : vector<1280x1xi1> to vector<1280x128xi1>
    %broadcast_in_dim3A_940 = vector.broadcast %jit3A_937 : f32 to vector<1280x128xf32>
    %select_n3A_941 = arith.select %broadcast_in_dim3A_939, %tanh3A, %broadcast_in_dim3A_940 : vector<1280x128xi1>, vector<1280x128xf32>
    %reduce_max3A_942 = arith.constant dense<0xFF800000> : vector<128xf32>
    %reduce_max3A_943 = vector.multi_reduction <maximumf>, %select_n3A_941, %reduce_max3A_942 [0] : vector<1280x128xf32> to vector<128xf32>
    %get3A_944 = arith.constant 49 : index
    %get3A_945 = arith.constant 0 : index
    %get3A_946 = vector.load %arg9[%get3A_944, %get3A_945] : memref<64x128xf32, #tpu.memory_space<vmem>>, vector<1x128xf32>
    %broadcast_in_dim3A_947 = vector.shape_cast %reduce_max3A_943 : vector<128xf32> to vector<1x128xf32>
    %max3A_948 = arith.maximumf %get3A_946, %broadcast_in_dim3A_947 : vector<1x128xf32>
    %swap3A_949 = arith.constant 49 : index
    %swap3A_950 = arith.constant 0 : index
    %swap3A_951 = vector.load %arg9[%swap3A_949, %swap3A_950] : memref<64x128xf32, #tpu.memory_space<vmem>>, vector<1x128xf32>
    tpu.vector_store %arg9[%swap3A_949, %swap3A_950], %max3A_948 {strides = array<i32>} : memref<64x128xf32, #tpu.memory_space<vmem>>, vector<1x128xf32>,
    %eq3A_952 = arith.constant 50 : i32
    %eq3A_953 = vector.broadcast %eq3A_952 : i32 to vector<1280x1xi32>
    %eq3A_954 = arith.cmpi eq, %get3A_33, %eq3A_953 : vector<1280x1xi32>
    %jit3A_955 = arith.constant 0xFF800000 : f32
    %broadcast_in_dim3A_956 = vector.shape_cast %eq3A_954 : vector<1280x1xi1> to vector<1280x1xi1>
    %broadcast_in_dim3A_957 = vector.broadcast %broadcast_in_dim3A_956 : vector<1280x1xi1> to vector<1280x128xi1>
    %broadcast_in_dim3A_958 = vector.broadcast %jit3A_955 : f32 to vector<1280x128xf32>
    %select_n3A_959 = arith.select %broadcast_in_dim3A_957, %tanh3A, %broadcast_in_dim3A_958 : vector<1280x128xi1>, vector<1280x128xf32>
    %reduce_max3A_960 = arith.constant dense<0xFF800000> : vector<128xf32>
    %reduce_max3A_961 = vector.multi_reduction <maximumf>, %select_n3A_959, %reduce_max3A_960 [0] : vector<1280x128xf32> to vector<128xf32>
    %get3A_962 = arith.constant 50 : index
    %get3A_963 = arith.constant 0 : index
    %get3A_964 = vector.load %arg9[%get3A_962, %get3A_963] : memref<64x128xf32, #tpu.memory_space<vmem>>, vector<1x128xf32>
    %broadcast_in_dim3A_965 = vector.shape_cast %reduce_max3A_961 : vector<128xf32> to vector<1x128xf32>
    %max3A_966 = arith.maximumf %get3A_964, %broadcast_in_dim3A_965 : vector<1x128xf32>
    %swap3A_967 = arith.constant 50 : index
    %swap3A_968 = arith.constant 0 : index
    %swap3A_969 = vector.load %arg9[%swap3A_967, %swap3A_968] : memref<64x128xf32, #tpu.memory_space<vmem>>, vector<1x128xf32>
    tpu.vector_store %arg9[%swap3A_967, %swap3A_968], %max3A_966 {strides = array<i32>} : memref<64x128xf32, #tpu.memory_space<vmem>>, vector<1x128xf32>,
    %eq3A_970 = arith.constant 51 : i32
    %eq3A_971 = vector.broadcast %eq3A_970 : i32 to vector<1280x1xi32>
    %eq3A_972 = arith.cmpi eq, %get3A_33, %eq3A_971 : vector<1280x1xi32>
    %jit3A_973 = arith.constant 0xFF800000 : f32
    %broadcast_in_dim3A_974 = vector.shape_cast %eq3A_972 : vector<1280x1xi1> to vector<1280x1xi1>
    %broadcast_in_dim3A_975 = vector.broadcast %broadcast_in_dim3A_974 : vector<1280x1xi1> to vector<1280x128xi1>
    %broadcast_in_dim3A_976 = vector.broadcast %jit3A_973 : f32 to vector<1280x128xf32>
    %select_n3A_977 = arith.select %broadcast_in_dim3A_975, %tanh3A, %broadcast_in_dim3A_976 : vector<1280x128xi1>, vector<1280x128xf32>
    %reduce_max3A_978 = arith.constant dense<0xFF800000> : vector<128xf32>
    %reduce_max3A_979 = vector.multi_reduction <maximumf>, %select_n3A_977, %reduce_max3A_978 [0] : vector<1280x128xf32> to vector<128xf32>
    %get3A_980 = arith.constant 51 : index
    %get3A_981 = arith.constant 0 : index
    %get3A_982 = vector.load %arg9[%get3A_980, %get3A_981] : memref<64x128xf32, #tpu.memory_space<vmem>>, vector<1x128xf32>
    %broadcast_in_dim3A_983 = vector.shape_cast %reduce_max3A_979 : vector<128xf32> to vector<1x128xf32>
    %max3A_984 = arith.maximumf %get3A_982, %broadcast_in_dim3A_983 : vector<1x128xf32>
    %swap3A_985 = arith.constant 51 : index
    %swap3A_986 = arith.constant 0 : index
    %swap3A_987 = vector.load %arg9[%swap3A_985, %swap3A_986] : memref<64x128xf32, #tpu.memory_space<vmem>>, vector<1x128xf32>
    tpu.vector_store %arg9[%swap3A_985, %swap3A_986], %max3A_984 {strides = array<i32>} : memref<64x128xf32, #tpu.memory_space<vmem>>, vector<1x128xf32>,
    %eq3A_988 = arith.constant 52 : i32
    %eq3A_989 = vector.broadcast %eq3A_988 : i32 to vector<1280x1xi32>
    %eq3A_990 = arith.cmpi eq, %get3A_33, %eq3A_989 : vector<1280x1xi32>
    %jit3A_991 = arith.constant 0xFF800000 : f32
    %broadcast_in_dim3A_992 = vector.shape_cast %eq3A_990 : vector<1280x1xi1> to vector<1280x1xi1>
    %broadcast_in_dim3A_993 = vector.broadcast %broadcast_in_dim3A_992 : vector<1280x1xi1> to vector<1280x128xi1>
    %broadcast_in_dim3A_994 = vector.broadcast %jit3A_991 : f32 to vector<1280x128xf32>
    %select_n3A_995 = arith.select %broadcast_in_dim3A_993, %tanh3A, %broadcast_in_dim3A_994 : vector<1280x128xi1>, vector<1280x128xf32>
    %reduce_max3A_996 = arith.constant dense<0xFF800000> : vector<128xf32>
    %reduce_max3A_997 = vector.multi_reduction <maximumf>, %select_n3A_995, %reduce_max3A_996 [0] : vector<1280x128xf32> to vector<128xf32>
    %get3A_998 = arith.constant 52 : index
    %get3A_999 = arith.constant 0 : index
    %get3A_1000 = vector.load %arg9[%get3A_998, %get3A_999] : memref<64x128xf32, #tpu.memory_space<vmem>>, vector<1x128xf32>
    %broadcast_in_dim3A_1001 = vector.shape_cast %reduce_max3A_997 : vector<128xf32> to vector<1x128xf32>
    %max3A_1002 = arith.maximumf %get3A_1000, %broadcast_in_dim3A_1001 : vector<1x128xf32>
    %swap3A_1003 = arith.constant 52 : index
    %swap3A_1004 = arith.constant 0 : index
    %swap3A_1005 = vector.load %arg9[%swap3A_1003, %swap3A_1004] : memref<64x128xf32, #tpu.memory_space<vmem>>, vector<1x128xf32>
    tpu.vector_store %arg9[%swap3A_1003, %swap3A_1004], %max3A_1002 {strides = array<i32>} : memref<64x128xf32, #tpu.memory_space<vmem>>, vector<1x128xf32>,
    %eq3A_1006 = arith.constant 53 : i32
    %eq3A_1007 = vector.broadcast %eq3A_1006 : i32 to vector<1280x1xi32>
    %eq3A_1008 = arith.cmpi eq, %get3A_33, %eq3A_1007 : vector<1280x1xi32>
    %jit3A_1009 = arith.constant 0xFF800000 : f32
    %broadcast_in_dim3A_1010 = vector.shape_cast %eq3A_1008 : vector<1280x1xi1> to vector<1280x1xi1>
    %broadcast_in_dim3A_1011 = vector.broadcast %broadcast_in_dim3A_1010 : vector<1280x1xi1> to vector<1280x128xi1>
    %broadcast_in_dim3A_1012 = vector.broadcast %jit3A_1009 : f32 to vector<1280x128xf32>
    %select_n3A_1013 = arith.select %broadcast_in_dim3A_1011, %tanh3A, %broadcast_in_dim3A_1012 : vector<1280x128xi1>, vector<1280x128xf32>
    %reduce_max3A_1014 = arith.constant dense<0xFF800000> : vector<128xf32>
    %reduce_max3A_1015 = vector.multi_reduction <maximumf>, %select_n3A_1013, %reduce_max3A_1014 [0] : vector<1280x128xf32> to vector<128xf32>
    %get3A_1016 = arith.constant 53 : index
    %get3A_1017 = arith.constant 0 : index
    %get3A_1018 = vector.load %arg9[%get3A_1016, %get3A_1017] : memref<64x128xf32, #tpu.memory_space<vmem>>, vector<1x128xf32>
    %broadcast_in_dim3A_1019 = vector.shape_cast %reduce_max3A_1015 : vector<128xf32> to vector<1x128xf32>
    %max3A_1020 = arith.maximumf %get3A_1018, %broadcast_in_dim3A_1019 : vector<1x128xf32>
    %swap3A_1021 = arith.constant 53 : index
    %swap3A_1022 = arith.constant 0 : index
    %swap3A_1023 = vector.load %arg9[%swap3A_1021, %swap3A_1022] : memref<64x128xf32, #tpu.memory_space<vmem>>, vector<1x128xf32>
    tpu.vector_store %arg9[%swap3A_1021, %swap3A_1022], %max3A_1020 {strides = array<i32>} : memref<64x128xf32, #tpu.memory_space<vmem>>, vector<1x128xf32>,
    %eq3A_1024 = arith.constant 54 : i32
    %eq3A_1025 = vector.broadcast %eq3A_1024 : i32 to vector<1280x1xi32>
    %eq3A_1026 = arith.cmpi eq, %get3A_33, %eq3A_1025 : vector<1280x1xi32>
    %jit3A_1027 = arith.constant 0xFF800000 : f32
    %broadcast_in_dim3A_1028 = vector.shape_cast %eq3A_1026 : vector<1280x1xi1> to vector<1280x1xi1>
    %broadcast_in_dim3A_1029 = vector.broadcast %broadcast_in_dim3A_1028 : vector<1280x1xi1> to vector<1280x128xi1>
    %broadcast_in_dim3A_1030 = vector.broadcast %jit3A_1027 : f32 to vector<1280x128xf32>
    %select_n3A_1031 = arith.select %broadcast_in_dim3A_1029, %tanh3A, %broadcast_in_dim3A_1030 : vector<1280x128xi1>, vector<1280x128xf32>
    %reduce_max3A_1032 = arith.constant dense<0xFF800000> : vector<128xf32>
    %reduce_max3A_1033 = vector.multi_reduction <maximumf>, %select_n3A_1031, %reduce_max3A_1032 [0] : vector<1280x128xf32> to vector<128xf32>
    %get3A_1034 = arith.constant 54 : index
    %get3A_1035 = arith.constant 0 : index
    %get3A_1036 = vector.load %arg9[%get3A_1034, %get3A_1035] : memref<64x128xf32, #tpu.memory_space<vmem>>, vector<1x128xf32>
    %broadcast_in_dim3A_1037 = vector.shape_cast %reduce_max3A_1033 : vector<128xf32> to vector<1x128xf32>
    %max3A_1038 = arith.maximumf %get3A_1036, %broadcast_in_dim3A_1037 : vector<1x128xf32>
    %swap3A_1039 = arith.constant 54 : index
    %swap3A_1040 = arith.constant 0 : index
    %swap3A_1041 = vector.load %arg9[%swap3A_1039, %swap3A_1040] : memref<64x128xf32, #tpu.memory_space<vmem>>, vector<1x128xf32>
    tpu.vector_store %arg9[%swap3A_1039, %swap3A_1040], %max3A_1038 {strides = array<i32>} : memref<64x128xf32, #tpu.memory_space<vmem>>, vector<1x128xf32>,
    %eq3A_1042 = arith.constant 55 : i32
    %eq3A_1043 = vector.broadcast %eq3A_1042 : i32 to vector<1280x1xi32>
    %eq3A_1044 = arith.cmpi eq, %get3A_33, %eq3A_1043 : vector<1280x1xi32>
    %jit3A_1045 = arith.constant 0xFF800000 : f32
    %broadcast_in_dim3A_1046 = vector.shape_cast %eq3A_1044 : vector<1280x1xi1> to vector<1280x1xi1>
    %broadcast_in_dim3A_1047 = vector.broadcast %broadcast_in_dim3A_1046 : vector<1280x1xi1> to vector<1280x128xi1>
    %broadcast_in_dim3A_1048 = vector.broadcast %jit3A_1045 : f32 to vector<1280x128xf32>
    %select_n3A_1049 = arith.select %broadcast_in_dim3A_1047, %tanh3A, %broadcast_in_dim3A_1048 : vector<1280x128xi1>, vector<1280x128xf32>
    %reduce_max3A_1050 = arith.constant dense<0xFF800000> : vector<128xf32>
    %reduce_max3A_1051 = vector.multi_reduction <maximumf>, %select_n3A_1049, %reduce_max3A_1050 [0] : vector<1280x128xf32> to vector<128xf32>
    %get3A_1052 = arith.constant 55 : index
    %get3A_1053 = arith.constant 0 : index
    %get3A_1054 = vector.load %arg9[%get3A_1052, %get3A_1053] : memref<64x128xf32, #tpu.memory_space<vmem>>, vector<1x128xf32>
    %broadcast_in_dim3A_1055 = vector.shape_cast %reduce_max3A_1051 : vector<128xf32> to vector<1x128xf32>
    %max3A_1056 = arith.maximumf %get3A_1054, %broadcast_in_dim3A_1055 : vector<1x128xf32>
    %swap3A_1057 = arith.constant 55 : index
    %swap3A_1058 = arith.constant 0 : index
    %swap3A_1059 = vector.load %arg9[%swap3A_1057, %swap3A_1058] : memref<64x128xf32, #tpu.memory_space<vmem>>, vector<1x128xf32>
    tpu.vector_store %arg9[%swap3A_1057, %swap3A_1058], %max3A_1056 {strides = array<i32>} : memref<64x128xf32, #tpu.memory_space<vmem>>, vector<1x128xf32>,
    %eq3A_1060 = arith.constant 56 : i32
    %eq3A_1061 = vector.broadcast %eq3A_1060 : i32 to vector<1280x1xi32>
    %eq3A_1062 = arith.cmpi eq, %get3A_33, %eq3A_1061 : vector<1280x1xi32>
    %jit3A_1063 = arith.constant 0xFF800000 : f32
    %broadcast_in_dim3A_1064 = vector.shape_cast %eq3A_1062 : vector<1280x1xi1> to vector<1280x1xi1>
    %broadcast_in_dim3A_1065 = vector.broadcast %broadcast_in_dim3A_1064 : vector<1280x1xi1> to vector<1280x128xi1>
    %broadcast_in_dim3A_1066 = vector.broadcast %jit3A_1063 : f32 to vector<1280x128xf32>
    %select_n3A_1067 = arith.select %broadcast_in_dim3A_1065, %tanh3A, %broadcast_in_dim3A_1066 : vector<1280x128xi1>, vector<1280x128xf32>
    %reduce_max3A_1068 = arith.constant dense<0xFF800000> : vector<128xf32>
    %reduce_max3A_1069 = vector.multi_reduction <maximumf>, %select_n3A_1067, %reduce_max3A_1068 [0] : vector<1280x128xf32> to vector<128xf32>
    %get3A_1070 = arith.constant 56 : index
    %get3A_1071 = arith.constant 0 : index
    %get3A_1072 = vector.load %arg9[%get3A_1070, %get3A_1071] : memref<64x128xf32, #tpu.memory_space<vmem>>, vector<1x128xf32>
    %broadcast_in_dim3A_1073 = vector.shape_cast %reduce_max3A_1069 : vector<128xf32> to vector<1x128xf32>
    %max3A_1074 = arith.maximumf %get3A_1072, %broadcast_in_dim3A_1073 : vector<1x128xf32>
    %swap3A_1075 = arith.constant 56 : index
    %swap3A_1076 = arith.constant 0 : index
    %swap3A_1077 = vector.load %arg9[%swap3A_1075, %swap3A_1076] : memref<64x128xf32, #tpu.memory_space<vmem>>, vector<1x128xf32>
    tpu.vector_store %arg9[%swap3A_1075, %swap3A_1076], %max3A_1074 {strides = array<i32>} : memref<64x128xf32, #tpu.memory_space<vmem>>, vector<1x128xf32>,
    %eq3A_1078 = arith.constant 57 : i32
    %eq3A_1079 = vector.broadcast %eq3A_1078 : i32 to vector<1280x1xi32>
    %eq3A_1080 = arith.cmpi eq, %get3A_33, %eq3A_1079 : vector<1280x1xi32>
    %jit3A_1081 = arith.constant 0xFF800000 : f32
    %broadcast_in_dim3A_1082 = vector.shape_cast %eq3A_1080 : vector<1280x1xi1> to vector<1280x1xi1>
    %broadcast_in_dim3A_1083 = vector.broadcast %broadcast_in_dim3A_1082 : vector<1280x1xi1> to vector<1280x128xi1>
    %broadcast_in_dim3A_1084 = vector.broadcast %jit3A_1081 : f32 to vector<1280x128xf32>
    %select_n3A_1085 = arith.select %broadcast_in_dim3A_1083, %tanh3A, %broadcast_in_dim3A_1084 : vector<1280x128xi1>, vector<1280x128xf32>
    %reduce_max3A_1086 = arith.constant dense<0xFF800000> : vector<128xf32>
    %reduce_max3A_1087 = vector.multi_reduction <maximumf>, %select_n3A_1085, %reduce_max3A_1086 [0] : vector<1280x128xf32> to vector<128xf32>
    %get3A_1088 = arith.constant 57 : index
    %get3A_1089 = arith.constant 0 : index
    %get3A_1090 = vector.load %arg9[%get3A_1088, %get3A_1089] : memref<64x128xf32, #tpu.memory_space<vmem>>, vector<1x128xf32>
    %broadcast_in_dim3A_1091 = vector.shape_cast %reduce_max3A_1087 : vector<128xf32> to vector<1x128xf32>
    %max3A_1092 = arith.maximumf %get3A_1090, %broadcast_in_dim3A_1091 : vector<1x128xf32>
    %swap3A_1093 = arith.constant 57 : index
    %swap3A_1094 = arith.constant 0 : index
    %swap3A_1095 = vector.load %arg9[%swap3A_1093, %swap3A_1094] : memref<64x128xf32, #tpu.memory_space<vmem>>, vector<1x128xf32>
    tpu.vector_store %arg9[%swap3A_1093, %swap3A_1094], %max3A_1092 {strides = array<i32>} : memref<64x128xf32, #tpu.memory_space<vmem>>, vector<1x128xf32>,
    %eq3A_1096 = arith.constant 58 : i32
    %eq3A_1097 = vector.broadcast %eq3A_1096 : i32 to vector<1280x1xi32>
    %eq3A_1098 = arith.cmpi eq, %get3A_33, %eq3A_1097 : vector<1280x1xi32>
    %jit3A_1099 = arith.constant 0xFF800000 : f32
    %broadcast_in_dim3A_1100 = vector.shape_cast %eq3A_1098 : vector<1280x1xi1> to vector<1280x1xi1>
    %broadcast_in_dim3A_1101 = vector.broadcast %broadcast_in_dim3A_1100 : vector<1280x1xi1> to vector<1280x128xi1>
    %broadcast_in_dim3A_1102 = vector.broadcast %jit3A_1099 : f32 to vector<1280x128xf32>
    %select_n3A_1103 = arith.select %broadcast_in_dim3A_1101, %tanh3A, %broadcast_in_dim3A_1102 : vector<1280x128xi1>, vector<1280x128xf32>
    %reduce_max3A_1104 = arith.constant dense<0xFF800000> : vector<128xf32>
    %reduce_max3A_1105 = vector.multi_reduction <maximumf>, %select_n3A_1103, %reduce_max3A_1104 [0] : vector<1280x128xf32> to vector<128xf32>
    %get3A_1106 = arith.constant 58 : index
    %get3A_1107 = arith.constant 0 : index
    %get3A_1108 = vector.load %arg9[%get3A_1106, %get3A_1107] : memref<64x128xf32, #tpu.memory_space<vmem>>, vector<1x128xf32>
    %broadcast_in_dim3A_1109 = vector.shape_cast %reduce_max3A_1105 : vector<128xf32> to vector<1x128xf32>
    %max3A_1110 = arith.maximumf %get3A_1108, %broadcast_in_dim3A_1109 : vector<1x128xf32>
    %swap3A_1111 = arith.constant 58 : index
    %swap3A_1112 = arith.constant 0 : index
    %swap3A_1113 = vector.load %arg9[%swap3A_1111, %swap3A_1112] : memref<64x128xf32, #tpu.memory_space<vmem>>, vector<1x128xf32>
    tpu.vector_store %arg9[%swap3A_1111, %swap3A_1112], %max3A_1110 {strides = array<i32>} : memref<64x128xf32, #tpu.memory_space<vmem>>, vector<1x128xf32>,
    %eq3A_1114 = arith.constant 59 : i32
    %eq3A_1115 = vector.broadcast %eq3A_1114 : i32 to vector<1280x1xi32>
    %eq3A_1116 = arith.cmpi eq, %get3A_33, %eq3A_1115 : vector<1280x1xi32>
    %jit3A_1117 = arith.constant 0xFF800000 : f32
    %broadcast_in_dim3A_1118 = vector.shape_cast %eq3A_1116 : vector<1280x1xi1> to vector<1280x1xi1>
    %broadcast_in_dim3A_1119 = vector.broadcast %broadcast_in_dim3A_1118 : vector<1280x1xi1> to vector<1280x128xi1>
    %broadcast_in_dim3A_1120 = vector.broadcast %jit3A_1117 : f32 to vector<1280x128xf32>
    %select_n3A_1121 = arith.select %broadcast_in_dim3A_1119, %tanh3A, %broadcast_in_dim3A_1120 : vector<1280x128xi1>, vector<1280x128xf32>
    %reduce_max3A_1122 = arith.constant dense<0xFF800000> : vector<128xf32>
    %reduce_max3A_1123 = vector.multi_reduction <maximumf>, %select_n3A_1121, %reduce_max3A_1122 [0] : vector<1280x128xf32> to vector<128xf32>
    %get3A_1124 = arith.constant 59 : index
    %get3A_1125 = arith.constant 0 : index
    %get3A_1126 = vector.load %arg9[%get3A_1124, %get3A_1125] : memref<64x128xf32, #tpu.memory_space<vmem>>, vector<1x128xf32>
    %broadcast_in_dim3A_1127 = vector.shape_cast %reduce_max3A_1123 : vector<128xf32> to vector<1x128xf32>
    %max3A_1128 = arith.maximumf %get3A_1126, %broadcast_in_dim3A_1127 : vector<1x128xf32>
    %swap3A_1129 = arith.constant 59 : index
    %swap3A_1130 = arith.constant 0 : index
    %swap3A_1131 = vector.load %arg9[%swap3A_1129, %swap3A_1130] : memref<64x128xf32, #tpu.memory_space<vmem>>, vector<1x128xf32>
    tpu.vector_store %arg9[%swap3A_1129, %swap3A_1130], %max3A_1128 {strides = array<i32>} : memref<64x128xf32, #tpu.memory_space<vmem>>, vector<1x128xf32>,
    %eq3A_1132 = arith.constant 60 : i32
    %eq3A_1133 = vector.broadcast %eq3A_1132 : i32 to vector<1280x1xi32>
    %eq3A_1134 = arith.cmpi eq, %get3A_33, %eq3A_1133 : vector<1280x1xi32>
    %jit3A_1135 = arith.constant 0xFF800000 : f32
    %broadcast_in_dim3A_1136 = vector.shape_cast %eq3A_1134 : vector<1280x1xi1> to vector<1280x1xi1>
    %broadcast_in_dim3A_1137 = vector.broadcast %broadcast_in_dim3A_1136 : vector<1280x1xi1> to vector<1280x128xi1>
    %broadcast_in_dim3A_1138 = vector.broadcast %jit3A_1135 : f32 to vector<1280x128xf32>
    %select_n3A_1139 = arith.select %broadcast_in_dim3A_1137, %tanh3A, %broadcast_in_dim3A_1138 : vector<1280x128xi1>, vector<1280x128xf32>
    %reduce_max3A_1140 = arith.constant dense<0xFF800000> : vector<128xf32>
    %reduce_max3A_1141 = vector.multi_reduction <maximumf>, %select_n3A_1139, %reduce_max3A_1140 [0] : vector<1280x128xf32> to vector<128xf32>
    %get3A_1142 = arith.constant 60 : index
    %get3A_1143 = arith.constant 0 : index
    %get3A_1144 = vector.load %arg9[%get3A_1142, %get3A_1143] : memref<64x128xf32, #tpu.memory_space<vmem>>, vector<1x128xf32>
    %broadcast_in_dim3A_1145 = vector.shape_cast %reduce_max3A_1141 : vector<128xf32> to vector<1x128xf32>
    %max3A_1146 = arith.maximumf %get3A_1144, %broadcast_in_dim3A_1145 : vector<1x128xf32>
    %swap3A_1147 = arith.constant 60 : index
    %swap3A_1148 = arith.constant 0 : index
    %swap3A_1149 = vector.load %arg9[%swap3A_1147, %swap3A_1148] : memref<64x128xf32, #tpu.memory_space<vmem>>, vector<1x128xf32>
    tpu.vector_store %arg9[%swap3A_1147, %swap3A_1148], %max3A_1146 {strides = array<i32>} : memref<64x128xf32, #tpu.memory_space<vmem>>, vector<1x128xf32>,
    %eq3A_1150 = arith.constant 61 : i32
    %eq3A_1151 = vector.broadcast %eq3A_1150 : i32 to vector<1280x1xi32>
    %eq3A_1152 = arith.cmpi eq, %get3A_33, %eq3A_1151 : vector<1280x1xi32>
    %jit3A_1153 = arith.constant 0xFF800000 : f32
    %broadcast_in_dim3A_1154 = vector.shape_cast %eq3A_1152 : vector<1280x1xi1> to vector<1280x1xi1>
    %broadcast_in_dim3A_1155 = vector.broadcast %broadcast_in_dim3A_1154 : vector<1280x1xi1> to vector<1280x128xi1>
    %broadcast_in_dim3A_1156 = vector.broadcast %jit3A_1153 : f32 to vector<1280x128xf32>
    %select_n3A_1157 = arith.select %broadcast_in_dim3A_1155, %tanh3A, %broadcast_in_dim3A_1156 : vector<1280x128xi1>, vector<1280x128xf32>
    %reduce_max3A_1158 = arith.constant dense<0xFF800000> : vector<128xf32>
    %reduce_max3A_1159 = vector.multi_reduction <maximumf>, %select_n3A_1157, %reduce_max3A_1158 [0] : vector<1280x128xf32> to vector<128xf32>
    %get3A_1160 = arith.constant 61 : index
    %get3A_1161 = arith.constant 0 : index
    %get3A_1162 = vector.load %arg9[%get3A_1160, %get3A_1161] : memref<64x128xf32, #tpu.memory_space<vmem>>, vector<1x128xf32>
    %broadcast_in_dim3A_1163 = vector.shape_cast %reduce_max3A_1159 : vector<128xf32> to vector<1x128xf32>
    %max3A_1164 = arith.maximumf %get3A_1162, %broadcast_in_dim3A_1163 : vector<1x128xf32>
    %swap3A_1165 = arith.constant 61 : index
    %swap3A_1166 = arith.constant 0 : index
    %swap3A_1167 = vector.load %arg9[%swap3A_1165, %swap3A_1166] : memref<64x128xf32, #tpu.memory_space<vmem>>, vector<1x128xf32>
    tpu.vector_store %arg9[%swap3A_1165, %swap3A_1166], %max3A_1164 {strides = array<i32>} : memref<64x128xf32, #tpu.memory_space<vmem>>, vector<1x128xf32>,
    %eq3A_1168 = arith.constant 62 : i32
    %eq3A_1169 = vector.broadcast %eq3A_1168 : i32 to vector<1280x1xi32>
    %eq3A_1170 = arith.cmpi eq, %get3A_33, %eq3A_1169 : vector<1280x1xi32>
    %jit3A_1171 = arith.constant 0xFF800000 : f32
    %broadcast_in_dim3A_1172 = vector.shape_cast %eq3A_1170 : vector<1280x1xi1> to vector<1280x1xi1>
    %broadcast_in_dim3A_1173 = vector.broadcast %broadcast_in_dim3A_1172 : vector<1280x1xi1> to vector<1280x128xi1>
    %broadcast_in_dim3A_1174 = vector.broadcast %jit3A_1171 : f32 to vector<1280x128xf32>
    %select_n3A_1175 = arith.select %broadcast_in_dim3A_1173, %tanh3A, %broadcast_in_dim3A_1174 : vector<1280x128xi1>, vector<1280x128xf32>
    %reduce_max3A_1176 = arith.constant dense<0xFF800000> : vector<128xf32>
    %reduce_max3A_1177 = vector.multi_reduction <maximumf>, %select_n3A_1175, %reduce_max3A_1176 [0] : vector<1280x128xf32> to vector<128xf32>
    %get3A_1178 = arith.constant 62 : index
    %get3A_1179 = arith.constant 0 : index
    %get3A_1180 = vector.load %arg9[%get3A_1178, %get3A_1179] : memref<64x128xf32, #tpu.memory_space<vmem>>, vector<1x128xf32>
    %broadcast_in_dim3A_1181 = vector.shape_cast %reduce_max3A_1177 : vector<128xf32> to vector<1x128xf32>
    %max3A_1182 = arith.maximumf %get3A_1180, %broadcast_in_dim3A_1181 : vector<1x128xf32>
    %swap3A_1183 = arith.constant 62 : index
    %swap3A_1184 = arith.constant 0 : index
    %swap3A_1185 = vector.load %arg9[%swap3A_1183, %swap3A_1184] : memref<64x128xf32, #tpu.memory_space<vmem>>, vector<1x128xf32>
    tpu.vector_store %arg9[%swap3A_1183, %swap3A_1184], %max3A_1182 {strides = array<i32>} : memref<64x128xf32, #tpu.memory_space<vmem>>, vector<1x128xf32>,
    %eq3A_1186 = arith.constant 63 : i32
    %eq3A_1187 = vector.broadcast %eq3A_1186 : i32 to vector<1280x1xi32>
    %eq3A_1188 = arith.cmpi eq, %get3A_33, %eq3A_1187 : vector<1280x1xi32>
    %jit3A_1189 = arith.constant 0xFF800000 : f32
    %broadcast_in_dim3A_1190 = vector.shape_cast %eq3A_1188 : vector<1280x1xi1> to vector<1280x1xi1>
    %broadcast_in_dim3A_1191 = vector.broadcast %broadcast_in_dim3A_1190 : vector<1280x1xi1> to vector<1280x128xi1>
    %broadcast_in_dim3A_1192 = vector.broadcast %jit3A_1189 : f32 to vector<1280x128xf32>
    %select_n3A_1193 = arith.select %broadcast_in_dim3A_1191, %tanh3A, %broadcast_in_dim3A_1192 : vector<1280x128xi1>, vector<1280x128xf32>
    %reduce_max3A_1194 = arith.constant dense<0xFF800000> : vector<128xf32>
    %reduce_max3A_1195 = vector.multi_reduction <maximumf>, %select_n3A_1193, %reduce_max3A_1194 [0] : vector<1280x128xf32> to vector<128xf32>
    %get3A_1196 = arith.constant 63 : index
    %get3A_1197 = arith.constant 0 : index
    %get3A_1198 = vector.load %arg9[%get3A_1196, %get3A_1197] : memref<64x128xf32, #tpu.memory_space<vmem>>, vector<1x128xf32>
    %broadcast_in_dim3A_1199 = vector.shape_cast %reduce_max3A_1195 : vector<128xf32> to vector<1x128xf32>
    %max3A_1200 = arith.maximumf %get3A_1198, %broadcast_in_dim3A_1199 : vector<1x128xf32>
    %swap3A_1201 = arith.constant 63 : index
    %swap3A_1202 = arith.constant 0 : index
    %swap3A_1203 = vector.load %arg9[%swap3A_1201, %swap3A_1202] : memref<64x128xf32, #tpu.memory_space<vmem>>, vector<1x128xf32>
    tpu.vector_store %arg9[%swap3A_1201, %swap3A_1202], %max3A_1200 {strides = array<i32>} : memref<64x128xf32, #tpu.memory_space<vmem>>, vector<1x128xf32>,
    %eq3A_1204 = arith.constant 7 : i32
    %eq3A_1205 = arith.cmpi eq, %arg0, %eq3A_1204 : i32
    %convert_element_type3A_1206 = arith.extui %eq3A_1205 : i1 to i32
    %cond3A_1207 = arith.constant 0 : i32
    %cond3A_1208 = arith.cmpi ne, %convert_element_type3A_1206, %cond3A_1207 : i32
    scf.if %cond3A_1208 {
      %get3A_1209 = arith.constant 0 : index
      %get3A_1210 = arith.constant 0 : index
      %get3A_1211 = vector.load %arg10[%get3A_1209, %get3A_1210] : memref<64x128xf32, #tpu.memory_space<vmem>>, vector<64x128xf32>
      %get3A_1212 = arith.constant 0 : index
      %get3A_1213 = arith.constant 0 : index
      %get3A_1214 = vector.load %arg11[%get3A_1212, %get3A_1213] : memref<64x1xf32, #tpu.memory_space<vmem>>, vector<64x1xf32>
      %max3A_1215 = arith.constant 1.000000e+00 : f32
      %max3A_1216 = vector.broadcast %max3A_1215 : f32 to vector<64x1xf32>
      %max3A_1217 = arith.maximumf %get3A_1214, %max3A_1216 : vector<64x1xf32>
      %div3A = vector.broadcast %max3A_1217 : vector<64x1xf32> to vector<64x128xf32>
      %div3A_1218 = arith.divf %get3A_1211, %div3A : vector<64x128xf32>
      %get3A_1219 = arith.constant 0 : index
      %get3A_1220 = arith.constant 0 : index
      %get3A_1221 = vector.load %arg9[%get3A_1219, %get3A_1220] : memref<64x128xf32, #tpu.memory_space<vmem>>, vector<64x128xf32>
      %concatenate3A = tpu.concatenate %get3A_1221, %div3A_1218 in 1 : vector<64x128xf32>, vector<64x128xf32> -> vector<64x256xf32>
      %get3A_1222 = arith.constant 0 : index
      %get3A_1223 = arith.constant 0 : index
      %get3A_1224 = vector.load %arg6[%get3A_1222, %get3A_1223] : memref<256x1xf32, #tpu.memory_space<vmem>>, vector<256x1xf32>
      %dot_general3A_1225 = arith.constant dense<0.000000e+00> : vector<64x1xf32>
      %dot_general3A_1226 = tpu.matmul %concatenate3A, %get3A_1224, %dot_general3A_1225 {dimension_numbers = #tpu.dot_dimension_numbers<[1], [0], [0], [1], [0, 0, 1, 1], [], []>, transpose_lhs_hint = false} : vector<64x256xf32>, vector<256x1xf32>, vector<64x1xf32> -> vector<64x1xf32>
      %get3A_1227 = arith.constant 0 : index
      %get3A_1228 = arith.constant 0 : index
      %get3A_1229 = vector.load %arg7[%get3A_1227, %get3A_1228] : memref<1x1xf32, #tpu.memory_space<vmem>>, vector<1x1xf32>
      %add3A_1230 = vector.broadcast %get3A_1229 : vector<1x1xf32> to vector<64x1xf32>
      %add3A_1231 = arith.addf %dot_general3A_1226, %add3A_1230 : vector<64x1xf32>
      %swap3A_1232 = arith.constant 0 : index
      %swap3A_1233 = arith.constant 0 : index
      %swap3A_1234 = vector.load %arg8[%swap3A_1232, %swap3A_1233] : memref<64x1xf32, #tpu.memory_space<vmem>>, vector<64x1xf32>
      tpu.vector_store %arg8[%swap3A_1232, %swap3A_1233], %add3A_1231 {strides = array<i32>} : memref<64x1xf32, #tpu.memory_space<vmem>>, vector<64x1xf32>,
    } else {
    }
    return
  }
  func.func @transform_0(%arg0: i32) -> (i32, i32, i32) {
    %c0_i32 = arith.constant 0 : i32
    %c0_i32_0 = arith.constant 0 : i32
    %c0_i32_1 = arith.constant 0 : i32
    return %c0_i32, %arg0, %c0_i32_0 : i32, i32, i32
  }
  func.func @transform_1(%arg0: i32) -> (i32, i32) {
    %c0_i32 = arith.constant 0 : i32
    %c0_i32_0 = arith.constant 0 : i32
    return %arg0, %c0_i32 : i32, i32
  }
  func.func @transform_2(%arg0: i32) -> (i32, i32, i32) {
    %c0_i32 = arith.constant 0 : i32
    %c0_i32_0 = arith.constant 0 : i32
    %c0_i32_1 = arith.constant 0 : i32
    return %c0_i32, %arg0, %c0_i32_0 : i32, i32, i32
  }
  func.func @transform_3(%arg0: i32) -> (i32, i32) {
    %c0_i32 = arith.constant 0 : i32
    %c0_i32_0 = arith.constant 0 : i32
    %c0_i32_1 = arith.constant 0 : i32
    return %c0_i32, %c0_i32_0 : i32, i32
  }
  func.func @transform_4(%arg0: i32) -> (i32, i32) {
    %c0_i32 = arith.constant 0 : i32
    %c0_i32_0 = arith.constant 0 : i32
    return %arg0, %c0_i32 : i32, i32
  }
  func.func @transform_5(%arg0: i32) -> (i32, i32) {
    %c0_i32 = arith.constant 0 : i32
    %c0_i32_0 = arith.constant 0 : i32
    %c0_i32_1 = arith.constant 0 : i32
    return %c0_i32, %c0_i32_0 : i32, i32
  }
  func.func @transform_6(%arg0: i32) -> (i32, i32) {
    %c0_i32 = arith.constant 0 : i32
    %c0_i32_0 = arith.constant 0 : i32
    %c0_i32_1 = arith.constant 0 : i32
    return %c0_i32, %c0_i32_0 : i32, i32
  }
  func.func @transform_7(%arg0: i32) -> (i32, i32) {
    %c0_i32 = arith.constant 0 : i32
    %c0_i32_0 = arith.constant 0 : i32
    %c0_i32_1 = arith.constant 0 : i32
    return %c0_i32, %c0_i32_0 : i32, i32
  }
}

</mosaic_0001>

<sc_bundles>
// kernel: kernel.10.cloned.1.call-start
scs
__scs_entry_jumppad:
0x0: {  	(pc) =	sbr.rel $0x88, $3  }
0x1: {  	(tag) =	ssettag $0x0;
	lr =	simm.s32 $0x1  }
0x2: {  	[smem:$0x3F96] =	sst lr;
	_ =	strace $0xD0000000  }
0x3: {  	_ = 	snop  }
0x4: {  	_ = 	snop  }
0x5: {  	_ = 	snop  }
0x6: {  	_ = 	snop  }
0x7: {  	_ = 	snop  }
__scs_overlays_trampoline_lowered:
0x8: {  	[smem:$0x3FA5] =	sst s0  }
0x9: {  	[smem:$0x3FA6] =	sst s1  }
0xa: {  	[smem:$0x3FA7] =	sst s2  }
0xb: {  	[smem:$0x3FA8] =	sst s3  }
0xc: {  	[smem:$0x3FA9] =	sst s4  }
0xd: {  	[smem:$0x3FAA] =	sst s5  }
0xe: {  	[smem:$0x3FAB] =	sst s6  }
0xf: {  	[smem:$0x3FAC] =	sst s7  }
0x10: {  	[smem:$0x3FAD] =	sst s8  }
0x11: {  	[smem:$0x3FAE] =	sst s9;
	s0 =	simm.s32 @!p0 $0x0  }
0x12: {  	s1 =	sld [smem:$0x3F94];
	s0 =	simm.s32 @p0 $0x1  }
0x13: {  	[smem:$0x3FAF] =	sst s0;
	s0 =	simm.s32 @!p1 $0x0  }
0x14: {  	s2 =	sld [smem:$0x3F93];
	s0 =	simm.s32 @p1 $0x1  }
0x15: {  	[smem:$0x3FB0] =	sst s0;
	s0 =	simm.s32 @!p2 $0x0  }
0x16: {  	s3 =	sld [smem:$0x3FDB];
	s0 =	simm.s32 @p2 $0x1  }
0x17: {  	s4 =	simm.s32 $0x1BF5;
	[smem:$0x3FB2] =	sst s0  }
0x18: {  	s0 =	sld [smem:$0x3F95];
	_ =	swait.ge [sflag:s4], $0x0  }
0x19: {  	s7 =	sld [smem:$0x3F96]  }
0x1a: {  	s8 =	sadd.s32 $0xFFFFE003, lr  }
0x1b: {  	s9 =	sadd.s32 $0xFFFFFEF7, lr;
	s5 =	simm.s32 $0xFFFFFFFF;
	p2 =	slt.u32 s8, $0xFFFFF086  }
0x1c: {  	p1 =	slt.u32 s9, $0xF7A;
	s5 =	simm.s32 @!p2 $0x0  }
0x1d: {  	s5 =	simm.s32 @p1 $0x1;
	p0 =	seq.s32 s7, s2  }
0x1e: {  	s7 =	smul.u32 @!p0 $0xF7A, s2;
	p2 =	seq.s32 @!p0 s5, $0x0  }
0x1f: {  	s9 =	smul.u32 $0xF7A, s1;
	s8 =	simm.s32 @!p0 $0x1BF5;
	p2 =	por !p2, p0  }
0x20: {  	[sflag:s8] =	ssyncset.s32 @!p0 $0xFFFFF086;
	s6 =	sadd.s32 @!p0 s3, s7;
	s7 =	simm.s32 @!p0 $0x108  }
0x21: {  	s3 =	sadd.s32 s3, s9;
	s6 =	sadd.s32 @!p0 $0x88, s6;
	s7 =	simm.s32 @p2 $0x1082  }
0x22: {  	[simem:s7], [sflag:s8] =	dma.local @!p0 [hbm:s6], $0xF7A  }
0x23: {  	s9 =	sor.u32 $0xD0000000, s2;
	s6 =	simm.s32 $0x108;
	_ =	swait.ge @!p0 [sflag:s8], $0x0  }
0x24: {  	s3 =	sadd.s32 $0x88, s3;
	s6 =	simm.s32 @!p1 $0x1082;
	[sflag:s4] =	ssyncset.s32 $0xFFFFF086  }
0x25: {  	[simem:s6], [sflag:s4] =	dma.local [hbm:s3], $0xF7A  }
0x26: {  	[smem:$0x3F96] =	sst s1;
	(tag) =	ssettag s2;
	_ =	strace s9  }
0x27: {  	s1 =	sld [smem:$0x3FA6]  }
0x28: {  	s2 =	sld [smem:$0x3FA7]  }
0x29: {  	s4 =	sld [smem:$0x3FA9]  }
0x2a: {  	p0 =	seq.s32 s5, $0x0;
	s5 =	sld [smem:$0x3FAA]  }
0x2b: {  	s6 =	sld [smem:$0x3FAB]  }
0x2c: {  	s7 =	sld [smem:$0x3FAC]  }
0x2d: {  	s3 =	simm.s32 $0x108;
	s8 =	sld [smem:$0x3FAD]  }
0x2e: {  	s3 =	simm.s32 @!p0 $0x1082;
	s9 =	sld [smem:$0x3FAE]  }
0x2f: {  	lr =	sadd.s32 s0, s3;
	s0 =	sld [smem:$0x3FA5]  }
0x30: {  	s3 =	sld [smem:$0x3FA8]  }
0x31: {  	[smem:$0x3FB1] =	sst s10  }
0x32: {  	s10 =	sld [smem:$0x3FAF];
	_ =	sdelay $0x3  }
0x33: {  	p0 =	seq.s32 s10, $0x1;
	s10 =	sld [smem:$0x3FB1];
	_ =	sdelay $0x3  }
0x34: {  	[smem:$0x3FB1] =	sst s10  }
0x35: {  	s10 =	sld [smem:$0x3FB0];
	_ =	sdelay $0x3  }
0x36: {  	p1 =	seq.s32 s10, $0x1;
	s10 =	sld [smem:$0x3FB1];
	_ =	sdelay $0x3  }
0x37: {  	[smem:$0x3FB1] =	sst s10  }
0x38: {  	s10 =	sld [smem:$0x3FB2]  }
0x39: {  	_ = 	snop;
	(pc) =	sbr.ind lr, $3  }
0x3a: {  	_ = 	snop  }
0x3b: {  	_ = 	snop  }
0x3c: {  	p2 =	seq.s32 s10, $0x1;
	s10 =	sld [smem:$0x3FB1]  }
0x3d: {  	_ =	shalt  }
0x3e: {  	_ =	shalt  }
0x3f: {  	_ =	shalt  }
0x40: {  	_ =	shalt  }
0x41: {  	_ =	shalt  }
0x42: {  	_ =	shalt  }
0x43: {  	_ =	shalt  }
0x44: {  	_ =	shalt  }
0x45: {  	_ =	shalt  }
0x46: {  	_ =	shalt  }
0x47: {  	_ =	shalt  }
0x48: {  	_ =	shalt  }
0x49: {  	_ =	shalt  }
0x4a: {  	_ =	shalt  }
0x4b: {  	_ =	shalt  }
0x4c: {  	_ =	shalt  }
0x4d: {  	_ =	shalt  }
0x4e: {  	_ =	shalt  }
0x4f: {  	_ =	shalt  }
0x50: {  	_ =	shalt  }
0x51: {  	_ =	shalt  }
0x52: {  	_ =	shalt  }
0x53: {  	_ =	shalt  }
0x54: {  	_ =	shalt  }
0x55: {  	_ =	shalt  }
0x56: {  	_ =	shalt  }
0x57: {  	_ =	shalt  }
0x58: {  	_ =	shalt  }
0x59: {  	_ =	shalt  }
0x5a: {  	_ =	shalt  }
0x5b: {  	_ =	shalt  }
0x5c: {  	_ =	shalt  }
0x5d: {  	_ =	shalt  }
0x5e: {  	_ =	shalt  }
0x5f: {  	_ =	shalt  }
0x60: {  	_ =	shalt  }
0x61: {  	_ =	shalt  }
0x62: {  	_ =	shalt  }
0x63: {  	_ =	shalt  }
0x64: {  	_ =	shalt  }
0x65: {  	_ =	shalt  }
0x66: {  	_ =	shalt  }
0x67: {  	_ =	shalt  }
0x68: {  	_ =	shalt  }
0x69: {  	_ =	shalt  }
0x6a: {  	_ =	shalt  }
0x6b: {  	_ =	shalt  }
0x6c: {  	_ =	shalt  }
0x6d: {  	_ =	shalt  }
0x6e: {  	_ =	shalt  }
0x6f: {  	_ =	shalt  }
0x70: {  	_ =	shalt  }
0x71: {  	_ =	shalt  }
0x72: {  	_ =	shalt  }
0x73: {  	_ =	shalt  }
0x74: {  	_ =	shalt  }
0x75: {  	_ =	shalt  }
0x76: {  	_ =	shalt  }
0x77: {  	_ =	shalt  }
0x78: {  	_ =	shalt  }
0x79: {  	_ =	shalt  }
0x7a: {  	_ =	shalt  }
0x7b: {  	_ =	shalt  }
0x7c: {  	_ =	shalt  }
0x7d: {  	_ =	shalt  }
0x7e: {  	_ =	shalt  }
0x7f: {  	_ =	shalt  }
0x80: {  	_ =	shalt  }
0x81: {  	_ =	shalt  }
0x82: {  	_ =	shalt  }
0x83: {  	_ =	shalt  }
0x84: {  	_ =	shalt  }
0x85: {  	_ =	shalt  }
0x86: {  	_ =	shalt  }
0x87: {  	_ =	shalt  }
.Lfunc_end0:
.L_simem_size_0:
called_computation_lowered:
.L_overlay_start_0:
0x88: {  	s2 =	sld [smem:$0x3FD9]  }
0x89: {  	s3 =	sld [smem:$0x3FFE];
	_ =	sdelay $0x1  }
0x8a: {  	s1 =	srdreg.scid  }
0x8b: {  	s0 =	sand.u32 $0x1, s1  }
0x8c: {  	s16 =	sshll.u32 s0, $0xA;
	s2 =	sadd.s32 s3, s2  }
0x8d: {  	s2 =	sadd.s32 s2, s16  }
0x8e: {  	[smem:$0x3FBD] =	sst s2  }
0x8f: {  	_ = 	snop  }
0x90: {  	(tm) =	ssettm $0x1  }
0x91: {  	s17 =	sld [smem:$0x3FFB];
	_ =	sdelay $0x3  }
0x92: {  	_ =	strace s17  }
0x93: {  	s2 =	sld [smem:$0x3FFC];
	_ =	sdelay $0x3  }
0x94: {  	_ =	strace s2  }
0x95: {  	s2 =	sld [smem:$0x3FFD];
	_ =	sdelay $0x3  }
0x96: {  	_ =	strace s2  }
0x97: {  	_ =	strace $0x8FFFFFFF  }
0x98: {  	s18 =	sld [smem:$0x3FDB];
	_ =	sdelay $0x1  }
0x99: {  	s19 =	simm.s32 $_scs_section_size  }
0x9a: {  	s4 =	simm.s32 $_size__tile_overlayer_lowered;
	s5 =	simm.s32 $_tile_overlayer_lowered  }
0x9b: {  	s22 =	simm.s32 $0x1BFF;
	s21 =	sshll.u32 s5, $0x1;
	s2 =	sadd.s32 s19, s18  }
0x9c: {  	s6 =	simm.s32 $0x0;
	s20 =	sshll.u32 s4, $0x1;
	s4 =	sadd.s32 s21, s2  }
0x9d: {  	[timem:s6], [sflag:s22] =	dma.local [hbm:s4], s20  }
0x9e: {  	_ =	swait.ge [sflag:s22], s20  }
0x9f: {  	s3 =	ssub.s32 $0x0, s20;
	[sflag:s22] =	ssyncset.done $0x0  }
0xa0: {  	[sflag:s22] =	ssyncadd.s32 s3;
	_ =	sdelay $0x1  }
0xa1: {  	s23 =	simm.s32 $0x1B8B  }
0xa2: {  	_ =	swait.ge [sflag:s23], $0x1  }
0xa3: {  	[sflag:s23] =	ssyncset.done $0x0  }
0xa4: {  	s25 =	simm.s32 $0x1B8E;
	s24 =	sld [smem:$0x3FFE];
	[sflag:s23] =	ssyncadd.s32 $0xFFFFFFFF  }
0xa5: {  	s26 =	simm.s32 $execute0_lowered;
	[smem:$0x3FD2] =	sst s25  }
0xa6: {  	s4 =	sshll.u32 s26, $0x1;
	_ =	strace $0x80000046;
	[dreg:$0x1] =	wrdreg $0xFFFFFFFF  }
0xa7: {  	s28 =	simm.s32 $_size_execute0_lowered;
	s2 =	sadd.s32 s2, s4;
	[dreg:$0x0] =	wrdreg $0x0  }
0xa8: {  	s4 =	sshll.u32 s28, $0x1;
	[dreg:$0x2] =	wrdreg s2  }
0xa9: {  	[dreg:$0x3] =	wrdreg s4  }
0xaa: {  	[dreg:$0x4] =	wrdreg $0xC0  }
0xab: {  	_ =	task [dreg:s6], $0x5FFFF  }
0xac: {  	[dreg:$0x1] =	wrdreg $0xFFFFFFFF  }
0xad: {  	[dreg:$0x0] =	wrdreg $0x60  }
0xae: {  	[dreg:$0x2] =	wrdreg s24  }
0xaf: {  	[dreg:$0x3] =	wrdreg $0x28800  }
0xb0: {  	[dreg:$0x4] =	wrdreg $0x9  }
0xb1: {  	_ =	task.clear_ibuf [dreg:s6], $0x5FFFF;
	_ =	strace $0x90000046  }
0xb2: {  	s29 =	simm.s32 $0x9;
	_ =	strace $0x80000048  }
0xb3: {  	_ =	swait.ge [sflag:s29], $0x1  }
0xb4: {  	[sflag:s29] =	ssyncadd.s32 $0xFFFFFFFF  }
0xb5: {  	_ =	strace $0x90000048  }
0xb6: {  	_ =	sfence  }
0xb7: {  	s30 =	sld [smem:$0x0];
	_ =	sdelay $0x2  }
0xb8: {  	s31 =	sshll.u32 s1, $0xD;
	s1 =	sshrl.u32 s1, $0x2  }
0xb9: {  	s3 =	sand.u32 $0x4000, s31;
	s1 =	sadd.s32 s1, s30  }
0xba: {  	s0 =	sor.u32 s3, s0;
	s1 =	sshll.u32 s1, $0x11  }
0xbb: {  	s0 =	sor.u32 s1, s0  }
0xbc: {  	s0 =	sadd.s32 $0x8F2B, s0  }
0xbd: {  	[sflag:s0] =	ssyncadd.remote.s32 $0x1  }
0xbe: {  	_ =	sfence.sel $0xFFFF  }
0xbf: {  	[dreg:$0x0] =	wrdreg $0xFFFFFFFF;
	(pc) =	sbr.abs _section_cstart, $3  }
0xc0: {  	[dreg:$0x1] =	wrdreg $0xFFFFFFFF  }
0xc1: {  	_ =	task.clear_ibuf [dreg:s6], $0x2FFFF;
	_ =	strace $0x9FFFFFFF  }
0xc2: {  	(tm) =	ssettm $0x7FFFFFFF  }
0xc3: {  	_ =	shalt  }
tec
execute0_lowered:
.L_overlay_start_1:
0x0: {  	(tag) =	ssettag $0x1  }
0x1: {  	s5 =	rddreg [dreg:$0x0]  }
0x2: {  	s2 =	rddreg [dreg:$0x1]  }
0x3: {  	s0 =	srdreg.scid;
	s1 =	rddreg [dreg:$0x2];
	s3 =	simm.s32 $0x0  }
0x4: {  	s11 =	simm.s32 $0x7D;
	s12 =	simm.s32 $0x2800;
	s4 =	sand.u32 $0x1, s0  }
0x5: {  	s13 =	simm.s32 $0x20;
	s0 =	stileid.u32;
	s6 =	smul.u32 $0x28000, s4  }
0x6: {  	s14 =	simm.s32 $0x10;
	s15 =	simm.s32 $0x0;
	s7 =	smul.u32 $0x2800, s0  }
0x7: {  	[smem:$0x7FF] =	sst s3;
	s26 =	smul.u32 $0x500, s0;
	s8 =	sshll.u32 s4, $0x7  }
0x8: {  	_ =	strace $0x80000047;
	s28 =	ssub.s32 $0x2, s4;
	s9 =	smul.u32 $0xA00, s0  }
0x9: {  	s4 =	sadd.s32 $0xCE00, s5;
	s31 =	sshll.u32 s0, $0x6;
	s29 =	sshrl.u32 s28, $0x1  }
0xa: {  	s6 =	sadd.s32 s7, s6;
	s7 =	sor.u32 s8, s26;
	s8 =	ssub.s32 s28, s29  }
0xb: {  	s30 =	sshrl.u32 s9, $0x2;
	s6 =	sshrl.u32 s6, $0x3;
	s7 =	sshrl.u32 s7, $0x3  }
0xc: {  	s10 =	sadd.s32 s30, s2;
	s8 =	smax.u32 s8, $0x1;
	s6 =	sadd.s32 s6, s5  }
0xd: {  	s7 =	sadd.s32 s7, s5;
	s5 =	sor.u32 $0x1C01, s31;
	s9 =	sshrl.u32 s10, $0x3  }
0xe: {  	v0 =	vimm.f32 $1.000000000e+00;
	s10 =	simm.s32 $0x1;
	s6 =	sadd.s32 $0x2E00, s6;
	s7 =	sadd.s32 $0xD000, s7  }
.LBB2_1:
0xf: {  	[spmem:s9], [sflag:s5] =	dma.local [hbm:s4], $0x50  }
0x10: {  	_ =	swait.ge [sflag:s10], $0x50  }
0x11: {  	[sflag:s10] =	ssyncset.done $0x0  }
0x12: {  	[sflag:s10] =	ssyncadd.s32 $0xFFFFFFB0  }
0x13: {  	[tilespmem:$0x2800] =	vst v0  }
0x14: {  	[tilespmem:$0x2810] =	vst v0  }
0x15: {  	[tilespmem:$0x2820] =	vst v0  }
0x16: {  	[tilespmem:$0x2830] =	vst v0  }
0x17: {  	[tilespmem:$0x2840] =	vst v0  }
0x18: {  	[tilespmem:$0x2850] =	vst v0  }
0x19: {  	[tilespmem:$0x2860] =	vst v0  }
0x1a: {  	[tilespmem:$0x2870] =	vst v0  }
0x1b: {  	[bflag:$0x0] =	sbarrier.arrive $0xFFFF  }
0x1c: {  	[tilespmem:s3], [sflag:$0x1] =	stream.linear.gather [hbm4b:s6+s3], $0x2800, $0x38;
	[tilespmem:$0x2B00] =	vst v63  }
0x1d: {  	_ =	swait.ge [sflag:s10], $0x2800  }
0x1e: {  	[sflag:s10] =	ssyncset.done $0x0  }
0x1f: {  	s16 =	simm.s32 $0x0;
	[sflag:s10] =	ssyncadd.s32 $0xFFFFD800  }
0x20: {  	[spmem:s2] =	stream.indirect.scatter.add.f32 [tilespmem:s12], [sflag:$0x1], $0x1, s16, s11, $0xb8;
	[tilespmem:$0x2B00] =	vst v63  }
0x21: {  	_ =	swait.ge [sflag:s10], $0x7D  }
0x22: {  	s16 =	simm.s32 $0x200;
	[sflag:s10] =	ssyncset.done $0x0  }
.LBB2_2:
0x23: {  	s17 =	sshra.s32 s16, $0x2;
	[sflag:s10] =	ssyncadd.s32 $0xFFFFFF83;
	p0 =	sne.s32 s16, $0x9E00  }
0x24: {  	[spmem:s2] =	stream.indirect.scatter.add.f32 [tilespmem:s12], [sflag:$0x1], $0x1, s17, s11, $0xb8;
	[tilespmem:$0x2B00] =	vst v63  }
.Ltmp0:
0x25: {  	_ = 	snop;
	(pc) =	sbr.rel @p0 .LBB2_2-.Ltmp0, $4  }
0x26: {  	_ = 	snop  }
0x27: {  	s16 =	sadd.s32 $0x200, s16  }
0x28: {  	_ =	swait.ge [sflag:s10], $0x7D  }
0x29: {  	[sflag:s10] =	ssyncset.done $0x0  }
0x2a: {  	s15 =	sadd.s32 $0x1, s15  }
0x2b: {  	[sflag:s10] =	ssyncadd.s32 $0xFFFFFF83;
	p0 =	sne.s32 s15, s8  }
.Ltmp1:
0x2c: {  	[bflag:$0x0] =	sbarrier.arrive $0xFFFF;
	(pc) =	sbr.rel @p0 .LBB2_1-.Ltmp1, $4  }
0x2d: {  	[hbm:s7@s13], [sflag:s5] =	dma.strided [spmem:s9@s14], $0x50, s10, $0x10   }
0x2e: {  	_ =	swait.ge [sflag:s10], $0x50  }
0x2f: {  	[sflag:s10] =	ssyncset.done $0x0  }
0x30: {  	[sflag:s10] =	ssyncadd.s32 $0xFFFFFFB0  }
0x31: {  	_ =	sfence.sel $0x180000  }
0x32: {  	[bflag:$0x0] =	sbarrier.arrive $0xFFFF  }
0x33: {  	p0 =	sne.s32 s0, $0x0;
	_ =	strace $0x90000047  }
0x34: {  	s0 =	sadd.s32 @!p0 $0x100000, s1;
	[bflag:$0x2] =	sbarrier.arrive $0xFFFF  }
0x35: {  	[sflag:s0] =	ssyncadd.tile.s32 @!p0 $0x1;
	_ =	shalt  }
.Lfunc_end2:
_tile_overlayer_lowered:
.L_overlay_start_2:
0x36: {  	(tag) =	ssettag $0x2  }
0x37: {  	s0 =	rddreg [dreg:$0x0];
	s2 =	stileid.u32  }
0x38: {  	s1 =	rddreg [dreg:$0x1];
	p0 =	sne.s32 s2, $0x0  }
0x39: {  	s3 =	rddreg [dreg:$0x2];
	[bflag:$0x3] =	sbarrier.arrive $0xFFFF;
	s2 =	simm.s32 @!p0 $0x1C01  }
0x3a: {  	[timem:s3], [sflag:s2] =	dma.local @!p0 [hbm:s0], s1  }
0x3b: {  	s0 =	simm.s32 @!p0 $0x1  }
0x3c: {  	_ =	swait.ge @!p0 [sflag:s0], s1  }
0x3d: {  	s1 =	ssub.s32 @!p0 $0x0, s1;
	[sflag:s0] =	ssyncset.done @!p0 $0x0  }
0x3e: {  	[sflag:s0] =	ssyncadd.s32 @!p0 s1  }
0x3f: {  	[bflag:$0x3] =	sbarrier.arrive $0xFFFF  }
0x40: {  	_ =	shalt  }

// kernel: kernel.13.cloned.1.call-start
scs
__scs_entry_jumppad:
0x0: {  	(pc) =	sbr.rel $0x88, $3  }
0x1: {  	(tag) =	ssettag $0x0;
	lr =	simm.s32 $0x1  }
0x2: {  	[smem:$0x3F96] =	sst lr;
	_ =	strace $0xD0000000  }
0x3: {  	_ = 	snop  }
0x4: {  	_ = 	snop  }
0x5: {  	_ = 	snop  }
0x6: {  	_ = 	snop  }
0x7: {  	_ = 	snop  }
__scs_overlays_trampoline_lowered:
0x8: {  	[smem:$0x3FA5] =	sst s0  }
0x9: {  	[smem:$0x3FA6] =	sst s1  }
0xa: {  	[smem:$0x3FA7] =	sst s2  }
0xb: {  	[smem:$0x3FA8] =	sst s3  }
0xc: {  	[smem:$0x3FA9] =	sst s4  }
0xd: {  	[smem:$0x3FAA] =	sst s5  }
0xe: {  	[smem:$0x3FAB] =	sst s6  }
0xf: {  	[smem:$0x3FAC] =	sst s7  }
0x10: {  	[smem:$0x3FAD] =	sst s8  }
0x11: {  	[smem:$0x3FAE] =	sst s9;
	s0 =	simm.s32 @!p0 $0x0  }
0x12: {  	s1 =	sld [smem:$0x3F94];
	s0 =	simm.s32 @p0 $0x1  }
0x13: {  	[smem:$0x3FAF] =	sst s0;
	s0 =	simm.s32 @!p1 $0x0  }
0x14: {  	s2 =	sld [smem:$0x3F93];
	s0 =	simm.s32 @p1 $0x1  }
0x15: {  	[smem:$0x3FB0] =	sst s0;
	s0 =	simm.s32 @!p2 $0x0  }
0x16: {  	s3 =	sld [smem:$0x3FDB];
	s0 =	simm.s32 @p2 $0x1  }
0x17: {  	s4 =	simm.s32 $0x1BF5;
	[smem:$0x3FB2] =	sst s0  }
0x18: {  	s0 =	sld [smem:$0x3F95];
	_ =	swait.ge [sflag:s4], $0x0  }
0x19: {  	s7 =	sld [smem:$0x3F96]  }
0x1a: {  	s8 =	sadd.s32 $0xFFFFE003, lr  }
0x1b: {  	s9 =	sadd.s32 $0xFFFFFEF7, lr;
	s5 =	simm.s32 $0xFFFFFFFF;
	p2 =	slt.u32 s8, $0xFFFFF086  }
0x1c: {  	p1 =	slt.u32 s9, $0xF7A;
	s5 =	simm.s32 @!p2 $0x0  }
0x1d: {  	s5 =	simm.s32 @p1 $0x1;
	p0 =	seq.s32 s7, s2  }
0x1e: {  	s7 =	smul.u32 @!p0 $0xF7A, s2;
	p2 =	seq.s32 @!p0 s5, $0x0  }
0x1f: {  	s9 =	smul.u32 $0xF7A, s1;
	s8 =	simm.s32 @!p0 $0x1BF5;
	p2 =	por !p2, p0  }
0x20: {  	[sflag:s8] =	ssyncset.s32 @!p0 $0xFFFFF086;
	s6 =	sadd.s32 @!p0 s3, s7;
	s7 =	simm.s32 @!p0 $0x108  }
0x21: {  	s3 =	sadd.s32 s3, s9;
	s6 =	sadd.s32 @!p0 $0x88, s6;
	s7 =	simm.s32 @p2 $0x1082  }
0x22: {  	[simem:s7], [sflag:s8] =	dma.local @!p0 [hbm:s6], $0xF7A  }
0x23: {  	s9 =	sor.u32 $0xD0000000, s2;
	s6 =	simm.s32 $0x108;
	_ =	swait.ge @!p0 [sflag:s8], $0x0  }
0x24: {  	s3 =	sadd.s32 $0x88, s3;
	s6 =	simm.s32 @!p1 $0x1082;
	[sflag:s4] =	ssyncset.s32 $0xFFFFF086  }
0x25: {  	[simem:s6], [sflag:s4] =	dma.local [hbm:s3], $0xF7A  }
0x26: {  	[smem:$0x3F96] =	sst s1;
	(tag) =	ssettag s2;
	_ =	strace s9  }
0x27: {  	s1 =	sld [smem:$0x3FA6]  }
0x28: {  	s2 =	sld [smem:$0x3FA7]  }
0x29: {  	s4 =	sld [smem:$0x3FA9]  }
0x2a: {  	p0 =	seq.s32 s5, $0x0;
	s5 =	sld [smem:$0x3FAA]  }
0x2b: {  	s6 =	sld [smem:$0x3FAB]  }
0x2c: {  	s7 =	sld [smem:$0x3FAC]  }
0x2d: {  	s3 =	simm.s32 $0x108;
	s8 =	sld [smem:$0x3FAD]  }
0x2e: {  	s3 =	simm.s32 @!p0 $0x1082;
	s9 =	sld [smem:$0x3FAE]  }
0x2f: {  	lr =	sadd.s32 s0, s3;
	s0 =	sld [smem:$0x3FA5]  }
0x30: {  	s3 =	sld [smem:$0x3FA8]  }
0x31: {  	[smem:$0x3FB1] =	sst s10  }
0x32: {  	s10 =	sld [smem:$0x3FAF];
	_ =	sdelay $0x3  }
0x33: {  	p0 =	seq.s32 s10, $0x1;
	s10 =	sld [smem:$0x3FB1];
	_ =	sdelay $0x3  }
0x34: {  	[smem:$0x3FB1] =	sst s10  }
0x35: {  	s10 =	sld [smem:$0x3FB0];
	_ =	sdelay $0x3  }
0x36: {  	p1 =	seq.s32 s10, $0x1;
	s10 =	sld [smem:$0x3FB1];
	_ =	sdelay $0x3  }
0x37: {  	[smem:$0x3FB1] =	sst s10  }
0x38: {  	s10 =	sld [smem:$0x3FB2]  }
0x39: {  	_ = 	snop;
	(pc) =	sbr.ind lr, $3  }
0x3a: {  	_ = 	snop  }
0x3b: {  	_ = 	snop  }
0x3c: {  	p2 =	seq.s32 s10, $0x1;
	s10 =	sld [smem:$0x3FB1]  }
0x3d: {  	_ =	shalt  }
0x3e: {  	_ =	shalt  }
0x3f: {  	_ =	shalt  }
0x40: {  	_ =	shalt  }
0x41: {  	_ =	shalt  }
0x42: {  	_ =	shalt  }
0x43: {  	_ =	shalt  }
0x44: {  	_ =	shalt  }
0x45: {  	_ =	shalt  }
0x46: {  	_ =	shalt  }
0x47: {  	_ =	shalt  }
0x48: {  	_ =	shalt  }
0x49: {  	_ =	shalt  }
0x4a: {  	_ =	shalt  }
0x4b: {  	_ =	shalt  }
0x4c: {  	_ =	shalt  }
0x4d: {  	_ =	shalt  }
0x4e: {  	_ =	shalt  }
0x4f: {  	_ =	shalt  }
0x50: {  	_ =	shalt  }
0x51: {  	_ =	shalt  }
0x52: {  	_ =	shalt  }
0x53: {  	_ =	shalt  }
0x54: {  	_ =	shalt  }
0x55: {  	_ =	shalt  }
0x56: {  	_ =	shalt  }
0x57: {  	_ =	shalt  }
0x58: {  	_ =	shalt  }
0x59: {  	_ =	shalt  }
0x5a: {  	_ =	shalt  }
0x5b: {  	_ =	shalt  }
0x5c: {  	_ =	shalt  }
0x5d: {  	_ =	shalt  }
0x5e: {  	_ =	shalt  }
0x5f: {  	_ =	shalt  }
0x60: {  	_ =	shalt  }
0x61: {  	_ =	shalt  }
0x62: {  	_ =	shalt  }
0x63: {  	_ =	shalt  }
0x64: {  	_ =	shalt  }
0x65: {  	_ =	shalt  }
0x66: {  	_ =	shalt  }
0x67: {  	_ =	shalt  }
0x68: {  	_ =	shalt  }
0x69: {  	_ =	shalt  }
0x6a: {  	_ =	shalt  }
0x6b: {  	_ =	shalt  }
0x6c: {  	_ =	shalt  }
0x6d: {  	_ =	shalt  }
0x6e: {  	_ =	shalt  }
0x6f: {  	_ =	shalt  }
0x70: {  	_ =	shalt  }
0x71: {  	_ =	shalt  }
0x72: {  	_ =	shalt  }
0x73: {  	_ =	shalt  }
0x74: {  	_ =	shalt  }
0x75: {  	_ =	shalt  }
0x76: {  	_ =	shalt  }
0x77: {  	_ =	shalt  }
0x78: {  	_ =	shalt  }
0x79: {  	_ =	shalt  }
0x7a: {  	_ =	shalt  }
0x7b: {  	_ =	shalt  }
0x7c: {  	_ =	shalt  }
0x7d: {  	_ =	shalt  }
0x7e: {  	_ =	shalt  }
0x7f: {  	_ =	shalt  }
0x80: {  	_ =	shalt  }
0x81: {  	_ =	shalt  }
0x82: {  	_ =	shalt  }
0x83: {  	_ =	shalt  }
0x84: {  	_ =	shalt  }
0x85: {  	_ =	shalt  }
0x86: {  	_ =	shalt  }
0x87: {  	_ =	shalt  }
.Lfunc_end0:
.L_simem_size_0:
called_computation.1_lowered:
.L_overlay_start_0:
0x88: {  	s2 =	sld [smem:$0x3FD9]  }
0x89: {  	s3 =	sld [smem:$0x3FFE];
	_ =	sdelay $0x1  }
0x8a: {  	s1 =	srdreg.scid  }
0x8b: {  	s0 =	sand.u32 $0x1, s1  }
0x8c: {  	s16 =	sshll.u32 s0, $0xA;
	s2 =	sadd.s32 s3, s2  }
0x8d: {  	s2 =	sadd.s32 s2, s16  }
0x8e: {  	[smem:$0x3FBD] =	sst s2  }
0x8f: {  	_ = 	snop  }
0x90: {  	(tm) =	ssettm $0x1  }
0x91: {  	s17 =	sld [smem:$0x3FFB];
	_ =	sdelay $0x3  }
0x92: {  	_ =	strace s17  }
0x93: {  	s2 =	sld [smem:$0x3FFC];
	_ =	sdelay $0x3  }
0x94: {  	_ =	strace s2  }
0x95: {  	s2 =	sld [smem:$0x3FFD];
	_ =	sdelay $0x3  }
0x96: {  	_ =	strace s2  }
0x97: {  	_ =	strace $0x8FFFFFFF  }
0x98: {  	s18 =	sld [smem:$0x3FDB];
	_ =	sdelay $0x1  }
0x99: {  	s19 =	simm.s32 $_scs_section_size  }
0x9a: {  	s4 =	simm.s32 $_size__tile_overlayer_lowered;
	s5 =	simm.s32 $_tile_overlayer_lowered  }
0x9b: {  	s22 =	simm.s32 $0x1BFF;
	s21 =	sshll.u32 s5, $0x1;
	s2 =	sadd.s32 s19, s18  }
0x9c: {  	s6 =	simm.s32 $0x0;
	s20 =	sshll.u32 s4, $0x1;
	s4 =	sadd.s32 s21, s2  }
0x9d: {  	[timem:s6], [sflag:s22] =	dma.local [hbm:s4], s20  }
0x9e: {  	_ =	swait.ge [sflag:s22], s20  }
0x9f: {  	s3 =	ssub.s32 $0x0, s20;
	[sflag:s22] =	ssyncset.done $0x0  }
0xa0: {  	[sflag:s22] =	ssyncadd.s32 s3;
	_ =	sdelay $0x1  }
0xa1: {  	s23 =	simm.s32 $0x1B8B  }
0xa2: {  	_ =	swait.ge [sflag:s23], $0x1  }
0xa3: {  	[sflag:s23] =	ssyncset.done $0x0  }
0xa4: {  	s25 =	simm.s32 $0x1B8E;
	s24 =	sld [smem:$0x3FFE];
	[sflag:s23] =	ssyncadd.s32 $0xFFFFFFFF  }
0xa5: {  	s26 =	simm.s32 $execute0_lowered;
	[smem:$0x3FD2] =	sst s25  }
0xa6: {  	s4 =	sshll.u32 s26, $0x1;
	_ =	strace $0x80000049;
	[dreg:$0x1] =	wrdreg $0xFFFFFFFF  }
0xa7: {  	s28 =	simm.s32 $_size_execute0_lowered;
	s2 =	sadd.s32 s2, s4;
	[dreg:$0x0] =	wrdreg $0x0  }
0xa8: {  	s4 =	sshll.u32 s28, $0x1;
	[dreg:$0x2] =	wrdreg s2  }
0xa9: {  	[dreg:$0x3] =	wrdreg s4  }
0xaa: {  	[dreg:$0x4] =	wrdreg $0xC0  }
0xab: {  	_ =	task [dreg:s6], $0x5FFFF  }
0xac: {  	[dreg:$0x1] =	wrdreg $0xFFFFFFFF  }
0xad: {  	[dreg:$0x0] =	wrdreg $0x60  }
0xae: {  	[dreg:$0x2] =	wrdreg s24  }
0xaf: {  	[dreg:$0x3] =	wrdreg $0xA0000  }
0xb0: {  	[dreg:$0x4] =	wrdreg $0x9  }
0xb1: {  	_ =	task.clear_ibuf [dreg:s6], $0x5FFFF;
	_ =	strace $0x90000049  }
0xb2: {  	s29 =	simm.s32 $0x9;
	_ =	strace $0x8000004B  }
0xb3: {  	_ =	swait.ge [sflag:s29], $0x1  }
0xb4: {  	[sflag:s29] =	ssyncadd.s32 $0xFFFFFFFF  }
0xb5: {  	_ =	strace $0x9000004B  }
0xb6: {  	_ =	sfence  }
0xb7: {  	s30 =	sld [smem:$0x0];
	_ =	sdelay $0x2  }
0xb8: {  	s31 =	sshll.u32 s1, $0xD;
	s1 =	sshrl.u32 s1, $0x2  }
0xb9: {  	s3 =	sand.u32 $0x4000, s31;
	s1 =	sadd.s32 s1, s30  }
0xba: {  	s0 =	sor.u32 s3, s0;
	s1 =	sshll.u32 s1, $0x11  }
0xbb: {  	s0 =	sor.u32 s1, s0  }
0xbc: {  	s0 =	sadd.s32 $0x8F2B, s0  }
0xbd: {  	[sflag:s0] =	ssyncadd.remote.s32 $0x1  }
0xbe: {  	_ =	sfence.sel $0xFFFF  }
0xbf: {  	[dreg:$0x0] =	wrdreg $0xFFFFFFFF;
	(pc) =	sbr.abs _section_cstart, $3  }
0xc0: {  	[dreg:$0x1] =	wrdreg $0xFFFFFFFF  }
0xc1: {  	_ =	task.clear_ibuf [dreg:s6], $0x2FFFF;
	_ =	strace $0x9FFFFFFF  }
0xc2: {  	(tm) =	ssettm $0x7FFFFFFF  }
0xc3: {  	_ =	shalt  }
tec
execute0_lowered:
.L_overlay_start_1:
0x0: {  	(tag) =	ssettag $0x1  }
0x1: {  	s0 =	rddreg [dreg:$0x0]  }
0x2: {  	s1 =	rddreg [dreg:$0x1];
	s2 =	srdreg.scid  }
0x3: {  	s3 =	simm.s32 $0x0;
	s5 =	stileid.u32;
	s17 =	simm.s32 $0x5  }
0x4: {  	s18 =	simm.s32 $0x3;
	s19 =	simm.s32 $0x4;
	s22 =	simm.s32 $0x7D  }
0x5: {  	s23 =	simm.s32 $0x6000;
	s24 =	simm.s32 $0x1;
	s7 =	smul.u32 $0x14000, s5  }
0x6: {  	s28 =	simm.s32 $0x0;
	s2 =	sand.u32 $0x1, s2;
	s9 =	smul.u32 $0x2800, s5  }
0x7: {  	[smem:$0x7FF] =	sst s3;
	s4 =	sadd.s32 $0x67A00, s0;
	s26 =	smul.u32 $0x50000, s5  }
0x8: {  	s14 =	sadd.s32 $0xDA00, s0;
	s13 =	sadd.s32 $0x2E00, s0;
	s6 =	smul.u32 $0x140000, s2  }
0x9: {  	s10 =	sadd.s32 $0x8FA00, s0;
	s29 =	sshll.u32 s5, $0x6;
	s8 =	smul.u32 $0x28000, s2  }
0xa: {  	_ =	strace $0x8000004A;
	[dreg:$0x3] =	wrdreg s10;
	s2 =	ssub.s32 $0x2, s2  }
0xb: {  	s25 =	sshrl.u32 s2, $0x1;
	s6 =	sadd.s32 s7, s6;
	s11 =	sadd.s32 s9, s8  }
0xc: {  	s2 =	ssub.s32 s2, s25;
	s8 =	sshrl.u32 s26, $0x2;
	s25 =	simm.s32 $0x2000  }
0xd: {  	s26 =	simm.s32 $0x2;
	s6 =	sshrl.u32 s6, $0x3;
	s9 =	sshrl.u32 s11, $0x3  }
0xe: {  	s15 =	sadd.s32 s8, s1;
	s8 =	sor.u32 $0x1C05, s29;
	s16 =	sadd.s32 $0x1000, s11  }
0xf: {  	s12 =	smax.u32 s2, $0x1;
	s0 =	sadd.s32 s6, s0;
	s6 =	sadd.s32 s14, s9  }
0x10: {  	s7 =	sadd.s32 s13, s9;
	s30 =	sadd.s32 $0x100, s9;
	s31 =	sshrl.u32 s16, $0x3  }
0x11: {  	s16 =	sshrl.u32 s15, $0x3;
	s9 =	sadd.s32 s14, s30;
	s10 =	sadd.s32 s13, s30  }
0x12: {  	s11 =	sadd.s32 $0x92200, s0;
	s13 =	sadd.s32 s31, s13;
	s14 =	sadd.s32 s31, s14  }
.LBB2_1:
0x13: {  	[tilespmem:s3], [sflag:$0x3] =	stream.linear.gather [hbm4b:s6+s3], $0x800, $0x38;
	[tilespmem:$0x1E000] =	vst v63  }
0x14: {  	s0 =	simm.s32 $0x1000;
	s15 =	rddreg [dreg:$0x3]  }
0x15: {  	[tilespmem:s0], [sflag:$0x4] =	stream.linear.gather [hbm4b:s7+s3], $0x800, $0x38;
	[tilespmem:$0x1E000] =	vst v63  }
0x16: {  	[spmem:s16], [sflag:s8] =	dma.local [hbm:s15], $0x2800  }
0x17: {  	_ =	swait.ge [sflag:s17], $0x2800  }
0x18: {  	[sflag:s17] =	ssyncset.done $0x0  }
0x19: {  	[sflag:s17] =	ssyncadd.s32 $0xFFFFD800  }
0x1a: {  	_ =	swait.ge [sflag:s18], $0x800  }
0x1b: {  	[sflag:s18] =	ssyncset.done $0x0  }
0x1c: {  	[sflag:s18] =	ssyncadd.s32 $0xFFFFF800  }
0x1d: {  	_ =	swait.ge [sflag:s19], $0x800  }
0x1e: {  	[sflag:s19] =	ssyncset.done $0x0  }
0x1f: {  	s20 =	simm.s32 $0x800;
	[sflag:s19] =	ssyncadd.s32 $0xFFFFF800  }
0x20: {  	[tilespmem:s20], [sflag:$0x3] =	stream.linear.gather [hbm4b:s9+s3], $0x800, $0x38;
	[tilespmem:$0x1E000] =	vst v63  }
0x21: {  	s21 =	simm.s32 $0x1800  }
0x22: {  	[tilespmem:s21], [sflag:$0x4] =	stream.linear.gather [hbm4b:s10+s3], $0x800, $0x38;
	[tilespmem:$0x1E000] =	vst v63  }
0x23: {  	s29 =	simm.s32 $0x0;
	s30 =	simm.s32 $0x2000  }
0x24: {  	[tilespmem:s25], [sflag:$0x1] =	stream.indirect.gather [hbm4b:s4+s22], $0x80, s3, s22, $0xb8;
	[tilespmem:$0x1E000] =	vst v63  }
0x25: {  	s31 =	simm.s32 $0x0;
	s0 =	simm.s32 $0x0;
	[bflag:$0x0] =	sbarrier.arrive $0xFFFF  }
.LBB2_2:
0x26: {  	s2 =	sand.u32 $0x800, s29  }
0x27: {  	s15 =	sor.u32 $0x80, s2  }
0x28: {  	[tilespmem:s23], [sflag:$0x2] =	stream.indirect.gather [hbm4b:s4+s22], $0x80, s15, s22, $0xb8;
	[tilespmem:$0x1E000] =	vst v63  }
0x29: {  	_ =	swait.ge [sflag:s24], $0x3E80  }
0x2a: {  	[sflag:s24] =	ssyncset.done $0x0  }
0x2b: {  	s15 =	sor.u32 $0x1000, s2;
	[sflag:s24] =	ssyncadd.s32 $0xFFFFC180  }
0x2c: {  	[spmem:s1] =	stream.indirect.scatter.add.f32 [tilespmem:s25], [sflag:$0x5], $0x80, s15, s22, $0xb8;
	[tilespmem:$0x1E000] =	vst v63  }
0x2d: {  	_ =	swait.ge [sflag:s17], $0x3E80  }
0x2e: {  	[sflag:s17] =	ssyncset.done $0x0  }
0x2f: {  	s20 =	sor.u32 $0x100, s2;
	[sflag:s17] =	ssyncadd.s32 $0xFFFFC180  }
0x30: {  	[tilespmem:s25], [sflag:$0x1] =	stream.indirect.gather [hbm4b:s4+s22], $0x80, s20, s22, $0xb8;
	[tilespmem:$0x1E000] =	vst v63  }
0x31: {  	_ =	swait.ge [sflag:s26], $0x3E80  }
0x32: {  	[sflag:s26] =	ssyncset.done $0x0  }
0x33: {  	s5 =	sor.u32 $0x1080, s2;
	[sflag:s26] =	ssyncadd.s32 $0xFFFFC180  }
0x34: {  	[spmem:s1] =	stream.indirect.scatter.add.f32 [tilespmem:s23], [sflag:$0x5], $0x80, s5, s22, $0xb8;
	[tilespmem:$0x1E000] =	vst v63  }
0x35: {  	_ =	swait.ge [sflag:s17], $0x3E80  }
0x36: {  	[sflag:s17] =	ssyncset.done $0x0  }
0x37: {  	s21 =	sor.u32 $0x180, s2;
	[sflag:s17] =	ssyncadd.s32 $0xFFFFC180  }
0x38: {  	[tilespmem:s23], [sflag:$0x2] =	stream.indirect.gather [hbm4b:s4+s22], $0x80, s21, s22, $0xb8;
	[tilespmem:$0x1E000] =	vst v63  }
0x39: {  	_ =	swait.ge [sflag:s24], $0x3E80  }
0x3a: {  	[sflag:s24] =	ssyncset.done $0x0  }
0x3b: {  	s5 =	sor.u32 $0x1100, s2;
	[sflag:s24] =	ssyncadd.s32 $0xFFFFC180  }
0x3c: {  	[spmem:s1] =	stream.indirect.scatter.add.f32 [tilespmem:s25], [sflag:$0x5], $0x80, s5, s22, $0xb8;
	[tilespmem:$0x1E000] =	vst v63  }
0x3d: {  	_ =	swait.ge [sflag:s17], $0x3E80  }
0x3e: {  	[sflag:s17] =	ssyncset.done $0x0  }
0x3f: {  	s21 =	sor.u32 $0x200, s2;
	[sflag:s17] =	ssyncadd.s32 $0xFFFFC180  }
0x40: {  	[tilespmem:s25], [sflag:$0x1] =	stream.indirect.gather [hbm4b:s4+s22], $0x80, s21, s22, $0xb8;
	[tilespmem:$0x1E000] =	vst v63  }
0x41: {  	_ =	swait.ge [sflag:s26], $0x3E80  }
0x42: {  	[sflag:s26] =	ssyncset.done $0x0  }
0x43: {  	s5 =	sor.u32 $0x1180, s2;
	[sflag:s26] =	ssyncadd.s32 $0xFFFFC180  }
0x44: {  	[spmem:s1] =	stream.indirect.scatter.add.f32 [tilespmem:s23], [sflag:$0x5], $0x80, s5, s22, $0xb8;
	[tilespmem:$0x1E000] =	vst v63  }
0x45: {  	_ =	swait.ge [sflag:s17], $0x3E80  }
0x46: {  	[sflag:s17] =	ssyncset.done $0x0  }
0x47: {  	s21 =	sor.u32 $0x280, s2;
	[sflag:s17] =	ssyncadd.s32 $0xFFFFC180  }
0x48: {  	[tilespmem:s23], [sflag:$0x2] =	stream.indirect.gather [hbm4b:s4+s22], $0x80, s21, s22, $0xb8;
	[tilespmem:$0x1E000] =	vst v63  }
0x49: {  	_ =	swait.ge [sflag:s24], $0x3E80  }
0x4a: {  	[sflag:s24] =	ssyncset.done $0x0  }
0x4b: {  	s5 =	sor.u32 $0x1200, s2;
	[sflag:s24] =	ssyncadd.s32 $0xFFFFC180  }
0x4c: {  	[spmem:s1] =	stream.indirect.scatter.add.f32 [tilespmem:s25], [sflag:$0x5], $0x80, s5, s22, $0xb8;
	[tilespmem:$0x1E000] =	vst v63  }
0x4d: {  	_ =	swait.ge [sflag:s17], $0x3E80  }
0x4e: {  	[sflag:s17] =	ssyncset.done $0x0  }
0x4f: {  	s21 =	sor.u32 $0x300, s2;
	[sflag:s17] =	ssyncadd.s32 $0xFFFFC180  }
0x50: {  	[tilespmem:s25], [sflag:$0x1] =	stream.indirect.gather [hbm4b:s4+s22], $0x80, s21, s22, $0xb8;
	[tilespmem:$0x1E000] =	vst v63  }
0x51: {  	_ =	swait.ge [sflag:s26], $0x3E80  }
0x52: {  	[sflag:s26] =	ssyncset.done $0x0  }
0x53: {  	s5 =	sor.u32 $0x1280, s2;
	[sflag:s26] =	ssyncadd.s32 $0xFFFFC180  }
0x54: {  	[spmem:s1] =	stream.indirect.scatter.add.f32 [tilespmem:s23], [sflag:$0x5], $0x80, s5, s22, $0xb8;
	[tilespmem:$0x1E000] =	vst v63  }
0x55: {  	_ =	swait.ge [sflag:s17], $0x3E80  }
0x56: {  	[sflag:s17] =	ssyncset.done $0x0  }
0x57: {  	s21 =	sor.u32 $0x380, s2;
	[sflag:s17] =	ssyncadd.s32 $0xFFFFC180  }
0x58: {  	[tilespmem:s23], [sflag:$0x2] =	stream.indirect.gather [hbm4b:s4+s22], $0x80, s21, s22, $0xb8;
	[tilespmem:$0x1E000] =	vst v63  }
0x59: {  	_ =	swait.ge [sflag:s24], $0x3E80  }
0x5a: {  	[sflag:s24] =	ssyncset.done $0x0  }
0x5b: {  	s5 =	sor.u32 $0x1300, s2;
	[sflag:s24] =	ssyncadd.s32 $0xFFFFC180  }
0x5c: {  	[spmem:s1] =	stream.indirect.scatter.add.f32 [tilespmem:s25], [sflag:$0x5], $0x80, s5, s22, $0xb8;
	[tilespmem:$0x1E000] =	vst v63  }
0x5d: {  	_ =	swait.ge [sflag:s17], $0x3E80  }
0x5e: {  	[sflag:s17] =	ssyncset.done $0x0  }
0x5f: {  	s21 =	sor.u32 $0x400, s2;
	[sflag:s17] =	ssyncadd.s32 $0xFFFFC180  }
0x60: {  	[tilespmem:s25], [sflag:$0x1] =	stream.indirect.gather [hbm4b:s4+s22], $0x80, s21, s22, $0xb8;
	[tilespmem:$0x1E000] =	vst v63  }
0x61: {  	_ =	swait.ge [sflag:s26], $0x3E80  }
0x62: {  	[sflag:s26] =	ssyncset.done $0x0  }
0x63: {  	s5 =	sor.u32 $0x1380, s2;
	[sflag:s26] =	ssyncadd.s32 $0xFFFFC180  }
0x64: {  	[spmem:s1] =	stream.indirect.scatter.add.f32 [tilespmem:s23], [sflag:$0x5], $0x80, s5, s22, $0xb8;
	[tilespmem:$0x1E000] =	vst v63  }
0x65: {  	_ =	swait.ge [sflag:s17], $0x3E80  }
0x66: {  	[sflag:s17] =	ssyncset.done $0x0  }
0x67: {  	s21 =	sor.u32 $0x480, s2;
	[sflag:s17] =	ssyncadd.s32 $0xFFFFC180  }
0x68: {  	[tilespmem:s23], [sflag:$0x2] =	stream.indirect.gather [hbm4b:s4+s22], $0x80, s21, s22, $0xb8;
	[tilespmem:$0x1E000] =	vst v63  }
0x69: {  	_ =	swait.ge [sflag:s24], $0x3E80  }
0x6a: {  	[sflag:s24] =	ssyncset.done $0x0  }
0x6b: {  	s5 =	sor.u32 $0x1400, s2;
	[sflag:s24] =	ssyncadd.s32 $0xFFFFC180  }
0x6c: {  	[spmem:s1] =	stream.indirect.scatter.add.f32 [tilespmem:s25], [sflag:$0x5], $0x80, s5, s22, $0xb8;
	[tilespmem:$0x1E000] =	vst v63  }
0x6d: {  	_ =	swait.ge [sflag:s17], $0x3E80  }
0x6e: {  	[sflag:s17] =	ssyncset.done $0x0  }
0x6f: {  	s21 =	sor.u32 $0x500, s2;
	[sflag:s17] =	ssyncadd.s32 $0xFFFFC180  }
0x70: {  	[tilespmem:s25], [sflag:$0x1] =	stream.indirect.gather [hbm4b:s4+s22], $0x80, s21, s22, $0xb8;
	[tilespmem:$0x1E000] =	vst v63  }
0x71: {  	_ =	swait.ge [sflag:s26], $0x3E80  }
0x72: {  	[sflag:s26] =	ssyncset.done $0x0  }
0x73: {  	s5 =	sor.u32 $0x1480, s2;
	[sflag:s26] =	ssyncadd.s32 $0xFFFFC180  }
0x74: {  	[spmem:s1] =	stream.indirect.scatter.add.f32 [tilespmem:s23], [sflag:$0x5], $0x80, s5, s22, $0xb8;
	[tilespmem:$0x1E000] =	vst v63  }
0x75: {  	_ =	swait.ge [sflag:s17], $0x3E80  }
0x76: {  	[sflag:s17] =	ssyncset.done $0x0  }
0x77: {  	s21 =	sor.u32 $0x580, s2;
	[sflag:s17] =	ssyncadd.s32 $0xFFFFC180  }
0x78: {  	[tilespmem:s23], [sflag:$0x2] =	stream.indirect.gather [hbm4b:s4+s22], $0x80, s21, s22, $0xb8;
	[tilespmem:$0x1E000] =	vst v63  }
0x79: {  	_ =	swait.ge [sflag:s24], $0x3E80  }
0x7a: {  	[sflag:s24] =	ssyncset.done $0x0  }
0x7b: {  	s5 =	sor.u32 $0x1500, s2;
	[sflag:s24] =	ssyncadd.s32 $0xFFFFC180  }
0x7c: {  	[spmem:s1] =	stream.indirect.scatter.add.f32 [tilespmem:s25], [sflag:$0x5], $0x80, s5, s22, $0xb8;
	[tilespmem:$0x1E000] =	vst v63  }
0x7d: {  	_ =	swait.ge [sflag:s17], $0x3E80  }
0x7e: {  	[sflag:s17] =	ssyncset.done $0x0  }
0x7f: {  	s21 =	sor.u32 $0x600, s2;
	[sflag:s17] =	ssyncadd.s32 $0xFFFFC180  }
0x80: {  	[tilespmem:s25], [sflag:$0x1] =	stream.indirect.gather [hbm4b:s4+s22], $0x80, s21, s22, $0xb8;
	[tilespmem:$0x1E000] =	vst v63  }
0x81: {  	_ =	swait.ge [sflag:s26], $0x3E80  }
0x82: {  	[sflag:s26] =	ssyncset.done $0x0  }
0x83: {  	s5 =	sor.u32 $0x1580, s2;
	[sflag:s26] =	ssyncadd.s32 $0xFFFFC180  }
0x84: {  	[spmem:s1] =	stream.indirect.scatter.add.f32 [tilespmem:s23], [sflag:$0x5], $0x80, s5, s22, $0xb8;
	[tilespmem:$0x1E000] =	vst v63  }
0x85: {  	_ =	swait.ge [sflag:s17], $0x3E80  }
0x86: {  	[sflag:s17] =	ssyncset.done $0x0  }
0x87: {  	s21 =	sor.u32 $0x680, s2;
	[sflag:s17] =	ssyncadd.s32 $0xFFFFC180  }
0x88: {  	[tilespmem:s23], [sflag:$0x2] =	stream.indirect.gather [hbm4b:s4+s22], $0x80, s21, s22, $0xb8;
	[tilespmem:$0x1E000] =	vst v63  }
0x89: {  	_ =	swait.ge [sflag:s24], $0x3E80  }
0x8a: {  	[sflag:s24] =	ssyncset.done $0x0  }
0x8b: {  	s5 =	sor.u32 $0x1600, s2;
	[sflag:s24] =	ssyncadd.s32 $0xFFFFC180  }
0x8c: {  	[spmem:s1] =	stream.indirect.scatter.add.f32 [tilespmem:s25], [sflag:$0x5], $0x80, s5, s22, $0xb8;
	[tilespmem:$0x1E000] =	vst v63  }
0x8d: {  	_ =	swait.ge [sflag:s17], $0x3E80  }
0x8e: {  	[sflag:s17] =	ssyncset.done $0x0  }
0x8f: {  	s21 =	sor.u32 $0x700, s2;
	[sflag:s17] =	ssyncadd.s32 $0xFFFFC180  }
0x90: {  	[tilespmem:s25], [sflag:$0x1] =	stream.indirect.gather [hbm4b:s4+s22], $0x80, s21, s22, $0xb8;
	[tilespmem:$0x1E000] =	vst v63  }
0x91: {  	_ =	swait.ge [sflag:s26], $0x3E80  }
0x92: {  	[sflag:s26] =	ssyncset.done $0x0  }
0x93: {  	s5 =	sor.u32 $0x1680, s2;
	[sflag:s26] =	ssyncadd.s32 $0xFFFFC180  }
0x94: {  	[spmem:s1] =	stream.indirect.scatter.add.f32 [tilespmem:s23], [sflag:$0x5], $0x80, s5, s22, $0xb8;
	[tilespmem:$0x1E000] =	vst v63  }
0x95: {  	_ =	swait.ge [sflag:s17], $0x3E80  }
0x96: {  	[sflag:s17] =	ssyncset.done $0x0  }
0x97: {  	s21 =	sor.u32 $0x780, s2;
	[sflag:s17] =	ssyncadd.s32 $0xFFFFC180  }
0x98: {  	[tilespmem:s23], [sflag:$0x2] =	stream.indirect.gather [hbm4b:s4+s22], $0x80, s21, s22, $0xb8;
	[tilespmem:$0x1E000] =	vst v63  }
0x99: {  	_ =	swait.ge [sflag:s24], $0x3E80  }
0x9a: {  	[sflag:s24] =	ssyncset.done $0x0  }
0x9b: {  	s5 =	sor.u32 $0x1700, s2;
	[sflag:s24] =	ssyncadd.s32 $0xFFFFC180  }
0x9c: {  	[spmem:s1] =	stream.indirect.scatter.add.f32 [tilespmem:s25], [sflag:$0x5], $0x80, s5, s22, $0xb8;
	[tilespmem:$0x1E000] =	vst v63  }
0x9d: {  	_ =	swait.ge [sflag:s17], $0x3E80  }
0x9e: {  	[sflag:s17] =	ssyncset.done $0x0  }
0x9f: {  	[sflag:s17] =	ssyncadd.s32 $0xFFFFC180  }
0xa0: {  	_ =	swait.ge [sflag:s26], $0x3E80  }
0xa1: {  	[sflag:s26] =	ssyncset.done $0x0  }
0xa2: {  	s21 =	sor.u32 $0x1780, s2;
	[sflag:s26] =	ssyncadd.s32 $0xFFFFC180  }
0xa3: {  	[spmem:s1] =	stream.indirect.scatter.add.f32 [tilespmem:s23], [sflag:$0x5], $0x80, s21, s22, $0xb8;
	[tilespmem:$0x1E000] =	vst v63  }
0xa4: {  	_ =	swait.ge [sflag:s17], $0x3E80  }
0xa5: {  	p0 =	seq.s32 s31, $0x400;
	[sflag:s17] =	ssyncset.done $0x0  }
0xa6: {  	s20 =	simm.s32 @!p0 $0x3;
	[sflag:s17] =	ssyncadd.s32 $0xFFFFC180  }
0xa7: {  	_ =	swait.ge @!p0 [sflag:s20], $0x800  }
0xa8: {  	[sflag:s20] =	ssyncset.done @!p0 $0x0  }
0xa9: {  	[sflag:s20] =	ssyncadd.s32 @!p0 $0xFFFFF800;
	s20 =	simm.s32 @!p0 $0x4  }
0xaa: {  	_ =	swait.ge @!p0 [sflag:s20], $0x800  }
0xab: {  	p1 =	sgt.u32 @!p0 s0, $0x2;
	[sflag:s20] =	ssyncset.done @!p0 $0x0  }
0xac: {  	p1 =	por p1, p0;
	[sflag:s20] =	ssyncadd.s32 @!p0 $0xFFFFF800;
	s20 =	sand.u32 @!p0 $0x2000, s30  }
0xad: {  	s5 =	simm.s32 @!p0 $0x2000;
	s21 =	simm.s32 @!p0 $0x7D;
	s20 =	sshrl.u32 @!p0 s20, $0x2  }
0xae: {  	[tilespmem:s5], [sflag:$0x1] =	stream.indirect.gather @!p0 [hbm4b:s4+s21], $0x80, s20, s21, $0xb8;
	[tilespmem:$0x1E000] =	vst v63  }
0xaf: {  	s5 =	sadd.s32 @!p1 s31, s14;
	s20 =	simm.s32 @!p1 $0x0  }
0xb0: {  	[tilespmem:s2], [sflag:$0x3] =	stream.linear.gather @!p1 [hbm4b:s5+s20], $0x800, $0x38;
	[tilespmem:$0x1E000] =	vst v63  }
0xb1: {  	s2 =	sadd.s32 @!p1 s31, s13;
	s31 =	sadd.s32 @!p0 $0x100, s31  }
0xb2: {  	[tilespmem:s15], [sflag:$0x4] =	stream.linear.gather @!p1 [hbm4b:s2+s20], $0x800, $0x38;
	[tilespmem:$0x1E000] =	vst v63  }
0xb3: {  	p1 =	sne.s32 @!p0 s31, $0x500  }
0xb4: {  	p1 =	por p0, !p1  }
.Ltmp0:
0xb5: {  	_ = 	snop;
	(pc) =	sbr.rel @!p1 .LBB2_2-.Ltmp0, $2  }
0xb6: {  	_ =	sdelay $0x2  }
0xb7: {  	s29 =	sadd.s32 @!p0 $0x800, s29;
	s0 =	sadd.s32 @!p0 $0x1, s0;
	s30 =	sadd.s32 @!p0 $0x2000, s30  }
0xb8: {  	s28 =	sadd.s32 $0x1, s28  }
0xb9: {  	p0 =	sne.s32 s28, s12  }
.Ltmp1:
0xba: {  	[bflag:$0x0] =	sbarrier.arrive $0xFFFF;
	(pc) =	sbr.rel @p0 .LBB2_1-.Ltmp1, $4  }
0xbb: {  	[hbm:s11], [sflag:s8] =	dma.local [spmem:s16], $0x2800  }
0xbc: {  	_ =	swait.ge [sflag:s17], $0x2800  }
0xbd: {  	[sflag:s17] =	ssyncset.done $0x0  }
0xbe: {  	[sflag:s17] =	ssyncadd.s32 $0xFFFFD800  }
0xbf: {  	_ =	sfence.sel $0x180000  }
0xc0: {  	[bflag:$0x0] =	sbarrier.arrive $0xFFFF  }
0xc1: {  	_ =	strace $0x9000004A  }
0xc2: {  	s0 =	stileid.u32;
	[bflag:$0x2] =	sbarrier.arrive $0xFFFF  }
0xc3: {  	p0 =	sne.s32 s0, $0x0;
	s0 =	rddreg [dreg:$0x2]  }
0xc4: {  	s0 =	sadd.s32 @!p0 $0x100000, s0  }
0xc5: {  	[sflag:s0] =	ssyncadd.tile.s32 @!p0 $0x1;
	_ =	shalt  }
.Lfunc_end2:
_tile_overlayer_lowered:
.L_overlay_start_2:
0xc6: {  	(tag) =	ssettag $0x2  }
0xc7: {  	s0 =	rddreg [dreg:$0x0];
	s2 =	stileid.u32  }
0xc8: {  	s1 =	rddreg [dreg:$0x1];
	p0 =	sne.s32 s2, $0x0  }
0xc9: {  	s3 =	rddreg [dreg:$0x2];
	[bflag:$0x3] =	sbarrier.arrive $0xFFFF;
	s2 =	simm.s32 @!p0 $0x1C05  }
0xca: {  	[timem:s3], [sflag:s2] =	dma.local @!p0 [hbm:s0], s1  }
0xcb: {  	s0 =	simm.s32 @!p0 $0x5  }
0xcc: {  	_ =	swait.ge @!p0 [sflag:s0], s1  }
0xcd: {  	s1 =	ssub.s32 @!p0 $0x0, s1;
	[sflag:s0] =	ssyncset.done @!p0 $0x0  }
0xce: {  	[sflag:s0] =	ssyncadd.s32 @!p0 s1  }
0xcf: {  	[bflag:$0x3] =	sbarrier.arrive $0xFFFF  }
0xd0: {  	_ =	shalt  }

// kernel: kernel.16.cloned.1.call-start
scs
__scs_entry_jumppad:
0x0: {  	(pc) =	sbr.rel $0x88, $3  }
0x1: {  	(tag) =	ssettag $0x0;
	lr =	simm.s32 $0x1  }
0x2: {  	[smem:$0x3F96] =	sst lr;
	_ =	strace $0xD0000000  }
0x3: {  	_ = 	snop  }
0x4: {  	_ = 	snop  }
0x5: {  	_ = 	snop  }
0x6: {  	_ = 	snop  }
0x7: {  	_ = 	snop  }
__scs_overlays_trampoline_lowered:
0x8: {  	[smem:$0x3FA5] =	sst s0  }
0x9: {  	[smem:$0x3FA6] =	sst s1  }
0xa: {  	[smem:$0x3FA7] =	sst s2  }
0xb: {  	[smem:$0x3FA8] =	sst s3  }
0xc: {  	[smem:$0x3FA9] =	sst s4  }
0xd: {  	[smem:$0x3FAA] =	sst s5  }
0xe: {  	[smem:$0x3FAB] =	sst s6  }
0xf: {  	[smem:$0x3FAC] =	sst s7  }
0x10: {  	[smem:$0x3FAD] =	sst s8  }
0x11: {  	[smem:$0x3FAE] =	sst s9;
	s0 =	simm.s32 @!p0 $0x0  }
0x12: {  	s1 =	sld [smem:$0x3F94];
	s0 =	simm.s32 @p0 $0x1  }
0x13: {  	[smem:$0x3FAF] =	sst s0;
	s0 =	simm.s32 @!p1 $0x0  }
0x14: {  	s2 =	sld [smem:$0x3F93];
	s0 =	simm.s32 @p1 $0x1  }
0x15: {  	[smem:$0x3FB0] =	sst s0;
	s0 =	simm.s32 @!p2 $0x0  }
0x16: {  	s3 =	sld [smem:$0x3FDB];
	s0 =	simm.s32 @p2 $0x1  }
0x17: {  	s4 =	simm.s32 $0x1BF5;
	[smem:$0x3FB2] =	sst s0  }
0x18: {  	s0 =	sld [smem:$0x3F95];
	_ =	swait.ge [sflag:s4], $0x0  }
0x19: {  	s7 =	sld [smem:$0x3F96]  }
0x1a: {  	s8 =	sadd.s32 $0xFFFFE003, lr  }
0x1b: {  	s9 =	sadd.s32 $0xFFFFFEF7, lr;
	s5 =	simm.s32 $0xFFFFFFFF;
	p2 =	slt.u32 s8, $0xFFFFF086  }
0x1c: {  	p1 =	slt.u32 s9, $0xF7A;
	s5 =	simm.s32 @!p2 $0x0  }
0x1d: {  	s5 =	simm.s32 @p1 $0x1;
	p0 =	seq.s32 s7, s2  }
0x1e: {  	s7 =	smul.u32 @!p0 $0xF7A, s2;
	p2 =	seq.s32 @!p0 s5, $0x0  }
0x1f: {  	s9 =	smul.u32 $0xF7A, s1;
	s8 =	simm.s32 @!p0 $0x1BF5;
	p2 =	por !p2, p0  }
0x20: {  	[sflag:s8] =	ssyncset.s32 @!p0 $0xFFFFF086;
	s6 =	sadd.s32 @!p0 s3, s7;
	s7 =	simm.s32 @!p0 $0x108  }
0x21: {  	s3 =	sadd.s32 s3, s9;
	s6 =	sadd.s32 @!p0 $0x88, s6;
	s7 =	simm.s32 @p2 $0x1082  }
0x22: {  	[simem:s7], [sflag:s8] =	dma.local @!p0 [hbm:s6], $0xF7A  }
0x23: {  	s9 =	sor.u32 $0xD0000000, s2;
	s6 =	simm.s32 $0x108;
	_ =	swait.ge @!p0 [sflag:s8], $0x0  }
0x24: {  	s3 =	sadd.s32 $0x88, s3;
	s6 =	simm.s32 @!p1 $0x1082;
	[sflag:s4] =	ssyncset.s32 $0xFFFFF086  }
0x25: {  	[simem:s6], [sflag:s4] =	dma.local [hbm:s3], $0xF7A  }
0x26: {  	[smem:$0x3F96] =	sst s1;
	(tag) =	ssettag s2;
	_ =	strace s9  }
0x27: {  	s1 =	sld [smem:$0x3FA6]  }
0x28: {  	s2 =	sld [smem:$0x3FA7]  }
0x29: {  	s4 =	sld [smem:$0x3FA9]  }
0x2a: {  	p0 =	seq.s32 s5, $0x0;
	s5 =	sld [smem:$0x3FAA]  }
0x2b: {  	s6 =	sld [smem:$0x3FAB]  }
0x2c: {  	s7 =	sld [smem:$0x3FAC]  }
0x2d: {  	s3 =	simm.s32 $0x108;
	s8 =	sld [smem:$0x3FAD]  }
0x2e: {  	s3 =	simm.s32 @!p0 $0x1082;
	s9 =	sld [smem:$0x3FAE]  }
0x2f: {  	lr =	sadd.s32 s0, s3;
	s0 =	sld [smem:$0x3FA5]  }
0x30: {  	s3 =	sld [smem:$0x3FA8]  }
0x31: {  	[smem:$0x3FB1] =	sst s10  }
0x32: {  	s10 =	sld [smem:$0x3FAF];
	_ =	sdelay $0x3  }
0x33: {  	p0 =	seq.s32 s10, $0x1;
	s10 =	sld [smem:$0x3FB1];
	_ =	sdelay $0x3  }
0x34: {  	[smem:$0x3FB1] =	sst s10  }
0x35: {  	s10 =	sld [smem:$0x3FB0];
	_ =	sdelay $0x3  }
0x36: {  	p1 =	seq.s32 s10, $0x1;
	s10 =	sld [smem:$0x3FB1];
	_ =	sdelay $0x3  }
0x37: {  	[smem:$0x3FB1] =	sst s10  }
0x38: {  	s10 =	sld [smem:$0x3FB2]  }
0x39: {  	_ = 	snop;
	(pc) =	sbr.ind lr, $3  }
0x3a: {  	_ = 	snop  }
0x3b: {  	_ = 	snop  }
0x3c: {  	p2 =	seq.s32 s10, $0x1;
	s10 =	sld [smem:$0x3FB1]  }
0x3d: {  	_ =	shalt  }
0x3e: {  	_ =	shalt  }
0x3f: {  	_ =	shalt  }
0x40: {  	_ =	shalt  }
0x41: {  	_ =	shalt  }
0x42: {  	_ =	shalt  }
0x43: {  	_ =	shalt  }
0x44: {  	_ =	shalt  }
0x45: {  	_ =	shalt  }
0x46: {  	_ =	shalt  }
0x47: {  	_ =	shalt  }
0x48: {  	_ =	shalt  }
0x49: {  	_ =	shalt  }
0x4a: {  	_ =	shalt  }
0x4b: {  	_ =	shalt  }
0x4c: {  	_ =	shalt  }
0x4d: {  	_ =	shalt  }
0x4e: {  	_ =	shalt  }
0x4f: {  	_ =	shalt  }
0x50: {  	_ =	shalt  }
0x51: {  	_ =	shalt  }
0x52: {  	_ =	shalt  }
0x53: {  	_ =	shalt  }
0x54: {  	_ =	shalt  }
0x55: {  	_ =	shalt  }
0x56: {  	_ =	shalt  }
0x57: {  	_ =	shalt  }
0x58: {  	_ =	shalt  }
0x59: {  	_ =	shalt  }
0x5a: {  	_ =	shalt  }
0x5b: {  	_ =	shalt  }
0x5c: {  	_ =	shalt  }
0x5d: {  	_ =	shalt  }
0x5e: {  	_ =	shalt  }
0x5f: {  	_ =	shalt  }
0x60: {  	_ =	shalt  }
0x61: {  	_ =	shalt  }
0x62: {  	_ =	shalt  }
0x63: {  	_ =	shalt  }
0x64: {  	_ =	shalt  }
0x65: {  	_ =	shalt  }
0x66: {  	_ =	shalt  }
0x67: {  	_ =	shalt  }
0x68: {  	_ =	shalt  }
0x69: {  	_ =	shalt  }
0x6a: {  	_ =	shalt  }
0x6b: {  	_ =	shalt  }
0x6c: {  	_ =	shalt  }
0x6d: {  	_ =	shalt  }
0x6e: {  	_ =	shalt  }
0x6f: {  	_ =	shalt  }
0x70: {  	_ =	shalt  }
0x71: {  	_ =	shalt  }
0x72: {  	_ =	shalt  }
0x73: {  	_ =	shalt  }
0x74: {  	_ =	shalt  }
0x75: {  	_ =	shalt  }
0x76: {  	_ =	shalt  }
0x77: {  	_ =	shalt  }
0x78: {  	_ =	shalt  }
0x79: {  	_ =	shalt  }
0x7a: {  	_ =	shalt  }
0x7b: {  	_ =	shalt  }
0x7c: {  	_ =	shalt  }
0x7d: {  	_ =	shalt  }
0x7e: {  	_ =	shalt  }
0x7f: {  	_ =	shalt  }
0x80: {  	_ =	shalt  }
0x81: {  	_ =	shalt  }
0x82: {  	_ =	shalt  }
0x83: {  	_ =	shalt  }
0x84: {  	_ =	shalt  }
0x85: {  	_ =	shalt  }
0x86: {  	_ =	shalt  }
0x87: {  	_ =	shalt  }
.Lfunc_end0:
.L_simem_size_0:
called_computation.2_lowered:
.L_overlay_start_0:
0x88: {  	s2 =	sld [smem:$0x3FD9]  }
0x89: {  	s3 =	sld [smem:$0x3FFE];
	_ =	sdelay $0x1  }
0x8a: {  	s1 =	srdreg.scid  }
0x8b: {  	s0 =	sand.u32 $0x1, s1  }
0x8c: {  	s16 =	sshll.u32 s0, $0xA;
	s2 =	sadd.s32 s3, s2  }
0x8d: {  	s2 =	sadd.s32 s2, s16  }
0x8e: {  	[smem:$0x3FBD] =	sst s2  }
0x8f: {  	_ = 	snop  }
0x90: {  	(tm) =	ssettm $0x1  }
0x91: {  	s17 =	sld [smem:$0x3FFB];
	_ =	sdelay $0x3  }
0x92: {  	_ =	strace s17  }
0x93: {  	s2 =	sld [smem:$0x3FFC];
	_ =	sdelay $0x3  }
0x94: {  	_ =	strace s2  }
0x95: {  	s2 =	sld [smem:$0x3FFD];
	_ =	sdelay $0x3  }
0x96: {  	_ =	strace s2  }
0x97: {  	_ =	strace $0x8FFFFFFF  }
0x98: {  	s18 =	sld [smem:$0x3FDB];
	_ =	sdelay $0x1  }
0x99: {  	s19 =	simm.s32 $_scs_section_size  }
0x9a: {  	s4 =	simm.s32 $_size__tile_overlayer_lowered;
	s5 =	simm.s32 $_tile_overlayer_lowered  }
0x9b: {  	s22 =	simm.s32 $0x1BFF;
	s21 =	sshll.u32 s5, $0x1;
	s2 =	sadd.s32 s19, s18  }
0x9c: {  	s6 =	simm.s32 $0x0;
	s20 =	sshll.u32 s4, $0x1;
	s4 =	sadd.s32 s21, s2  }
0x9d: {  	[timem:s6], [sflag:s22] =	dma.local [hbm:s4], s20  }
0x9e: {  	_ =	swait.ge [sflag:s22], s20  }
0x9f: {  	s3 =	ssub.s32 $0x0, s20;
	[sflag:s22] =	ssyncset.done $0x0  }
0xa0: {  	[sflag:s22] =	ssyncadd.s32 s3;
	_ =	sdelay $0x1  }
0xa1: {  	s23 =	simm.s32 $0x1B8B  }
0xa2: {  	_ =	swait.ge [sflag:s23], $0x1  }
0xa3: {  	[sflag:s23] =	ssyncset.done $0x0  }
0xa4: {  	s25 =	simm.s32 $0x1B8E;
	s24 =	sld [smem:$0x3FFE];
	[sflag:s23] =	ssyncadd.s32 $0xFFFFFFFF  }
0xa5: {  	s26 =	simm.s32 $execute0_lowered;
	[smem:$0x3FD2] =	sst s25  }
0xa6: {  	s4 =	sshll.u32 s26, $0x1;
	_ =	strace $0x8000004C;
	[dreg:$0x1] =	wrdreg $0xFFFFFFFF  }
0xa7: {  	s28 =	simm.s32 $_size_execute0_lowered;
	s2 =	sadd.s32 s2, s4;
	[dreg:$0x0] =	wrdreg $0x0  }
0xa8: {  	s4 =	sshll.u32 s28, $0x1;
	[dreg:$0x2] =	wrdreg s2  }
0xa9: {  	[dreg:$0x3] =	wrdreg s4  }
0xaa: {  	[dreg:$0x4] =	wrdreg $0xC0  }
0xab: {  	_ =	task [dreg:s6], $0x5FFFF  }
0xac: {  	[dreg:$0x1] =	wrdreg $0xFFFFFFFF  }
0xad: {  	[dreg:$0x0] =	wrdreg $0x60  }
0xae: {  	[dreg:$0x2] =	wrdreg s24  }
0xaf: {  	[dreg:$0x3] =	wrdreg $0xA0000  }
0xb0: {  	[dreg:$0x4] =	wrdreg $0x9  }
0xb1: {  	_ =	task.clear_ibuf [dreg:s6], $0x5FFFF;
	_ =	strace $0x9000004C  }
0xb2: {  	s29 =	simm.s32 $0x9;
	_ =	strace $0x8000004E  }
0xb3: {  	_ =	swait.ge [sflag:s29], $0x1  }
0xb4: {  	[sflag:s29] =	ssyncadd.s32 $0xFFFFFFFF  }
0xb5: {  	_ =	strace $0x9000004E  }
0xb6: {  	_ =	sfence  }
0xb7: {  	s30 =	sld [smem:$0x0];
	_ =	sdelay $0x2  }
0xb8: {  	s31 =	sshll.u32 s1, $0xD;
	s1 =	sshrl.u32 s1, $0x2  }
0xb9: {  	s3 =	sand.u32 $0x4000, s31;
	s1 =	sadd.s32 s1, s30  }
0xba: {  	s0 =	sor.u32 s3, s0;
	s1 =	sshll.u32 s1, $0x11  }
0xbb: {  	s0 =	sor.u32 s1, s0  }
0xbc: {  	s0 =	sadd.s32 $0x8F2B, s0  }
0xbd: {  	[sflag:s0] =	ssyncadd.remote.s32 $0x1  }
0xbe: {  	_ =	sfence.sel $0xFFFF  }
0xbf: {  	[dreg:$0x0] =	wrdreg $0xFFFFFFFF;
	(pc) =	sbr.abs _section_cstart, $3  }
0xc0: {  	[dreg:$0x1] =	wrdreg $0xFFFFFFFF  }
0xc1: {  	_ =	task.clear_ibuf [dreg:s6], $0x2FFFF;
	_ =	strace $0x9FFFFFFF  }
0xc2: {  	(tm) =	ssettm $0x7FFFFFFF  }
0xc3: {  	_ =	shalt  }
tec
execute0_lowered:
.L_overlay_start_1:
0x0: {  	(tag) =	ssettag $0x1  }
0x1: {  	s0 =	rddreg [dreg:$0x0]  }
0x2: {  	s1 =	rddreg [dreg:$0x1];
	s2 =	srdreg.scid  }
0x3: {  	s3 =	simm.s32 $0x0;
	s5 =	stileid.u32;
	s17 =	simm.s32 $0x5  }
0x4: {  	s18 =	simm.s32 $0x3;
	s19 =	simm.s32 $0x4;
	s22 =	simm.s32 $0x7D  }
0x5: {  	s23 =	simm.s32 $0x6000;
	s24 =	simm.s32 $0x1;
	s7 =	smul.u32 $0x14000, s5  }
0x6: {  	s28 =	simm.s32 $0x0;
	s2 =	sand.u32 $0x1, s2;
	s9 =	smul.u32 $0x2800, s5  }
0x7: {  	[smem:$0x7FF] =	sst s3;
	s4 =	sadd.s32 $0x67A00, s0;
	s26 =	smul.u32 $0x50000, s5  }
0x8: {  	s14 =	sadd.s32 $0xDA00, s0;
	s13 =	sadd.s32 $0x2E00, s0;
	s6 =	smul.u32 $0x140000, s2  }
0x9: {  	s10 =	sadd.s32 $0x8FA00, s0;
	s29 =	sshll.u32 s5, $0x6;
	s8 =	smul.u32 $0x28000, s2  }
0xa: {  	_ =	strace $0x8000004D;
	[dreg:$0x3] =	wrdreg s10;
	s2 =	ssub.s32 $0x2, s2  }
0xb: {  	s25 =	sshrl.u32 s2, $0x1;
	s6 =	sadd.s32 s7, s6;
	s11 =	sadd.s32 s9, s8  }
0xc: {  	s2 =	ssub.s32 s2, s25;
	s8 =	sshrl.u32 s26, $0x2;
	s25 =	simm.s32 $0x2000  }
0xd: {  	s26 =	simm.s32 $0x2;
	s6 =	sshrl.u32 s6, $0x3;
	s9 =	sshrl.u32 s11, $0x3  }
0xe: {  	s15 =	sadd.s32 s8, s1;
	s8 =	sor.u32 $0x1C05, s29;
	s16 =	sadd.s32 $0x1000, s11  }
0xf: {  	s12 =	smax.u32 s2, $0x1;
	s0 =	sadd.s32 s6, s0;
	s6 =	sadd.s32 s14, s9  }
0x10: {  	s7 =	sadd.s32 s13, s9;
	s30 =	sadd.s32 $0x100, s9;
	s31 =	sshrl.u32 s16, $0x3  }
0x11: {  	s16 =	sshrl.u32 s15, $0x3;
	s9 =	sadd.s32 s14, s30;
	s10 =	sadd.s32 s13, s30  }
0x12: {  	s11 =	sadd.s32 $0x92200, s0;
	s13 =	sadd.s32 s31, s13;
	s14 =	sadd.s32 s31, s14  }
.LBB2_1:
0x13: {  	[tilespmem:s3], [sflag:$0x3] =	stream.linear.gather [hbm4b:s6+s3], $0x800, $0x38;
	[tilespmem:$0x1E000] =	vst v63  }
0x14: {  	s0 =	simm.s32 $0x1000;
	s15 =	rddreg [dreg:$0x3]  }
0x15: {  	[tilespmem:s0], [sflag:$0x4] =	stream.linear.gather [hbm4b:s7+s3], $0x800, $0x38;
	[tilespmem:$0x1E000] =	vst v63  }
0x16: {  	[spmem:s16], [sflag:s8] =	dma.local [hbm:s15], $0x2800  }
0x17: {  	_ =	swait.ge [sflag:s17], $0x2800  }
0x18: {  	[sflag:s17] =	ssyncset.done $0x0  }
0x19: {  	[sflag:s17] =	ssyncadd.s32 $0xFFFFD800  }
0x1a: {  	_ =	swait.ge [sflag:s18], $0x800  }
0x1b: {  	[sflag:s18] =	ssyncset.done $0x0  }
0x1c: {  	[sflag:s18] =	ssyncadd.s32 $0xFFFFF800  }
0x1d: {  	_ =	swait.ge [sflag:s19], $0x800  }
0x1e: {  	[sflag:s19] =	ssyncset.done $0x0  }
0x1f: {  	s20 =	simm.s32 $0x800;
	[sflag:s19] =	ssyncadd.s32 $0xFFFFF800  }
0x20: {  	[tilespmem:s20], [sflag:$0x3] =	stream.linear.gather [hbm4b:s9+s3], $0x800, $0x38;
	[tilespmem:$0x1E000] =	vst v63  }
0x21: {  	s21 =	simm.s32 $0x1800  }
0x22: {  	[tilespmem:s21], [sflag:$0x4] =	stream.linear.gather [hbm4b:s10+s3], $0x800, $0x38;
	[tilespmem:$0x1E000] =	vst v63  }
0x23: {  	s29 =	simm.s32 $0x0;
	s30 =	simm.s32 $0x2000  }
0x24: {  	[tilespmem:s25], [sflag:$0x1] =	stream.indirect.gather [hbm4b:s4+s22], $0x80, s3, s22, $0xb8;
	[tilespmem:$0x1E000] =	vst v63  }
0x25: {  	s31 =	simm.s32 $0x0;
	s0 =	simm.s32 $0x0;
	[bflag:$0x0] =	sbarrier.arrive $0xFFFF  }
.LBB2_2:
0x26: {  	s2 =	sand.u32 $0x800, s29  }
0x27: {  	s15 =	sor.u32 $0x80, s2  }
0x28: {  	[tilespmem:s23], [sflag:$0x2] =	stream.indirect.gather [hbm4b:s4+s22], $0x80, s15, s22, $0xb8;
	[tilespmem:$0x1E000] =	vst v63  }
0x29: {  	_ =	swait.ge [sflag:s24], $0x3E80  }
0x2a: {  	[sflag:s24] =	ssyncset.done $0x0  }
0x2b: {  	s15 =	sor.u32 $0x1000, s2;
	[sflag:s24] =	ssyncadd.s32 $0xFFFFC180  }
0x2c: {  	[spmem:s1] =	stream.indirect.scatter.add.f32 [tilespmem:s25], [sflag:$0x5], $0x80, s15, s22, $0xb8;
	[tilespmem:$0x1E000] =	vst v63  }
0x2d: {  	_ =	swait.ge [sflag:s17], $0x3E80  }
0x2e: {  	[sflag:s17] =	ssyncset.done $0x0  }
0x2f: {  	s20 =	sor.u32 $0x100, s2;
	[sflag:s17] =	ssyncadd.s32 $0xFFFFC180  }
0x30: {  	[tilespmem:s25], [sflag:$0x1] =	stream.indirect.gather [hbm4b:s4+s22], $0x80, s20, s22, $0xb8;
	[tilespmem:$0x1E000] =	vst v63  }
0x31: {  	_ =	swait.ge [sflag:s26], $0x3E80  }
0x32: {  	[sflag:s26] =	ssyncset.done $0x0  }
0x33: {  	s5 =	sor.u32 $0x1080, s2;
	[sflag:s26] =	ssyncadd.s32 $0xFFFFC180  }
0x34: {  	[spmem:s1] =	stream.indirect.scatter.add.f32 [tilespmem:s23], [sflag:$0x5], $0x80, s5, s22, $0xb8;
	[tilespmem:$0x1E000] =	vst v63  }
0x35: {  	_ =	swait.ge [sflag:s17], $0x3E80  }
0x36: {  	[sflag:s17] =	ssyncset.done $0x0  }
0x37: {  	s21 =	sor.u32 $0x180, s2;
	[sflag:s17] =	ssyncadd.s32 $0xFFFFC180  }
0x38: {  	[tilespmem:s23], [sflag:$0x2] =	stream.indirect.gather [hbm4b:s4+s22], $0x80, s21, s22, $0xb8;
	[tilespmem:$0x1E000] =	vst v63  }
0x39: {  	_ =	swait.ge [sflag:s24], $0x3E80  }
0x3a: {  	[sflag:s24] =	ssyncset.done $0x0  }
0x3b: {  	s5 =	sor.u32 $0x1100, s2;
	[sflag:s24] =	ssyncadd.s32 $0xFFFFC180  }
0x3c: {  	[spmem:s1] =	stream.indirect.scatter.add.f32 [tilespmem:s25], [sflag:$0x5], $0x80, s5, s22, $0xb8;
	[tilespmem:$0x1E000] =	vst v63  }
0x3d: {  	_ =	swait.ge [sflag:s17], $0x3E80  }
0x3e: {  	[sflag:s17] =	ssyncset.done $0x0  }
0x3f: {  	s21 =	sor.u32 $0x200, s2;
	[sflag:s17] =	ssyncadd.s32 $0xFFFFC180  }
0x40: {  	[tilespmem:s25], [sflag:$0x1] =	stream.indirect.gather [hbm4b:s4+s22], $0x80, s21, s22, $0xb8;
	[tilespmem:$0x1E000] =	vst v63  }
0x41: {  	_ =	swait.ge [sflag:s26], $0x3E80  }
0x42: {  	[sflag:s26] =	ssyncset.done $0x0  }
0x43: {  	s5 =	sor.u32 $0x1180, s2;
	[sflag:s26] =	ssyncadd.s32 $0xFFFFC180  }
0x44: {  	[spmem:s1] =	stream.indirect.scatter.add.f32 [tilespmem:s23], [sflag:$0x5], $0x80, s5, s22, $0xb8;
	[tilespmem:$0x1E000] =	vst v63  }
0x45: {  	_ =	swait.ge [sflag:s17], $0x3E80  }
0x46: {  	[sflag:s17] =	ssyncset.done $0x0  }
0x47: {  	s21 =	sor.u32 $0x280, s2;
	[sflag:s17] =	ssyncadd.s32 $0xFFFFC180  }
0x48: {  	[tilespmem:s23], [sflag:$0x2] =	stream.indirect.gather [hbm4b:s4+s22], $0x80, s21, s22, $0xb8;
	[tilespmem:$0x1E000] =	vst v63  }
0x49: {  	_ =	swait.ge [sflag:s24], $0x3E80  }
0x4a: {  	[sflag:s24] =	ssyncset.done $0x0  }
0x4b: {  	s5 =	sor.u32 $0x1200, s2;
	[sflag:s24] =	ssyncadd.s32 $0xFFFFC180  }
0x4c: {  	[spmem:s1] =	stream.indirect.scatter.add.f32 [tilespmem:s25], [sflag:$0x5], $0x80, s5, s22, $0xb8;
	[tilespmem:$0x1E000] =	vst v63  }
0x4d: {  	_ =	swait.ge [sflag:s17], $0x3E80  }
0x4e: {  	[sflag:s17] =	ssyncset.done $0x0  }
0x4f: {  	s21 =	sor.u32 $0x300, s2;
	[sflag:s17] =	ssyncadd.s32 $0xFFFFC180  }
0x50: {  	[tilespmem:s25], [sflag:$0x1] =	stream.indirect.gather [hbm4b:s4+s22], $0x80, s21, s22, $0xb8;
	[tilespmem:$0x1E000] =	vst v63  }
0x51: {  	_ =	swait.ge [sflag:s26], $0x3E80  }
0x52: {  	[sflag:s26] =	ssyncset.done $0x0  }
0x53: {  	s5 =	sor.u32 $0x1280, s2;
	[sflag:s26] =	ssyncadd.s32 $0xFFFFC180  }
0x54: {  	[spmem:s1] =	stream.indirect.scatter.add.f32 [tilespmem:s23], [sflag:$0x5], $0x80, s5, s22, $0xb8;
	[tilespmem:$0x1E000] =	vst v63  }
0x55: {  	_ =	swait.ge [sflag:s17], $0x3E80  }
0x56: {  	[sflag:s17] =	ssyncset.done $0x0  }
0x57: {  	s21 =	sor.u32 $0x380, s2;
	[sflag:s17] =	ssyncadd.s32 $0xFFFFC180  }
0x58: {  	[tilespmem:s23], [sflag:$0x2] =	stream.indirect.gather [hbm4b:s4+s22], $0x80, s21, s22, $0xb8;
	[tilespmem:$0x1E000] =	vst v63  }
0x59: {  	_ =	swait.ge [sflag:s24], $0x3E80  }
0x5a: {  	[sflag:s24] =	ssyncset.done $0x0  }
0x5b: {  	s5 =	sor.u32 $0x1300, s2;
	[sflag:s24] =	ssyncadd.s32 $0xFFFFC180  }
0x5c: {  	[spmem:s1] =	stream.indirect.scatter.add.f32 [tilespmem:s25], [sflag:$0x5], $0x80, s5, s22, $0xb8;
	[tilespmem:$0x1E000] =	vst v63  }
0x5d: {  	_ =	swait.ge [sflag:s17], $0x3E80  }
0x5e: {  	[sflag:s17] =	ssyncset.done $0x0  }
0x5f: {  	s21 =	sor.u32 $0x400, s2;
	[sflag:s17] =	ssyncadd.s32 $0xFFFFC180  }
0x60: {  	[tilespmem:s25], [sflag:$0x1] =	stream.indirect.gather [hbm4b:s4+s22], $0x80, s21, s22, $0xb8;
	[tilespmem:$0x1E000] =	vst v63  }
0x61: {  	_ =	swait.ge [sflag:s26], $0x3E80  }
0x62: {  	[sflag:s26] =	ssyncset.done $0x0  }
0x63: {  	s5 =	sor.u32 $0x1380, s2;
	[sflag:s26] =	ssyncadd.s32 $0xFFFFC180  }
0x64: {  	[spmem:s1] =	stream.indirect.scatter.add.f32 [tilespmem:s23], [sflag:$0x5], $0x80, s5, s22, $0xb8;
	[tilespmem:$0x1E000] =	vst v63  }
0x65: {  	_ =	swait.ge [sflag:s17], $0x3E80  }
0x66: {  	[sflag:s17] =	ssyncset.done $0x0  }
0x67: {  	s21 =	sor.u32 $0x480, s2;
	[sflag:s17] =	ssyncadd.s32 $0xFFFFC180  }
0x68: {  	[tilespmem:s23], [sflag:$0x2] =	stream.indirect.gather [hbm4b:s4+s22], $0x80, s21, s22, $0xb8;
	[tilespmem:$0x1E000] =	vst v63  }
0x69: {  	_ =	swait.ge [sflag:s24], $0x3E80  }
0x6a: {  	[sflag:s24] =	ssyncset.done $0x0  }
0x6b: {  	s5 =	sor.u32 $0x1400, s2;
	[sflag:s24] =	ssyncadd.s32 $0xFFFFC180  }
0x6c: {  	[spmem:s1] =	stream.indirect.scatter.add.f32 [tilespmem:s25], [sflag:$0x5], $0x80, s5, s22, $0xb8;
	[tilespmem:$0x1E000] =	vst v63  }
0x6d: {  	_ =	swait.ge [sflag:s17], $0x3E80  }
0x6e: {  	[sflag:s17] =	ssyncset.done $0x0  }
0x6f: {  	s21 =	sor.u32 $0x500, s2;
	[sflag:s17] =	ssyncadd.s32 $0xFFFFC180  }
0x70: {  	[tilespmem:s25], [sflag:$0x1] =	stream.indirect.gather [hbm4b:s4+s22], $0x80, s21, s22, $0xb8;
	[tilespmem:$0x1E000] =	vst v63  }
0x71: {  	_ =	swait.ge [sflag:s26], $0x3E80  }
0x72: {  	[sflag:s26] =	ssyncset.done $0x0  }
0x73: {  	s5 =	sor.u32 $0x1480, s2;
	[sflag:s26] =	ssyncadd.s32 $0xFFFFC180  }
0x74: {  	[spmem:s1] =	stream.indirect.scatter.add.f32 [tilespmem:s23], [sflag:$0x5], $0x80, s5, s22, $0xb8;
	[tilespmem:$0x1E000] =	vst v63  }
0x75: {  	_ =	swait.ge [sflag:s17], $0x3E80  }
0x76: {  	[sflag:s17] =	ssyncset.done $0x0  }
0x77: {  	s21 =	sor.u32 $0x580, s2;
	[sflag:s17] =	ssyncadd.s32 $0xFFFFC180  }
0x78: {  	[tilespmem:s23], [sflag:$0x2] =	stream.indirect.gather [hbm4b:s4+s22], $0x80, s21, s22, $0xb8;
	[tilespmem:$0x1E000] =	vst v63  }
0x79: {  	_ =	swait.ge [sflag:s24], $0x3E80  }
0x7a: {  	[sflag:s24] =	ssyncset.done $0x0  }
0x7b: {  	s5 =	sor.u32 $0x1500, s2;
	[sflag:s24] =	ssyncadd.s32 $0xFFFFC180  }
0x7c: {  	[spmem:s1] =	stream.indirect.scatter.add.f32 [tilespmem:s25], [sflag:$0x5], $0x80, s5, s22, $0xb8;
	[tilespmem:$0x1E000] =	vst v63  }
0x7d: {  	_ =	swait.ge [sflag:s17], $0x3E80  }
0x7e: {  	[sflag:s17] =	ssyncset.done $0x0  }
0x7f: {  	s21 =	sor.u32 $0x600, s2;
	[sflag:s17] =	ssyncadd.s32 $0xFFFFC180  }
0x80: {  	[tilespmem:s25], [sflag:$0x1] =	stream.indirect.gather [hbm4b:s4+s22], $0x80, s21, s22, $0xb8;
	[tilespmem:$0x1E000] =	vst v63  }
0x81: {  	_ =	swait.ge [sflag:s26], $0x3E80  }
0x82: {  	[sflag:s26] =	ssyncset.done $0x0  }
0x83: {  	s5 =	sor.u32 $0x1580, s2;
	[sflag:s26] =	ssyncadd.s32 $0xFFFFC180  }
0x84: {  	[spmem:s1] =	stream.indirect.scatter.add.f32 [tilespmem:s23], [sflag:$0x5], $0x80, s5, s22, $0xb8;
	[tilespmem:$0x1E000] =	vst v63  }
0x85: {  	_ =	swait.ge [sflag:s17], $0x3E80  }
0x86: {  	[sflag:s17] =	ssyncset.done $0x0  }
0x87: {  	s21 =	sor.u32 $0x680, s2;
	[sflag:s17] =	ssyncadd.s32 $0xFFFFC180  }
0x88: {  	[tilespmem:s23], [sflag:$0x2] =	stream.indirect.gather [hbm4b:s4+s22], $0x80, s21, s22, $0xb8;
	[tilespmem:$0x1E000] =	vst v63  }
0x89: {  	_ =	swait.ge [sflag:s24], $0x3E80  }
0x8a: {  	[sflag:s24] =	ssyncset.done $0x0  }
0x8b: {  	s5 =	sor.u32 $0x1600, s2;
	[sflag:s24] =	ssyncadd.s32 $0xFFFFC180  }
0x8c: {  	[spmem:s1] =	stream.indirect.scatter.add.f32 [tilespmem:s25], [sflag:$0x5], $0x80, s5, s22, $0xb8;
	[tilespmem:$0x1E000] =	vst v63  }
0x8d: {  	_ =	swait.ge [sflag:s17], $0x3E80  }
0x8e: {  	[sflag:s17] =	ssyncset.done $0x0  }
0x8f: {  	s21 =	sor.u32 $0x700, s2;
	[sflag:s17] =	ssyncadd.s32 $0xFFFFC180  }
0x90: {  	[tilespmem:s25], [sflag:$0x1] =	stream.indirect.gather [hbm4b:s4+s22], $0x80, s21, s22, $0xb8;
	[tilespmem:$0x1E000] =	vst v63  }
0x91: {  	_ =	swait.ge [sflag:s26], $0x3E80  }
0x92: {  	[sflag:s26] =	ssyncset.done $0x0  }
0x93: {  	s5 =	sor.u32 $0x1680, s2;
	[sflag:s26] =	ssyncadd.s32 $0xFFFFC180  }
0x94: {  	[spmem:s1] =	stream.indirect.scatter.add.f32 [tilespmem:s23], [sflag:$0x5], $0x80, s5, s22, $0xb8;
	[tilespmem:$0x1E000] =	vst v63  }
0x95: {  	_ =	swait.ge [sflag:s17], $0x3E80  }
0x96: {  	[sflag:s17] =	ssyncset.done $0x0  }
0x97: {  	s21 =	sor.u32 $0x780, s2;
	[sflag:s17] =	ssyncadd.s32 $0xFFFFC180  }
0x98: {  	[tilespmem:s23], [sflag:$0x2] =	stream.indirect.gather [hbm4b:s4+s22], $0x80, s21, s22, $0xb8;
	[tilespmem:$0x1E000] =	vst v63  }
0x99: {  	_ =	swait.ge [sflag:s24], $0x3E80  }
0x9a: {  	[sflag:s24] =	ssyncset.done $0x0  }
0x9b: {  	s5 =	sor.u32 $0x1700, s2;
	[sflag:s24] =	ssyncadd.s32 $0xFFFFC180  }
0x9c: {  	[spmem:s1] =	stream.indirect.scatter.add.f32 [tilespmem:s25], [sflag:$0x5], $0x80, s5, s22, $0xb8;
	[tilespmem:$0x1E000] =	vst v63  }
0x9d: {  	_ =	swait.ge [sflag:s17], $0x3E80  }
0x9e: {  	[sflag:s17] =	ssyncset.done $0x0  }
0x9f: {  	[sflag:s17] =	ssyncadd.s32 $0xFFFFC180  }
0xa0: {  	_ =	swait.ge [sflag:s26], $0x3E80  }
0xa1: {  	[sflag:s26] =	ssyncset.done $0x0  }
0xa2: {  	s21 =	sor.u32 $0x1780, s2;
	[sflag:s26] =	ssyncadd.s32 $0xFFFFC180  }
0xa3: {  	[spmem:s1] =	stream.indirect.scatter.add.f32 [tilespmem:s23], [sflag:$0x5], $0x80, s21, s22, $0xb8;
	[tilespmem:$0x1E000] =	vst v63  }
0xa4: {  	_ =	swait.ge [sflag:s17], $0x3E80  }
0xa5: {  	p0 =	seq.s32 s31, $0x400;
	[sflag:s17] =	ssyncset.done $0x0  }
0xa6: {  	s20 =	simm.s32 @!p0 $0x3;
	[sflag:s17] =	ssyncadd.s32 $0xFFFFC180  }
0xa7: {  	_ =	swait.ge @!p0 [sflag:s20], $0x800  }
0xa8: {  	[sflag:s20] =	ssyncset.done @!p0 $0x0  }
0xa9: {  	[sflag:s20] =	ssyncadd.s32 @!p0 $0xFFFFF800;
	s20 =	simm.s32 @!p0 $0x4  }
0xaa: {  	_ =	swait.ge @!p0 [sflag:s20], $0x800  }
0xab: {  	p1 =	sgt.u32 @!p0 s0, $0x2;
	[sflag:s20] =	ssyncset.done @!p0 $0x0  }
0xac: {  	p1 =	por p1, p0;
	[sflag:s20] =	ssyncadd.s32 @!p0 $0xFFFFF800;
	s20 =	sand.u32 @!p0 $0x2000, s30  }
0xad: {  	s5 =	simm.s32 @!p0 $0x2000;
	s21 =	simm.s32 @!p0 $0x7D;
	s20 =	sshrl.u32 @!p0 s20, $0x2  }
0xae: {  	[tilespmem:s5], [sflag:$0x1] =	stream.indirect.gather @!p0 [hbm4b:s4+s21], $0x80, s20, s21, $0xb8;
	[tilespmem:$0x1E000] =	vst v63  }
0xaf: {  	s5 =	sadd.s32 @!p1 s31, s14;
	s20 =	simm.s32 @!p1 $0x0  }
0xb0: {  	[tilespmem:s2], [sflag:$0x3] =	stream.linear.gather @!p1 [hbm4b:s5+s20], $0x800, $0x38;
	[tilespmem:$0x1E000] =	vst v63  }
0xb1: {  	s2 =	sadd.s32 @!p1 s31, s13;
	s31 =	sadd.s32 @!p0 $0x100, s31  }
0xb2: {  	[tilespmem:s15], [sflag:$0x4] =	stream.linear.gather @!p1 [hbm4b:s2+s20], $0x800, $0x38;
	[tilespmem:$0x1E000] =	vst v63  }
0xb3: {  	p1 =	sne.s32 @!p0 s31, $0x500  }
0xb4: {  	p1 =	por p0, !p1  }
.Ltmp0:
0xb5: {  	_ = 	snop;
	(pc) =	sbr.rel @!p1 .LBB2_2-.Ltmp0, $2  }
0xb6: {  	_ =	sdelay $0x2  }
0xb7: {  	s29 =	sadd.s32 @!p0 $0x800, s29;
	s0 =	sadd.s32 @!p0 $0x1, s0;
	s30 =	sadd.s32 @!p0 $0x2000, s30  }
0xb8: {  	s28 =	sadd.s32 $0x1, s28  }
0xb9: {  	p0 =	sne.s32 s28, s12  }
.Ltmp1:
0xba: {  	[bflag:$0x0] =	sbarrier.arrive $0xFFFF;
	(pc) =	sbr.rel @p0 .LBB2_1-.Ltmp1, $4  }
0xbb: {  	[hbm:s11], [sflag:s8] =	dma.local [spmem:s16], $0x2800  }
0xbc: {  	_ =	swait.ge [sflag:s17], $0x2800  }
0xbd: {  	[sflag:s17] =	ssyncset.done $0x0  }
0xbe: {  	[sflag:s17] =	ssyncadd.s32 $0xFFFFD800  }
0xbf: {  	_ =	sfence.sel $0x180000  }
0xc0: {  	[bflag:$0x0] =	sbarrier.arrive $0xFFFF  }
0xc1: {  	_ =	strace $0x9000004D  }
0xc2: {  	s0 =	stileid.u32;
	[bflag:$0x2] =	sbarrier.arrive $0xFFFF  }
0xc3: {  	p0 =	sne.s32 s0, $0x0;
	s0 =	rddreg [dreg:$0x2]  }
0xc4: {  	s0 =	sadd.s32 @!p0 $0x100000, s0  }
0xc5: {  	[sflag:s0] =	ssyncadd.tile.s32 @!p0 $0x1;
	_ =	shalt  }
.Lfunc_end2:
_tile_overlayer_lowered:
.L_overlay_start_2:
0xc6: {  	(tag) =	ssettag $0x2  }
0xc7: {  	s0 =	rddreg [dreg:$0x0];
	s2 =	stileid.u32  }
0xc8: {  	s1 =	rddreg [dreg:$0x1];
	p0 =	sne.s32 s2, $0x0  }
0xc9: {  	s3 =	rddreg [dreg:$0x2];
	[bflag:$0x3] =	sbarrier.arrive $0xFFFF;
	s2 =	simm.s32 @!p0 $0x1C05  }
0xca: {  	[timem:s3], [sflag:s2] =	dma.local @!p0 [hbm:s0], s1  }
0xcb: {  	s0 =	simm.s32 @!p0 $0x5  }
0xcc: {  	_ =	swait.ge @!p0 [sflag:s0], s1  }
0xcd: {  	s1 =	ssub.s32 @!p0 $0x0, s1;
	[sflag:s0] =	ssyncset.done @!p0 $0x0  }
0xce: {  	[sflag:s0] =	ssyncadd.s32 @!p0 s1  }
0xcf: {  	[bflag:$0x3] =	sbarrier.arrive $0xFFFF  }
0xd0: {  	_ =	shalt  }

// kernel: kernel.19.cloned.1.call-start
scs
__scs_entry_jumppad:
0x0: {  	(pc) =	sbr.rel $0x88, $3  }
0x1: {  	(tag) =	ssettag $0x0;
	lr =	simm.s32 $0x1  }
0x2: {  	[smem:$0x3F96] =	sst lr;
	_ =	strace $0xD0000000  }
0x3: {  	_ = 	snop  }
0x4: {  	_ = 	snop  }
0x5: {  	_ = 	snop  }
0x6: {  	_ = 	snop  }
0x7: {  	_ = 	snop  }
__scs_overlays_trampoline_lowered:
0x8: {  	[smem:$0x3FA5] =	sst s0  }
0x9: {  	[smem:$0x3FA6] =	sst s1  }
0xa: {  	[smem:$0x3FA7] =	sst s2  }
0xb: {  	[smem:$0x3FA8] =	sst s3  }
0xc: {  	[smem:$0x3FA9] =	sst s4  }
0xd: {  	[smem:$0x3FAA] =	sst s5  }
0xe: {  	[smem:$0x3FAB] =	sst s6  }
0xf: {  	[smem:$0x3FAC] =	sst s7  }
0x10: {  	[smem:$0x3FAD] =	sst s8  }
0x11: {  	[smem:$0x3FAE] =	sst s9;
	s0 =	simm.s32 @!p0 $0x0  }
0x12: {  	s1 =	sld [smem:$0x3F94];
	s0 =	simm.s32 @p0 $0x1  }
0x13: {  	[smem:$0x3FAF] =	sst s0;
	s0 =	simm.s32 @!p1 $0x0  }
0x14: {  	s2 =	sld [smem:$0x3F93];
	s0 =	simm.s32 @p1 $0x1  }
0x15: {  	[smem:$0x3FB0] =	sst s0;
	s0 =	simm.s32 @!p2 $0x0  }
0x16: {  	s3 =	sld [smem:$0x3FDB];
	s0 =	simm.s32 @p2 $0x1  }
0x17: {  	s4 =	simm.s32 $0x1BF5;
	[smem:$0x3FB2] =	sst s0  }
0x18: {  	s0 =	sld [smem:$0x3F95];
	_ =	swait.ge [sflag:s4], $0x0  }
0x19: {  	s7 =	sld [smem:$0x3F96]  }
0x1a: {  	s8 =	sadd.s32 $0xFFFFE003, lr  }
0x1b: {  	s9 =	sadd.s32 $0xFFFFFEF7, lr;
	s5 =	simm.s32 $0xFFFFFFFF;
	p2 =	slt.u32 s8, $0xFFFFF086  }
0x1c: {  	p1 =	slt.u32 s9, $0xF7A;
	s5 =	simm.s32 @!p2 $0x0  }
0x1d: {  	s5 =	simm.s32 @p1 $0x1;
	p0 =	seq.s32 s7, s2  }
0x1e: {  	s7 =	smul.u32 @!p0 $0xF7A, s2;
	p2 =	seq.s32 @!p0 s5, $0x0  }
0x1f: {  	s9 =	smul.u32 $0xF7A, s1;
	s8 =	simm.s32 @!p0 $0x1BF5;
	p2 =	por !p2, p0  }
0x20: {  	[sflag:s8] =	ssyncset.s32 @!p0 $0xFFFFF086;
	s6 =	sadd.s32 @!p0 s3, s7;
	s7 =	simm.s32 @!p0 $0x108  }
0x21: {  	s3 =	sadd.s32 s3, s9;
	s6 =	sadd.s32 @!p0 $0x88, s6;
	s7 =	simm.s32 @p2 $0x1082  }
0x22: {  	[simem:s7], [sflag:s8] =	dma.local @!p0 [hbm:s6], $0xF7A  }
0x23: {  	s9 =	sor.u32 $0xD0000000, s2;
	s6 =	simm.s32 $0x108;
	_ =	swait.ge @!p0 [sflag:s8], $0x0  }
0x24: {  	s3 =	sadd.s32 $0x88, s3;
	s6 =	simm.s32 @!p1 $0x1082;
	[sflag:s4] =	ssyncset.s32 $0xFFFFF086  }
0x25: {  	[simem:s6], [sflag:s4] =	dma.local [hbm:s3], $0xF7A  }
0x26: {  	[smem:$0x3F96] =	sst s1;
	(tag) =	ssettag s2;
	_ =	strace s9  }
0x27: {  	s1 =	sld [smem:$0x3FA6]  }
0x28: {  	s2 =	sld [smem:$0x3FA7]  }
0x29: {  	s4 =	sld [smem:$0x3FA9]  }
0x2a: {  	p0 =	seq.s32 s5, $0x0;
	s5 =	sld [smem:$0x3FAA]  }
0x2b: {  	s6 =	sld [smem:$0x3FAB]  }
0x2c: {  	s7 =	sld [smem:$0x3FAC]  }
0x2d: {  	s3 =	simm.s32 $0x108;
	s8 =	sld [smem:$0x3FAD]  }
0x2e: {  	s3 =	simm.s32 @!p0 $0x1082;
	s9 =	sld [smem:$0x3FAE]  }
0x2f: {  	lr =	sadd.s32 s0, s3;
	s0 =	sld [smem:$0x3FA5]  }
0x30: {  	s3 =	sld [smem:$0x3FA8]  }
0x31: {  	[smem:$0x3FB1] =	sst s10  }
0x32: {  	s10 =	sld [smem:$0x3FAF];
	_ =	sdelay $0x3  }
0x33: {  	p0 =	seq.s32 s10, $0x1;
	s10 =	sld [smem:$0x3FB1];
	_ =	sdelay $0x3  }
0x34: {  	[smem:$0x3FB1] =	sst s10  }
0x35: {  	s10 =	sld [smem:$0x3FB0];
	_ =	sdelay $0x3  }
0x36: {  	p1 =	seq.s32 s10, $0x1;
	s10 =	sld [smem:$0x3FB1];
	_ =	sdelay $0x3  }
0x37: {  	[smem:$0x3FB1] =	sst s10  }
0x38: {  	s10 =	sld [smem:$0x3FB2]  }
0x39: {  	_ = 	snop;
	(pc) =	sbr.ind lr, $3  }
0x3a: {  	_ = 	snop  }
0x3b: {  	_ = 	snop  }
0x3c: {  	p2 =	seq.s32 s10, $0x1;
	s10 =	sld [smem:$0x3FB1]  }
0x3d: {  	_ =	shalt  }
0x3e: {  	_ =	shalt  }
0x3f: {  	_ =	shalt  }
0x40: {  	_ =	shalt  }
0x41: {  	_ =	shalt  }
0x42: {  	_ =	shalt  }
0x43: {  	_ =	shalt  }
0x44: {  	_ =	shalt  }
0x45: {  	_ =	shalt  }
0x46: {  	_ =	shalt  }
0x47: {  	_ =	shalt  }
0x48: {  	_ =	shalt  }
0x49: {  	_ =	shalt  }
0x4a: {  	_ =	shalt  }
0x4b: {  	_ =	shalt  }
0x4c: {  	_ =	shalt  }
0x4d: {  	_ =	shalt  }
0x4e: {  	_ =	shalt  }
0x4f: {  	_ =	shalt  }
0x50: {  	_ =	shalt  }
0x51: {  	_ =	shalt  }
0x52: {  	_ =	shalt  }
0x53: {  	_ =	shalt  }
0x54: {  	_ =	shalt  }
0x55: {  	_ =	shalt  }
0x56: {  	_ =	shalt  }
0x57: {  	_ =	shalt  }
0x58: {  	_ =	shalt  }
0x59: {  	_ =	shalt  }
0x5a: {  	_ =	shalt  }
0x5b: {  	_ =	shalt  }
0x5c: {  	_ =	shalt  }
0x5d: {  	_ =	shalt  }
0x5e: {  	_ =	shalt  }
0x5f: {  	_ =	shalt  }
0x60: {  	_ =	shalt  }
0x61: {  	_ =	shalt  }
0x62: {  	_ =	shalt  }
0x63: {  	_ =	shalt  }
0x64: {  	_ =	shalt  }
0x65: {  	_ =	shalt  }
0x66: {  	_ =	shalt  }
0x67: {  	_ =	shalt  }
0x68: {  	_ =	shalt  }
0x69: {  	_ =	shalt  }
0x6a: {  	_ =	shalt  }
0x6b: {  	_ =	shalt  }
0x6c: {  	_ =	shalt  }
0x6d: {  	_ =	shalt  }
0x6e: {  	_ =	shalt  }
0x6f: {  	_ =	shalt  }
0x70: {  	_ =	shalt  }
0x71: {  	_ =	shalt  }
0x72: {  	_ =	shalt  }
0x73: {  	_ =	shalt  }
0x74: {  	_ =	shalt  }
0x75: {  	_ =	shalt  }
0x76: {  	_ =	shalt  }
0x77: {  	_ =	shalt  }
0x78: {  	_ =	shalt  }
0x79: {  	_ =	shalt  }
0x7a: {  	_ =	shalt  }
0x7b: {  	_ =	shalt  }
0x7c: {  	_ =	shalt  }
0x7d: {  	_ =	shalt  }
0x7e: {  	_ =	shalt  }
0x7f: {  	_ =	shalt  }
0x80: {  	_ =	shalt  }
0x81: {  	_ =	shalt  }
0x82: {  	_ =	shalt  }
0x83: {  	_ =	shalt  }
0x84: {  	_ =	shalt  }
0x85: {  	_ =	shalt  }
0x86: {  	_ =	shalt  }
0x87: {  	_ =	shalt  }
.Lfunc_end0:
.L_simem_size_0:
called_computation.3_lowered:
.L_overlay_start_0:
0x88: {  	s2 =	sld [smem:$0x3FD9]  }
0x89: {  	s3 =	sld [smem:$0x3FFE];
	_ =	sdelay $0x1  }
0x8a: {  	s1 =	srdreg.scid  }
0x8b: {  	s0 =	sand.u32 $0x1, s1  }
0x8c: {  	s16 =	sshll.u32 s0, $0xA;
	s2 =	sadd.s32 s3, s2  }
0x8d: {  	s2 =	sadd.s32 s2, s16  }
0x8e: {  	[smem:$0x3FBD] =	sst s2  }
0x8f: {  	_ = 	snop  }
0x90: {  	(tm) =	ssettm $0x1  }
0x91: {  	s17 =	sld [smem:$0x3FFB];
	_ =	sdelay $0x3  }
0x92: {  	_ =	strace s17  }
0x93: {  	s2 =	sld [smem:$0x3FFC];
	_ =	sdelay $0x3  }
0x94: {  	_ =	strace s2  }
0x95: {  	s2 =	sld [smem:$0x3FFD];
	_ =	sdelay $0x3  }
0x96: {  	_ =	strace s2  }
0x97: {  	_ =	strace $0x8FFFFFFF  }
0x98: {  	s18 =	sld [smem:$0x3FDB];
	_ =	sdelay $0x1  }
0x99: {  	s19 =	simm.s32 $_scs_section_size  }
0x9a: {  	s4 =	simm.s32 $_size__tile_overlayer_lowered;
	s5 =	simm.s32 $_tile_overlayer_lowered  }
0x9b: {  	s22 =	simm.s32 $0x1BFF;
	s21 =	sshll.u32 s5, $0x1;
	s2 =	sadd.s32 s19, s18  }
0x9c: {  	s6 =	simm.s32 $0x0;
	s20 =	sshll.u32 s4, $0x1;
	s4 =	sadd.s32 s21, s2  }
0x9d: {  	[timem:s6], [sflag:s22] =	dma.local [hbm:s4], s20  }
0x9e: {  	_ =	swait.ge [sflag:s22], s20  }
0x9f: {  	s3 =	ssub.s32 $0x0, s20;
	[sflag:s22] =	ssyncset.done $0x0  }
0xa0: {  	[sflag:s22] =	ssyncadd.s32 s3;
	_ =	sdelay $0x1  }
0xa1: {  	s23 =	simm.s32 $0x1B8B  }
0xa2: {  	_ =	swait.ge [sflag:s23], $0x1  }
0xa3: {  	[sflag:s23] =	ssyncset.done $0x0  }
0xa4: {  	s25 =	simm.s32 $0x1B8E;
	s24 =	sld [smem:$0x3FFE];
	[sflag:s23] =	ssyncadd.s32 $0xFFFFFFFF  }
0xa5: {  	s26 =	simm.s32 $execute0_lowered;
	[smem:$0x3FD2] =	sst s25  }
0xa6: {  	s4 =	sshll.u32 s26, $0x1;
	_ =	strace $0x8000004F;
	[dreg:$0x1] =	wrdreg $0xFFFFFFFF  }
0xa7: {  	s28 =	simm.s32 $_size_execute0_lowered;
	s2 =	sadd.s32 s2, s4;
	[dreg:$0x0] =	wrdreg $0x0  }
0xa8: {  	s4 =	sshll.u32 s28, $0x1;
	[dreg:$0x2] =	wrdreg s2  }
0xa9: {  	[dreg:$0x3] =	wrdreg s4  }
0xaa: {  	[dreg:$0x4] =	wrdreg $0xC0  }
0xab: {  	_ =	task [dreg:s6], $0x5FFFF  }
0xac: {  	[dreg:$0x1] =	wrdreg $0xFFFFFFFF  }
0xad: {  	[dreg:$0x0] =	wrdreg $0x60  }
0xae: {  	[dreg:$0x2] =	wrdreg s24  }
0xaf: {  	[dreg:$0x3] =	wrdreg $0xA0000  }
0xb0: {  	[dreg:$0x4] =	wrdreg $0x9  }
0xb1: {  	_ =	task.clear_ibuf [dreg:s6], $0x5FFFF;
	_ =	strace $0x9000004F  }
0xb2: {  	s29 =	simm.s32 $0x9;
	_ =	strace $0x80000051  }
0xb3: {  	_ =	swait.ge [sflag:s29], $0x1  }
0xb4: {  	[sflag:s29] =	ssyncadd.s32 $0xFFFFFFFF  }
0xb5: {  	_ =	strace $0x90000051  }
0xb6: {  	_ =	sfence  }
0xb7: {  	s30 =	sld [smem:$0x0];
	_ =	sdelay $0x2  }
0xb8: {  	s31 =	sshll.u32 s1, $0xD;
	s1 =	sshrl.u32 s1, $0x2  }
0xb9: {  	s3 =	sand.u32 $0x4000, s31;
	s1 =	sadd.s32 s1, s30  }
0xba: {  	s0 =	sor.u32 s3, s0;
	s1 =	sshll.u32 s1, $0x11  }
0xbb: {  	s0 =	sor.u32 s1, s0  }
0xbc: {  	s0 =	sadd.s32 $0x8F2B, s0  }
0xbd: {  	[sflag:s0] =	ssyncadd.remote.s32 $0x1  }
0xbe: {  	_ =	sfence.sel $0xFFFF  }
0xbf: {  	[dreg:$0x0] =	wrdreg $0xFFFFFFFF;
	(pc) =	sbr.abs _section_cstart, $3  }
0xc0: {  	[dreg:$0x1] =	wrdreg $0xFFFFFFFF  }
0xc1: {  	_ =	task.clear_ibuf [dreg:s6], $0x2FFFF;
	_ =	strace $0x9FFFFFFF  }
0xc2: {  	(tm) =	ssettm $0x7FFFFFFF  }
0xc3: {  	_ =	shalt  }
tec
execute0_lowered:
.L_overlay_start_1:
0x0: {  	(tag) =	ssettag $0x1  }
0x1: {  	s0 =	rddreg [dreg:$0x0]  }
0x2: {  	s1 =	rddreg [dreg:$0x1];
	s2 =	srdreg.scid  }
0x3: {  	s3 =	simm.s32 $0x0;
	s5 =	stileid.u32;
	s17 =	simm.s32 $0x5  }
0x4: {  	s18 =	simm.s32 $0x3;
	s19 =	simm.s32 $0x4;
	s22 =	simm.s32 $0x7D  }
0x5: {  	s23 =	simm.s32 $0x6000;
	s24 =	simm.s32 $0x1;
	s7 =	smul.u32 $0x14000, s5  }
0x6: {  	s28 =	simm.s32 $0x0;
	s2 =	sand.u32 $0x1, s2;
	s9 =	smul.u32 $0x2800, s5  }
0x7: {  	[smem:$0x7FF] =	sst s3;
	s4 =	sadd.s32 $0x67A00, s0;
	s26 =	smul.u32 $0x50000, s5  }
0x8: {  	s14 =	sadd.s32 $0xDA00, s0;
	s13 =	sadd.s32 $0x2E00, s0;
	s6 =	smul.u32 $0x140000, s2  }
0x9: {  	s10 =	sadd.s32 $0x8FA00, s0;
	s29 =	sshll.u32 s5, $0x6;
	s8 =	smul.u32 $0x28000, s2  }
0xa: {  	_ =	strace $0x80000050;
	[dreg:$0x3] =	wrdreg s10;
	s2 =	ssub.s32 $0x2, s2  }
0xb: {  	s25 =	sshrl.u32 s2, $0x1;
	s6 =	sadd.s32 s7, s6;
	s11 =	sadd.s32 s9, s8  }
0xc: {  	s2 =	ssub.s32 s2, s25;
	s8 =	sshrl.u32 s26, $0x2;
	s25 =	simm.s32 $0x2000  }
0xd: {  	s26 =	simm.s32 $0x2;
	s6 =	sshrl.u32 s6, $0x3;
	s9 =	sshrl.u32 s11, $0x3  }
0xe: {  	s15 =	sadd.s32 s8, s1;
	s8 =	sor.u32 $0x1C05, s29;
	s16 =	sadd.s32 $0x1000, s11  }
0xf: {  	s12 =	smax.u32 s2, $0x1;
	s0 =	sadd.s32 s6, s0;
	s6 =	sadd.s32 s14, s9  }
0x10: {  	s7 =	sadd.s32 s13, s9;
	s30 =	sadd.s32 $0x100, s9;
	s31 =	sshrl.u32 s16, $0x3  }
0x11: {  	s16 =	sshrl.u32 s15, $0x3;
	s9 =	sadd.s32 s14, s30;
	s10 =	sadd.s32 s13, s30  }
0x12: {  	s11 =	sadd.s32 $0x92200, s0;
	s13 =	sadd.s32 s31, s13;
	s14 =	sadd.s32 s31, s14  }
.LBB2_1:
0x13: {  	[tilespmem:s3], [sflag:$0x3] =	stream.linear.gather [hbm4b:s6+s3], $0x800, $0x38;
	[tilespmem:$0x1E000] =	vst v63  }
0x14: {  	s0 =	simm.s32 $0x1000;
	s15 =	rddreg [dreg:$0x3]  }
0x15: {  	[tilespmem:s0], [sflag:$0x4] =	stream.linear.gather [hbm4b:s7+s3], $0x800, $0x38;
	[tilespmem:$0x1E000] =	vst v63  }
0x16: {  	[spmem:s16], [sflag:s8] =	dma.local [hbm:s15], $0x2800  }
0x17: {  	_ =	swait.ge [sflag:s17], $0x2800  }
0x18: {  	[sflag:s17] =	ssyncset.done $0x0  }
0x19: {  	[sflag:s17] =	ssyncadd.s32 $0xFFFFD800  }
0x1a: {  	_ =	swait.ge [sflag:s18], $0x800  }
0x1b: {  	[sflag:s18] =	ssyncset.done $0x0  }
0x1c: {  	[sflag:s18] =	ssyncadd.s32 $0xFFFFF800  }
0x1d: {  	_ =	swait.ge [sflag:s19], $0x800  }
0x1e: {  	[sflag:s19] =	ssyncset.done $0x0  }
0x1f: {  	s20 =	simm.s32 $0x800;
	[sflag:s19] =	ssyncadd.s32 $0xFFFFF800  }
0x20: {  	[tilespmem:s20], [sflag:$0x3] =	stream.linear.gather [hbm4b:s9+s3], $0x800, $0x38;
	[tilespmem:$0x1E000] =	vst v63  }
0x21: {  	s21 =	simm.s32 $0x1800  }
0x22: {  	[tilespmem:s21], [sflag:$0x4] =	stream.linear.gather [hbm4b:s10+s3], $0x800, $0x38;
	[tilespmem:$0x1E000] =	vst v63  }
0x23: {  	s29 =	simm.s32 $0x0;
	s30 =	simm.s32 $0x2000  }
0x24: {  	[tilespmem:s25], [sflag:$0x1] =	stream.indirect.gather [hbm4b:s4+s22], $0x80, s3, s22, $0xb8;
	[tilespmem:$0x1E000] =	vst v63  }
0x25: {  	s31 =	simm.s32 $0x0;
	s0 =	simm.s32 $0x0;
	[bflag:$0x0] =	sbarrier.arrive $0xFFFF  }
.LBB2_2:
0x26: {  	s2 =	sand.u32 $0x800, s29  }
0x27: {  	s15 =	sor.u32 $0x80, s2  }
0x28: {  	[tilespmem:s23], [sflag:$0x2] =	stream.indirect.gather [hbm4b:s4+s22], $0x80, s15, s22, $0xb8;
	[tilespmem:$0x1E000] =	vst v63  }
0x29: {  	_ =	swait.ge [sflag:s24], $0x3E80  }
0x2a: {  	[sflag:s24] =	ssyncset.done $0x0  }
0x2b: {  	s15 =	sor.u32 $0x1000, s2;
	[sflag:s24] =	ssyncadd.s32 $0xFFFFC180  }
0x2c: {  	[spmem:s1] =	stream.indirect.scatter.add.f32 [tilespmem:s25], [sflag:$0x5], $0x80, s15, s22, $0xb8;
	[tilespmem:$0x1E000] =	vst v63  }
0x2d: {  	_ =	swait.ge [sflag:s17], $0x3E80  }
0x2e: {  	[sflag:s17] =	ssyncset.done $0x0  }
0x2f: {  	s20 =	sor.u32 $0x100, s2;
	[sflag:s17] =	ssyncadd.s32 $0xFFFFC180  }
0x30: {  	[tilespmem:s25], [sflag:$0x1] =	stream.indirect.gather [hbm4b:s4+s22], $0x80, s20, s22, $0xb8;
	[tilespmem:$0x1E000] =	vst v63  }
0x31: {  	_ =	swait.ge [sflag:s26], $0x3E80  }
0x32: {  	[sflag:s26] =	ssyncset.done $0x0  }
0x33: {  	s5 =	sor.u32 $0x1080, s2;
	[sflag:s26] =	ssyncadd.s32 $0xFFFFC180  }
0x34: {  	[spmem:s1] =	stream.indirect.scatter.add.f32 [tilespmem:s23], [sflag:$0x5], $0x80, s5, s22, $0xb8;
	[tilespmem:$0x1E000] =	vst v63  }
0x35: {  	_ =	swait.ge [sflag:s17], $0x3E80  }
0x36: {  	[sflag:s17] =	ssyncset.done $0x0  }
0x37: {  	s21 =	sor.u32 $0x180, s2;
	[sflag:s17] =	ssyncadd.s32 $0xFFFFC180  }
0x38: {  	[tilespmem:s23], [sflag:$0x2] =	stream.indirect.gather [hbm4b:s4+s22], $0x80, s21, s22, $0xb8;
	[tilespmem:$0x1E000] =	vst v63  }
0x39: {  	_ =	swait.ge [sflag:s24], $0x3E80  }
0x3a: {  	[sflag:s24] =	ssyncset.done $0x0  }
0x3b: {  	s5 =	sor.u32 $0x1100, s2;
	[sflag:s24] =	ssyncadd.s32 $0xFFFFC180  }
0x3c: {  	[spmem:s1] =	stream.indirect.scatter.add.f32 [tilespmem:s25], [sflag:$0x5], $0x80, s5, s22, $0xb8;
	[tilespmem:$0x1E000] =	vst v63  }
0x3d: {  	_ =	swait.ge [sflag:s17], $0x3E80  }
0x3e: {  	[sflag:s17] =	ssyncset.done $0x0  }
0x3f: {  	s21 =	sor.u32 $0x200, s2;
	[sflag:s17] =	ssyncadd.s32 $0xFFFFC180  }
0x40: {  	[tilespmem:s25], [sflag:$0x1] =	stream.indirect.gather [hbm4b:s4+s22], $0x80, s21, s22, $0xb8;
	[tilespmem:$0x1E000] =	vst v63  }
0x41: {  	_ =	swait.ge [sflag:s26], $0x3E80  }
0x42: {  	[sflag:s26] =	ssyncset.done $0x0  }
0x43: {  	s5 =	sor.u32 $0x1180, s2;
	[sflag:s26] =	ssyncadd.s32 $0xFFFFC180  }
0x44: {  	[spmem:s1] =	stream.indirect.scatter.add.f32 [tilespmem:s23], [sflag:$0x5], $0x80, s5, s22, $0xb8;
	[tilespmem:$0x1E000] =	vst v63  }
0x45: {  	_ =	swait.ge [sflag:s17], $0x3E80  }
0x46: {  	[sflag:s17] =	ssyncset.done $0x0  }
0x47: {  	s21 =	sor.u32 $0x280, s2;
	[sflag:s17] =	ssyncadd.s32 $0xFFFFC180  }
0x48: {  	[tilespmem:s23], [sflag:$0x2] =	stream.indirect.gather [hbm4b:s4+s22], $0x80, s21, s22, $0xb8;
	[tilespmem:$0x1E000] =	vst v63  }
0x49: {  	_ =	swait.ge [sflag:s24], $0x3E80  }
0x4a: {  	[sflag:s24] =	ssyncset.done $0x0  }
0x4b: {  	s5 =	sor.u32 $0x1200, s2;
	[sflag:s24] =	ssyncadd.s32 $0xFFFFC180  }
0x4c: {  	[spmem:s1] =	stream.indirect.scatter.add.f32 [tilespmem:s25], [sflag:$0x5], $0x80, s5, s22, $0xb8;
	[tilespmem:$0x1E000] =	vst v63  }
0x4d: {  	_ =	swait.ge [sflag:s17], $0x3E80  }
0x4e: {  	[sflag:s17] =	ssyncset.done $0x0  }
0x4f: {  	s21 =	sor.u32 $0x300, s2;
	[sflag:s17] =	ssyncadd.s32 $0xFFFFC180  }
0x50: {  	[tilespmem:s25], [sflag:$0x1] =	stream.indirect.gather [hbm4b:s4+s22], $0x80, s21, s22, $0xb8;
	[tilespmem:$0x1E000] =	vst v63  }
0x51: {  	_ =	swait.ge [sflag:s26], $0x3E80  }
0x52: {  	[sflag:s26] =	ssyncset.done $0x0  }
0x53: {  	s5 =	sor.u32 $0x1280, s2;
	[sflag:s26] =	ssyncadd.s32 $0xFFFFC180  }
0x54: {  	[spmem:s1] =	stream.indirect.scatter.add.f32 [tilespmem:s23], [sflag:$0x5], $0x80, s5, s22, $0xb8;
	[tilespmem:$0x1E000] =	vst v63  }
0x55: {  	_ =	swait.ge [sflag:s17], $0x3E80  }
0x56: {  	[sflag:s17] =	ssyncset.done $0x0  }
0x57: {  	s21 =	sor.u32 $0x380, s2;
	[sflag:s17] =	ssyncadd.s32 $0xFFFFC180  }
0x58: {  	[tilespmem:s23], [sflag:$0x2] =	stream.indirect.gather [hbm4b:s4+s22], $0x80, s21, s22, $0xb8;
	[tilespmem:$0x1E000] =	vst v63  }
0x59: {  	_ =	swait.ge [sflag:s24], $0x3E80  }
0x5a: {  	[sflag:s24] =	ssyncset.done $0x0  }
0x5b: {  	s5 =	sor.u32 $0x1300, s2;
	[sflag:s24] =	ssyncadd.s32 $0xFFFFC180  }
0x5c: {  	[spmem:s1] =	stream.indirect.scatter.add.f32 [tilespmem:s25], [sflag:$0x5], $0x80, s5, s22, $0xb8;
	[tilespmem:$0x1E000] =	vst v63  }
0x5d: {  	_ =	swait.ge [sflag:s17], $0x3E80  }
0x5e: {  	[sflag:s17] =	ssyncset.done $0x0  }
0x5f: {  	s21 =	sor.u32 $0x400, s2;
	[sflag:s17] =	ssyncadd.s32 $0xFFFFC180  }
0x60: {  	[tilespmem:s25], [sflag:$0x1] =	stream.indirect.gather [hbm4b:s4+s22], $0x80, s21, s22, $0xb8;
	[tilespmem:$0x1E000] =	vst v63  }
0x61: {  	_ =	swait.ge [sflag:s26], $0x3E80  }
0x62: {  	[sflag:s26] =	ssyncset.done $0x0  }
0x63: {  	s5 =	sor.u32 $0x1380, s2;
	[sflag:s26] =	ssyncadd.s32 $0xFFFFC180  }
0x64: {  	[spmem:s1] =	stream.indirect.scatter.add.f32 [tilespmem:s23], [sflag:$0x5], $0x80, s5, s22, $0xb8;
	[tilespmem:$0x1E000] =	vst v63  }
0x65: {  	_ =	swait.ge [sflag:s17], $0x3E80  }
0x66: {  	[sflag:s17] =	ssyncset.done $0x0  }
0x67: {  	s21 =	sor.u32 $0x480, s2;
	[sflag:s17] =	ssyncadd.s32 $0xFFFFC180  }
0x68: {  	[tilespmem:s23], [sflag:$0x2] =	stream.indirect.gather [hbm4b:s4+s22], $0x80, s21, s22, $0xb8;
	[tilespmem:$0x1E000] =	vst v63  }
0x69: {  	_ =	swait.ge [sflag:s24], $0x3E80  }
0x6a: {  	[sflag:s24] =	ssyncset.done $0x0  }
0x6b: {  	s5 =	sor.u32 $0x1400, s2;
	[sflag:s24] =	ssyncadd.s32 $0xFFFFC180  }
0x6c: {  	[spmem:s1] =	stream.indirect.scatter.add.f32 [tilespmem:s25], [sflag:$0x5], $0x80, s5, s22, $0xb8;
	[tilespmem:$0x1E000] =	vst v63  }
0x6d: {  	_ =	swait.ge [sflag:s17], $0x3E80  }
0x6e: {  	[sflag:s17] =	ssyncset.done $0x0  }
0x6f: {  	s21 =	sor.u32 $0x500, s2;
	[sflag:s17] =	ssyncadd.s32 $0xFFFFC180  }
0x70: {  	[tilespmem:s25], [sflag:$0x1] =	stream.indirect.gather [hbm4b:s4+s22], $0x80, s21, s22, $0xb8;
	[tilespmem:$0x1E000] =	vst v63  }
0x71: {  	_ =	swait.ge [sflag:s26], $0x3E80  }
0x72: {  	[sflag:s26] =	ssyncset.done $0x0  }
0x73: {  	s5 =	sor.u32 $0x1480, s2;
	[sflag:s26] =	ssyncadd.s32 $0xFFFFC180  }
0x74: {  	[spmem:s1] =	stream.indirect.scatter.add.f32 [tilespmem:s23], [sflag:$0x5], $0x80, s5, s22, $0xb8;
	[tilespmem:$0x1E000] =	vst v63  }
0x75: {  	_ =	swait.ge [sflag:s17], $0x3E80  }
0x76: {  	[sflag:s17] =	ssyncset.done $0x0  }
0x77: {  	s21 =	sor.u32 $0x580, s2;
	[sflag:s17] =	ssyncadd.s32 $0xFFFFC180  }
0x78: {  	[tilespmem:s23], [sflag:$0x2] =	stream.indirect.gather [hbm4b:s4+s22], $0x80, s21, s22, $0xb8;
	[tilespmem:$0x1E000] =	vst v63  }
0x79: {  	_ =	swait.ge [sflag:s24], $0x3E80  }
0x7a: {  	[sflag:s24] =	ssyncset.done $0x0  }
0x7b: {  	s5 =	sor.u32 $0x1500, s2;
	[sflag:s24] =	ssyncadd.s32 $0xFFFFC180  }
0x7c: {  	[spmem:s1] =	stream.indirect.scatter.add.f32 [tilespmem:s25], [sflag:$0x5], $0x80, s5, s22, $0xb8;
	[tilespmem:$0x1E000] =	vst v63  }
0x7d: {  	_ =	swait.ge [sflag:s17], $0x3E80  }
0x7e: {  	[sflag:s17] =	ssyncset.done $0x0  }
0x7f: {  	s21 =	sor.u32 $0x600, s2;
	[sflag:s17] =	ssyncadd.s32 $0xFFFFC180  }
0x80: {  	[tilespmem:s25], [sflag:$0x1] =	stream.indirect.gather [hbm4b:s4+s22], $0x80, s21, s22, $0xb8;
	[tilespmem:$0x1E000] =	vst v63  }
0x81: {  	_ =	swait.ge [sflag:s26], $0x3E80  }
0x82: {  	[sflag:s26] =	ssyncset.done $0x0  }
0x83: {  	s5 =	sor.u32 $0x1580, s2;
	[sflag:s26] =	ssyncadd.s32 $0xFFFFC180  }
0x84: {  	[spmem:s1] =	stream.indirect.scatter.add.f32 [tilespmem:s23], [sflag:$0x5], $0x80, s5, s22, $0xb8;
	[tilespmem:$0x1E000] =	vst v63  }
0x85: {  	_ =	swait.ge [sflag:s17], $0x3E80  }
0x86: {  	[sflag:s17] =	ssyncset.done $0x0  }
0x87: {  	s21 =	sor.u32 $0x680, s2;
	[sflag:s17] =	ssyncadd.s32 $0xFFFFC180  }
0x88: {  	[tilespmem:s23], [sflag:$0x2] =	stream.indirect.gather [hbm4b:s4+s22], $0x80, s21, s22, $0xb8;
	[tilespmem:$0x1E000] =	vst v63  }
0x89: {  	_ =	swait.ge [sflag:s24], $0x3E80  }
0x8a: {  	[sflag:s24] =	ssyncset.done $0x0  }
0x8b: {  	s5 =	sor.u32 $0x1600, s2;
	[sflag:s24] =	ssyncadd.s32 $0xFFFFC180  }
0x8c: {  	[spmem:s1] =	stream.indirect.scatter.add.f32 [tilespmem:s25], [sflag:$0x5], $0x80, s5, s22, $0xb8;
	[tilespmem:$0x1E000] =	vst v63  }
0x8d: {  	_ =	swait.ge [sflag:s17], $0x3E80  }
0x8e: {  	[sflag:s17] =	ssyncset.done $0x0  }
0x8f: {  	s21 =	sor.u32 $0x700, s2;
	[sflag:s17] =	ssyncadd.s32 $0xFFFFC180  }
0x90: {  	[tilespmem:s25], [sflag:$0x1] =	stream.indirect.gather [hbm4b:s4+s22], $0x80, s21, s22, $0xb8;
	[tilespmem:$0x1E000] =	vst v63  }
0x91: {  	_ =	swait.ge [sflag:s26], $0x3E80  }
0x92: {  	[sflag:s26] =	ssyncset.done $0x0  }
0x93: {  	s5 =	sor.u32 $0x1680, s2;
	[sflag:s26] =	ssyncadd.s32 $0xFFFFC180  }
0x94: {  	[spmem:s1] =	stream.indirect.scatter.add.f32 [tilespmem:s23], [sflag:$0x5], $0x80, s5, s22, $0xb8;
	[tilespmem:$0x1E000] =	vst v63  }
0x95: {  	_ =	swait.ge [sflag:s17], $0x3E80  }
0x96: {  	[sflag:s17] =	ssyncset.done $0x0  }
0x97: {  	s21 =	sor.u32 $0x780, s2;
	[sflag:s17] =	ssyncadd.s32 $0xFFFFC180  }
0x98: {  	[tilespmem:s23], [sflag:$0x2] =	stream.indirect.gather [hbm4b:s4+s22], $0x80, s21, s22, $0xb8;
	[tilespmem:$0x1E000] =	vst v63  }
0x99: {  	_ =	swait.ge [sflag:s24], $0x3E80  }
0x9a: {  	[sflag:s24] =	ssyncset.done $0x0  }
0x9b: {  	s5 =	sor.u32 $0x1700, s2;
	[sflag:s24] =	ssyncadd.s32 $0xFFFFC180  }
0x9c: {  	[spmem:s1] =	stream.indirect.scatter.add.f32 [tilespmem:s25], [sflag:$0x5], $0x80, s5, s22, $0xb8;
	[tilespmem:$0x1E000] =	vst v63  }
0x9d: {  	_ =	swait.ge [sflag:s17], $0x3E80  }
0x9e: {  	[sflag:s17] =	ssyncset.done $0x0  }
0x9f: {  	[sflag:s17] =	ssyncadd.s32 $0xFFFFC180  }
0xa0: {  	_ =	swait.ge [sflag:s26], $0x3E80  }
0xa1: {  	[sflag:s26] =	ssyncset.done $0x0  }
0xa2: {  	s21 =	sor.u32 $0x1780, s2;
	[sflag:s26] =	ssyncadd.s32 $0xFFFFC180  }
0xa3: {  	[spmem:s1] =	stream.indirect.scatter.add.f32 [tilespmem:s23], [sflag:$0x5], $0x80, s21, s22, $0xb8;
	[tilespmem:$0x1E000] =	vst v63  }
0xa4: {  	_ =	swait.ge [sflag:s17], $0x3E80  }
0xa5: {  	p0 =	seq.s32 s31, $0x400;
	[sflag:s17] =	ssyncset.done $0x0  }
0xa6: {  	s20 =	simm.s32 @!p0 $0x3;
	[sflag:s17] =	ssyncadd.s32 $0xFFFFC180  }
0xa7: {  	_ =	swait.ge @!p0 [sflag:s20], $0x800  }
0xa8: {  	[sflag:s20] =	ssyncset.done @!p0 $0x0  }
0xa9: {  	[sflag:s20] =	ssyncadd.s32 @!p0 $0xFFFFF800;
	s20 =	simm.s32 @!p0 $0x4  }
0xaa: {  	_ =	swait.ge @!p0 [sflag:s20], $0x800  }
0xab: {  	p1 =	sgt.u32 @!p0 s0, $0x2;
	[sflag:s20] =	ssyncset.done @!p0 $0x0  }
0xac: {  	p1 =	por p1, p0;
	[sflag:s20] =	ssyncadd.s32 @!p0 $0xFFFFF800;
	s20 =	sand.u32 @!p0 $0x2000, s30  }
0xad: {  	s5 =	simm.s32 @!p0 $0x2000;
	s21 =	simm.s32 @!p0 $0x7D;
	s20 =	sshrl.u32 @!p0 s20, $0x2  }
0xae: {  	[tilespmem:s5], [sflag:$0x1] =	stream.indirect.gather @!p0 [hbm4b:s4+s21], $0x80, s20, s21, $0xb8;
	[tilespmem:$0x1E000] =	vst v63  }
0xaf: {  	s5 =	sadd.s32 @!p1 s31, s14;
	s20 =	simm.s32 @!p1 $0x0  }
0xb0: {  	[tilespmem:s2], [sflag:$0x3] =	stream.linear.gather @!p1 [hbm4b:s5+s20], $0x800, $0x38;
	[tilespmem:$0x1E000] =	vst v63  }
0xb1: {  	s2 =	sadd.s32 @!p1 s31, s13;
	s31 =	sadd.s32 @!p0 $0x100, s31  }
0xb2: {  	[tilespmem:s15], [sflag:$0x4] =	stream.linear.gather @!p1 [hbm4b:s2+s20], $0x800, $0x38;
	[tilespmem:$0x1E000] =	vst v63  }
0xb3: {  	p1 =	sne.s32 @!p0 s31, $0x500  }
0xb4: {  	p1 =	por p0, !p1  }
.Ltmp0:
0xb5: {  	_ = 	snop;
	(pc) =	sbr.rel @!p1 .LBB2_2-.Ltmp0, $2  }
0xb6: {  	_ =	sdelay $0x2  }
0xb7: {  	s29 =	sadd.s32 @!p0 $0x800, s29;
	s0 =	sadd.s32 @!p0 $0x1, s0;
	s30 =	sadd.s32 @!p0 $0x2000, s30  }
0xb8: {  	s28 =	sadd.s32 $0x1, s28  }
0xb9: {  	p0 =	sne.s32 s28, s12  }
.Ltmp1:
0xba: {  	[bflag:$0x0] =	sbarrier.arrive $0xFFFF;
	(pc) =	sbr.rel @p0 .LBB2_1-.Ltmp1, $4  }
0xbb: {  	[hbm:s11], [sflag:s8] =	dma.local [spmem:s16], $0x2800  }
0xbc: {  	_ =	swait.ge [sflag:s17], $0x2800  }
0xbd: {  	[sflag:s17] =	ssyncset.done $0x0  }
0xbe: {  	[sflag:s17] =	ssyncadd.s32 $0xFFFFD800  }
0xbf: {  	_ =	sfence.sel $0x180000  }
0xc0: {  	[bflag:$0x0] =	sbarrier.arrive $0xFFFF  }
0xc1: {  	_ =	strace $0x90000050  }
0xc2: {  	s0 =	stileid.u32;
	[bflag:$0x2] =	sbarrier.arrive $0xFFFF  }
0xc3: {  	p0 =	sne.s32 s0, $0x0;
	s0 =	rddreg [dreg:$0x2]  }
0xc4: {  	s0 =	sadd.s32 @!p0 $0x100000, s0  }
0xc5: {  	[sflag:s0] =	ssyncadd.tile.s32 @!p0 $0x1;
	_ =	shalt  }
.Lfunc_end2:
_tile_overlayer_lowered:
.L_overlay_start_2:
0xc6: {  	(tag) =	ssettag $0x2  }
0xc7: {  	s0 =	rddreg [dreg:$0x0];
	s2 =	stileid.u32  }
0xc8: {  	s1 =	rddreg [dreg:$0x1];
	p0 =	sne.s32 s2, $0x0  }
0xc9: {  	s3 =	rddreg [dreg:$0x2];
	[bflag:$0x3] =	sbarrier.arrive $0xFFFF;
	s2 =	simm.s32 @!p0 $0x1C05  }
0xca: {  	[timem:s3], [sflag:s2] =	dma.local @!p0 [hbm:s0], s1  }
0xcb: {  	s0 =	simm.s32 @!p0 $0x5  }
0xcc: {  	_ =	swait.ge @!p0 [sflag:s0], s1  }
0xcd: {  	s1 =	ssub.s32 @!p0 $0x0, s1;
	[sflag:s0] =	ssyncset.done @!p0 $0x0  }
0xce: {  	[sflag:s0] =	ssyncadd.s32 @!p0 s1  }
0xcf: {  	[bflag:$0x3] =	sbarrier.arrive $0xFFFF  }
0xd0: {  	_ =	shalt  }

</sc_bundles>
